<compile_context>
chip_gen: v7x
topology: tpu7x:2x2x1
jax: 0.10.2.dev20260603
libtpu: 0.0.44.dev20260713+nightly
codegen_flags: <defaults>
</compile_context>

<pallas_src>
import functools

import jax
import jax.numpy as jnp
from jax import lax
from jax.experimental import pallas as pl
from jax.experimental.pallas import tpu as pltpu
from jax.experimental.pallas import tpu_sc as plsc

_NC = 2
_NS = 16
_SUB = 80
_NSUB = 25
_CHUNK = _SUB * _NSUB
_RC2 = 36.0


def _make_sc_kernel(E, N):
    NW = _NC * _NS
    per_worker = E // NW
    n_chunks = per_worker // _CHUNK
    assert n_chunks % 2 == 0 and n_chunks >= 4

    mesh = plsc.VectorSubcoreMesh(
        core_axis_name="c", subcore_axis_name="s", num_cores=_NC
    )

    slot_bufs = [
        pltpu.VMEM((_NSUB, _SUB), jnp.int32),
        pltpu.VMEM((_NSUB, _SUB), jnp.int32),
        pltpu.VMEM((_CHUNK,), jnp.int32),
        pltpu.VMEM((_CHUNK, 8), jnp.float32),
        pltpu.VMEM((_CHUNK, 8), jnp.float32),
        pltpu.SemaphoreType.DMA,
        pltpu.VMEM((_CHUNK, 3), jnp.float32),
        pltpu.VMEM((_CHUNK,), jnp.float32),
        pltpu.VMEM((_CHUNK,), jnp.int32),
        pltpu.SemaphoreType.DMA,
    ]

    @functools.partial(
        pl.kernel,
        out_type=[
            jax.ShapeDtypeStruct((E, 3), jnp.float32),
            jax.ShapeDtypeStruct((E,), jnp.float32),
            jax.ShapeDtypeStruct((E,), jnp.int32),
        ],
        mesh=mesh,
        compiler_params=pltpu.CompilerParams(
            needs_layout_passes=False, use_tc_tiling_on_sc=False
        ),
        scratch_types=[
            pltpu.VMEM((32, 3), jnp.float32),
            *slot_bufs,
            *slot_bufs,
        ],
    )
    def sc_kernel(pos8, sft_xyz, ii, jj, ss,
                  vec_out, sod_out, mask_out,
                  sft_v, *slots_flat):
        wid = lax.axis_index("s") * _NC + lax.axis_index("c")
        iota = lax.iota(jnp.int32, 16)
        c0 = jnp.zeros((16,), jnp.int32)
        c1 = jnp.full((16,), 1, jnp.int32)
        c2 = jnp.full((16,), 2, jnp.int32)

        ns = len(slot_bufs)
        slot_a = slots_flat[:ns]
        slot_b = slots_flat[ns:]

        pltpu.sync_copy(sft_xyz, sft_v)

        rows0 = wid * (n_chunks * _NSUB)

        def out_copies(c, slot):
            (_, _, _, _, _, _,
             vec_v, sod_v, mask_v, sem_w) = slot
            base = (rows0 + c * _NSUB) * _SUB
            return [
                pltpu.make_async_copy(
                    vec_v, vec_out.at[pl.ds(base, _CHUNK)], sem_w),
                pltpu.make_async_copy(
                    sod_v, sod_out.at[pl.ds(base, _CHUNK)], sem_w),
                pltpu.make_async_copy(
                    mask_v, mask_out.at[pl.ds(base, _CHUNK)], sem_w),
            ]

        def fire(c, slot):
            idxi_v, idxj_v, ss_v, ri_v, rj_v, sem = slot[:6]
            row0 = rows0 + c * _NSUB
            base = row0 * _SUB
            pltpu.sync_copy(ii.at[pl.ds(row0, _NSUB)], idxi_v)
            pltpu.sync_copy(jj.at[pl.ds(row0, _NSUB)], idxj_v)
            pltpu.sync_copy(ss.at[pl.ds(base, _CHUNK)], ss_v)

            def gstart(j, carry):
                pltpu.make_async_copy(
                    pos8.at[idxi_v.at[j]], ri_v.at[pl.ds(j * _SUB, _SUB)], sem
                ).start()
                pltpu.make_async_copy(
                    pos8.at[idxj_v.at[j]], rj_v.at[pl.ds(j * _SUB, _SUB)], sem
                ).start()
                return carry

            lax.fori_loop(0, _NSUB, gstart, 0)

        def process(c, slot, first):
            (idxi_v, idxj_v, ss_v, ri_v, rj_v, sem,
             vec_v, sod_v, mask_v, sem_w) = slot

            def gwait(j, carry):
                pltpu.make_async_copy(
                    pos8.at[idxi_v.at[j]], ri_v.at[pl.ds(j * _SUB, _SUB)], sem
                ).wait()
                pltpu.make_async_copy(
                    pos8.at[idxj_v.at[j]], rj_v.at[pl.ds(j * _SUB, _SUB)], sem
                ).wait()
                return carry

            lax.fori_loop(0, _NSUB, gwait, 0)

            if not first:
                for cp in out_copies(c - 2, slot):
                    cp.wait()

            def grp(t, carry):
                e16 = iota + t * 16
                ssv = ss_v[pl.ds(t * 16, 16)]
                xi = plsc.load_gather(ri_v, [e16, c0])
                yi = plsc.load_gather(ri_v, [e16, c1])
                zi = plsc.load_gather(ri_v, [e16, c2])
                xj = plsc.load_gather(rj_v, [e16, c0])
                yj = plsc.load_gather(rj_v, [e16, c1])
                zj = plsc.load_gather(rj_v, [e16, c2])
                sx = plsc.load_gather(sft_v, [ssv, c0])
                sy = plsc.load_gather(sft_v, [ssv, c1])
                sz = plsc.load_gather(sft_v, [ssv, c2])
                vx = (xj + sx) - xi
                vy = (yj + sy) - yi
                vz = (zj + sz) - zi
                sod = (vx * vx + vy * vy) + vz * vz
                m = sod < _RC2
                zf = jnp.zeros((16,), jnp.float32)
                sod_v[pl.ds(t * 16, 16)] = jnp.where(m, sod, zf)
                mask_v[pl.ds(t * 16, 16)] = m.astype(jnp.int32)
                plsc.store_scatter(vec_v, [e16, c0], jnp.where(m, vx, zf))
                plsc.store_scatter(vec_v, [e16, c1], jnp.where(m, vy, zf))
                plsc.store_scatter(vec_v, [e16, c2], jnp.where(m, vz, zf))
                return carry

            lax.fori_loop(0, _CHUNK // 16, grp, 0, unroll=4)

            for cp in out_copies(c, slot):
                cp.start()

        fire(jnp.int32(0), slot_a)
        fire(jnp.int32(1), slot_b)
        process(jnp.int32(0), slot_a, first=True)
        fire(jnp.int32(2), slot_a)
        process(jnp.int32(1), slot_b, first=True)
        fire(jnp.int32(3), slot_b)

        def pair_body(k, carry):
            ca = 2 * k
            process(ca, slot_a, first=False)
            fire(ca + 2, slot_a)
            process(ca + 1, slot_b, first=False)
            fire(ca + 3, slot_b)
            return carry

        lax.fori_loop(1, n_chunks // 2 - 1, pair_body, 0)

        last = jnp.int32(n_chunks - 2)
        process(last, slot_a, first=False)
        process(last + 1, slot_b, first=False)
        for cp in out_copies(last, slot_a):
            cp.wait()
        for cp in out_copies(last + 1, slot_b):
            cp.wait()

    return sc_kernel


def kernel(pos_xyz, cel_mat, sft_cel, idx_i, idx_j, idx_s):
    N = pos_xyz.shape[0]
    E = idx_i.shape[0]
    pos8 = jnp.pad(pos_xyz.astype(jnp.float32), ((0, 0), (0, 5)))
    sft_xyz = sft_cel.astype(jnp.float32) @ cel_mat.astype(jnp.float32)
    sft_pad = jnp.pad(sft_xyz, ((0, 32 - sft_xyz.shape[0]), (0, 0)))
    ii = idx_i.astype(jnp.int32).reshape(E // _SUB, _SUB)
    jj = idx_j.astype(jnp.int32).reshape(E // _SUB, _SUB)
    ss = idx_s.astype(jnp.int32)
    sc = _make_sc_kernel(E, N)
    vec, sod, mask_i = sc(pos8, sft_pad, ii, jj, ss)
    return vec, sod, mask_i.astype(jnp.bool_)

# --- scband reference (transcript-rebuilt; emitter-appended) ---
"""Pipeline reference for scband-coo2-book-keeping-231928234120 (READ-ONLY COPY).

The authoritative reference and input builder live on the scoring server;
editing this copy changes nothing except your own understanding.
"""

import jax, jax.numpy as jnp
import numpy as np

N = 50000       # atoms
E = 3200000     # neighbor pairs (avg degree 64)
NS = 27         # periodic shift images {-1,0,1}^3
RC = 6.0        # cutoff rc
BOX = 60.0      # cubic cell edge length


def setup_inputs(seed: int = 0) -> dict:
    key = jax.random.key(seed)
    k1, k2, k3, k4 = jax.random.split(key, 4)
    # atom positions in a BOX^3 periodic cell
    pos_xyz = jax.random.uniform(k1, (N, 3), dtype=jnp.float32) * BOX
    # cell matrix (rows are lattice vectors)
    cel_mat = jnp.eye(3, dtype=jnp.float32) * BOX
    # periodic image shifts in fractional (cell) coordinates: {-1,0,1}^3
    r = jnp.arange(-1, 2)
    sft_cel = jnp.stack(jnp.meshgrid(r, r, r, indexing='ij'), axis=-1).reshape(-1, 3).astype(jnp.float32)
    # COO neighbor list: (i, j, shift-index) per candidate pair
    idx_i = jax.random.randint(k2, (E,), 0, N)
    idx_j = jax.random.randint(k3, (E,), 0, N)
    idx_s = jax.random.randint(k4, (E,), 0, NS)
    return {
        'pos_xyz': pos_xyz,
        'cel_mat': cel_mat,
        'sft_cel': sft_cel,
        'idx_i': idx_i,
        'idx_j': idx_j,
        'idx_s': idx_s,
    }


def reference(pos_xyz, cel_mat, sft_cel, idx_i, idx_j, idx_s):
    """Steady-state path of Coo2BookKeeping.forward -> self.coo(pe):
    contract(vec_sod_adj(pe, AdjSftSpc(adj, sft, spc), rc), pe, rc).

    vec_sod_adj: for each cached pair (n, i, j, s) compute the displacement
      vec = pos[j] + sft[s] @ cel_mat - pos[i]  and  sod = |vec|^2.
    contract: keep only pairs with sod < rc^2 (here expressed as a mask with
      masked-out entries zeroed, to stay shape-static under jit).
    """
    # fractional shifts -> cartesian shifts [NS, 3]
    sft_xyz = sft_cel @ cel_mat
    # gather endpoint positions (memory-bound gathers over 3.2M edges)
    ri = jnp.take(pos_xyz, idx_i, axis=0)
    rj = jnp.take(pos_xyz, idx_j, axis=0)
    vec = rj + jnp.take(sft_xyz, idx_s, axis=0) - ri   # [E, 3]
    sod = jnp.sum(vec * vec, axis=-1)                   # [E]
    mask = sod < RC * RC                                # contract filter
    sod_m = jnp.where(mask, sod, 0.0)
    vec_m = jnp.where(mask[:, None], vec, 0.0)
    return vec_m, sod_m, mask

if __name__ == "__main__":
    import jax
    _d = setup_inputs()
    print(jax.jit(kernel)(*tuple(_d.values())))

</pallas_src>

<mosaic_0001>
#map = affine_map<(d0, d1) -> (0, 0)>
#map1 = affine_map<(d0, d1) -> (0)>
module attributes {stable_mosaic.version = 14 : i64} {
  func.func @sc_kernel(%arg0: i32, %arg1: i32, %arg2: memref<50000x8xf32, #tpu.memory_space<hbm>>, %arg3: memref<32x3xf32, #tpu.memory_space<hbm>>, %arg4: memref<40000x80xi32, #tpu.memory_space<hbm>>, %arg5: memref<40000x80xi32, #tpu.memory_space<hbm>>, %arg6: memref<3200000xi32, #tpu.memory_space<hbm>>, %arg7: memref<3200000x3xf32, #tpu.memory_space<hbm>>, %arg8: memref<3200000xf32, #tpu.memory_space<hbm>>, %arg9: memref<3200000xi32, #tpu.memory_space<hbm>>, %arg10: memref<32x3xf32, #tpu.memory_space<vmem>>, %arg11: memref<25x80xi32, #tpu.memory_space<vmem>>, %arg12: memref<25x80xi32, #tpu.memory_space<vmem>>, %arg13: memref<2000xi32, #tpu.memory_space<vmem>>, %arg14: memref<2000x8xf32, #tpu.memory_space<vmem>>, %arg15: memref<2000x8xf32, #tpu.memory_space<vmem>>, %arg16: memref<!tpu.dma_semaphore, #tpu.memory_space<semaphore_mem>>, %arg17: memref<2000x3xf32, #tpu.memory_space<vmem>>, %arg18: memref<2000xf32, #tpu.memory_space<vmem>>, %arg19: memref<2000xi32, #tpu.memory_space<vmem>>, %arg20: memref<!tpu.dma_semaphore, #tpu.memory_space<semaphore_mem>>, %arg21: memref<25x80xi32, #tpu.memory_space<vmem>>, %arg22: memref<25x80xi32, #tpu.memory_space<vmem>>, %arg23: memref<2000xi32, #tpu.memory_space<vmem>>, %arg24: memref<2000x8xf32, #tpu.memory_space<vmem>>, %arg25: memref<2000x8xf32, #tpu.memory_space<vmem>>, %arg26: memref<!tpu.dma_semaphore, #tpu.memory_space<semaphore_mem>>, %arg27: memref<2000x3xf32, #tpu.memory_space<vmem>>, %arg28: memref<2000xf32, #tpu.memory_space<vmem>>, %arg29: memref<2000xi32, #tpu.memory_space<vmem>>, %arg30: memref<!tpu.dma_semaphore, #tpu.memory_space<semaphore_mem>>) attributes {dimension_semantics = [#tpu.dimension_semantics<core_parallel>, #tpu.dimension_semantics<subcore_parallel>], iteration_bounds = array<i64: 2, 16>, scalar_prefetch = 0 : i64, scratch_operands = 21 : i64, tpu.core_type = #tpu.core_type<sc_vector_subcore>, window_params = [{transform_indices = #map}, {transform_indices = #map}, {transform_indices = #map}, {transform_indices = #map}, {transform_indices = #map1}, {transform_indices = #map}, {transform_indices = #map1}, {transform_indices = #map1}]} {
    %mul3A = arith.constant 2 : i32
    %mul3A_0 = arith.muli %arg1, %mul3A : i32
    %add3A = arith.addi %mul3A_0, %arg0 : i32
    %iota3A = tpu.iota {dimensions = array<i32: 0>} : vector<16xi32>
    %broadcast_in_dim3A = arith.constant 0 : i32
    %broadcast_in_dim3A_1 = vector.broadcast %broadcast_in_dim3A : i32 to vector<16xi32>
    %broadcast_in_dim3A_2 = arith.constant 1 : i32
    %broadcast_in_dim3A_3 = vector.broadcast %broadcast_in_dim3A_2 : i32 to vector<16xi32>
    %broadcast_in_dim3A_4 = arith.constant 2 : i32
    %broadcast_in_dim3A_5 = vector.broadcast %broadcast_in_dim3A_4 : i32 to vector<16xi32>
    "tpu.region"() ({
      %run_scoped3A = tpu.sem_alloc : memref<!tpu.dma_semaphore, #tpu.memory_space<semaphore_mem>>
      tpu.enqueue_dma source(%arg3 : memref<32x3xf32, #tpu.memory_space<hbm>>) target(%arg10 : memref<32x3xf32, #tpu.memory_space<vmem>>) target_semaphore(%run_scoped3A : memref<!tpu.dma_semaphore, #tpu.memory_space<semaphore_mem>>)
      tpu.wait_dma2 semaphore(%run_scoped3A : memref<!tpu.dma_semaphore, #tpu.memory_space<semaphore_mem>>) src(%arg3 : memref<32x3xf32, #tpu.memory_space<hbm>>) dst(%arg10 : memref<32x3xf32, #tpu.memory_space<vmem>>)
      tpu.yield
    }) : () -> ()
    %mul3A_6 = arith.constant 1250 : i32
    %mul3A_7 = arith.muli %add3A, %mul3A_6 : i32
    %mul3A_8 = arith.constant 0 : i32
    %mul3A_9 = arith.constant 25 : i32
    %mul3A_10 = arith.muli %mul3A_8, %mul3A_9 : i32
    %add3A_11 = arith.addi %mul3A_7, %mul3A_10 : i32
    %mul3A_12 = arith.constant 80 : i32
    %mul3A_13 = arith.muli %add3A_11, %mul3A_12 : i32
    "tpu.region"() ({
      %run_scoped3A = tpu.sem_alloc : memref<!tpu.dma_semaphore, #tpu.memory_space<semaphore_mem>>
      %dma_start3A_411 = arith.constant 0 : i32
      %dma_start3A_412 = tpu.memref_slice %arg4[%add3A_11, %dma_start3A_411] : memref<40000x80xi32, #tpu.memory_space<hbm>> -> memref<25x80xi32, #tpu.memory_space<hbm>>
      %dma_start3A_413 = arith.constant 0 : i32
      %dma_start3A_414 = tpu.memref_slice %arg4[%add3A_11, %dma_start3A_413] : memref<40000x80xi32, #tpu.memory_space<hbm>> -> memref<25x80xi32, #tpu.memory_space<hbm>>
      tpu.enqueue_dma source(%dma_start3A_414 : memref<25x80xi32, #tpu.memory_space<hbm>>) target(%arg11 : memref<25x80xi32, #tpu.memory_space<vmem>>) target_semaphore(%run_scoped3A : memref<!tpu.dma_semaphore, #tpu.memory_space<semaphore_mem>>)
      %dma_wait3A_415 = arith.constant 0 : i32
      %dma_wait3A_416 = tpu.memref_slice %arg4[%add3A_11, %dma_wait3A_415] : memref<40000x80xi32, #tpu.memory_space<hbm>> -> memref<25x80xi32, #tpu.memory_space<hbm>>
      %dma_wait3A_417 = arith.constant 0 : i32
      %dma_wait3A_418 = tpu.memref_slice %arg4[%add3A_11, %dma_wait3A_417] : memref<40000x80xi32, #tpu.memory_space<hbm>> -> memref<25x80xi32, #tpu.memory_space<hbm>>
      tpu.wait_dma2 semaphore(%run_scoped3A : memref<!tpu.dma_semaphore, #tpu.memory_space<semaphore_mem>>) src(%dma_wait3A_418 : memref<25x80xi32, #tpu.memory_space<hbm>>) dst(%arg11 : memref<25x80xi32, #tpu.memory_space<vmem>>)
      tpu.yield
    }) : () -> ()
    "tpu.region"() ({
      %run_scoped3A = tpu.sem_alloc : memref<!tpu.dma_semaphore, #tpu.memory_space<semaphore_mem>>
      %dma_start3A_411 = arith.constant 0 : i32
      %dma_start3A_412 = tpu.memref_slice %arg5[%add3A_11, %dma_start3A_411] : memref<40000x80xi32, #tpu.memory_space<hbm>> -> memref<25x80xi32, #tpu.memory_space<hbm>>
      %dma_start3A_413 = arith.constant 0 : i32
      %dma_start3A_414 = tpu.memref_slice %arg5[%add3A_11, %dma_start3A_413] : memref<40000x80xi32, #tpu.memory_space<hbm>> -> memref<25x80xi32, #tpu.memory_space<hbm>>
      tpu.enqueue_dma source(%dma_start3A_414 : memref<25x80xi32, #tpu.memory_space<hbm>>) target(%arg12 : memref<25x80xi32, #tpu.memory_space<vmem>>) target_semaphore(%run_scoped3A : memref<!tpu.dma_semaphore, #tpu.memory_space<semaphore_mem>>)
      %dma_wait3A_415 = arith.constant 0 : i32
      %dma_wait3A_416 = tpu.memref_slice %arg5[%add3A_11, %dma_wait3A_415] : memref<40000x80xi32, #tpu.memory_space<hbm>> -> memref<25x80xi32, #tpu.memory_space<hbm>>
      %dma_wait3A_417 = arith.constant 0 : i32
      %dma_wait3A_418 = tpu.memref_slice %arg5[%add3A_11, %dma_wait3A_417] : memref<40000x80xi32, #tpu.memory_space<hbm>> -> memref<25x80xi32, #tpu.memory_space<hbm>>
      tpu.wait_dma2 semaphore(%run_scoped3A : memref<!tpu.dma_semaphore, #tpu.memory_space<semaphore_mem>>) src(%dma_wait3A_418 : memref<25x80xi32, #tpu.memory_space<hbm>>) dst(%arg12 : memref<25x80xi32, #tpu.memory_space<vmem>>)
      tpu.yield
    }) : () -> ()
    "tpu.region"() ({
      %run_scoped3A = tpu.sem_alloc : memref<!tpu.dma_semaphore, #tpu.memory_space<semaphore_mem>>
      %dma_start3A_411 = tpu.memref_slice %arg6[%mul3A_13] : memref<3200000xi32, #tpu.memory_space<hbm>> -> memref<2000xi32, #tpu.memory_space<hbm>>
      %dma_start3A_412 = tpu.memref_slice %arg6[%mul3A_13] : memref<3200000xi32, #tpu.memory_space<hbm>> -> memref<2000xi32, #tpu.memory_space<hbm>>
      tpu.enqueue_dma source(%dma_start3A_412 : memref<2000xi32, #tpu.memory_space<hbm>>) target(%arg13 : memref<2000xi32, #tpu.memory_space<vmem>>) target_semaphore(%run_scoped3A : memref<!tpu.dma_semaphore, #tpu.memory_space<semaphore_mem>>)
      %dma_wait3A_413 = tpu.memref_slice %arg6[%mul3A_13] : memref<3200000xi32, #tpu.memory_space<hbm>> -> memref<2000xi32, #tpu.memory_space<hbm>>
      %dma_wait3A_414 = tpu.memref_slice %arg6[%mul3A_13] : memref<3200000xi32, #tpu.memory_space<hbm>> -> memref<2000xi32, #tpu.memory_space<hbm>>
      tpu.wait_dma2 semaphore(%run_scoped3A : memref<!tpu.dma_semaphore, #tpu.memory_space<semaphore_mem>>) src(%dma_wait3A_414 : memref<2000xi32, #tpu.memory_space<hbm>>) dst(%arg13 : memref<2000xi32, #tpu.memory_space<vmem>>)
      tpu.yield
    }) : () -> ()
    %scan3A = arith.constant 0 : i32
    %scan3A_14 = arith.constant 0 : i32
    %scan3A_15 = arith.constant 25 : i32
    %scan3A_16 = arith.addi %scan3A_14, %scan3A_15 : i32
    %scan3A_17 = arith.constant 1 : i32
    scf.for %scan3A_411 = %scan3A_14 to %scan3A_16 step %scan3A_17  : i32 {
      %mul3A_412 = arith.constant 80 : i32
      %mul3A_413 = arith.muli %scan3A_411, %mul3A_412 : i32
      %dma_start3A_414 = arith.constant 0 : i32
      %dma_start3A_415 = tpu.memref_slice %arg14[%mul3A_413, %dma_start3A_414] : memref<2000x8xf32, #tpu.memory_space<vmem>> -> memref<80x8xf32, #tpu.memory_space<vmem>>
      %dma_start3A_416 = arith.constant 0 : i32
      %dma_start3A_417 = tpu.memref_slice %arg11[%scan3A_411, %dma_start3A_416] : memref<25x80xi32, #tpu.memory_space<vmem>> -> memref<1x80xi32, #tpu.memory_space<vmem>>
      %dma_start3A_418 = tpu.memref_squeeze %dma_start3A_417 : memref<1x80xi32, #tpu.memory_space<vmem>> -> memref<80xi32, #tpu.memory_space<vmem>>
      %dma_start3A_419 = arith.constant 0 : i32
      %dma_start3A_420 = arith.constant 0 : i32
      %dma_start3A_421 = tpu.memref_slice %arg2[%dma_start3A_419, %dma_start3A_420] : memref<50000x8xf32, #tpu.memory_space<hbm>> -> memref<50000x8xf32, #tpu.memory_space<hbm>>
      tpu.enqueue_indirect_dma source(%dma_start3A_421 : memref<50000x8xf32, #tpu.memory_space<hbm>>) target(%dma_start3A_415 : memref<80x8xf32, #tpu.memory_space<vmem>>) offsets(%dma_start3A_418 : memref<80xi32, #tpu.memory_space<vmem>>) semaphore(%arg16 : memref<!tpu.dma_semaphore, #tpu.memory_space<semaphore_mem>>)
      %mul3A_422 = arith.constant 80 : i32
      %mul3A_423 = arith.muli %scan3A_411, %mul3A_422 : i32
      %dma_start3A_424 = arith.constant 0 : i32
      %dma_start3A_425 = tpu.memref_slice %arg15[%mul3A_423, %dma_start3A_424] : memref<2000x8xf32, #tpu.memory_space<vmem>> -> memref<80x8xf32, #tpu.memory_space<vmem>>
      %dma_start3A_426 = arith.constant 0 : i32
      %dma_start3A_427 = tpu.memref_slice %arg12[%scan3A_411, %dma_start3A_426] : memref<25x80xi32, #tpu.memory_space<vmem>> -> memref<1x80xi32, #tpu.memory_space<vmem>>
      %dma_start3A_428 = tpu.memref_squeeze %dma_start3A_427 : memref<1x80xi32, #tpu.memory_space<vmem>> -> memref<80xi32, #tpu.memory_space<vmem>>
      %dma_start3A_429 = arith.constant 0 : i32
      %dma_start3A_430 = arith.constant 0 : i32
      %dma_start3A_431 = tpu.memref_slice %arg2[%dma_start3A_429, %dma_start3A_430] : memref<50000x8xf32, #tpu.memory_space<hbm>> -> memref<50000x8xf32, #tpu.memory_space<hbm>>
      tpu.enqueue_indirect_dma source(%dma_start3A_431 : memref<50000x8xf32, #tpu.memory_space<hbm>>) target(%dma_start3A_425 : memref<80x8xf32, #tpu.memory_space<vmem>>) offsets(%dma_start3A_428 : memref<80xi32, #tpu.memory_space<vmem>>) semaphore(%arg16 : memref<!tpu.dma_semaphore, #tpu.memory_space<semaphore_mem>>)
    }
    %scan3A_18 = arith.constant 25 : i32
    %mul3A_19 = arith.constant 1 : i32
    %mul3A_20 = arith.constant 25 : i32
    %mul3A_21 = arith.muli %mul3A_19, %mul3A_20 : i32
    %add3A_22 = arith.addi %mul3A_7, %mul3A_21 : i32
    %mul3A_23 = arith.constant 80 : i32
    %mul3A_24 = arith.muli %add3A_22, %mul3A_23 : i32
    "tpu.region"() ({
      %run_scoped3A = tpu.sem_alloc : memref<!tpu.dma_semaphore, #tpu.memory_space<semaphore_mem>>
      %dma_start3A_411 = arith.constant 0 : i32
      %dma_start3A_412 = tpu.memref_slice %arg4[%add3A_22, %dma_start3A_411] : memref<40000x80xi32, #tpu.memory_space<hbm>> -> memref<25x80xi32, #tpu.memory_space<hbm>>
      %dma_start3A_413 = arith.constant 0 : i32
      %dma_start3A_414 = tpu.memref_slice %arg4[%add3A_22, %dma_start3A_413] : memref<40000x80xi32, #tpu.memory_space<hbm>> -> memref<25x80xi32, #tpu.memory_space<hbm>>
      tpu.enqueue_dma source(%dma_start3A_414 : memref<25x80xi32, #tpu.memory_space<hbm>>) target(%arg21 : memref<25x80xi32, #tpu.memory_space<vmem>>) target_semaphore(%run_scoped3A : memref<!tpu.dma_semaphore, #tpu.memory_space<semaphore_mem>>)
      %dma_wait3A_415 = arith.constant 0 : i32
      %dma_wait3A_416 = tpu.memref_slice %arg4[%add3A_22, %dma_wait3A_415] : memref<40000x80xi32, #tpu.memory_space<hbm>> -> memref<25x80xi32, #tpu.memory_space<hbm>>
      %dma_wait3A_417 = arith.constant 0 : i32
      %dma_wait3A_418 = tpu.memref_slice %arg4[%add3A_22, %dma_wait3A_417] : memref<40000x80xi32, #tpu.memory_space<hbm>> -> memref<25x80xi32, #tpu.memory_space<hbm>>
      tpu.wait_dma2 semaphore(%run_scoped3A : memref<!tpu.dma_semaphore, #tpu.memory_space<semaphore_mem>>) src(%dma_wait3A_418 : memref<25x80xi32, #tpu.memory_space<hbm>>) dst(%arg21 : memref<25x80xi32, #tpu.memory_space<vmem>>)
      tpu.yield
    }) : () -> ()
    "tpu.region"() ({
      %run_scoped3A = tpu.sem_alloc : memref<!tpu.dma_semaphore, #tpu.memory_space<semaphore_mem>>
      %dma_start3A_411 = arith.constant 0 : i32
      %dma_start3A_412 = tpu.memref_slice %arg5[%add3A_22, %dma_start3A_411] : memref<40000x80xi32, #tpu.memory_space<hbm>> -> memref<25x80xi32, #tpu.memory_space<hbm>>
      %dma_start3A_413 = arith.constant 0 : i32
      %dma_start3A_414 = tpu.memref_slice %arg5[%add3A_22, %dma_start3A_413] : memref<40000x80xi32, #tpu.memory_space<hbm>> -> memref<25x80xi32, #tpu.memory_space<hbm>>
      tpu.enqueue_dma source(%dma_start3A_414 : memref<25x80xi32, #tpu.memory_space<hbm>>) target(%arg22 : memref<25x80xi32, #tpu.memory_space<vmem>>) target_semaphore(%run_scoped3A : memref<!tpu.dma_semaphore, #tpu.memory_space<semaphore_mem>>)
      %dma_wait3A_415 = arith.constant 0 : i32
      %dma_wait3A_416 = tpu.memref_slice %arg5[%add3A_22, %dma_wait3A_415] : memref<40000x80xi32, #tpu.memory_space<hbm>> -> memref<25x80xi32, #tpu.memory_space<hbm>>
      %dma_wait3A_417 = arith.constant 0 : i32
      %dma_wait3A_418 = tpu.memref_slice %arg5[%add3A_22, %dma_wait3A_417] : memref<40000x80xi32, #tpu.memory_space<hbm>> -> memref<25x80xi32, #tpu.memory_space<hbm>>
      tpu.wait_dma2 semaphore(%run_scoped3A : memref<!tpu.dma_semaphore, #tpu.memory_space<semaphore_mem>>) src(%dma_wait3A_418 : memref<25x80xi32, #tpu.memory_space<hbm>>) dst(%arg22 : memref<25x80xi32, #tpu.memory_space<vmem>>)
      tpu.yield
    }) : () -> ()
    "tpu.region"() ({
      %run_scoped3A = tpu.sem_alloc : memref<!tpu.dma_semaphore, #tpu.memory_space<semaphore_mem>>
      %dma_start3A_411 = tpu.memref_slice %arg6[%mul3A_24] : memref<3200000xi32, #tpu.memory_space<hbm>> -> memref<2000xi32, #tpu.memory_space<hbm>>
      %dma_start3A_412 = tpu.memref_slice %arg6[%mul3A_24] : memref<3200000xi32, #tpu.memory_space<hbm>> -> memref<2000xi32, #tpu.memory_space<hbm>>
      tpu.enqueue_dma source(%dma_start3A_412 : memref<2000xi32, #tpu.memory_space<hbm>>) target(%arg23 : memref<2000xi32, #tpu.memory_space<vmem>>) target_semaphore(%run_scoped3A : memref<!tpu.dma_semaphore, #tpu.memory_space<semaphore_mem>>)
      %dma_wait3A_413 = tpu.memref_slice %arg6[%mul3A_24] : memref<3200000xi32, #tpu.memory_space<hbm>> -> memref<2000xi32, #tpu.memory_space<hbm>>
      %dma_wait3A_414 = tpu.memref_slice %arg6[%mul3A_24] : memref<3200000xi32, #tpu.memory_space<hbm>> -> memref<2000xi32, #tpu.memory_space<hbm>>
      tpu.wait_dma2 semaphore(%run_scoped3A : memref<!tpu.dma_semaphore, #tpu.memory_space<semaphore_mem>>) src(%dma_wait3A_414 : memref<2000xi32, #tpu.memory_space<hbm>>) dst(%arg23 : memref<2000xi32, #tpu.memory_space<vmem>>)
      tpu.yield
    }) : () -> ()
    %scan3A_25 = arith.constant 0 : i32
    %scan3A_26 = arith.constant 0 : i32
    %scan3A_27 = arith.constant 25 : i32
    %scan3A_28 = arith.addi %scan3A_26, %scan3A_27 : i32
    %scan3A_29 = arith.constant 1 : i32
    scf.for %scan3A_411 = %scan3A_26 to %scan3A_28 step %scan3A_29  : i32 {
      %mul3A_412 = arith.constant 80 : i32
      %mul3A_413 = arith.muli %scan3A_411, %mul3A_412 : i32
      %dma_start3A_414 = arith.constant 0 : i32
      %dma_start3A_415 = tpu.memref_slice %arg24[%mul3A_413, %dma_start3A_414] : memref<2000x8xf32, #tpu.memory_space<vmem>> -> memref<80x8xf32, #tpu.memory_space<vmem>>
      %dma_start3A_416 = arith.constant 0 : i32
      %dma_start3A_417 = tpu.memref_slice %arg21[%scan3A_411, %dma_start3A_416] : memref<25x80xi32, #tpu.memory_space<vmem>> -> memref<1x80xi32, #tpu.memory_space<vmem>>
      %dma_start3A_418 = tpu.memref_squeeze %dma_start3A_417 : memref<1x80xi32, #tpu.memory_space<vmem>> -> memref<80xi32, #tpu.memory_space<vmem>>
      %dma_start3A_419 = arith.constant 0 : i32
      %dma_start3A_420 = arith.constant 0 : i32
      %dma_start3A_421 = tpu.memref_slice %arg2[%dma_start3A_419, %dma_start3A_420] : memref<50000x8xf32, #tpu.memory_space<hbm>> -> memref<50000x8xf32, #tpu.memory_space<hbm>>
      tpu.enqueue_indirect_dma source(%dma_start3A_421 : memref<50000x8xf32, #tpu.memory_space<hbm>>) target(%dma_start3A_415 : memref<80x8xf32, #tpu.memory_space<vmem>>) offsets(%dma_start3A_418 : memref<80xi32, #tpu.memory_space<vmem>>) semaphore(%arg26 : memref<!tpu.dma_semaphore, #tpu.memory_space<semaphore_mem>>)
      %mul3A_422 = arith.constant 80 : i32
      %mul3A_423 = arith.muli %scan3A_411, %mul3A_422 : i32
      %dma_start3A_424 = arith.constant 0 : i32
      %dma_start3A_425 = tpu.memref_slice %arg25[%mul3A_423, %dma_start3A_424] : memref<2000x8xf32, #tpu.memory_space<vmem>> -> memref<80x8xf32, #tpu.memory_space<vmem>>
      %dma_start3A_426 = arith.constant 0 : i32
      %dma_start3A_427 = tpu.memref_slice %arg22[%scan3A_411, %dma_start3A_426] : memref<25x80xi32, #tpu.memory_space<vmem>> -> memref<1x80xi32, #tpu.memory_space<vmem>>
      %dma_start3A_428 = tpu.memref_squeeze %dma_start3A_427 : memref<1x80xi32, #tpu.memory_space<vmem>> -> memref<80xi32, #tpu.memory_space<vmem>>
      %dma_start3A_429 = arith.constant 0 : i32
      %dma_start3A_430 = arith.constant 0 : i32
      %dma_start3A_431 = tpu.memref_slice %arg2[%dma_start3A_429, %dma_start3A_430] : memref<50000x8xf32, #tpu.memory_space<hbm>> -> memref<50000x8xf32, #tpu.memory_space<hbm>>
      tpu.enqueue_indirect_dma source(%dma_start3A_431 : memref<50000x8xf32, #tpu.memory_space<hbm>>) target(%dma_start3A_425 : memref<80x8xf32, #tpu.memory_space<vmem>>) offsets(%dma_start3A_428 : memref<80xi32, #tpu.memory_space<vmem>>) semaphore(%arg26 : memref<!tpu.dma_semaphore, #tpu.memory_space<semaphore_mem>>)
    }
    %scan3A_30 = arith.constant 25 : i32
    %scan3A_31 = arith.constant 0 : i32
    %scan3A_32 = arith.constant 0 : i32
    %scan3A_33 = arith.constant 25 : i32
    %scan3A_34 = arith.addi %scan3A_32, %scan3A_33 : i32
    %scan3A_35 = arith.constant 1 : i32
    scf.for %scan3A_411 = %scan3A_32 to %scan3A_34 step %scan3A_35  : i32 {
      %mul3A_412 = arith.constant 80 : i32
      %mul3A_413 = arith.muli %scan3A_411, %mul3A_412 : i32
      %dma_wait3A_414 = arith.constant 0 : i32
      %dma_wait3A_415 = tpu.memref_slice %arg14[%mul3A_413, %dma_wait3A_414] : memref<2000x8xf32, #tpu.memory_space<vmem>> -> memref<80x8xf32, #tpu.memory_space<vmem>>
      %dma_wait3A_416 = arith.constant 0 : i32
      %dma_wait3A_417 = tpu.memref_slice %arg11[%scan3A_411, %dma_wait3A_416] : memref<25x80xi32, #tpu.memory_space<vmem>> -> memref<1x80xi32, #tpu.memory_space<vmem>>
      %dma_wait3A_418 = tpu.memref_squeeze %dma_wait3A_417 : memref<1x80xi32, #tpu.memory_space<vmem>> -> memref<80xi32, #tpu.memory_space<vmem>>
      %dma_wait3A_419 = arith.constant 0 : i32
      %dma_wait3A_420 = arith.constant 0 : i32
      %dma_wait3A_421 = tpu.memref_slice %arg2[%dma_wait3A_419, %dma_wait3A_420] : memref<50000x8xf32, #tpu.memory_space<hbm>> -> memref<50000x8xf32, #tpu.memory_space<hbm>>
      tpu.wait_indirect_dma semaphore(%arg16 : memref<!tpu.dma_semaphore, #tpu.memory_space<semaphore_mem>>) src(%dma_wait3A_421 : memref<50000x8xf32, #tpu.memory_space<hbm>>) dst(%dma_wait3A_415 : memref<80x8xf32, #tpu.memory_space<vmem>>)
      %mul3A_422 = arith.constant 80 : i32
      %mul3A_423 = arith.muli %scan3A_411, %mul3A_422 : i32
      %dma_wait3A_424 = arith.constant 0 : i32
      %dma_wait3A_425 = tpu.memref_slice %arg15[%mul3A_423, %dma_wait3A_424] : memref<2000x8xf32, #tpu.memory_space<vmem>> -> memref<80x8xf32, #tpu.memory_space<vmem>>
      %dma_wait3A_426 = arith.constant 0 : i32
      %dma_wait3A_427 = tpu.memref_slice %arg12[%scan3A_411, %dma_wait3A_426] : memref<25x80xi32, #tpu.memory_space<vmem>> -> memref<1x80xi32, #tpu.memory_space<vmem>>
      %dma_wait3A_428 = tpu.memref_squeeze %dma_wait3A_427 : memref<1x80xi32, #tpu.memory_space<vmem>> -> memref<80xi32, #tpu.memory_space<vmem>>
      %dma_wait3A_429 = arith.constant 0 : i32
      %dma_wait3A_430 = arith.constant 0 : i32
      %dma_wait3A_431 = tpu.memref_slice %arg2[%dma_wait3A_429, %dma_wait3A_430] : memref<50000x8xf32, #tpu.memory_space<hbm>> -> memref<50000x8xf32, #tpu.memory_space<hbm>>
      tpu.wait_indirect_dma semaphore(%arg16 : memref<!tpu.dma_semaphore, #tpu.memory_space<semaphore_mem>>) src(%dma_wait3A_431 : memref<50000x8xf32, #tpu.memory_space<hbm>>) dst(%dma_wait3A_425 : memref<80x8xf32, #tpu.memory_space<vmem>>)
    }
    %scan3A_36 = arith.constant 25 : i32
    %scan3A_37 = arith.constant 0 : i32
    %scan3A_38 = arith.constant 0 : i32
    %scan3A_39 = arith.constant 124 : i32
    %scan3A_40 = arith.addi %scan3A_38, %scan3A_39 : i32
    %scan3A_41 = arith.constant 4 : i32
    scf.for %scan3A_411 = %scan3A_38 to %scan3A_40 step %scan3A_41  : i32 {
      %mul3A_412 = arith.constant 16 : i32
      %mul3A_413 = arith.muli %scan3A_411, %mul3A_412 : i32
      %add3A_414 = vector.broadcast %mul3A_413 : i32 to vector<16xi32>
      %add3A_415 = arith.addi %iota3A, %add3A_414 : vector<16xi32>
      %mul3A_416 = arith.constant 16 : i32
      %mul3A_417 = arith.muli %scan3A_411, %mul3A_416 : i32
      %get3A_418 = arith.index_cast %mul3A_417 : i32 to index
      %get3A_419 = tpu.vector_load %arg13[%get3A_418] {strides = array<i32>} : memref<2000xi32, #tpu.memory_space<vmem>>, vector<16xi32>,
      %gather3A_420 = tpu.vector_load_idx %arg14[%add3A_415, %broadcast_in_dim3A_1] : memref<2000x8xf32, #tpu.memory_space<vmem>>[vector<16xi32>, vector<16xi32>], vector<16xf32>,
      %gather3A_421 = tpu.vector_load_idx %arg14[%add3A_415, %broadcast_in_dim3A_3] : memref<2000x8xf32, #tpu.memory_space<vmem>>[vector<16xi32>, vector<16xi32>], vector<16xf32>,
      %gather3A_422 = tpu.vector_load_idx %arg14[%add3A_415, %broadcast_in_dim3A_5] : memref<2000x8xf32, #tpu.memory_space<vmem>>[vector<16xi32>, vector<16xi32>], vector<16xf32>,
      %gather3A_423 = tpu.vector_load_idx %arg15[%add3A_415, %broadcast_in_dim3A_1] : memref<2000x8xf32, #tpu.memory_space<vmem>>[vector<16xi32>, vector<16xi32>], vector<16xf32>,
      %gather3A_424 = tpu.vector_load_idx %arg15[%add3A_415, %broadcast_in_dim3A_3] : memref<2000x8xf32, #tpu.memory_space<vmem>>[vector<16xi32>, vector<16xi32>], vector<16xf32>,
      %gather3A_425 = tpu.vector_load_idx %arg15[%add3A_415, %broadcast_in_dim3A_5] : memref<2000x8xf32, #tpu.memory_space<vmem>>[vector<16xi32>, vector<16xi32>], vector<16xf32>,
      %gather3A_426 = tpu.vector_load_idx %arg10[%get3A_419, %broadcast_in_dim3A_1] : memref<32x3xf32, #tpu.memory_space<vmem>>[vector<16xi32>, vector<16xi32>], vector<16xf32>,
      %gather3A_427 = tpu.vector_load_idx %arg10[%get3A_419, %broadcast_in_dim3A_3] : memref<32x3xf32, #tpu.memory_space<vmem>>[vector<16xi32>, vector<16xi32>], vector<16xf32>,
      %gather3A_428 = tpu.vector_load_idx %arg10[%get3A_419, %broadcast_in_dim3A_5] : memref<32x3xf32, #tpu.memory_space<vmem>>[vector<16xi32>, vector<16xi32>], vector<16xf32>,
      %add3A_429 = arith.addf %gather3A_423, %gather3A_426 : vector<16xf32>
      %sub3A_430 = arith.subf %add3A_429, %gather3A_420 : vector<16xf32>
      %add3A_431 = arith.addf %gather3A_424, %gather3A_427 : vector<16xf32>
      %sub3A_432 = arith.subf %add3A_431, %gather3A_421 : vector<16xf32>
      %add3A_433 = arith.addf %gather3A_425, %gather3A_428 : vector<16xf32>
      %sub3A_434 = arith.subf %add3A_433, %gather3A_422 : vector<16xf32>
      %mul3A_435 = arith.mulf %sub3A_430, %sub3A_430 : vector<16xf32>
      %mul3A_436 = arith.mulf %sub3A_432, %sub3A_432 : vector<16xf32>
      %add3A_437 = arith.addf %mul3A_435, %mul3A_436 : vector<16xf32>
      %mul3A_438 = arith.mulf %sub3A_434, %sub3A_434 : vector<16xf32>
      %add3A_439 = arith.addf %add3A_437, %mul3A_438 : vector<16xf32>
      %lt3A_440 = arith.constant 3.600000e+01 : f32
      %lt3A_441 = vector.broadcast %lt3A_440 : f32 to vector<16xf32>
      %lt3A_442 = arith.cmpf olt, %add3A_439, %lt3A_441 : vector<16xf32>
      %broadcast_in_dim3A_443 = arith.constant 0.000000e+00 : f32
      %broadcast_in_dim3A_444 = vector.broadcast %broadcast_in_dim3A_443 : f32 to vector<16xf32>
      %select_n3A_445 = arith.select %lt3A_442, %add3A_439, %broadcast_in_dim3A_444 : vector<16xi1>, vector<16xf32>
      %mul3A_446 = arith.constant 16 : i32
      %mul3A_447 = arith.muli %scan3A_411, %mul3A_446 : i32
      %swap3A_448 = arith.index_cast %mul3A_447 : i32 to index
      %swap3A_449 = tpu.vector_load %arg18[%swap3A_448] {strides = array<i32>} : memref<2000xf32, #tpu.memory_space<vmem>>, vector<16xf32>,
      tpu.vector_store %arg18[%swap3A_448], %select_n3A_445 {strides = array<i32>} : memref<2000xf32, #tpu.memory_space<vmem>>, vector<16xf32>,
      %convert_element_type3A_450 = arith.extui %lt3A_442 : vector<16xi1> to vector<16xi32>
      %mul3A_451 = arith.constant 16 : i32
      %mul3A_452 = arith.muli %scan3A_411, %mul3A_451 : i32
      %swap3A_453 = arith.index_cast %mul3A_452 : i32 to index
      %swap3A_454 = tpu.vector_load %arg19[%swap3A_453] {strides = array<i32>} : memref<2000xi32, #tpu.memory_space<vmem>>, vector<16xi32>,
      tpu.vector_store %arg19[%swap3A_453], %convert_element_type3A_450 {strides = array<i32>} : memref<2000xi32, #tpu.memory_space<vmem>>, vector<16xi32>,
      %select_n3A_455 = arith.select %lt3A_442, %sub3A_430, %broadcast_in_dim3A_444 : vector<16xi1>, vector<16xf32>
      tpu.vector_store_idx %arg17[%add3A_415, %broadcast_in_dim3A_1], %select_n3A_455 : memref<2000x3xf32, #tpu.memory_space<vmem>>[vector<16xi32>, vector<16xi32>], vector<16xf32>,
      %select_n3A_456 = arith.select %lt3A_442, %sub3A_432, %broadcast_in_dim3A_444 : vector<16xi1>, vector<16xf32>
      tpu.vector_store_idx %arg17[%add3A_415, %broadcast_in_dim3A_3], %select_n3A_456 : memref<2000x3xf32, #tpu.memory_space<vmem>>[vector<16xi32>, vector<16xi32>], vector<16xf32>,
      %select_n3A_457 = arith.select %lt3A_442, %sub3A_434, %broadcast_in_dim3A_444 : vector<16xi1>, vector<16xf32>
      tpu.vector_store_idx %arg17[%add3A_415, %broadcast_in_dim3A_5], %select_n3A_457 : memref<2000x3xf32, #tpu.memory_space<vmem>>[vector<16xi32>, vector<16xi32>], vector<16xf32>,
      %scan3A_458 = arith.constant 1 : i32
      %scan3A_459 = arith.addi %scan3A_411, %scan3A_458 : i32
      %mul3A_460 = arith.constant 16 : i32
      %mul3A_461 = arith.muli %scan3A_459, %mul3A_460 : i32
      %add3A_462 = vector.broadcast %mul3A_461 : i32 to vector<16xi32>
      %add3A_463 = arith.addi %iota3A, %add3A_462 : vector<16xi32>
      %mul3A_464 = arith.constant 16 : i32
      %mul3A_465 = arith.muli %scan3A_459, %mul3A_464 : i32
      %get3A_466 = arith.index_cast %mul3A_465 : i32 to index
      %get3A_467 = tpu.vector_load %arg13[%get3A_466] {strides = array<i32>} : memref<2000xi32, #tpu.memory_space<vmem>>, vector<16xi32>,
      %gather3A_468 = tpu.vector_load_idx %arg14[%add3A_463, %broadcast_in_dim3A_1] : memref<2000x8xf32, #tpu.memory_space<vmem>>[vector<16xi32>, vector<16xi32>], vector<16xf32>,
      %gather3A_469 = tpu.vector_load_idx %arg14[%add3A_463, %broadcast_in_dim3A_3] : memref<2000x8xf32, #tpu.memory_space<vmem>>[vector<16xi32>, vector<16xi32>], vector<16xf32>,
      %gather3A_470 = tpu.vector_load_idx %arg14[%add3A_463, %broadcast_in_dim3A_5] : memref<2000x8xf32, #tpu.memory_space<vmem>>[vector<16xi32>, vector<16xi32>], vector<16xf32>,
      %gather3A_471 = tpu.vector_load_idx %arg15[%add3A_463, %broadcast_in_dim3A_1] : memref<2000x8xf32, #tpu.memory_space<vmem>>[vector<16xi32>, vector<16xi32>], vector<16xf32>,
      %gather3A_472 = tpu.vector_load_idx %arg15[%add3A_463, %broadcast_in_dim3A_3] : memref<2000x8xf32, #tpu.memory_space<vmem>>[vector<16xi32>, vector<16xi32>], vector<16xf32>,
      %gather3A_473 = tpu.vector_load_idx %arg15[%add3A_463, %broadcast_in_dim3A_5] : memref<2000x8xf32, #tpu.memory_space<vmem>>[vector<16xi32>, vector<16xi32>], vector<16xf32>,
      %gather3A_474 = tpu.vector_load_idx %arg10[%get3A_467, %broadcast_in_dim3A_1] : memref<32x3xf32, #tpu.memory_space<vmem>>[vector<16xi32>, vector<16xi32>], vector<16xf32>,
      %gather3A_475 = tpu.vector_load_idx %arg10[%get3A_467, %broadcast_in_dim3A_3] : memref<32x3xf32, #tpu.memory_space<vmem>>[vector<16xi32>, vector<16xi32>], vector<16xf32>,
      %gather3A_476 = tpu.vector_load_idx %arg10[%get3A_467, %broadcast_in_dim3A_5] : memref<32x3xf32, #tpu.memory_space<vmem>>[vector<16xi32>, vector<16xi32>], vector<16xf32>,
      %add3A_477 = arith.addf %gather3A_471, %gather3A_474 : vector<16xf32>
      %sub3A_478 = arith.subf %add3A_477, %gather3A_468 : vector<16xf32>
      %add3A_479 = arith.addf %gather3A_472, %gather3A_475 : vector<16xf32>
      %sub3A_480 = arith.subf %add3A_479, %gather3A_469 : vector<16xf32>
      %add3A_481 = arith.addf %gather3A_473, %gather3A_476 : vector<16xf32>
      %sub3A_482 = arith.subf %add3A_481, %gather3A_470 : vector<16xf32>
      %mul3A_483 = arith.mulf %sub3A_478, %sub3A_478 : vector<16xf32>
      %mul3A_484 = arith.mulf %sub3A_480, %sub3A_480 : vector<16xf32>
      %add3A_485 = arith.addf %mul3A_483, %mul3A_484 : vector<16xf32>
      %mul3A_486 = arith.mulf %sub3A_482, %sub3A_482 : vector<16xf32>
      %add3A_487 = arith.addf %add3A_485, %mul3A_486 : vector<16xf32>
      %lt3A_488 = arith.constant 3.600000e+01 : f32
      %lt3A_489 = vector.broadcast %lt3A_488 : f32 to vector<16xf32>
      %lt3A_490 = arith.cmpf olt, %add3A_487, %lt3A_489 : vector<16xf32>
      %broadcast_in_dim3A_491 = arith.constant 0.000000e+00 : f32
      %broadcast_in_dim3A_492 = vector.broadcast %broadcast_in_dim3A_491 : f32 to vector<16xf32>
      %select_n3A_493 = arith.select %lt3A_490, %add3A_487, %broadcast_in_dim3A_492 : vector<16xi1>, vector<16xf32>
      %mul3A_494 = arith.constant 16 : i32
      %mul3A_495 = arith.muli %scan3A_459, %mul3A_494 : i32
      %swap3A_496 = arith.index_cast %mul3A_495 : i32 to index
      %swap3A_497 = tpu.vector_load %arg18[%swap3A_496] {strides = array<i32>} : memref<2000xf32, #tpu.memory_space<vmem>>, vector<16xf32>,
      tpu.vector_store %arg18[%swap3A_496], %select_n3A_493 {strides = array<i32>} : memref<2000xf32, #tpu.memory_space<vmem>>, vector<16xf32>,
      %convert_element_type3A_498 = arith.extui %lt3A_490 : vector<16xi1> to vector<16xi32>
      %mul3A_499 = arith.constant 16 : i32
      %mul3A_500 = arith.muli %scan3A_459, %mul3A_499 : i32
      %swap3A_501 = arith.index_cast %mul3A_500 : i32 to index
      %swap3A_502 = tpu.vector_load %arg19[%swap3A_501] {strides = array<i32>} : memref<2000xi32, #tpu.memory_space<vmem>>, vector<16xi32>,
      tpu.vector_store %arg19[%swap3A_501], %convert_element_type3A_498 {strides = array<i32>} : memref<2000xi32, #tpu.memory_space<vmem>>, vector<16xi32>,
      %select_n3A_503 = arith.select %lt3A_490, %sub3A_478, %broadcast_in_dim3A_492 : vector<16xi1>, vector<16xf32>
      tpu.vector_store_idx %arg17[%add3A_463, %broadcast_in_dim3A_1], %select_n3A_503 : memref<2000x3xf32, #tpu.memory_space<vmem>>[vector<16xi32>, vector<16xi32>], vector<16xf32>,
      %select_n3A_504 = arith.select %lt3A_490, %sub3A_480, %broadcast_in_dim3A_492 : vector<16xi1>, vector<16xf32>
      tpu.vector_store_idx %arg17[%add3A_463, %broadcast_in_dim3A_3], %select_n3A_504 : memref<2000x3xf32, #tpu.memory_space<vmem>>[vector<16xi32>, vector<16xi32>], vector<16xf32>,
      %select_n3A_505 = arith.select %lt3A_490, %sub3A_482, %broadcast_in_dim3A_492 : vector<16xi1>, vector<16xf32>
      tpu.vector_store_idx %arg17[%add3A_463, %broadcast_in_dim3A_5], %select_n3A_505 : memref<2000x3xf32, #tpu.memory_space<vmem>>[vector<16xi32>, vector<16xi32>], vector<16xf32>,
      %scan3A_506 = arith.constant 2 : i32
      %scan3A_507 = arith.addi %scan3A_411, %scan3A_506 : i32
      %mul3A_508 = arith.constant 16 : i32
      %mul3A_509 = arith.muli %scan3A_507, %mul3A_508 : i32
      %add3A_510 = vector.broadcast %mul3A_509 : i32 to vector<16xi32>
      %add3A_511 = arith.addi %iota3A, %add3A_510 : vector<16xi32>
      %mul3A_512 = arith.constant 16 : i32
      %mul3A_513 = arith.muli %scan3A_507, %mul3A_512 : i32
      %get3A_514 = arith.index_cast %mul3A_513 : i32 to index
      %get3A_515 = tpu.vector_load %arg13[%get3A_514] {strides = array<i32>} : memref<2000xi32, #tpu.memory_space<vmem>>, vector<16xi32>,
      %gather3A_516 = tpu.vector_load_idx %arg14[%add3A_511, %broadcast_in_dim3A_1] : memref<2000x8xf32, #tpu.memory_space<vmem>>[vector<16xi32>, vector<16xi32>], vector<16xf32>,
      %gather3A_517 = tpu.vector_load_idx %arg14[%add3A_511, %broadcast_in_dim3A_3] : memref<2000x8xf32, #tpu.memory_space<vmem>>[vector<16xi32>, vector<16xi32>], vector<16xf32>,
      %gather3A_518 = tpu.vector_load_idx %arg14[%add3A_511, %broadcast_in_dim3A_5] : memref<2000x8xf32, #tpu.memory_space<vmem>>[vector<16xi32>, vector<16xi32>], vector<16xf32>,
      %gather3A_519 = tpu.vector_load_idx %arg15[%add3A_511, %broadcast_in_dim3A_1] : memref<2000x8xf32, #tpu.memory_space<vmem>>[vector<16xi32>, vector<16xi32>], vector<16xf32>,
      %gather3A_520 = tpu.vector_load_idx %arg15[%add3A_511, %broadcast_in_dim3A_3] : memref<2000x8xf32, #tpu.memory_space<vmem>>[vector<16xi32>, vector<16xi32>], vector<16xf32>,
      %gather3A_521 = tpu.vector_load_idx %arg15[%add3A_511, %broadcast_in_dim3A_5] : memref<2000x8xf32, #tpu.memory_space<vmem>>[vector<16xi32>, vector<16xi32>], vector<16xf32>,
      %gather3A_522 = tpu.vector_load_idx %arg10[%get3A_515, %broadcast_in_dim3A_1] : memref<32x3xf32, #tpu.memory_space<vmem>>[vector<16xi32>, vector<16xi32>], vector<16xf32>,
      %gather3A_523 = tpu.vector_load_idx %arg10[%get3A_515, %broadcast_in_dim3A_3] : memref<32x3xf32, #tpu.memory_space<vmem>>[vector<16xi32>, vector<16xi32>], vector<16xf32>,
      %gather3A_524 = tpu.vector_load_idx %arg10[%get3A_515, %broadcast_in_dim3A_5] : memref<32x3xf32, #tpu.memory_space<vmem>>[vector<16xi32>, vector<16xi32>], vector<16xf32>,
      %add3A_525 = arith.addf %gather3A_519, %gather3A_522 : vector<16xf32>
      %sub3A_526 = arith.subf %add3A_525, %gather3A_516 : vector<16xf32>
      %add3A_527 = arith.addf %gather3A_520, %gather3A_523 : vector<16xf32>
      %sub3A_528 = arith.subf %add3A_527, %gather3A_517 : vector<16xf32>
      %add3A_529 = arith.addf %gather3A_521, %gather3A_524 : vector<16xf32>
      %sub3A_530 = arith.subf %add3A_529, %gather3A_518 : vector<16xf32>
      %mul3A_531 = arith.mulf %sub3A_526, %sub3A_526 : vector<16xf32>
      %mul3A_532 = arith.mulf %sub3A_528, %sub3A_528 : vector<16xf32>
      %add3A_533 = arith.addf %mul3A_531, %mul3A_532 : vector<16xf32>
      %mul3A_534 = arith.mulf %sub3A_530, %sub3A_530 : vector<16xf32>
      %add3A_535 = arith.addf %add3A_533, %mul3A_534 : vector<16xf32>
      %lt3A_536 = arith.constant 3.600000e+01 : f32
      %lt3A_537 = vector.broadcast %lt3A_536 : f32 to vector<16xf32>
      %lt3A_538 = arith.cmpf olt, %add3A_535, %lt3A_537 : vector<16xf32>
      %broadcast_in_dim3A_539 = arith.constant 0.000000e+00 : f32
      %broadcast_in_dim3A_540 = vector.broadcast %broadcast_in_dim3A_539 : f32 to vector<16xf32>
      %select_n3A_541 = arith.select %lt3A_538, %add3A_535, %broadcast_in_dim3A_540 : vector<16xi1>, vector<16xf32>
      %mul3A_542 = arith.constant 16 : i32
      %mul3A_543 = arith.muli %scan3A_507, %mul3A_542 : i32
      %swap3A_544 = arith.index_cast %mul3A_543 : i32 to index
      %swap3A_545 = tpu.vector_load %arg18[%swap3A_544] {strides = array<i32>} : memref<2000xf32, #tpu.memory_space<vmem>>, vector<16xf32>,
      tpu.vector_store %arg18[%swap3A_544], %select_n3A_541 {strides = array<i32>} : memref<2000xf32, #tpu.memory_space<vmem>>, vector<16xf32>,
      %convert_element_type3A_546 = arith.extui %lt3A_538 : vector<16xi1> to vector<16xi32>
      %mul3A_547 = arith.constant 16 : i32
      %mul3A_548 = arith.muli %scan3A_507, %mul3A_547 : i32
      %swap3A_549 = arith.index_cast %mul3A_548 : i32 to index
      %swap3A_550 = tpu.vector_load %arg19[%swap3A_549] {strides = array<i32>} : memref<2000xi32, #tpu.memory_space<vmem>>, vector<16xi32>,
      tpu.vector_store %arg19[%swap3A_549], %convert_element_type3A_546 {strides = array<i32>} : memref<2000xi32, #tpu.memory_space<vmem>>, vector<16xi32>,
      %select_n3A_551 = arith.select %lt3A_538, %sub3A_526, %broadcast_in_dim3A_540 : vector<16xi1>, vector<16xf32>
      tpu.vector_store_idx %arg17[%add3A_511, %broadcast_in_dim3A_1], %select_n3A_551 : memref<2000x3xf32, #tpu.memory_space<vmem>>[vector<16xi32>, vector<16xi32>], vector<16xf32>,
      %select_n3A_552 = arith.select %lt3A_538, %sub3A_528, %broadcast_in_dim3A_540 : vector<16xi1>, vector<16xf32>
      tpu.vector_store_idx %arg17[%add3A_511, %broadcast_in_dim3A_3], %select_n3A_552 : memref<2000x3xf32, #tpu.memory_space<vmem>>[vector<16xi32>, vector<16xi32>], vector<16xf32>,
      %select_n3A_553 = arith.select %lt3A_538, %sub3A_530, %broadcast_in_dim3A_540 : vector<16xi1>, vector<16xf32>
      tpu.vector_store_idx %arg17[%add3A_511, %broadcast_in_dim3A_5], %select_n3A_553 : memref<2000x3xf32, #tpu.memory_space<vmem>>[vector<16xi32>, vector<16xi32>], vector<16xf32>,
      %scan3A_554 = arith.constant 3 : i32
      %scan3A_555 = arith.addi %scan3A_411, %scan3A_554 : i32
      %mul3A_556 = arith.constant 16 : i32
      %mul3A_557 = arith.muli %scan3A_555, %mul3A_556 : i32
      %add3A_558 = vector.broadcast %mul3A_557 : i32 to vector<16xi32>
      %add3A_559 = arith.addi %iota3A, %add3A_558 : vector<16xi32>
      %mul3A_560 = arith.constant 16 : i32
      %mul3A_561 = arith.muli %scan3A_555, %mul3A_560 : i32
      %get3A_562 = arith.index_cast %mul3A_561 : i32 to index
      %get3A_563 = tpu.vector_load %arg13[%get3A_562] {strides = array<i32>} : memref<2000xi32, #tpu.memory_space<vmem>>, vector<16xi32>,
      %gather3A_564 = tpu.vector_load_idx %arg14[%add3A_559, %broadcast_in_dim3A_1] : memref<2000x8xf32, #tpu.memory_space<vmem>>[vector<16xi32>, vector<16xi32>], vector<16xf32>,
      %gather3A_565 = tpu.vector_load_idx %arg14[%add3A_559, %broadcast_in_dim3A_3] : memref<2000x8xf32, #tpu.memory_space<vmem>>[vector<16xi32>, vector<16xi32>], vector<16xf32>,
      %gather3A_566 = tpu.vector_load_idx %arg14[%add3A_559, %broadcast_in_dim3A_5] : memref<2000x8xf32, #tpu.memory_space<vmem>>[vector<16xi32>, vector<16xi32>], vector<16xf32>,
      %gather3A_567 = tpu.vector_load_idx %arg15[%add3A_559, %broadcast_in_dim3A_1] : memref<2000x8xf32, #tpu.memory_space<vmem>>[vector<16xi32>, vector<16xi32>], vector<16xf32>,
      %gather3A_568 = tpu.vector_load_idx %arg15[%add3A_559, %broadcast_in_dim3A_3] : memref<2000x8xf32, #tpu.memory_space<vmem>>[vector<16xi32>, vector<16xi32>], vector<16xf32>,
      %gather3A_569 = tpu.vector_load_idx %arg15[%add3A_559, %broadcast_in_dim3A_5] : memref<2000x8xf32, #tpu.memory_space<vmem>>[vector<16xi32>, vector<16xi32>], vector<16xf32>,
      %gather3A_570 = tpu.vector_load_idx %arg10[%get3A_563, %broadcast_in_dim3A_1] : memref<32x3xf32, #tpu.memory_space<vmem>>[vector<16xi32>, vector<16xi32>], vector<16xf32>,
      %gather3A_571 = tpu.vector_load_idx %arg10[%get3A_563, %broadcast_in_dim3A_3] : memref<32x3xf32, #tpu.memory_space<vmem>>[vector<16xi32>, vector<16xi32>], vector<16xf32>,
      %gather3A_572 = tpu.vector_load_idx %arg10[%get3A_563, %broadcast_in_dim3A_5] : memref<32x3xf32, #tpu.memory_space<vmem>>[vector<16xi32>, vector<16xi32>], vector<16xf32>,
      %add3A_573 = arith.addf %gather3A_567, %gather3A_570 : vector<16xf32>
      %sub3A_574 = arith.subf %add3A_573, %gather3A_564 : vector<16xf32>
      %add3A_575 = arith.addf %gather3A_568, %gather3A_571 : vector<16xf32>
      %sub3A_576 = arith.subf %add3A_575, %gather3A_565 : vector<16xf32>
      %add3A_577 = arith.addf %gather3A_569, %gather3A_572 : vector<16xf32>
      %sub3A_578 = arith.subf %add3A_577, %gather3A_566 : vector<16xf32>
      %mul3A_579 = arith.mulf %sub3A_574, %sub3A_574 : vector<16xf32>
      %mul3A_580 = arith.mulf %sub3A_576, %sub3A_576 : vector<16xf32>
      %add3A_581 = arith.addf %mul3A_579, %mul3A_580 : vector<16xf32>
      %mul3A_582 = arith.mulf %sub3A_578, %sub3A_578 : vector<16xf32>
      %add3A_583 = arith.addf %add3A_581, %mul3A_582 : vector<16xf32>
      %lt3A_584 = arith.constant 3.600000e+01 : f32
      %lt3A_585 = vector.broadcast %lt3A_584 : f32 to vector<16xf32>
      %lt3A_586 = arith.cmpf olt, %add3A_583, %lt3A_585 : vector<16xf32>
      %broadcast_in_dim3A_587 = arith.constant 0.000000e+00 : f32
      %broadcast_in_dim3A_588 = vector.broadcast %broadcast_in_dim3A_587 : f32 to vector<16xf32>
      %select_n3A_589 = arith.select %lt3A_586, %add3A_583, %broadcast_in_dim3A_588 : vector<16xi1>, vector<16xf32>
      %mul3A_590 = arith.constant 16 : i32
      %mul3A_591 = arith.muli %scan3A_555, %mul3A_590 : i32
      %swap3A_592 = arith.index_cast %mul3A_591 : i32 to index
      %swap3A_593 = tpu.vector_load %arg18[%swap3A_592] {strides = array<i32>} : memref<2000xf32, #tpu.memory_space<vmem>>, vector<16xf32>,
      tpu.vector_store %arg18[%swap3A_592], %select_n3A_589 {strides = array<i32>} : memref<2000xf32, #tpu.memory_space<vmem>>, vector<16xf32>,
      %convert_element_type3A_594 = arith.extui %lt3A_586 : vector<16xi1> to vector<16xi32>
      %mul3A_595 = arith.constant 16 : i32
      %mul3A_596 = arith.muli %scan3A_555, %mul3A_595 : i32
      %swap3A_597 = arith.index_cast %mul3A_596 : i32 to index
      %swap3A_598 = tpu.vector_load %arg19[%swap3A_597] {strides = array<i32>} : memref<2000xi32, #tpu.memory_space<vmem>>, vector<16xi32>,
      tpu.vector_store %arg19[%swap3A_597], %convert_element_type3A_594 {strides = array<i32>} : memref<2000xi32, #tpu.memory_space<vmem>>, vector<16xi32>,
      %select_n3A_599 = arith.select %lt3A_586, %sub3A_574, %broadcast_in_dim3A_588 : vector<16xi1>, vector<16xf32>
      tpu.vector_store_idx %arg17[%add3A_559, %broadcast_in_dim3A_1], %select_n3A_599 : memref<2000x3xf32, #tpu.memory_space<vmem>>[vector<16xi32>, vector<16xi32>], vector<16xf32>,
      %select_n3A_600 = arith.select %lt3A_586, %sub3A_576, %broadcast_in_dim3A_588 : vector<16xi1>, vector<16xf32>
      tpu.vector_store_idx %arg17[%add3A_559, %broadcast_in_dim3A_3], %select_n3A_600 : memref<2000x3xf32, #tpu.memory_space<vmem>>[vector<16xi32>, vector<16xi32>], vector<16xf32>,
      %select_n3A_601 = arith.select %lt3A_586, %sub3A_578, %broadcast_in_dim3A_588 : vector<16xi1>, vector<16xf32>
      tpu.vector_store_idx %arg17[%add3A_559, %broadcast_in_dim3A_5], %select_n3A_601 : memref<2000x3xf32, #tpu.memory_space<vmem>>[vector<16xi32>, vector<16xi32>], vector<16xf32>,
    }
    %scan3A_42 = arith.constant 124 : i32
    %scan3A_43 = arith.addi %scan3A_38, %scan3A_42 : i32
    %mul3A_44 = arith.constant 16 : i32
    %mul3A_45 = arith.muli %scan3A_43, %mul3A_44 : i32
    %add3A_46 = vector.broadcast %mul3A_45 : i32 to vector<16xi32>
    %add3A_47 = arith.addi %iota3A, %add3A_46 : vector<16xi32>
    %mul3A_48 = arith.constant 16 : i32
    %mul3A_49 = arith.muli %scan3A_43, %mul3A_48 : i32
    %get3A = arith.index_cast %mul3A_49 : i32 to index
    %get3A_50 = tpu.vector_load %arg13[%get3A] {strides = array<i32>} : memref<2000xi32, #tpu.memory_space<vmem>>, vector<16xi32>,
    %gather3A = tpu.vector_load_idx %arg14[%add3A_47, %broadcast_in_dim3A_1] : memref<2000x8xf32, #tpu.memory_space<vmem>>[vector<16xi32>, vector<16xi32>], vector<16xf32>,
    %gather3A_51 = tpu.vector_load_idx %arg14[%add3A_47, %broadcast_in_dim3A_3] : memref<2000x8xf32, #tpu.memory_space<vmem>>[vector<16xi32>, vector<16xi32>], vector<16xf32>,
    %gather3A_52 = tpu.vector_load_idx %arg14[%add3A_47, %broadcast_in_dim3A_5] : memref<2000x8xf32, #tpu.memory_space<vmem>>[vector<16xi32>, vector<16xi32>], vector<16xf32>,
    %gather3A_53 = tpu.vector_load_idx %arg15[%add3A_47, %broadcast_in_dim3A_1] : memref<2000x8xf32, #tpu.memory_space<vmem>>[vector<16xi32>, vector<16xi32>], vector<16xf32>,
    %gather3A_54 = tpu.vector_load_idx %arg15[%add3A_47, %broadcast_in_dim3A_3] : memref<2000x8xf32, #tpu.memory_space<vmem>>[vector<16xi32>, vector<16xi32>], vector<16xf32>,
    %gather3A_55 = tpu.vector_load_idx %arg15[%add3A_47, %broadcast_in_dim3A_5] : memref<2000x8xf32, #tpu.memory_space<vmem>>[vector<16xi32>, vector<16xi32>], vector<16xf32>,
    %gather3A_56 = tpu.vector_load_idx %arg10[%get3A_50, %broadcast_in_dim3A_1] : memref<32x3xf32, #tpu.memory_space<vmem>>[vector<16xi32>, vector<16xi32>], vector<16xf32>,
    %gather3A_57 = tpu.vector_load_idx %arg10[%get3A_50, %broadcast_in_dim3A_3] : memref<32x3xf32, #tpu.memory_space<vmem>>[vector<16xi32>, vector<16xi32>], vector<16xf32>,
    %gather3A_58 = tpu.vector_load_idx %arg10[%get3A_50, %broadcast_in_dim3A_5] : memref<32x3xf32, #tpu.memory_space<vmem>>[vector<16xi32>, vector<16xi32>], vector<16xf32>,
    %add3A_59 = arith.addf %gather3A_53, %gather3A_56 : vector<16xf32>
    %sub3A = arith.subf %add3A_59, %gather3A : vector<16xf32>
    %add3A_60 = arith.addf %gather3A_54, %gather3A_57 : vector<16xf32>
    %sub3A_61 = arith.subf %add3A_60, %gather3A_51 : vector<16xf32>
    %add3A_62 = arith.addf %gather3A_55, %gather3A_58 : vector<16xf32>
    %sub3A_63 = arith.subf %add3A_62, %gather3A_52 : vector<16xf32>
    %mul3A_64 = arith.mulf %sub3A, %sub3A : vector<16xf32>
    %mul3A_65 = arith.mulf %sub3A_61, %sub3A_61 : vector<16xf32>
    %add3A_66 = arith.addf %mul3A_64, %mul3A_65 : vector<16xf32>
    %mul3A_67 = arith.mulf %sub3A_63, %sub3A_63 : vector<16xf32>
    %add3A_68 = arith.addf %add3A_66, %mul3A_67 : vector<16xf32>
    %lt3A = arith.constant 3.600000e+01 : f32
    %lt3A_69 = vector.broadcast %lt3A : f32 to vector<16xf32>
    %lt3A_70 = arith.cmpf olt, %add3A_68, %lt3A_69 : vector<16xf32>
    %broadcast_in_dim3A_71 = arith.constant 0.000000e+00 : f32
    %broadcast_in_dim3A_72 = vector.broadcast %broadcast_in_dim3A_71 : f32 to vector<16xf32>
    %select_n3A = arith.select %lt3A_70, %add3A_68, %broadcast_in_dim3A_72 : vector<16xi1>, vector<16xf32>
    %mul3A_73 = arith.constant 16 : i32
    %mul3A_74 = arith.muli %scan3A_43, %mul3A_73 : i32
    %swap3A = arith.index_cast %mul3A_74 : i32 to index
    %swap3A_75 = tpu.vector_load %arg18[%swap3A] {strides = array<i32>} : memref<2000xf32, #tpu.memory_space<vmem>>, vector<16xf32>,
    tpu.vector_store %arg18[%swap3A], %select_n3A {strides = array<i32>} : memref<2000xf32, #tpu.memory_space<vmem>>, vector<16xf32>,
    %convert_element_type3A = arith.extui %lt3A_70 : vector<16xi1> to vector<16xi32>
    %mul3A_76 = arith.constant 16 : i32
    %mul3A_77 = arith.muli %scan3A_43, %mul3A_76 : i32
    %swap3A_78 = arith.index_cast %mul3A_77 : i32 to index
    %swap3A_79 = tpu.vector_load %arg19[%swap3A_78] {strides = array<i32>} : memref<2000xi32, #tpu.memory_space<vmem>>, vector<16xi32>,
    tpu.vector_store %arg19[%swap3A_78], %convert_element_type3A {strides = array<i32>} : memref<2000xi32, #tpu.memory_space<vmem>>, vector<16xi32>,
    %select_n3A_80 = arith.select %lt3A_70, %sub3A, %broadcast_in_dim3A_72 : vector<16xi1>, vector<16xf32>
    tpu.vector_store_idx %arg17[%add3A_47, %broadcast_in_dim3A_1], %select_n3A_80 : memref<2000x3xf32, #tpu.memory_space<vmem>>[vector<16xi32>, vector<16xi32>], vector<16xf32>,
    %select_n3A_81 = arith.select %lt3A_70, %sub3A_61, %broadcast_in_dim3A_72 : vector<16xi1>, vector<16xf32>
    tpu.vector_store_idx %arg17[%add3A_47, %broadcast_in_dim3A_3], %select_n3A_81 : memref<2000x3xf32, #tpu.memory_space<vmem>>[vector<16xi32>, vector<16xi32>], vector<16xf32>,
    %select_n3A_82 = arith.select %lt3A_70, %sub3A_63, %broadcast_in_dim3A_72 : vector<16xi1>, vector<16xf32>
    tpu.vector_store_idx %arg17[%add3A_47, %broadcast_in_dim3A_5], %select_n3A_82 : memref<2000x3xf32, #tpu.memory_space<vmem>>[vector<16xi32>, vector<16xi32>], vector<16xf32>,
    %scan3A_83 = arith.constant 125 : i32
    %mul3A_84 = arith.constant 0 : i32
    %mul3A_85 = arith.constant 25 : i32
    %mul3A_86 = arith.muli %mul3A_84, %mul3A_85 : i32
    %add3A_87 = arith.addi %mul3A_7, %mul3A_86 : i32
    %mul3A_88 = arith.constant 80 : i32
    %mul3A_89 = arith.muli %add3A_87, %mul3A_88 : i32
    %dma_start3A = arith.constant 0 : i32
    %dma_start3A_90 = tpu.memref_slice %arg7[%mul3A_89, %dma_start3A] : memref<3200000x3xf32, #tpu.memory_space<hbm>> -> memref<2000x3xf32, #tpu.memory_space<hbm>>
    %dma_start3A_91 = arith.constant 0 : i32
    %dma_start3A_92 = tpu.memref_slice %arg7[%mul3A_89, %dma_start3A_91] : memref<3200000x3xf32, #tpu.memory_space<hbm>> -> memref<2000x3xf32, #tpu.memory_space<hbm>>
    tpu.enqueue_dma source(%arg17 : memref<2000x3xf32, #tpu.memory_space<vmem>>) target(%dma_start3A_92 : memref<2000x3xf32, #tpu.memory_space<hbm>>) target_semaphore(%arg20 : memref<!tpu.dma_semaphore, #tpu.memory_space<semaphore_mem>>)
    %dma_start3A_93 = tpu.memref_slice %arg8[%mul3A_89] : memref<3200000xf32, #tpu.memory_space<hbm>> -> memref<2000xf32, #tpu.memory_space<hbm>>
    %dma_start3A_94 = tpu.memref_slice %arg8[%mul3A_89] : memref<3200000xf32, #tpu.memory_space<hbm>> -> memref<2000xf32, #tpu.memory_space<hbm>>
    tpu.enqueue_dma source(%arg18 : memref<2000xf32, #tpu.memory_space<vmem>>) target(%dma_start3A_94 : memref<2000xf32, #tpu.memory_space<hbm>>) target_semaphore(%arg20 : memref<!tpu.dma_semaphore, #tpu.memory_space<semaphore_mem>>)
    %dma_start3A_95 = tpu.memref_slice %arg9[%mul3A_89] : memref<3200000xi32, #tpu.memory_space<hbm>> -> memref<2000xi32, #tpu.memory_space<hbm>>
    %dma_start3A_96 = tpu.memref_slice %arg9[%mul3A_89] : memref<3200000xi32, #tpu.memory_space<hbm>> -> memref<2000xi32, #tpu.memory_space<hbm>>
    tpu.enqueue_dma source(%arg19 : memref<2000xi32, #tpu.memory_space<vmem>>) target(%dma_start3A_96 : memref<2000xi32, #tpu.memory_space<hbm>>) target_semaphore(%arg20 : memref<!tpu.dma_semaphore, #tpu.memory_space<semaphore_mem>>)
    %mul3A_97 = arith.constant 2 : i32
    %mul3A_98 = arith.constant 25 : i32
    %mul3A_99 = arith.muli %mul3A_97, %mul3A_98 : i32
    %add3A_100 = arith.addi %mul3A_7, %mul3A_99 : i32
    %mul3A_101 = arith.constant 80 : i32
    %mul3A_102 = arith.muli %add3A_100, %mul3A_101 : i32
    "tpu.region"() ({
      %run_scoped3A = tpu.sem_alloc : memref<!tpu.dma_semaphore, #tpu.memory_space<semaphore_mem>>
      %dma_start3A_411 = arith.constant 0 : i32
      %dma_start3A_412 = tpu.memref_slice %arg4[%add3A_100, %dma_start3A_411] : memref<40000x80xi32, #tpu.memory_space<hbm>> -> memref<25x80xi32, #tpu.memory_space<hbm>>
      %dma_start3A_413 = arith.constant 0 : i32
      %dma_start3A_414 = tpu.memref_slice %arg4[%add3A_100, %dma_start3A_413] : memref<40000x80xi32, #tpu.memory_space<hbm>> -> memref<25x80xi32, #tpu.memory_space<hbm>>
      tpu.enqueue_dma source(%dma_start3A_414 : memref<25x80xi32, #tpu.memory_space<hbm>>) target(%arg11 : memref<25x80xi32, #tpu.memory_space<vmem>>) target_semaphore(%run_scoped3A : memref<!tpu.dma_semaphore, #tpu.memory_space<semaphore_mem>>)
      %dma_wait3A_415 = arith.constant 0 : i32
      %dma_wait3A_416 = tpu.memref_slice %arg4[%add3A_100, %dma_wait3A_415] : memref<40000x80xi32, #tpu.memory_space<hbm>> -> memref<25x80xi32, #tpu.memory_space<hbm>>
      %dma_wait3A_417 = arith.constant 0 : i32
      %dma_wait3A_418 = tpu.memref_slice %arg4[%add3A_100, %dma_wait3A_417] : memref<40000x80xi32, #tpu.memory_space<hbm>> -> memref<25x80xi32, #tpu.memory_space<hbm>>
      tpu.wait_dma2 semaphore(%run_scoped3A : memref<!tpu.dma_semaphore, #tpu.memory_space<semaphore_mem>>) src(%dma_wait3A_418 : memref<25x80xi32, #tpu.memory_space<hbm>>) dst(%arg11 : memref<25x80xi32, #tpu.memory_space<vmem>>)
      tpu.yield
    }) : () -> ()
    "tpu.region"() ({
      %run_scoped3A = tpu.sem_alloc : memref<!tpu.dma_semaphore, #tpu.memory_space<semaphore_mem>>
      %dma_start3A_411 = arith.constant 0 : i32
      %dma_start3A_412 = tpu.memref_slice %arg5[%add3A_100, %dma_start3A_411] : memref<40000x80xi32, #tpu.memory_space<hbm>> -> memref<25x80xi32, #tpu.memory_space<hbm>>
      %dma_start3A_413 = arith.constant 0 : i32
      %dma_start3A_414 = tpu.memref_slice %arg5[%add3A_100, %dma_start3A_413] : memref<40000x80xi32, #tpu.memory_space<hbm>> -> memref<25x80xi32, #tpu.memory_space<hbm>>
      tpu.enqueue_dma source(%dma_start3A_414 : memref<25x80xi32, #tpu.memory_space<hbm>>) target(%arg12 : memref<25x80xi32, #tpu.memory_space<vmem>>) target_semaphore(%run_scoped3A : memref<!tpu.dma_semaphore, #tpu.memory_space<semaphore_mem>>)
      %dma_wait3A_415 = arith.constant 0 : i32
      %dma_wait3A_416 = tpu.memref_slice %arg5[%add3A_100, %dma_wait3A_415] : memref<40000x80xi32, #tpu.memory_space<hbm>> -> memref<25x80xi32, #tpu.memory_space<hbm>>
      %dma_wait3A_417 = arith.constant 0 : i32
      %dma_wait3A_418 = tpu.memref_slice %arg5[%add3A_100, %dma_wait3A_417] : memref<40000x80xi32, #tpu.memory_space<hbm>> -> memref<25x80xi32, #tpu.memory_space<hbm>>
      tpu.wait_dma2 semaphore(%run_scoped3A : memref<!tpu.dma_semaphore, #tpu.memory_space<semaphore_mem>>) src(%dma_wait3A_418 : memref<25x80xi32, #tpu.memory_space<hbm>>) dst(%arg12 : memref<25x80xi32, #tpu.memory_space<vmem>>)
      tpu.yield
    }) : () -> ()
    "tpu.region"() ({
      %run_scoped3A = tpu.sem_alloc : memref<!tpu.dma_semaphore, #tpu.memory_space<semaphore_mem>>
      %dma_start3A_411 = tpu.memref_slice %arg6[%mul3A_102] : memref<3200000xi32, #tpu.memory_space<hbm>> -> memref<2000xi32, #tpu.memory_space<hbm>>
      %dma_start3A_412 = tpu.memref_slice %arg6[%mul3A_102] : memref<3200000xi32, #tpu.memory_space<hbm>> -> memref<2000xi32, #tpu.memory_space<hbm>>
      tpu.enqueue_dma source(%dma_start3A_412 : memref<2000xi32, #tpu.memory_space<hbm>>) target(%arg13 : memref<2000xi32, #tpu.memory_space<vmem>>) target_semaphore(%run_scoped3A : memref<!tpu.dma_semaphore, #tpu.memory_space<semaphore_mem>>)
      %dma_wait3A_413 = tpu.memref_slice %arg6[%mul3A_102] : memref<3200000xi32, #tpu.memory_space<hbm>> -> memref<2000xi32, #tpu.memory_space<hbm>>
      %dma_wait3A_414 = tpu.memref_slice %arg6[%mul3A_102] : memref<3200000xi32, #tpu.memory_space<hbm>> -> memref<2000xi32, #tpu.memory_space<hbm>>
      tpu.wait_dma2 semaphore(%run_scoped3A : memref<!tpu.dma_semaphore, #tpu.memory_space<semaphore_mem>>) src(%dma_wait3A_414 : memref<2000xi32, #tpu.memory_space<hbm>>) dst(%arg13 : memref<2000xi32, #tpu.memory_space<vmem>>)
      tpu.yield
    }) : () -> ()
    %scan3A_103 = arith.constant 0 : i32
    %scan3A_104 = arith.constant 0 : i32
    %scan3A_105 = arith.constant 25 : i32
    %scan3A_106 = arith.addi %scan3A_104, %scan3A_105 : i32
    %scan3A_107 = arith.constant 1 : i32
    scf.for %scan3A_411 = %scan3A_104 to %scan3A_106 step %scan3A_107  : i32 {
      %mul3A_412 = arith.constant 80 : i32
      %mul3A_413 = arith.muli %scan3A_411, %mul3A_412 : i32
      %dma_start3A_414 = arith.constant 0 : i32
      %dma_start3A_415 = tpu.memref_slice %arg14[%mul3A_413, %dma_start3A_414] : memref<2000x8xf32, #tpu.memory_space<vmem>> -> memref<80x8xf32, #tpu.memory_space<vmem>>
      %dma_start3A_416 = arith.constant 0 : i32
      %dma_start3A_417 = tpu.memref_slice %arg11[%scan3A_411, %dma_start3A_416] : memref<25x80xi32, #tpu.memory_space<vmem>> -> memref<1x80xi32, #tpu.memory_space<vmem>>
      %dma_start3A_418 = tpu.memref_squeeze %dma_start3A_417 : memref<1x80xi32, #tpu.memory_space<vmem>> -> memref<80xi32, #tpu.memory_space<vmem>>
      %dma_start3A_419 = arith.constant 0 : i32
      %dma_start3A_420 = arith.constant 0 : i32
      %dma_start3A_421 = tpu.memref_slice %arg2[%dma_start3A_419, %dma_start3A_420] : memref<50000x8xf32, #tpu.memory_space<hbm>> -> memref<50000x8xf32, #tpu.memory_space<hbm>>
      tpu.enqueue_indirect_dma source(%dma_start3A_421 : memref<50000x8xf32, #tpu.memory_space<hbm>>) target(%dma_start3A_415 : memref<80x8xf32, #tpu.memory_space<vmem>>) offsets(%dma_start3A_418 : memref<80xi32, #tpu.memory_space<vmem>>) semaphore(%arg16 : memref<!tpu.dma_semaphore, #tpu.memory_space<semaphore_mem>>)
      %mul3A_422 = arith.constant 80 : i32
      %mul3A_423 = arith.muli %scan3A_411, %mul3A_422 : i32
      %dma_start3A_424 = arith.constant 0 : i32
      %dma_start3A_425 = tpu.memref_slice %arg15[%mul3A_423, %dma_start3A_424] : memref<2000x8xf32, #tpu.memory_space<vmem>> -> memref<80x8xf32, #tpu.memory_space<vmem>>
      %dma_start3A_426 = arith.constant 0 : i32
      %dma_start3A_427 = tpu.memref_slice %arg12[%scan3A_411, %dma_start3A_426] : memref<25x80xi32, #tpu.memory_space<vmem>> -> memref<1x80xi32, #tpu.memory_space<vmem>>
      %dma_start3A_428 = tpu.memref_squeeze %dma_start3A_427 : memref<1x80xi32, #tpu.memory_space<vmem>> -> memref<80xi32, #tpu.memory_space<vmem>>
      %dma_start3A_429 = arith.constant 0 : i32
      %dma_start3A_430 = arith.constant 0 : i32
      %dma_start3A_431 = tpu.memref_slice %arg2[%dma_start3A_429, %dma_start3A_430] : memref<50000x8xf32, #tpu.memory_space<hbm>> -> memref<50000x8xf32, #tpu.memory_space<hbm>>
      tpu.enqueue_indirect_dma source(%dma_start3A_431 : memref<50000x8xf32, #tpu.memory_space<hbm>>) target(%dma_start3A_425 : memref<80x8xf32, #tpu.memory_space<vmem>>) offsets(%dma_start3A_428 : memref<80xi32, #tpu.memory_space<vmem>>) semaphore(%arg16 : memref<!tpu.dma_semaphore, #tpu.memory_space<semaphore_mem>>)
    }
    %scan3A_108 = arith.constant 25 : i32
    %scan3A_109 = arith.constant 0 : i32
    %scan3A_110 = arith.constant 0 : i32
    %scan3A_111 = arith.constant 25 : i32
    %scan3A_112 = arith.addi %scan3A_110, %scan3A_111 : i32
    %scan3A_113 = arith.constant 1 : i32
    scf.for %scan3A_411 = %scan3A_110 to %scan3A_112 step %scan3A_113  : i32 {
      %mul3A_412 = arith.constant 80 : i32
      %mul3A_413 = arith.muli %scan3A_411, %mul3A_412 : i32
      %dma_wait3A_414 = arith.constant 0 : i32
      %dma_wait3A_415 = tpu.memref_slice %arg24[%mul3A_413, %dma_wait3A_414] : memref<2000x8xf32, #tpu.memory_space<vmem>> -> memref<80x8xf32, #tpu.memory_space<vmem>>
      %dma_wait3A_416 = arith.constant 0 : i32
      %dma_wait3A_417 = tpu.memref_slice %arg21[%scan3A_411, %dma_wait3A_416] : memref<25x80xi32, #tpu.memory_space<vmem>> -> memref<1x80xi32, #tpu.memory_space<vmem>>
      %dma_wait3A_418 = tpu.memref_squeeze %dma_wait3A_417 : memref<1x80xi32, #tpu.memory_space<vmem>> -> memref<80xi32, #tpu.memory_space<vmem>>
      %dma_wait3A_419 = arith.constant 0 : i32
      %dma_wait3A_420 = arith.constant 0 : i32
      %dma_wait3A_421 = tpu.memref_slice %arg2[%dma_wait3A_419, %dma_wait3A_420] : memref<50000x8xf32, #tpu.memory_space<hbm>> -> memref<50000x8xf32, #tpu.memory_space<hbm>>
      tpu.wait_indirect_dma semaphore(%arg26 : memref<!tpu.dma_semaphore, #tpu.memory_space<semaphore_mem>>) src(%dma_wait3A_421 : memref<50000x8xf32, #tpu.memory_space<hbm>>) dst(%dma_wait3A_415 : memref<80x8xf32, #tpu.memory_space<vmem>>)
      %mul3A_422 = arith.constant 80 : i32
      %mul3A_423 = arith.muli %scan3A_411, %mul3A_422 : i32
      %dma_wait3A_424 = arith.constant 0 : i32
      %dma_wait3A_425 = tpu.memref_slice %arg25[%mul3A_423, %dma_wait3A_424] : memref<2000x8xf32, #tpu.memory_space<vmem>> -> memref<80x8xf32, #tpu.memory_space<vmem>>
      %dma_wait3A_426 = arith.constant 0 : i32
      %dma_wait3A_427 = tpu.memref_slice %arg22[%scan3A_411, %dma_wait3A_426] : memref<25x80xi32, #tpu.memory_space<vmem>> -> memref<1x80xi32, #tpu.memory_space<vmem>>
      %dma_wait3A_428 = tpu.memref_squeeze %dma_wait3A_427 : memref<1x80xi32, #tpu.memory_space<vmem>> -> memref<80xi32, #tpu.memory_space<vmem>>
      %dma_wait3A_429 = arith.constant 0 : i32
      %dma_wait3A_430 = arith.constant 0 : i32
      %dma_wait3A_431 = tpu.memref_slice %arg2[%dma_wait3A_429, %dma_wait3A_430] : memref<50000x8xf32, #tpu.memory_space<hbm>> -> memref<50000x8xf32, #tpu.memory_space<hbm>>
      tpu.wait_indirect_dma semaphore(%arg26 : memref<!tpu.dma_semaphore, #tpu.memory_space<semaphore_mem>>) src(%dma_wait3A_431 : memref<50000x8xf32, #tpu.memory_space<hbm>>) dst(%dma_wait3A_425 : memref<80x8xf32, #tpu.memory_space<vmem>>)
    }
    %scan3A_114 = arith.constant 25 : i32
    %scan3A_115 = arith.constant 0 : i32
    %scan3A_116 = arith.constant 0 : i32
    %scan3A_117 = arith.constant 124 : i32
    %scan3A_118 = arith.addi %scan3A_116, %scan3A_117 : i32
    %scan3A_119 = arith.constant 4 : i32
    scf.for %scan3A_411 = %scan3A_116 to %scan3A_118 step %scan3A_119  : i32 {
      %mul3A_412 = arith.constant 16 : i32
      %mul3A_413 = arith.muli %scan3A_411, %mul3A_412 : i32
      %add3A_414 = vector.broadcast %mul3A_413 : i32 to vector<16xi32>
      %add3A_415 = arith.addi %iota3A, %add3A_414 : vector<16xi32>
      %mul3A_416 = arith.constant 16 : i32
      %mul3A_417 = arith.muli %scan3A_411, %mul3A_416 : i32
      %get3A_418 = arith.index_cast %mul3A_417 : i32 to index
      %get3A_419 = tpu.vector_load %arg23[%get3A_418] {strides = array<i32>} : memref<2000xi32, #tpu.memory_space<vmem>>, vector<16xi32>,
      %gather3A_420 = tpu.vector_load_idx %arg24[%add3A_415, %broadcast_in_dim3A_1] : memref<2000x8xf32, #tpu.memory_space<vmem>>[vector<16xi32>, vector<16xi32>], vector<16xf32>,
      %gather3A_421 = tpu.vector_load_idx %arg24[%add3A_415, %broadcast_in_dim3A_3] : memref<2000x8xf32, #tpu.memory_space<vmem>>[vector<16xi32>, vector<16xi32>], vector<16xf32>,
      %gather3A_422 = tpu.vector_load_idx %arg24[%add3A_415, %broadcast_in_dim3A_5] : memref<2000x8xf32, #tpu.memory_space<vmem>>[vector<16xi32>, vector<16xi32>], vector<16xf32>,
      %gather3A_423 = tpu.vector_load_idx %arg25[%add3A_415, %broadcast_in_dim3A_1] : memref<2000x8xf32, #tpu.memory_space<vmem>>[vector<16xi32>, vector<16xi32>], vector<16xf32>,
      %gather3A_424 = tpu.vector_load_idx %arg25[%add3A_415, %broadcast_in_dim3A_3] : memref<2000x8xf32, #tpu.memory_space<vmem>>[vector<16xi32>, vector<16xi32>], vector<16xf32>,
      %gather3A_425 = tpu.vector_load_idx %arg25[%add3A_415, %broadcast_in_dim3A_5] : memref<2000x8xf32, #tpu.memory_space<vmem>>[vector<16xi32>, vector<16xi32>], vector<16xf32>,
      %gather3A_426 = tpu.vector_load_idx %arg10[%get3A_419, %broadcast_in_dim3A_1] : memref<32x3xf32, #tpu.memory_space<vmem>>[vector<16xi32>, vector<16xi32>], vector<16xf32>,
      %gather3A_427 = tpu.vector_load_idx %arg10[%get3A_419, %broadcast_in_dim3A_3] : memref<32x3xf32, #tpu.memory_space<vmem>>[vector<16xi32>, vector<16xi32>], vector<16xf32>,
      %gather3A_428 = tpu.vector_load_idx %arg10[%get3A_419, %broadcast_in_dim3A_5] : memref<32x3xf32, #tpu.memory_space<vmem>>[vector<16xi32>, vector<16xi32>], vector<16xf32>,
      %add3A_429 = arith.addf %gather3A_423, %gather3A_426 : vector<16xf32>
      %sub3A_430 = arith.subf %add3A_429, %gather3A_420 : vector<16xf32>
      %add3A_431 = arith.addf %gather3A_424, %gather3A_427 : vector<16xf32>
      %sub3A_432 = arith.subf %add3A_431, %gather3A_421 : vector<16xf32>
      %add3A_433 = arith.addf %gather3A_425, %gather3A_428 : vector<16xf32>
      %sub3A_434 = arith.subf %add3A_433, %gather3A_422 : vector<16xf32>
      %mul3A_435 = arith.mulf %sub3A_430, %sub3A_430 : vector<16xf32>
      %mul3A_436 = arith.mulf %sub3A_432, %sub3A_432 : vector<16xf32>
      %add3A_437 = arith.addf %mul3A_435, %mul3A_436 : vector<16xf32>
      %mul3A_438 = arith.mulf %sub3A_434, %sub3A_434 : vector<16xf32>
      %add3A_439 = arith.addf %add3A_437, %mul3A_438 : vector<16xf32>
      %lt3A_440 = arith.constant 3.600000e+01 : f32
      %lt3A_441 = vector.broadcast %lt3A_440 : f32 to vector<16xf32>
      %lt3A_442 = arith.cmpf olt, %add3A_439, %lt3A_441 : vector<16xf32>
      %broadcast_in_dim3A_443 = arith.constant 0.000000e+00 : f32
      %broadcast_in_dim3A_444 = vector.broadcast %broadcast_in_dim3A_443 : f32 to vector<16xf32>
      %select_n3A_445 = arith.select %lt3A_442, %add3A_439, %broadcast_in_dim3A_444 : vector<16xi1>, vector<16xf32>
      %mul3A_446 = arith.constant 16 : i32
      %mul3A_447 = arith.muli %scan3A_411, %mul3A_446 : i32
      %swap3A_448 = arith.index_cast %mul3A_447 : i32 to index
      %swap3A_449 = tpu.vector_load %arg28[%swap3A_448] {strides = array<i32>} : memref<2000xf32, #tpu.memory_space<vmem>>, vector<16xf32>,
      tpu.vector_store %arg28[%swap3A_448], %select_n3A_445 {strides = array<i32>} : memref<2000xf32, #tpu.memory_space<vmem>>, vector<16xf32>,
      %convert_element_type3A_450 = arith.extui %lt3A_442 : vector<16xi1> to vector<16xi32>
      %mul3A_451 = arith.constant 16 : i32
      %mul3A_452 = arith.muli %scan3A_411, %mul3A_451 : i32
      %swap3A_453 = arith.index_cast %mul3A_452 : i32 to index
      %swap3A_454 = tpu.vector_load %arg29[%swap3A_453] {strides = array<i32>} : memref<2000xi32, #tpu.memory_space<vmem>>, vector<16xi32>,
      tpu.vector_store %arg29[%swap3A_453], %convert_element_type3A_450 {strides = array<i32>} : memref<2000xi32, #tpu.memory_space<vmem>>, vector<16xi32>,
      %select_n3A_455 = arith.select %lt3A_442, %sub3A_430, %broadcast_in_dim3A_444 : vector<16xi1>, vector<16xf32>
      tpu.vector_store_idx %arg27[%add3A_415, %broadcast_in_dim3A_1], %select_n3A_455 : memref<2000x3xf32, #tpu.memory_space<vmem>>[vector<16xi32>, vector<16xi32>], vector<16xf32>,
      %select_n3A_456 = arith.select %lt3A_442, %sub3A_432, %broadcast_in_dim3A_444 : vector<16xi1>, vector<16xf32>
      tpu.vector_store_idx %arg27[%add3A_415, %broadcast_in_dim3A_3], %select_n3A_456 : memref<2000x3xf32, #tpu.memory_space<vmem>>[vector<16xi32>, vector<16xi32>], vector<16xf32>,
      %select_n3A_457 = arith.select %lt3A_442, %sub3A_434, %broadcast_in_dim3A_444 : vector<16xi1>, vector<16xf32>
      tpu.vector_store_idx %arg27[%add3A_415, %broadcast_in_dim3A_5], %select_n3A_457 : memref<2000x3xf32, #tpu.memory_space<vmem>>[vector<16xi32>, vector<16xi32>], vector<16xf32>,
      %scan3A_458 = arith.constant 1 : i32
      %scan3A_459 = arith.addi %scan3A_411, %scan3A_458 : i32
      %mul3A_460 = arith.constant 16 : i32
      %mul3A_461 = arith.muli %scan3A_459, %mul3A_460 : i32
      %add3A_462 = vector.broadcast %mul3A_461 : i32 to vector<16xi32>
      %add3A_463 = arith.addi %iota3A, %add3A_462 : vector<16xi32>
      %mul3A_464 = arith.constant 16 : i32
      %mul3A_465 = arith.muli %scan3A_459, %mul3A_464 : i32
      %get3A_466 = arith.index_cast %mul3A_465 : i32 to index
      %get3A_467 = tpu.vector_load %arg23[%get3A_466] {strides = array<i32>} : memref<2000xi32, #tpu.memory_space<vmem>>, vector<16xi32>,
      %gather3A_468 = tpu.vector_load_idx %arg24[%add3A_463, %broadcast_in_dim3A_1] : memref<2000x8xf32, #tpu.memory_space<vmem>>[vector<16xi32>, vector<16xi32>], vector<16xf32>,
      %gather3A_469 = tpu.vector_load_idx %arg24[%add3A_463, %broadcast_in_dim3A_3] : memref<2000x8xf32, #tpu.memory_space<vmem>>[vector<16xi32>, vector<16xi32>], vector<16xf32>,
      %gather3A_470 = tpu.vector_load_idx %arg24[%add3A_463, %broadcast_in_dim3A_5] : memref<2000x8xf32, #tpu.memory_space<vmem>>[vector<16xi32>, vector<16xi32>], vector<16xf32>,
      %gather3A_471 = tpu.vector_load_idx %arg25[%add3A_463, %broadcast_in_dim3A_1] : memref<2000x8xf32, #tpu.memory_space<vmem>>[vector<16xi32>, vector<16xi32>], vector<16xf32>,
      %gather3A_472 = tpu.vector_load_idx %arg25[%add3A_463, %broadcast_in_dim3A_3] : memref<2000x8xf32, #tpu.memory_space<vmem>>[vector<16xi32>, vector<16xi32>], vector<16xf32>,
      %gather3A_473 = tpu.vector_load_idx %arg25[%add3A_463, %broadcast_in_dim3A_5] : memref<2000x8xf32, #tpu.memory_space<vmem>>[vector<16xi32>, vector<16xi32>], vector<16xf32>,
      %gather3A_474 = tpu.vector_load_idx %arg10[%get3A_467, %broadcast_in_dim3A_1] : memref<32x3xf32, #tpu.memory_space<vmem>>[vector<16xi32>, vector<16xi32>], vector<16xf32>,
      %gather3A_475 = tpu.vector_load_idx %arg10[%get3A_467, %broadcast_in_dim3A_3] : memref<32x3xf32, #tpu.memory_space<vmem>>[vector<16xi32>, vector<16xi32>], vector<16xf32>,
      %gather3A_476 = tpu.vector_load_idx %arg10[%get3A_467, %broadcast_in_dim3A_5] : memref<32x3xf32, #tpu.memory_space<vmem>>[vector<16xi32>, vector<16xi32>], vector<16xf32>,
      %add3A_477 = arith.addf %gather3A_471, %gather3A_474 : vector<16xf32>
      %sub3A_478 = arith.subf %add3A_477, %gather3A_468 : vector<16xf32>
      %add3A_479 = arith.addf %gather3A_472, %gather3A_475 : vector<16xf32>
      %sub3A_480 = arith.subf %add3A_479, %gather3A_469 : vector<16xf32>
      %add3A_481 = arith.addf %gather3A_473, %gather3A_476 : vector<16xf32>
      %sub3A_482 = arith.subf %add3A_481, %gather3A_470 : vector<16xf32>
      %mul3A_483 = arith.mulf %sub3A_478, %sub3A_478 : vector<16xf32>
      %mul3A_484 = arith.mulf %sub3A_480, %sub3A_480 : vector<16xf32>
      %add3A_485 = arith.addf %mul3A_483, %mul3A_484 : vector<16xf32>
      %mul3A_486 = arith.mulf %sub3A_482, %sub3A_482 : vector<16xf32>
      %add3A_487 = arith.addf %add3A_485, %mul3A_486 : vector<16xf32>
      %lt3A_488 = arith.constant 3.600000e+01 : f32
      %lt3A_489 = vector.broadcast %lt3A_488 : f32 to vector<16xf32>
      %lt3A_490 = arith.cmpf olt, %add3A_487, %lt3A_489 : vector<16xf32>
      %broadcast_in_dim3A_491 = arith.constant 0.000000e+00 : f32
      %broadcast_in_dim3A_492 = vector.broadcast %broadcast_in_dim3A_491 : f32 to vector<16xf32>
      %select_n3A_493 = arith.select %lt3A_490, %add3A_487, %broadcast_in_dim3A_492 : vector<16xi1>, vector<16xf32>
      %mul3A_494 = arith.constant 16 : i32
      %mul3A_495 = arith.muli %scan3A_459, %mul3A_494 : i32
      %swap3A_496 = arith.index_cast %mul3A_495 : i32 to index
      %swap3A_497 = tpu.vector_load %arg28[%swap3A_496] {strides = array<i32>} : memref<2000xf32, #tpu.memory_space<vmem>>, vector<16xf32>,
      tpu.vector_store %arg28[%swap3A_496], %select_n3A_493 {strides = array<i32>} : memref<2000xf32, #tpu.memory_space<vmem>>, vector<16xf32>,
      %convert_element_type3A_498 = arith.extui %lt3A_490 : vector<16xi1> to vector<16xi32>
      %mul3A_499 = arith.constant 16 : i32
      %mul3A_500 = arith.muli %scan3A_459, %mul3A_499 : i32
      %swap3A_501 = arith.index_cast %mul3A_500 : i32 to index
      %swap3A_502 = tpu.vector_load %arg29[%swap3A_501] {strides = array<i32>} : memref<2000xi32, #tpu.memory_space<vmem>>, vector<16xi32>,
      tpu.vector_store %arg29[%swap3A_501], %convert_element_type3A_498 {strides = array<i32>} : memref<2000xi32, #tpu.memory_space<vmem>>, vector<16xi32>,
      %select_n3A_503 = arith.select %lt3A_490, %sub3A_478, %broadcast_in_dim3A_492 : vector<16xi1>, vector<16xf32>
      tpu.vector_store_idx %arg27[%add3A_463, %broadcast_in_dim3A_1], %select_n3A_503 : memref<2000x3xf32, #tpu.memory_space<vmem>>[vector<16xi32>, vector<16xi32>], vector<16xf32>,
      %select_n3A_504 = arith.select %lt3A_490, %sub3A_480, %broadcast_in_dim3A_492 : vector<16xi1>, vector<16xf32>
      tpu.vector_store_idx %arg27[%add3A_463, %broadcast_in_dim3A_3], %select_n3A_504 : memref<2000x3xf32, #tpu.memory_space<vmem>>[vector<16xi32>, vector<16xi32>], vector<16xf32>,
      %select_n3A_505 = arith.select %lt3A_490, %sub3A_482, %broadcast_in_dim3A_492 : vector<16xi1>, vector<16xf32>
      tpu.vector_store_idx %arg27[%add3A_463, %broadcast_in_dim3A_5], %select_n3A_505 : memref<2000x3xf32, #tpu.memory_space<vmem>>[vector<16xi32>, vector<16xi32>], vector<16xf32>,
      %scan3A_506 = arith.constant 2 : i32
      %scan3A_507 = arith.addi %scan3A_411, %scan3A_506 : i32
      %mul3A_508 = arith.constant 16 : i32
      %mul3A_509 = arith.muli %scan3A_507, %mul3A_508 : i32
      %add3A_510 = vector.broadcast %mul3A_509 : i32 to vector<16xi32>
      %add3A_511 = arith.addi %iota3A, %add3A_510 : vector<16xi32>
      %mul3A_512 = arith.constant 16 : i32
      %mul3A_513 = arith.muli %scan3A_507, %mul3A_512 : i32
      %get3A_514 = arith.index_cast %mul3A_513 : i32 to index
      %get3A_515 = tpu.vector_load %arg23[%get3A_514] {strides = array<i32>} : memref<2000xi32, #tpu.memory_space<vmem>>, vector<16xi32>,
      %gather3A_516 = tpu.vector_load_idx %arg24[%add3A_511, %broadcast_in_dim3A_1] : memref<2000x8xf32, #tpu.memory_space<vmem>>[vector<16xi32>, vector<16xi32>], vector<16xf32>,
      %gather3A_517 = tpu.vector_load_idx %arg24[%add3A_511, %broadcast_in_dim3A_3] : memref<2000x8xf32, #tpu.memory_space<vmem>>[vector<16xi32>, vector<16xi32>], vector<16xf32>,
      %gather3A_518 = tpu.vector_load_idx %arg24[%add3A_511, %broadcast_in_dim3A_5] : memref<2000x8xf32, #tpu.memory_space<vmem>>[vector<16xi32>, vector<16xi32>], vector<16xf32>,
      %gather3A_519 = tpu.vector_load_idx %arg25[%add3A_511, %broadcast_in_dim3A_1] : memref<2000x8xf32, #tpu.memory_space<vmem>>[vector<16xi32>, vector<16xi32>], vector<16xf32>,
      %gather3A_520 = tpu.vector_load_idx %arg25[%add3A_511, %broadcast_in_dim3A_3] : memref<2000x8xf32, #tpu.memory_space<vmem>>[vector<16xi32>, vector<16xi32>], vector<16xf32>,
      %gather3A_521 = tpu.vector_load_idx %arg25[%add3A_511, %broadcast_in_dim3A_5] : memref<2000x8xf32, #tpu.memory_space<vmem>>[vector<16xi32>, vector<16xi32>], vector<16xf32>,
      %gather3A_522 = tpu.vector_load_idx %arg10[%get3A_515, %broadcast_in_dim3A_1] : memref<32x3xf32, #tpu.memory_space<vmem>>[vector<16xi32>, vector<16xi32>], vector<16xf32>,
      %gather3A_523 = tpu.vector_load_idx %arg10[%get3A_515, %broadcast_in_dim3A_3] : memref<32x3xf32, #tpu.memory_space<vmem>>[vector<16xi32>, vector<16xi32>], vector<16xf32>,
      %gather3A_524 = tpu.vector_load_idx %arg10[%get3A_515, %broadcast_in_dim3A_5] : memref<32x3xf32, #tpu.memory_space<vmem>>[vector<16xi32>, vector<16xi32>], vector<16xf32>,
      %add3A_525 = arith.addf %gather3A_519, %gather3A_522 : vector<16xf32>
      %sub3A_526 = arith.subf %add3A_525, %gather3A_516 : vector<16xf32>
      %add3A_527 = arith.addf %gather3A_520, %gather3A_523 : vector<16xf32>
      %sub3A_528 = arith.subf %add3A_527, %gather3A_517 : vector<16xf32>
      %add3A_529 = arith.addf %gather3A_521, %gather3A_524 : vector<16xf32>
      %sub3A_530 = arith.subf %add3A_529, %gather3A_518 : vector<16xf32>
      %mul3A_531 = arith.mulf %sub3A_526, %sub3A_526 : vector<16xf32>
      %mul3A_532 = arith.mulf %sub3A_528, %sub3A_528 : vector<16xf32>
      %add3A_533 = arith.addf %mul3A_531, %mul3A_532 : vector<16xf32>
      %mul3A_534 = arith.mulf %sub3A_530, %sub3A_530 : vector<16xf32>
      %add3A_535 = arith.addf %add3A_533, %mul3A_534 : vector<16xf32>
      %lt3A_536 = arith.constant 3.600000e+01 : f32
      %lt3A_537 = vector.broadcast %lt3A_536 : f32 to vector<16xf32>
      %lt3A_538 = arith.cmpf olt, %add3A_535, %lt3A_537 : vector<16xf32>
      %broadcast_in_dim3A_539 = arith.constant 0.000000e+00 : f32
      %broadcast_in_dim3A_540 = vector.broadcast %broadcast_in_dim3A_539 : f32 to vector<16xf32>
      %select_n3A_541 = arith.select %lt3A_538, %add3A_535, %broadcast_in_dim3A_540 : vector<16xi1>, vector<16xf32>
      %mul3A_542 = arith.constant 16 : i32
      %mul3A_543 = arith.muli %scan3A_507, %mul3A_542 : i32
      %swap3A_544 = arith.index_cast %mul3A_543 : i32 to index
      %swap3A_545 = tpu.vector_load %arg28[%swap3A_544] {strides = array<i32>} : memref<2000xf32, #tpu.memory_space<vmem>>, vector<16xf32>,
      tpu.vector_store %arg28[%swap3A_544], %select_n3A_541 {strides = array<i32>} : memref<2000xf32, #tpu.memory_space<vmem>>, vector<16xf32>,
      %convert_element_type3A_546 = arith.extui %lt3A_538 : vector<16xi1> to vector<16xi32>
      %mul3A_547 = arith.constant 16 : i32
      %mul3A_548 = arith.muli %scan3A_507, %mul3A_547 : i32
      %swap3A_549 = arith.index_cast %mul3A_548 : i32 to index
      %swap3A_550 = tpu.vector_load %arg29[%swap3A_549] {strides = array<i32>} : memref<2000xi32, #tpu.memory_space<vmem>>, vector<16xi32>,
      tpu.vector_store %arg29[%swap3A_549], %convert_element_type3A_546 {strides = array<i32>} : memref<2000xi32, #tpu.memory_space<vmem>>, vector<16xi32>,
      %select_n3A_551 = arith.select %lt3A_538, %sub3A_526, %broadcast_in_dim3A_540 : vector<16xi1>, vector<16xf32>
      tpu.vector_store_idx %arg27[%add3A_511, %broadcast_in_dim3A_1], %select_n3A_551 : memref<2000x3xf32, #tpu.memory_space<vmem>>[vector<16xi32>, vector<16xi32>], vector<16xf32>,
      %select_n3A_552 = arith.select %lt3A_538, %sub3A_528, %broadcast_in_dim3A_540 : vector<16xi1>, vector<16xf32>
      tpu.vector_store_idx %arg27[%add3A_511, %broadcast_in_dim3A_3], %select_n3A_552 : memref<2000x3xf32, #tpu.memory_space<vmem>>[vector<16xi32>, vector<16xi32>], vector<16xf32>,
      %select_n3A_553 = arith.select %lt3A_538, %sub3A_530, %broadcast_in_dim3A_540 : vector<16xi1>, vector<16xf32>
      tpu.vector_store_idx %arg27[%add3A_511, %broadcast_in_dim3A_5], %select_n3A_553 : memref<2000x3xf32, #tpu.memory_space<vmem>>[vector<16xi32>, vector<16xi32>], vector<16xf32>,
      %scan3A_554 = arith.constant 3 : i32
      %scan3A_555 = arith.addi %scan3A_411, %scan3A_554 : i32
      %mul3A_556 = arith.constant 16 : i32
      %mul3A_557 = arith.muli %scan3A_555, %mul3A_556 : i32
      %add3A_558 = vector.broadcast %mul3A_557 : i32 to vector<16xi32>
      %add3A_559 = arith.addi %iota3A, %add3A_558 : vector<16xi32>
      %mul3A_560 = arith.constant 16 : i32
      %mul3A_561 = arith.muli %scan3A_555, %mul3A_560 : i32
      %get3A_562 = arith.index_cast %mul3A_561 : i32 to index
      %get3A_563 = tpu.vector_load %arg23[%get3A_562] {strides = array<i32>} : memref<2000xi32, #tpu.memory_space<vmem>>, vector<16xi32>,
      %gather3A_564 = tpu.vector_load_idx %arg24[%add3A_559, %broadcast_in_dim3A_1] : memref<2000x8xf32, #tpu.memory_space<vmem>>[vector<16xi32>, vector<16xi32>], vector<16xf32>,
      %gather3A_565 = tpu.vector_load_idx %arg24[%add3A_559, %broadcast_in_dim3A_3] : memref<2000x8xf32, #tpu.memory_space<vmem>>[vector<16xi32>, vector<16xi32>], vector<16xf32>,
      %gather3A_566 = tpu.vector_load_idx %arg24[%add3A_559, %broadcast_in_dim3A_5] : memref<2000x8xf32, #tpu.memory_space<vmem>>[vector<16xi32>, vector<16xi32>], vector<16xf32>,
      %gather3A_567 = tpu.vector_load_idx %arg25[%add3A_559, %broadcast_in_dim3A_1] : memref<2000x8xf32, #tpu.memory_space<vmem>>[vector<16xi32>, vector<16xi32>], vector<16xf32>,
      %gather3A_568 = tpu.vector_load_idx %arg25[%add3A_559, %broadcast_in_dim3A_3] : memref<2000x8xf32, #tpu.memory_space<vmem>>[vector<16xi32>, vector<16xi32>], vector<16xf32>,
      %gather3A_569 = tpu.vector_load_idx %arg25[%add3A_559, %broadcast_in_dim3A_5] : memref<2000x8xf32, #tpu.memory_space<vmem>>[vector<16xi32>, vector<16xi32>], vector<16xf32>,
      %gather3A_570 = tpu.vector_load_idx %arg10[%get3A_563, %broadcast_in_dim3A_1] : memref<32x3xf32, #tpu.memory_space<vmem>>[vector<16xi32>, vector<16xi32>], vector<16xf32>,
      %gather3A_571 = tpu.vector_load_idx %arg10[%get3A_563, %broadcast_in_dim3A_3] : memref<32x3xf32, #tpu.memory_space<vmem>>[vector<16xi32>, vector<16xi32>], vector<16xf32>,
      %gather3A_572 = tpu.vector_load_idx %arg10[%get3A_563, %broadcast_in_dim3A_5] : memref<32x3xf32, #tpu.memory_space<vmem>>[vector<16xi32>, vector<16xi32>], vector<16xf32>,
      %add3A_573 = arith.addf %gather3A_567, %gather3A_570 : vector<16xf32>
      %sub3A_574 = arith.subf %add3A_573, %gather3A_564 : vector<16xf32>
      %add3A_575 = arith.addf %gather3A_568, %gather3A_571 : vector<16xf32>
      %sub3A_576 = arith.subf %add3A_575, %gather3A_565 : vector<16xf32>
      %add3A_577 = arith.addf %gather3A_569, %gather3A_572 : vector<16xf32>
      %sub3A_578 = arith.subf %add3A_577, %gather3A_566 : vector<16xf32>
      %mul3A_579 = arith.mulf %sub3A_574, %sub3A_574 : vector<16xf32>
      %mul3A_580 = arith.mulf %sub3A_576, %sub3A_576 : vector<16xf32>
      %add3A_581 = arith.addf %mul3A_579, %mul3A_580 : vector<16xf32>
      %mul3A_582 = arith.mulf %sub3A_578, %sub3A_578 : vector<16xf32>
      %add3A_583 = arith.addf %add3A_581, %mul3A_582 : vector<16xf32>
      %lt3A_584 = arith.constant 3.600000e+01 : f32
      %lt3A_585 = vector.broadcast %lt3A_584 : f32 to vector<16xf32>
      %lt3A_586 = arith.cmpf olt, %add3A_583, %lt3A_585 : vector<16xf32>
      %broadcast_in_dim3A_587 = arith.constant 0.000000e+00 : f32
      %broadcast_in_dim3A_588 = vector.broadcast %broadcast_in_dim3A_587 : f32 to vector<16xf32>
      %select_n3A_589 = arith.select %lt3A_586, %add3A_583, %broadcast_in_dim3A_588 : vector<16xi1>, vector<16xf32>
      %mul3A_590 = arith.constant 16 : i32
      %mul3A_591 = arith.muli %scan3A_555, %mul3A_590 : i32
      %swap3A_592 = arith.index_cast %mul3A_591 : i32 to index
      %swap3A_593 = tpu.vector_load %arg28[%swap3A_592] {strides = array<i32>} : memref<2000xf32, #tpu.memory_space<vmem>>, vector<16xf32>,
      tpu.vector_store %arg28[%swap3A_592], %select_n3A_589 {strides = array<i32>} : memref<2000xf32, #tpu.memory_space<vmem>>, vector<16xf32>,
      %convert_element_type3A_594 = arith.extui %lt3A_586 : vector<16xi1> to vector<16xi32>
      %mul3A_595 = arith.constant 16 : i32
      %mul3A_596 = arith.muli %scan3A_555, %mul3A_595 : i32
      %swap3A_597 = arith.index_cast %mul3A_596 : i32 to index
      %swap3A_598 = tpu.vector_load %arg29[%swap3A_597] {strides = array<i32>} : memref<2000xi32, #tpu.memory_space<vmem>>, vector<16xi32>,
      tpu.vector_store %arg29[%swap3A_597], %convert_element_type3A_594 {strides = array<i32>} : memref<2000xi32, #tpu.memory_space<vmem>>, vector<16xi32>,
      %select_n3A_599 = arith.select %lt3A_586, %sub3A_574, %broadcast_in_dim3A_588 : vector<16xi1>, vector<16xf32>
      tpu.vector_store_idx %arg27[%add3A_559, %broadcast_in_dim3A_1], %select_n3A_599 : memref<2000x3xf32, #tpu.memory_space<vmem>>[vector<16xi32>, vector<16xi32>], vector<16xf32>,
      %select_n3A_600 = arith.select %lt3A_586, %sub3A_576, %broadcast_in_dim3A_588 : vector<16xi1>, vector<16xf32>
      tpu.vector_store_idx %arg27[%add3A_559, %broadcast_in_dim3A_3], %select_n3A_600 : memref<2000x3xf32, #tpu.memory_space<vmem>>[vector<16xi32>, vector<16xi32>], vector<16xf32>,
      %select_n3A_601 = arith.select %lt3A_586, %sub3A_578, %broadcast_in_dim3A_588 : vector<16xi1>, vector<16xf32>
      tpu.vector_store_idx %arg27[%add3A_559, %broadcast_in_dim3A_5], %select_n3A_601 : memref<2000x3xf32, #tpu.memory_space<vmem>>[vector<16xi32>, vector<16xi32>], vector<16xf32>,
    }
    %scan3A_120 = arith.constant 124 : i32
    %scan3A_121 = arith.addi %scan3A_116, %scan3A_120 : i32
    %mul3A_122 = arith.constant 16 : i32
    %mul3A_123 = arith.muli %scan3A_121, %mul3A_122 : i32
    %add3A_124 = vector.broadcast %mul3A_123 : i32 to vector<16xi32>
    %add3A_125 = arith.addi %iota3A, %add3A_124 : vector<16xi32>
    %mul3A_126 = arith.constant 16 : i32
    %mul3A_127 = arith.muli %scan3A_121, %mul3A_126 : i32
    %get3A_128 = arith.index_cast %mul3A_127 : i32 to index
    %get3A_129 = tpu.vector_load %arg23[%get3A_128] {strides = array<i32>} : memref<2000xi32, #tpu.memory_space<vmem>>, vector<16xi32>,
    %gather3A_130 = tpu.vector_load_idx %arg24[%add3A_125, %broadcast_in_dim3A_1] : memref<2000x8xf32, #tpu.memory_space<vmem>>[vector<16xi32>, vector<16xi32>], vector<16xf32>,
    %gather3A_131 = tpu.vector_load_idx %arg24[%add3A_125, %broadcast_in_dim3A_3] : memref<2000x8xf32, #tpu.memory_space<vmem>>[vector<16xi32>, vector<16xi32>], vector<16xf32>,
    %gather3A_132 = tpu.vector_load_idx %arg24[%add3A_125, %broadcast_in_dim3A_5] : memref<2000x8xf32, #tpu.memory_space<vmem>>[vector<16xi32>, vector<16xi32>], vector<16xf32>,
    %gather3A_133 = tpu.vector_load_idx %arg25[%add3A_125, %broadcast_in_dim3A_1] : memref<2000x8xf32, #tpu.memory_space<vmem>>[vector<16xi32>, vector<16xi32>], vector<16xf32>,
    %gather3A_134 = tpu.vector_load_idx %arg25[%add3A_125, %broadcast_in_dim3A_3] : memref<2000x8xf32, #tpu.memory_space<vmem>>[vector<16xi32>, vector<16xi32>], vector<16xf32>,
    %gather3A_135 = tpu.vector_load_idx %arg25[%add3A_125, %broadcast_in_dim3A_5] : memref<2000x8xf32, #tpu.memory_space<vmem>>[vector<16xi32>, vector<16xi32>], vector<16xf32>,
    %gather3A_136 = tpu.vector_load_idx %arg10[%get3A_129, %broadcast_in_dim3A_1] : memref<32x3xf32, #tpu.memory_space<vmem>>[vector<16xi32>, vector<16xi32>], vector<16xf32>,
    %gather3A_137 = tpu.vector_load_idx %arg10[%get3A_129, %broadcast_in_dim3A_3] : memref<32x3xf32, #tpu.memory_space<vmem>>[vector<16xi32>, vector<16xi32>], vector<16xf32>,
    %gather3A_138 = tpu.vector_load_idx %arg10[%get3A_129, %broadcast_in_dim3A_5] : memref<32x3xf32, #tpu.memory_space<vmem>>[vector<16xi32>, vector<16xi32>], vector<16xf32>,
    %add3A_139 = arith.addf %gather3A_133, %gather3A_136 : vector<16xf32>
    %sub3A_140 = arith.subf %add3A_139, %gather3A_130 : vector<16xf32>
    %add3A_141 = arith.addf %gather3A_134, %gather3A_137 : vector<16xf32>
    %sub3A_142 = arith.subf %add3A_141, %gather3A_131 : vector<16xf32>
    %add3A_143 = arith.addf %gather3A_135, %gather3A_138 : vector<16xf32>
    %sub3A_144 = arith.subf %add3A_143, %gather3A_132 : vector<16xf32>
    %mul3A_145 = arith.mulf %sub3A_140, %sub3A_140 : vector<16xf32>
    %mul3A_146 = arith.mulf %sub3A_142, %sub3A_142 : vector<16xf32>
    %add3A_147 = arith.addf %mul3A_145, %mul3A_146 : vector<16xf32>
    %mul3A_148 = arith.mulf %sub3A_144, %sub3A_144 : vector<16xf32>
    %add3A_149 = arith.addf %add3A_147, %mul3A_148 : vector<16xf32>
    %lt3A_150 = arith.constant 3.600000e+01 : f32
    %lt3A_151 = vector.broadcast %lt3A_150 : f32 to vector<16xf32>
    %lt3A_152 = arith.cmpf olt, %add3A_149, %lt3A_151 : vector<16xf32>
    %broadcast_in_dim3A_153 = arith.constant 0.000000e+00 : f32
    %broadcast_in_dim3A_154 = vector.broadcast %broadcast_in_dim3A_153 : f32 to vector<16xf32>
    %select_n3A_155 = arith.select %lt3A_152, %add3A_149, %broadcast_in_dim3A_154 : vector<16xi1>, vector<16xf32>
    %mul3A_156 = arith.constant 16 : i32
    %mul3A_157 = arith.muli %scan3A_121, %mul3A_156 : i32
    %swap3A_158 = arith.index_cast %mul3A_157 : i32 to index
    %swap3A_159 = tpu.vector_load %arg28[%swap3A_158] {strides = array<i32>} : memref<2000xf32, #tpu.memory_space<vmem>>, vector<16xf32>,
    tpu.vector_store %arg28[%swap3A_158], %select_n3A_155 {strides = array<i32>} : memref<2000xf32, #tpu.memory_space<vmem>>, vector<16xf32>,
    %convert_element_type3A_160 = arith.extui %lt3A_152 : vector<16xi1> to vector<16xi32>
    %mul3A_161 = arith.constant 16 : i32
    %mul3A_162 = arith.muli %scan3A_121, %mul3A_161 : i32
    %swap3A_163 = arith.index_cast %mul3A_162 : i32 to index
    %swap3A_164 = tpu.vector_load %arg29[%swap3A_163] {strides = array<i32>} : memref<2000xi32, #tpu.memory_space<vmem>>, vector<16xi32>,
    tpu.vector_store %arg29[%swap3A_163], %convert_element_type3A_160 {strides = array<i32>} : memref<2000xi32, #tpu.memory_space<vmem>>, vector<16xi32>,
    %select_n3A_165 = arith.select %lt3A_152, %sub3A_140, %broadcast_in_dim3A_154 : vector<16xi1>, vector<16xf32>
    tpu.vector_store_idx %arg27[%add3A_125, %broadcast_in_dim3A_1], %select_n3A_165 : memref<2000x3xf32, #tpu.memory_space<vmem>>[vector<16xi32>, vector<16xi32>], vector<16xf32>,
    %select_n3A_166 = arith.select %lt3A_152, %sub3A_142, %broadcast_in_dim3A_154 : vector<16xi1>, vector<16xf32>
    tpu.vector_store_idx %arg27[%add3A_125, %broadcast_in_dim3A_3], %select_n3A_166 : memref<2000x3xf32, #tpu.memory_space<vmem>>[vector<16xi32>, vector<16xi32>], vector<16xf32>,
    %select_n3A_167 = arith.select %lt3A_152, %sub3A_144, %broadcast_in_dim3A_154 : vector<16xi1>, vector<16xf32>
    tpu.vector_store_idx %arg27[%add3A_125, %broadcast_in_dim3A_5], %select_n3A_167 : memref<2000x3xf32, #tpu.memory_space<vmem>>[vector<16xi32>, vector<16xi32>], vector<16xf32>,
    %scan3A_168 = arith.constant 125 : i32
    %mul3A_169 = arith.constant 1 : i32
    %mul3A_170 = arith.constant 25 : i32
    %mul3A_171 = arith.muli %mul3A_169, %mul3A_170 : i32
    %add3A_172 = arith.addi %mul3A_7, %mul3A_171 : i32
    %mul3A_173 = arith.constant 80 : i32
    %mul3A_174 = arith.muli %add3A_172, %mul3A_173 : i32
    %dma_start3A_175 = arith.constant 0 : i32
    %dma_start3A_176 = tpu.memref_slice %arg7[%mul3A_174, %dma_start3A_175] : memref<3200000x3xf32, #tpu.memory_space<hbm>> -> memref<2000x3xf32, #tpu.memory_space<hbm>>
    %dma_start3A_177 = arith.constant 0 : i32
    %dma_start3A_178 = tpu.memref_slice %arg7[%mul3A_174, %dma_start3A_177] : memref<3200000x3xf32, #tpu.memory_space<hbm>> -> memref<2000x3xf32, #tpu.memory_space<hbm>>
    tpu.enqueue_dma source(%arg27 : memref<2000x3xf32, #tpu.memory_space<vmem>>) target(%dma_start3A_178 : memref<2000x3xf32, #tpu.memory_space<hbm>>) target_semaphore(%arg30 : memref<!tpu.dma_semaphore, #tpu.memory_space<semaphore_mem>>)
    %dma_start3A_179 = tpu.memref_slice %arg8[%mul3A_174] : memref<3200000xf32, #tpu.memory_space<hbm>> -> memref<2000xf32, #tpu.memory_space<hbm>>
    %dma_start3A_180 = tpu.memref_slice %arg8[%mul3A_174] : memref<3200000xf32, #tpu.memory_space<hbm>> -> memref<2000xf32, #tpu.memory_space<hbm>>
    tpu.enqueue_dma source(%arg28 : memref<2000xf32, #tpu.memory_space<vmem>>) target(%dma_start3A_180 : memref<2000xf32, #tpu.memory_space<hbm>>) target_semaphore(%arg30 : memref<!tpu.dma_semaphore, #tpu.memory_space<semaphore_mem>>)
    %dma_start3A_181 = tpu.memref_slice %arg9[%mul3A_174] : memref<3200000xi32, #tpu.memory_space<hbm>> -> memref<2000xi32, #tpu.memory_space<hbm>>
    %dma_start3A_182 = tpu.memref_slice %arg9[%mul3A_174] : memref<3200000xi32, #tpu.memory_space<hbm>> -> memref<2000xi32, #tpu.memory_space<hbm>>
    tpu.enqueue_dma source(%arg29 : memref<2000xi32, #tpu.memory_space<vmem>>) target(%dma_start3A_182 : memref<2000xi32, #tpu.memory_space<hbm>>) target_semaphore(%arg30 : memref<!tpu.dma_semaphore, #tpu.memory_space<semaphore_mem>>)
    %mul3A_183 = arith.constant 3 : i32
    %mul3A_184 = arith.constant 25 : i32
    %mul3A_185 = arith.muli %mul3A_183, %mul3A_184 : i32
    %add3A_186 = arith.addi %mul3A_7, %mul3A_185 : i32
    %mul3A_187 = arith.constant 80 : i32
    %mul3A_188 = arith.muli %add3A_186, %mul3A_187 : i32
    "tpu.region"() ({
      %run_scoped3A = tpu.sem_alloc : memref<!tpu.dma_semaphore, #tpu.memory_space<semaphore_mem>>
      %dma_start3A_411 = arith.constant 0 : i32
      %dma_start3A_412 = tpu.memref_slice %arg4[%add3A_186, %dma_start3A_411] : memref<40000x80xi32, #tpu.memory_space<hbm>> -> memref<25x80xi32, #tpu.memory_space<hbm>>
      %dma_start3A_413 = arith.constant 0 : i32
      %dma_start3A_414 = tpu.memref_slice %arg4[%add3A_186, %dma_start3A_413] : memref<40000x80xi32, #tpu.memory_space<hbm>> -> memref<25x80xi32, #tpu.memory_space<hbm>>
      tpu.enqueue_dma source(%dma_start3A_414 : memref<25x80xi32, #tpu.memory_space<hbm>>) target(%arg21 : memref<25x80xi32, #tpu.memory_space<vmem>>) target_semaphore(%run_scoped3A : memref<!tpu.dma_semaphore, #tpu.memory_space<semaphore_mem>>)
      %dma_wait3A_415 = arith.constant 0 : i32
      %dma_wait3A_416 = tpu.memref_slice %arg4[%add3A_186, %dma_wait3A_415] : memref<40000x80xi32, #tpu.memory_space<hbm>> -> memref<25x80xi32, #tpu.memory_space<hbm>>
      %dma_wait3A_417 = arith.constant 0 : i32
      %dma_wait3A_418 = tpu.memref_slice %arg4[%add3A_186, %dma_wait3A_417] : memref<40000x80xi32, #tpu.memory_space<hbm>> -> memref<25x80xi32, #tpu.memory_space<hbm>>
      tpu.wait_dma2 semaphore(%run_scoped3A : memref<!tpu.dma_semaphore, #tpu.memory_space<semaphore_mem>>) src(%dma_wait3A_418 : memref<25x80xi32, #tpu.memory_space<hbm>>) dst(%arg21 : memref<25x80xi32, #tpu.memory_space<vmem>>)
      tpu.yield
    }) : () -> ()
    "tpu.region"() ({
      %run_scoped3A = tpu.sem_alloc : memref<!tpu.dma_semaphore, #tpu.memory_space<semaphore_mem>>
      %dma_start3A_411 = arith.constant 0 : i32
      %dma_start3A_412 = tpu.memref_slice %arg5[%add3A_186, %dma_start3A_411] : memref<40000x80xi32, #tpu.memory_space<hbm>> -> memref<25x80xi32, #tpu.memory_space<hbm>>
      %dma_start3A_413 = arith.constant 0 : i32
      %dma_start3A_414 = tpu.memref_slice %arg5[%add3A_186, %dma_start3A_413] : memref<40000x80xi32, #tpu.memory_space<hbm>> -> memref<25x80xi32, #tpu.memory_space<hbm>>
      tpu.enqueue_dma source(%dma_start3A_414 : memref<25x80xi32, #tpu.memory_space<hbm>>) target(%arg22 : memref<25x80xi32, #tpu.memory_space<vmem>>) target_semaphore(%run_scoped3A : memref<!tpu.dma_semaphore, #tpu.memory_space<semaphore_mem>>)
      %dma_wait3A_415 = arith.constant 0 : i32
      %dma_wait3A_416 = tpu.memref_slice %arg5[%add3A_186, %dma_wait3A_415] : memref<40000x80xi32, #tpu.memory_space<hbm>> -> memref<25x80xi32, #tpu.memory_space<hbm>>
      %dma_wait3A_417 = arith.constant 0 : i32
      %dma_wait3A_418 = tpu.memref_slice %arg5[%add3A_186, %dma_wait3A_417] : memref<40000x80xi32, #tpu.memory_space<hbm>> -> memref<25x80xi32, #tpu.memory_space<hbm>>
      tpu.wait_dma2 semaphore(%run_scoped3A : memref<!tpu.dma_semaphore, #tpu.memory_space<semaphore_mem>>) src(%dma_wait3A_418 : memref<25x80xi32, #tpu.memory_space<hbm>>) dst(%arg22 : memref<25x80xi32, #tpu.memory_space<vmem>>)
      tpu.yield
    }) : () -> ()
    "tpu.region"() ({
      %run_scoped3A = tpu.sem_alloc : memref<!tpu.dma_semaphore, #tpu.memory_space<semaphore_mem>>
      %dma_start3A_411 = tpu.memref_slice %arg6[%mul3A_188] : memref<3200000xi32, #tpu.memory_space<hbm>> -> memref<2000xi32, #tpu.memory_space<hbm>>
      %dma_start3A_412 = tpu.memref_slice %arg6[%mul3A_188] : memref<3200000xi32, #tpu.memory_space<hbm>> -> memref<2000xi32, #tpu.memory_space<hbm>>
      tpu.enqueue_dma source(%dma_start3A_412 : memref<2000xi32, #tpu.memory_space<hbm>>) target(%arg23 : memref<2000xi32, #tpu.memory_space<vmem>>) target_semaphore(%run_scoped3A : memref<!tpu.dma_semaphore, #tpu.memory_space<semaphore_mem>>)
      %dma_wait3A_413 = tpu.memref_slice %arg6[%mul3A_188] : memref<3200000xi32, #tpu.memory_space<hbm>> -> memref<2000xi32, #tpu.memory_space<hbm>>
      %dma_wait3A_414 = tpu.memref_slice %arg6[%mul3A_188] : memref<3200000xi32, #tpu.memory_space<hbm>> -> memref<2000xi32, #tpu.memory_space<hbm>>
      tpu.wait_dma2 semaphore(%run_scoped3A : memref<!tpu.dma_semaphore, #tpu.memory_space<semaphore_mem>>) src(%dma_wait3A_414 : memref<2000xi32, #tpu.memory_space<hbm>>) dst(%arg23 : memref<2000xi32, #tpu.memory_space<vmem>>)
      tpu.yield
    }) : () -> ()
    %scan3A_189 = arith.constant 0 : i32
    %scan3A_190 = arith.constant 0 : i32
    %scan3A_191 = arith.constant 25 : i32
    %scan3A_192 = arith.addi %scan3A_190, %scan3A_191 : i32
    %scan3A_193 = arith.constant 1 : i32
    scf.for %scan3A_411 = %scan3A_190 to %scan3A_192 step %scan3A_193  : i32 {
      %mul3A_412 = arith.constant 80 : i32
      %mul3A_413 = arith.muli %scan3A_411, %mul3A_412 : i32
      %dma_start3A_414 = arith.constant 0 : i32
      %dma_start3A_415 = tpu.memref_slice %arg24[%mul3A_413, %dma_start3A_414] : memref<2000x8xf32, #tpu.memory_space<vmem>> -> memref<80x8xf32, #tpu.memory_space<vmem>>
      %dma_start3A_416 = arith.constant 0 : i32
      %dma_start3A_417 = tpu.memref_slice %arg21[%scan3A_411, %dma_start3A_416] : memref<25x80xi32, #tpu.memory_space<vmem>> -> memref<1x80xi32, #tpu.memory_space<vmem>>
      %dma_start3A_418 = tpu.memref_squeeze %dma_start3A_417 : memref<1x80xi32, #tpu.memory_space<vmem>> -> memref<80xi32, #tpu.memory_space<vmem>>
      %dma_start3A_419 = arith.constant 0 : i32
      %dma_start3A_420 = arith.constant 0 : i32
      %dma_start3A_421 = tpu.memref_slice %arg2[%dma_start3A_419, %dma_start3A_420] : memref<50000x8xf32, #tpu.memory_space<hbm>> -> memref<50000x8xf32, #tpu.memory_space<hbm>>
      tpu.enqueue_indirect_dma source(%dma_start3A_421 : memref<50000x8xf32, #tpu.memory_space<hbm>>) target(%dma_start3A_415 : memref<80x8xf32, #tpu.memory_space<vmem>>) offsets(%dma_start3A_418 : memref<80xi32, #tpu.memory_space<vmem>>) semaphore(%arg26 : memref<!tpu.dma_semaphore, #tpu.memory_space<semaphore_mem>>)
      %mul3A_422 = arith.constant 80 : i32
      %mul3A_423 = arith.muli %scan3A_411, %mul3A_422 : i32
      %dma_start3A_424 = arith.constant 0 : i32
      %dma_start3A_425 = tpu.memref_slice %arg25[%mul3A_423, %dma_start3A_424] : memref<2000x8xf32, #tpu.memory_space<vmem>> -> memref<80x8xf32, #tpu.memory_space<vmem>>
      %dma_start3A_426 = arith.constant 0 : i32
      %dma_start3A_427 = tpu.memref_slice %arg22[%scan3A_411, %dma_start3A_426] : memref<25x80xi32, #tpu.memory_space<vmem>> -> memref<1x80xi32, #tpu.memory_space<vmem>>
      %dma_start3A_428 = tpu.memref_squeeze %dma_start3A_427 : memref<1x80xi32, #tpu.memory_space<vmem>> -> memref<80xi32, #tpu.memory_space<vmem>>
      %dma_start3A_429 = arith.constant 0 : i32
      %dma_start3A_430 = arith.constant 0 : i32
      %dma_start3A_431 = tpu.memref_slice %arg2[%dma_start3A_429, %dma_start3A_430] : memref<50000x8xf32, #tpu.memory_space<hbm>> -> memref<50000x8xf32, #tpu.memory_space<hbm>>
      tpu.enqueue_indirect_dma source(%dma_start3A_431 : memref<50000x8xf32, #tpu.memory_space<hbm>>) target(%dma_start3A_425 : memref<80x8xf32, #tpu.memory_space<vmem>>) offsets(%dma_start3A_428 : memref<80xi32, #tpu.memory_space<vmem>>) semaphore(%arg26 : memref<!tpu.dma_semaphore, #tpu.memory_space<semaphore_mem>>)
    }
    %scan3A_194 = arith.constant 25 : i32
    %scan3A_195 = arith.constant 0 : i32
    %scan3A_196 = arith.constant 1 : i32
    %scan3A_197 = arith.constant 23 : i32
    %scan3A_198 = arith.addi %scan3A_196, %scan3A_197 : i32
    %scan3A_199 = arith.constant 1 : i32
    scf.for %scan3A_411 = %scan3A_196 to %scan3A_198 step %scan3A_199  : i32 {
      %mul3A_412 = arith.constant 2 : i32
      %mul3A_413 = arith.muli %mul3A_412, %scan3A_411 : i32
      %scan3A_414 = arith.constant 0 : i32
      %scan3A_415 = arith.constant 0 : i32
      %scan3A_416 = arith.constant 25 : i32
      %scan3A_417 = arith.addi %scan3A_415, %scan3A_416 : i32
      %scan3A_418 = arith.constant 1 : i32
      scf.for %scan3A_618 = %scan3A_415 to %scan3A_417 step %scan3A_418  : i32 {
        %mul3A_619 = arith.constant 80 : i32
        %mul3A_620 = arith.muli %scan3A_618, %mul3A_619 : i32
        %dma_wait3A_621 = arith.constant 0 : i32
        %dma_wait3A_622 = tpu.memref_slice %arg14[%mul3A_620, %dma_wait3A_621] : memref<2000x8xf32, #tpu.memory_space<vmem>> -> memref<80x8xf32, #tpu.memory_space<vmem>>
        %dma_wait3A_623 = arith.constant 0 : i32
        %dma_wait3A_624 = tpu.memref_slice %arg11[%scan3A_618, %dma_wait3A_623] : memref<25x80xi32, #tpu.memory_space<vmem>> -> memref<1x80xi32, #tpu.memory_space<vmem>>
        %dma_wait3A_625 = tpu.memref_squeeze %dma_wait3A_624 : memref<1x80xi32, #tpu.memory_space<vmem>> -> memref<80xi32, #tpu.memory_space<vmem>>
        %dma_wait3A_626 = arith.constant 0 : i32
        %dma_wait3A_627 = arith.constant 0 : i32
        %dma_wait3A_628 = tpu.memref_slice %arg2[%dma_wait3A_626, %dma_wait3A_627] : memref<50000x8xf32, #tpu.memory_space<hbm>> -> memref<50000x8xf32, #tpu.memory_space<hbm>>
        tpu.wait_indirect_dma semaphore(%arg16 : memref<!tpu.dma_semaphore, #tpu.memory_space<semaphore_mem>>) src(%dma_wait3A_628 : memref<50000x8xf32, #tpu.memory_space<hbm>>) dst(%dma_wait3A_622 : memref<80x8xf32, #tpu.memory_space<vmem>>)
        %mul3A_629 = arith.constant 80 : i32
        %mul3A_630 = arith.muli %scan3A_618, %mul3A_629 : i32
        %dma_wait3A_631 = arith.constant 0 : i32
        %dma_wait3A_632 = tpu.memref_slice %arg15[%mul3A_630, %dma_wait3A_631] : memref<2000x8xf32, #tpu.memory_space<vmem>> -> memref<80x8xf32, #tpu.memory_space<vmem>>
        %dma_wait3A_633 = arith.constant 0 : i32
        %dma_wait3A_634 = tpu.memref_slice %arg12[%scan3A_618, %dma_wait3A_633] : memref<25x80xi32, #tpu.memory_space<vmem>> -> memref<1x80xi32, #tpu.memory_space<vmem>>
        %dma_wait3A_635 = tpu.memref_squeeze %dma_wait3A_634 : memref<1x80xi32, #tpu.memory_space<vmem>> -> memref<80xi32, #tpu.memory_space<vmem>>
        %dma_wait3A_636 = arith.constant 0 : i32
        %dma_wait3A_637 = arith.constant 0 : i32
        %dma_wait3A_638 = tpu.memref_slice %arg2[%dma_wait3A_636, %dma_wait3A_637] : memref<50000x8xf32, #tpu.memory_space<hbm>> -> memref<50000x8xf32, #tpu.memory_space<hbm>>
        tpu.wait_indirect_dma semaphore(%arg16 : memref<!tpu.dma_semaphore, #tpu.memory_space<semaphore_mem>>) src(%dma_wait3A_638 : memref<50000x8xf32, #tpu.memory_space<hbm>>) dst(%dma_wait3A_632 : memref<80x8xf32, #tpu.memory_space<vmem>>)
      }
      %scan3A_419 = arith.constant 25 : i32
      %sub3A_420 = arith.constant 2 : i32
      %sub3A_421 = arith.subi %mul3A_413, %sub3A_420 : i32
      %mul3A_422 = arith.constant 25 : i32
      %mul3A_423 = arith.muli %sub3A_421, %mul3A_422 : i32
      %add3A_424 = arith.addi %mul3A_7, %mul3A_423 : i32
      %mul3A_425 = arith.constant 80 : i32
      %mul3A_426 = arith.muli %add3A_424, %mul3A_425 : i32
      %dma_wait3A_427 = arith.constant 0 : i32
      %dma_wait3A_428 = tpu.memref_slice %arg7[%mul3A_426, %dma_wait3A_427] : memref<3200000x3xf32, #tpu.memory_space<hbm>> -> memref<2000x3xf32, #tpu.memory_space<hbm>>
      %dma_wait3A_429 = arith.constant 0 : i32
      %dma_wait3A_430 = tpu.memref_slice %arg7[%mul3A_426, %dma_wait3A_429] : memref<3200000x3xf32, #tpu.memory_space<hbm>> -> memref<2000x3xf32, #tpu.memory_space<hbm>>
      tpu.wait_dma2 semaphore(%arg20 : memref<!tpu.dma_semaphore, #tpu.memory_space<semaphore_mem>>) src(%arg17 : memref<2000x3xf32, #tpu.memory_space<vmem>>) dst(%dma_wait3A_430 : memref<2000x3xf32, #tpu.memory_space<hbm>>)
      %dma_wait3A_431 = tpu.memref_slice %arg8[%mul3A_426] : memref<3200000xf32, #tpu.memory_space<hbm>> -> memref<2000xf32, #tpu.memory_space<hbm>>
      %dma_wait3A_432 = tpu.memref_slice %arg8[%mul3A_426] : memref<3200000xf32, #tpu.memory_space<hbm>> -> memref<2000xf32, #tpu.memory_space<hbm>>
      tpu.wait_dma2 semaphore(%arg20 : memref<!tpu.dma_semaphore, #tpu.memory_space<semaphore_mem>>) src(%arg18 : memref<2000xf32, #tpu.memory_space<vmem>>) dst(%dma_wait3A_432 : memref<2000xf32, #tpu.memory_space<hbm>>)
      %dma_wait3A_433 = tpu.memref_slice %arg9[%mul3A_426] : memref<3200000xi32, #tpu.memory_space<hbm>> -> memref<2000xi32, #tpu.memory_space<hbm>>
      %dma_wait3A_434 = tpu.memref_slice %arg9[%mul3A_426] : memref<3200000xi32, #tpu.memory_space<hbm>> -> memref<2000xi32, #tpu.memory_space<hbm>>
      tpu.wait_dma2 semaphore(%arg20 : memref<!tpu.dma_semaphore, #tpu.memory_space<semaphore_mem>>) src(%arg19 : memref<2000xi32, #tpu.memory_space<vmem>>) dst(%dma_wait3A_434 : memref<2000xi32, #tpu.memory_space<hbm>>)
      %scan3A_435 = arith.constant 0 : i32
      %scan3A_436 = arith.constant 0 : i32
      %scan3A_437 = arith.constant 124 : i32
      %scan3A_438 = arith.addi %scan3A_436, %scan3A_437 : i32
      %scan3A_439 = arith.constant 4 : i32
      scf.for %scan3A_618 = %scan3A_436 to %scan3A_438 step %scan3A_439  : i32 {
        %mul3A_619 = arith.constant 16 : i32
        %mul3A_620 = arith.muli %scan3A_618, %mul3A_619 : i32
        %add3A_621 = vector.broadcast %mul3A_620 : i32 to vector<16xi32>
        %add3A_622 = arith.addi %iota3A, %add3A_621 : vector<16xi32>
        %mul3A_623 = arith.constant 16 : i32
        %mul3A_624 = arith.muli %scan3A_618, %mul3A_623 : i32
        %get3A_625 = arith.index_cast %mul3A_624 : i32 to index
        %get3A_626 = tpu.vector_load %arg13[%get3A_625] {strides = array<i32>} : memref<2000xi32, #tpu.memory_space<vmem>>, vector<16xi32>,
        %gather3A_627 = tpu.vector_load_idx %arg14[%add3A_622, %broadcast_in_dim3A_1] : memref<2000x8xf32, #tpu.memory_space<vmem>>[vector<16xi32>, vector<16xi32>], vector<16xf32>,
        %gather3A_628 = tpu.vector_load_idx %arg14[%add3A_622, %broadcast_in_dim3A_3] : memref<2000x8xf32, #tpu.memory_space<vmem>>[vector<16xi32>, vector<16xi32>], vector<16xf32>,
        %gather3A_629 = tpu.vector_load_idx %arg14[%add3A_622, %broadcast_in_dim3A_5] : memref<2000x8xf32, #tpu.memory_space<vmem>>[vector<16xi32>, vector<16xi32>], vector<16xf32>,
        %gather3A_630 = tpu.vector_load_idx %arg15[%add3A_622, %broadcast_in_dim3A_1] : memref<2000x8xf32, #tpu.memory_space<vmem>>[vector<16xi32>, vector<16xi32>], vector<16xf32>,
        %gather3A_631 = tpu.vector_load_idx %arg15[%add3A_622, %broadcast_in_dim3A_3] : memref<2000x8xf32, #tpu.memory_space<vmem>>[vector<16xi32>, vector<16xi32>], vector<16xf32>,
        %gather3A_632 = tpu.vector_load_idx %arg15[%add3A_622, %broadcast_in_dim3A_5] : memref<2000x8xf32, #tpu.memory_space<vmem>>[vector<16xi32>, vector<16xi32>], vector<16xf32>,
        %gather3A_633 = tpu.vector_load_idx %arg10[%get3A_626, %broadcast_in_dim3A_1] : memref<32x3xf32, #tpu.memory_space<vmem>>[vector<16xi32>, vector<16xi32>], vector<16xf32>,
        %gather3A_634 = tpu.vector_load_idx %arg10[%get3A_626, %broadcast_in_dim3A_3] : memref<32x3xf32, #tpu.memory_space<vmem>>[vector<16xi32>, vector<16xi32>], vector<16xf32>,
        %gather3A_635 = tpu.vector_load_idx %arg10[%get3A_626, %broadcast_in_dim3A_5] : memref<32x3xf32, #tpu.memory_space<vmem>>[vector<16xi32>, vector<16xi32>], vector<16xf32>,
        %add3A_636 = arith.addf %gather3A_630, %gather3A_633 : vector<16xf32>
        %sub3A_637 = arith.subf %add3A_636, %gather3A_627 : vector<16xf32>
        %add3A_638 = arith.addf %gather3A_631, %gather3A_634 : vector<16xf32>
        %sub3A_639 = arith.subf %add3A_638, %gather3A_628 : vector<16xf32>
        %add3A_640 = arith.addf %gather3A_632, %gather3A_635 : vector<16xf32>
        %sub3A_641 = arith.subf %add3A_640, %gather3A_629 : vector<16xf32>
        %mul3A_642 = arith.mulf %sub3A_637, %sub3A_637 : vector<16xf32>
        %mul3A_643 = arith.mulf %sub3A_639, %sub3A_639 : vector<16xf32>
        %add3A_644 = arith.addf %mul3A_642, %mul3A_643 : vector<16xf32>
        %mul3A_645 = arith.mulf %sub3A_641, %sub3A_641 : vector<16xf32>
        %add3A_646 = arith.addf %add3A_644, %mul3A_645 : vector<16xf32>
        %lt3A_647 = arith.constant 3.600000e+01 : f32
        %lt3A_648 = vector.broadcast %lt3A_647 : f32 to vector<16xf32>
        %lt3A_649 = arith.cmpf olt, %add3A_646, %lt3A_648 : vector<16xf32>
        %broadcast_in_dim3A_650 = arith.constant 0.000000e+00 : f32
        %broadcast_in_dim3A_651 = vector.broadcast %broadcast_in_dim3A_650 : f32 to vector<16xf32>
        %select_n3A_652 = arith.select %lt3A_649, %add3A_646, %broadcast_in_dim3A_651 : vector<16xi1>, vector<16xf32>
        %mul3A_653 = arith.constant 16 : i32
        %mul3A_654 = arith.muli %scan3A_618, %mul3A_653 : i32
        %swap3A_655 = arith.index_cast %mul3A_654 : i32 to index
        %swap3A_656 = tpu.vector_load %arg18[%swap3A_655] {strides = array<i32>} : memref<2000xf32, #tpu.memory_space<vmem>>, vector<16xf32>,
        tpu.vector_store %arg18[%swap3A_655], %select_n3A_652 {strides = array<i32>} : memref<2000xf32, #tpu.memory_space<vmem>>, vector<16xf32>,
        %convert_element_type3A_657 = arith.extui %lt3A_649 : vector<16xi1> to vector<16xi32>
        %mul3A_658 = arith.constant 16 : i32
        %mul3A_659 = arith.muli %scan3A_618, %mul3A_658 : i32
        %swap3A_660 = arith.index_cast %mul3A_659 : i32 to index
        %swap3A_661 = tpu.vector_load %arg19[%swap3A_660] {strides = array<i32>} : memref<2000xi32, #tpu.memory_space<vmem>>, vector<16xi32>,
        tpu.vector_store %arg19[%swap3A_660], %convert_element_type3A_657 {strides = array<i32>} : memref<2000xi32, #tpu.memory_space<vmem>>, vector<16xi32>,
        %select_n3A_662 = arith.select %lt3A_649, %sub3A_637, %broadcast_in_dim3A_651 : vector<16xi1>, vector<16xf32>
        tpu.vector_store_idx %arg17[%add3A_622, %broadcast_in_dim3A_1], %select_n3A_662 : memref<2000x3xf32, #tpu.memory_space<vmem>>[vector<16xi32>, vector<16xi32>], vector<16xf32>,
        %select_n3A_663 = arith.select %lt3A_649, %sub3A_639, %broadcast_in_dim3A_651 : vector<16xi1>, vector<16xf32>
        tpu.vector_store_idx %arg17[%add3A_622, %broadcast_in_dim3A_3], %select_n3A_663 : memref<2000x3xf32, #tpu.memory_space<vmem>>[vector<16xi32>, vector<16xi32>], vector<16xf32>,
        %select_n3A_664 = arith.select %lt3A_649, %sub3A_641, %broadcast_in_dim3A_651 : vector<16xi1>, vector<16xf32>
        tpu.vector_store_idx %arg17[%add3A_622, %broadcast_in_dim3A_5], %select_n3A_664 : memref<2000x3xf32, #tpu.memory_space<vmem>>[vector<16xi32>, vector<16xi32>], vector<16xf32>,
        %scan3A_665 = arith.constant 1 : i32
        %scan3A_666 = arith.addi %scan3A_618, %scan3A_665 : i32
        %mul3A_667 = arith.constant 16 : i32
        %mul3A_668 = arith.muli %scan3A_666, %mul3A_667 : i32
        %add3A_669 = vector.broadcast %mul3A_668 : i32 to vector<16xi32>
        %add3A_670 = arith.addi %iota3A, %add3A_669 : vector<16xi32>
        %mul3A_671 = arith.constant 16 : i32
        %mul3A_672 = arith.muli %scan3A_666, %mul3A_671 : i32
        %get3A_673 = arith.index_cast %mul3A_672 : i32 to index
        %get3A_674 = tpu.vector_load %arg13[%get3A_673] {strides = array<i32>} : memref<2000xi32, #tpu.memory_space<vmem>>, vector<16xi32>,
        %gather3A_675 = tpu.vector_load_idx %arg14[%add3A_670, %broadcast_in_dim3A_1] : memref<2000x8xf32, #tpu.memory_space<vmem>>[vector<16xi32>, vector<16xi32>], vector<16xf32>,
        %gather3A_676 = tpu.vector_load_idx %arg14[%add3A_670, %broadcast_in_dim3A_3] : memref<2000x8xf32, #tpu.memory_space<vmem>>[vector<16xi32>, vector<16xi32>], vector<16xf32>,
        %gather3A_677 = tpu.vector_load_idx %arg14[%add3A_670, %broadcast_in_dim3A_5] : memref<2000x8xf32, #tpu.memory_space<vmem>>[vector<16xi32>, vector<16xi32>], vector<16xf32>,
        %gather3A_678 = tpu.vector_load_idx %arg15[%add3A_670, %broadcast_in_dim3A_1] : memref<2000x8xf32, #tpu.memory_space<vmem>>[vector<16xi32>, vector<16xi32>], vector<16xf32>,
        %gather3A_679 = tpu.vector_load_idx %arg15[%add3A_670, %broadcast_in_dim3A_3] : memref<2000x8xf32, #tpu.memory_space<vmem>>[vector<16xi32>, vector<16xi32>], vector<16xf32>,
        %gather3A_680 = tpu.vector_load_idx %arg15[%add3A_670, %broadcast_in_dim3A_5] : memref<2000x8xf32, #tpu.memory_space<vmem>>[vector<16xi32>, vector<16xi32>], vector<16xf32>,
        %gather3A_681 = tpu.vector_load_idx %arg10[%get3A_674, %broadcast_in_dim3A_1] : memref<32x3xf32, #tpu.memory_space<vmem>>[vector<16xi32>, vector<16xi32>], vector<16xf32>,
        %gather3A_682 = tpu.vector_load_idx %arg10[%get3A_674, %broadcast_in_dim3A_3] : memref<32x3xf32, #tpu.memory_space<vmem>>[vector<16xi32>, vector<16xi32>], vector<16xf32>,
        %gather3A_683 = tpu.vector_load_idx %arg10[%get3A_674, %broadcast_in_dim3A_5] : memref<32x3xf32, #tpu.memory_space<vmem>>[vector<16xi32>, vector<16xi32>], vector<16xf32>,
        %add3A_684 = arith.addf %gather3A_678, %gather3A_681 : vector<16xf32>
        %sub3A_685 = arith.subf %add3A_684, %gather3A_675 : vector<16xf32>
        %add3A_686 = arith.addf %gather3A_679, %gather3A_682 : vector<16xf32>
        %sub3A_687 = arith.subf %add3A_686, %gather3A_676 : vector<16xf32>
        %add3A_688 = arith.addf %gather3A_680, %gather3A_683 : vector<16xf32>
        %sub3A_689 = arith.subf %add3A_688, %gather3A_677 : vector<16xf32>
        %mul3A_690 = arith.mulf %sub3A_685, %sub3A_685 : vector<16xf32>
        %mul3A_691 = arith.mulf %sub3A_687, %sub3A_687 : vector<16xf32>
        %add3A_692 = arith.addf %mul3A_690, %mul3A_691 : vector<16xf32>
        %mul3A_693 = arith.mulf %sub3A_689, %sub3A_689 : vector<16xf32>
        %add3A_694 = arith.addf %add3A_692, %mul3A_693 : vector<16xf32>
        %lt3A_695 = arith.constant 3.600000e+01 : f32
        %lt3A_696 = vector.broadcast %lt3A_695 : f32 to vector<16xf32>
        %lt3A_697 = arith.cmpf olt, %add3A_694, %lt3A_696 : vector<16xf32>
        %broadcast_in_dim3A_698 = arith.constant 0.000000e+00 : f32
        %broadcast_in_dim3A_699 = vector.broadcast %broadcast_in_dim3A_698 : f32 to vector<16xf32>
        %select_n3A_700 = arith.select %lt3A_697, %add3A_694, %broadcast_in_dim3A_699 : vector<16xi1>, vector<16xf32>
        %mul3A_701 = arith.constant 16 : i32
        %mul3A_702 = arith.muli %scan3A_666, %mul3A_701 : i32
        %swap3A_703 = arith.index_cast %mul3A_702 : i32 to index
        %swap3A_704 = tpu.vector_load %arg18[%swap3A_703] {strides = array<i32>} : memref<2000xf32, #tpu.memory_space<vmem>>, vector<16xf32>,
        tpu.vector_store %arg18[%swap3A_703], %select_n3A_700 {strides = array<i32>} : memref<2000xf32, #tpu.memory_space<vmem>>, vector<16xf32>,
        %convert_element_type3A_705 = arith.extui %lt3A_697 : vector<16xi1> to vector<16xi32>
        %mul3A_706 = arith.constant 16 : i32
        %mul3A_707 = arith.muli %scan3A_666, %mul3A_706 : i32
        %swap3A_708 = arith.index_cast %mul3A_707 : i32 to index
        %swap3A_709 = tpu.vector_load %arg19[%swap3A_708] {strides = array<i32>} : memref<2000xi32, #tpu.memory_space<vmem>>, vector<16xi32>,
        tpu.vector_store %arg19[%swap3A_708], %convert_element_type3A_705 {strides = array<i32>} : memref<2000xi32, #tpu.memory_space<vmem>>, vector<16xi32>,
        %select_n3A_710 = arith.select %lt3A_697, %sub3A_685, %broadcast_in_dim3A_699 : vector<16xi1>, vector<16xf32>
        tpu.vector_store_idx %arg17[%add3A_670, %broadcast_in_dim3A_1], %select_n3A_710 : memref<2000x3xf32, #tpu.memory_space<vmem>>[vector<16xi32>, vector<16xi32>], vector<16xf32>,
        %select_n3A_711 = arith.select %lt3A_697, %sub3A_687, %broadcast_in_dim3A_699 : vector<16xi1>, vector<16xf32>
        tpu.vector_store_idx %arg17[%add3A_670, %broadcast_in_dim3A_3], %select_n3A_711 : memref<2000x3xf32, #tpu.memory_space<vmem>>[vector<16xi32>, vector<16xi32>], vector<16xf32>,
        %select_n3A_712 = arith.select %lt3A_697, %sub3A_689, %broadcast_in_dim3A_699 : vector<16xi1>, vector<16xf32>
        tpu.vector_store_idx %arg17[%add3A_670, %broadcast_in_dim3A_5], %select_n3A_712 : memref<2000x3xf32, #tpu.memory_space<vmem>>[vector<16xi32>, vector<16xi32>], vector<16xf32>,
        %scan3A_713 = arith.constant 2 : i32
        %scan3A_714 = arith.addi %scan3A_618, %scan3A_713 : i32
        %mul3A_715 = arith.constant 16 : i32
        %mul3A_716 = arith.muli %scan3A_714, %mul3A_715 : i32
        %add3A_717 = vector.broadcast %mul3A_716 : i32 to vector<16xi32>
        %add3A_718 = arith.addi %iota3A, %add3A_717 : vector<16xi32>
        %mul3A_719 = arith.constant 16 : i32
        %mul3A_720 = arith.muli %scan3A_714, %mul3A_719 : i32
        %get3A_721 = arith.index_cast %mul3A_720 : i32 to index
        %get3A_722 = tpu.vector_load %arg13[%get3A_721] {strides = array<i32>} : memref<2000xi32, #tpu.memory_space<vmem>>, vector<16xi32>,
        %gather3A_723 = tpu.vector_load_idx %arg14[%add3A_718, %broadcast_in_dim3A_1] : memref<2000x8xf32, #tpu.memory_space<vmem>>[vector<16xi32>, vector<16xi32>], vector<16xf32>,
        %gather3A_724 = tpu.vector_load_idx %arg14[%add3A_718, %broadcast_in_dim3A_3] : memref<2000x8xf32, #tpu.memory_space<vmem>>[vector<16xi32>, vector<16xi32>], vector<16xf32>,
        %gather3A_725 = tpu.vector_load_idx %arg14[%add3A_718, %broadcast_in_dim3A_5] : memref<2000x8xf32, #tpu.memory_space<vmem>>[vector<16xi32>, vector<16xi32>], vector<16xf32>,
        %gather3A_726 = tpu.vector_load_idx %arg15[%add3A_718, %broadcast_in_dim3A_1] : memref<2000x8xf32, #tpu.memory_space<vmem>>[vector<16xi32>, vector<16xi32>], vector<16xf32>,
        %gather3A_727 = tpu.vector_load_idx %arg15[%add3A_718, %broadcast_in_dim3A_3] : memref<2000x8xf32, #tpu.memory_space<vmem>>[vector<16xi32>, vector<16xi32>], vector<16xf32>,
        %gather3A_728 = tpu.vector_load_idx %arg15[%add3A_718, %broadcast_in_dim3A_5] : memref<2000x8xf32, #tpu.memory_space<vmem>>[vector<16xi32>, vector<16xi32>], vector<16xf32>,
        %gather3A_729 = tpu.vector_load_idx %arg10[%get3A_722, %broadcast_in_dim3A_1] : memref<32x3xf32, #tpu.memory_space<vmem>>[vector<16xi32>, vector<16xi32>], vector<16xf32>,
        %gather3A_730 = tpu.vector_load_idx %arg10[%get3A_722, %broadcast_in_dim3A_3] : memref<32x3xf32, #tpu.memory_space<vmem>>[vector<16xi32>, vector<16xi32>], vector<16xf32>,
        %gather3A_731 = tpu.vector_load_idx %arg10[%get3A_722, %broadcast_in_dim3A_5] : memref<32x3xf32, #tpu.memory_space<vmem>>[vector<16xi32>, vector<16xi32>], vector<16xf32>,
        %add3A_732 = arith.addf %gather3A_726, %gather3A_729 : vector<16xf32>
        %sub3A_733 = arith.subf %add3A_732, %gather3A_723 : vector<16xf32>
        %add3A_734 = arith.addf %gather3A_727, %gather3A_730 : vector<16xf32>
        %sub3A_735 = arith.subf %add3A_734, %gather3A_724 : vector<16xf32>
        %add3A_736 = arith.addf %gather3A_728, %gather3A_731 : vector<16xf32>
        %sub3A_737 = arith.subf %add3A_736, %gather3A_725 : vector<16xf32>
        %mul3A_738 = arith.mulf %sub3A_733, %sub3A_733 : vector<16xf32>
        %mul3A_739 = arith.mulf %sub3A_735, %sub3A_735 : vector<16xf32>
        %add3A_740 = arith.addf %mul3A_738, %mul3A_739 : vector<16xf32>
        %mul3A_741 = arith.mulf %sub3A_737, %sub3A_737 : vector<16xf32>
        %add3A_742 = arith.addf %add3A_740, %mul3A_741 : vector<16xf32>
        %lt3A_743 = arith.constant 3.600000e+01 : f32
        %lt3A_744 = vector.broadcast %lt3A_743 : f32 to vector<16xf32>
        %lt3A_745 = arith.cmpf olt, %add3A_742, %lt3A_744 : vector<16xf32>
        %broadcast_in_dim3A_746 = arith.constant 0.000000e+00 : f32
        %broadcast_in_dim3A_747 = vector.broadcast %broadcast_in_dim3A_746 : f32 to vector<16xf32>
        %select_n3A_748 = arith.select %lt3A_745, %add3A_742, %broadcast_in_dim3A_747 : vector<16xi1>, vector<16xf32>
        %mul3A_749 = arith.constant 16 : i32
        %mul3A_750 = arith.muli %scan3A_714, %mul3A_749 : i32
        %swap3A_751 = arith.index_cast %mul3A_750 : i32 to index
        %swap3A_752 = tpu.vector_load %arg18[%swap3A_751] {strides = array<i32>} : memref<2000xf32, #tpu.memory_space<vmem>>, vector<16xf32>,
        tpu.vector_store %arg18[%swap3A_751], %select_n3A_748 {strides = array<i32>} : memref<2000xf32, #tpu.memory_space<vmem>>, vector<16xf32>,
        %convert_element_type3A_753 = arith.extui %lt3A_745 : vector<16xi1> to vector<16xi32>
        %mul3A_754 = arith.constant 16 : i32
        %mul3A_755 = arith.muli %scan3A_714, %mul3A_754 : i32
        %swap3A_756 = arith.index_cast %mul3A_755 : i32 to index
        %swap3A_757 = tpu.vector_load %arg19[%swap3A_756] {strides = array<i32>} : memref<2000xi32, #tpu.memory_space<vmem>>, vector<16xi32>,
        tpu.vector_store %arg19[%swap3A_756], %convert_element_type3A_753 {strides = array<i32>} : memref<2000xi32, #tpu.memory_space<vmem>>, vector<16xi32>,
        %select_n3A_758 = arith.select %lt3A_745, %sub3A_733, %broadcast_in_dim3A_747 : vector<16xi1>, vector<16xf32>
        tpu.vector_store_idx %arg17[%add3A_718, %broadcast_in_dim3A_1], %select_n3A_758 : memref<2000x3xf32, #tpu.memory_space<vmem>>[vector<16xi32>, vector<16xi32>], vector<16xf32>,
        %select_n3A_759 = arith.select %lt3A_745, %sub3A_735, %broadcast_in_dim3A_747 : vector<16xi1>, vector<16xf32>
        tpu.vector_store_idx %arg17[%add3A_718, %broadcast_in_dim3A_3], %select_n3A_759 : memref<2000x3xf32, #tpu.memory_space<vmem>>[vector<16xi32>, vector<16xi32>], vector<16xf32>,
        %select_n3A_760 = arith.select %lt3A_745, %sub3A_737, %broadcast_in_dim3A_747 : vector<16xi1>, vector<16xf32>
        tpu.vector_store_idx %arg17[%add3A_718, %broadcast_in_dim3A_5], %select_n3A_760 : memref<2000x3xf32, #tpu.memory_space<vmem>>[vector<16xi32>, vector<16xi32>], vector<16xf32>,
        %scan3A_761 = arith.constant 3 : i32
        %scan3A_762 = arith.addi %scan3A_618, %scan3A_761 : i32
        %mul3A_763 = arith.constant 16 : i32
        %mul3A_764 = arith.muli %scan3A_762, %mul3A_763 : i32
        %add3A_765 = vector.broadcast %mul3A_764 : i32 to vector<16xi32>
        %add3A_766 = arith.addi %iota3A, %add3A_765 : vector<16xi32>
        %mul3A_767 = arith.constant 16 : i32
        %mul3A_768 = arith.muli %scan3A_762, %mul3A_767 : i32
        %get3A_769 = arith.index_cast %mul3A_768 : i32 to index
        %get3A_770 = tpu.vector_load %arg13[%get3A_769] {strides = array<i32>} : memref<2000xi32, #tpu.memory_space<vmem>>, vector<16xi32>,
        %gather3A_771 = tpu.vector_load_idx %arg14[%add3A_766, %broadcast_in_dim3A_1] : memref<2000x8xf32, #tpu.memory_space<vmem>>[vector<16xi32>, vector<16xi32>], vector<16xf32>,
        %gather3A_772 = tpu.vector_load_idx %arg14[%add3A_766, %broadcast_in_dim3A_3] : memref<2000x8xf32, #tpu.memory_space<vmem>>[vector<16xi32>, vector<16xi32>], vector<16xf32>,
        %gather3A_773 = tpu.vector_load_idx %arg14[%add3A_766, %broadcast_in_dim3A_5] : memref<2000x8xf32, #tpu.memory_space<vmem>>[vector<16xi32>, vector<16xi32>], vector<16xf32>,
        %gather3A_774 = tpu.vector_load_idx %arg15[%add3A_766, %broadcast_in_dim3A_1] : memref<2000x8xf32, #tpu.memory_space<vmem>>[vector<16xi32>, vector<16xi32>], vector<16xf32>,
        %gather3A_775 = tpu.vector_load_idx %arg15[%add3A_766, %broadcast_in_dim3A_3] : memref<2000x8xf32, #tpu.memory_space<vmem>>[vector<16xi32>, vector<16xi32>], vector<16xf32>,
        %gather3A_776 = tpu.vector_load_idx %arg15[%add3A_766, %broadcast_in_dim3A_5] : memref<2000x8xf32, #tpu.memory_space<vmem>>[vector<16xi32>, vector<16xi32>], vector<16xf32>,
        %gather3A_777 = tpu.vector_load_idx %arg10[%get3A_770, %broadcast_in_dim3A_1] : memref<32x3xf32, #tpu.memory_space<vmem>>[vector<16xi32>, vector<16xi32>], vector<16xf32>,
        %gather3A_778 = tpu.vector_load_idx %arg10[%get3A_770, %broadcast_in_dim3A_3] : memref<32x3xf32, #tpu.memory_space<vmem>>[vector<16xi32>, vector<16xi32>], vector<16xf32>,
        %gather3A_779 = tpu.vector_load_idx %arg10[%get3A_770, %broadcast_in_dim3A_5] : memref<32x3xf32, #tpu.memory_space<vmem>>[vector<16xi32>, vector<16xi32>], vector<16xf32>,
        %add3A_780 = arith.addf %gather3A_774, %gather3A_777 : vector<16xf32>
        %sub3A_781 = arith.subf %add3A_780, %gather3A_771 : vector<16xf32>
        %add3A_782 = arith.addf %gather3A_775, %gather3A_778 : vector<16xf32>
        %sub3A_783 = arith.subf %add3A_782, %gather3A_772 : vector<16xf32>
        %add3A_784 = arith.addf %gather3A_776, %gather3A_779 : vector<16xf32>
        %sub3A_785 = arith.subf %add3A_784, %gather3A_773 : vector<16xf32>
        %mul3A_786 = arith.mulf %sub3A_781, %sub3A_781 : vector<16xf32>
        %mul3A_787 = arith.mulf %sub3A_783, %sub3A_783 : vector<16xf32>
        %add3A_788 = arith.addf %mul3A_786, %mul3A_787 : vector<16xf32>
        %mul3A_789 = arith.mulf %sub3A_785, %sub3A_785 : vector<16xf32>
        %add3A_790 = arith.addf %add3A_788, %mul3A_789 : vector<16xf32>
        %lt3A_791 = arith.constant 3.600000e+01 : f32
        %lt3A_792 = vector.broadcast %lt3A_791 : f32 to vector<16xf32>
        %lt3A_793 = arith.cmpf olt, %add3A_790, %lt3A_792 : vector<16xf32>
        %broadcast_in_dim3A_794 = arith.constant 0.000000e+00 : f32
        %broadcast_in_dim3A_795 = vector.broadcast %broadcast_in_dim3A_794 : f32 to vector<16xf32>
        %select_n3A_796 = arith.select %lt3A_793, %add3A_790, %broadcast_in_dim3A_795 : vector<16xi1>, vector<16xf32>
        %mul3A_797 = arith.constant 16 : i32
        %mul3A_798 = arith.muli %scan3A_762, %mul3A_797 : i32
        %swap3A_799 = arith.index_cast %mul3A_798 : i32 to index
        %swap3A_800 = tpu.vector_load %arg18[%swap3A_799] {strides = array<i32>} : memref<2000xf32, #tpu.memory_space<vmem>>, vector<16xf32>,
        tpu.vector_store %arg18[%swap3A_799], %select_n3A_796 {strides = array<i32>} : memref<2000xf32, #tpu.memory_space<vmem>>, vector<16xf32>,
        %convert_element_type3A_801 = arith.extui %lt3A_793 : vector<16xi1> to vector<16xi32>
        %mul3A_802 = arith.constant 16 : i32
        %mul3A_803 = arith.muli %scan3A_762, %mul3A_802 : i32
        %swap3A_804 = arith.index_cast %mul3A_803 : i32 to index
        %swap3A_805 = tpu.vector_load %arg19[%swap3A_804] {strides = array<i32>} : memref<2000xi32, #tpu.memory_space<vmem>>, vector<16xi32>,
        tpu.vector_store %arg19[%swap3A_804], %convert_element_type3A_801 {strides = array<i32>} : memref<2000xi32, #tpu.memory_space<vmem>>, vector<16xi32>,
        %select_n3A_806 = arith.select %lt3A_793, %sub3A_781, %broadcast_in_dim3A_795 : vector<16xi1>, vector<16xf32>
        tpu.vector_store_idx %arg17[%add3A_766, %broadcast_in_dim3A_1], %select_n3A_806 : memref<2000x3xf32, #tpu.memory_space<vmem>>[vector<16xi32>, vector<16xi32>], vector<16xf32>,
        %select_n3A_807 = arith.select %lt3A_793, %sub3A_783, %broadcast_in_dim3A_795 : vector<16xi1>, vector<16xf32>
        tpu.vector_store_idx %arg17[%add3A_766, %broadcast_in_dim3A_3], %select_n3A_807 : memref<2000x3xf32, #tpu.memory_space<vmem>>[vector<16xi32>, vector<16xi32>], vector<16xf32>,
        %select_n3A_808 = arith.select %lt3A_793, %sub3A_785, %broadcast_in_dim3A_795 : vector<16xi1>, vector<16xf32>
        tpu.vector_store_idx %arg17[%add3A_766, %broadcast_in_dim3A_5], %select_n3A_808 : memref<2000x3xf32, #tpu.memory_space<vmem>>[vector<16xi32>, vector<16xi32>], vector<16xf32>,
      }
      %scan3A_440 = arith.constant 124 : i32
      %scan3A_441 = arith.addi %scan3A_436, %scan3A_440 : i32
      %mul3A_442 = arith.constant 16 : i32
      %mul3A_443 = arith.muli %scan3A_441, %mul3A_442 : i32
      %add3A_444 = vector.broadcast %mul3A_443 : i32 to vector<16xi32>
      %add3A_445 = arith.addi %iota3A, %add3A_444 : vector<16xi32>
      %mul3A_446 = arith.constant 16 : i32
      %mul3A_447 = arith.muli %scan3A_441, %mul3A_446 : i32
      %get3A_448 = arith.index_cast %mul3A_447 : i32 to index
      %get3A_449 = tpu.vector_load %arg13[%get3A_448] {strides = array<i32>} : memref<2000xi32, #tpu.memory_space<vmem>>, vector<16xi32>,
      %gather3A_450 = tpu.vector_load_idx %arg14[%add3A_445, %broadcast_in_dim3A_1] : memref<2000x8xf32, #tpu.memory_space<vmem>>[vector<16xi32>, vector<16xi32>], vector<16xf32>,
      %gather3A_451 = tpu.vector_load_idx %arg14[%add3A_445, %broadcast_in_dim3A_3] : memref<2000x8xf32, #tpu.memory_space<vmem>>[vector<16xi32>, vector<16xi32>], vector<16xf32>,
      %gather3A_452 = tpu.vector_load_idx %arg14[%add3A_445, %broadcast_in_dim3A_5] : memref<2000x8xf32, #tpu.memory_space<vmem>>[vector<16xi32>, vector<16xi32>], vector<16xf32>,
      %gather3A_453 = tpu.vector_load_idx %arg15[%add3A_445, %broadcast_in_dim3A_1] : memref<2000x8xf32, #tpu.memory_space<vmem>>[vector<16xi32>, vector<16xi32>], vector<16xf32>,
      %gather3A_454 = tpu.vector_load_idx %arg15[%add3A_445, %broadcast_in_dim3A_3] : memref<2000x8xf32, #tpu.memory_space<vmem>>[vector<16xi32>, vector<16xi32>], vector<16xf32>,
      %gather3A_455 = tpu.vector_load_idx %arg15[%add3A_445, %broadcast_in_dim3A_5] : memref<2000x8xf32, #tpu.memory_space<vmem>>[vector<16xi32>, vector<16xi32>], vector<16xf32>,
      %gather3A_456 = tpu.vector_load_idx %arg10[%get3A_449, %broadcast_in_dim3A_1] : memref<32x3xf32, #tpu.memory_space<vmem>>[vector<16xi32>, vector<16xi32>], vector<16xf32>,
      %gather3A_457 = tpu.vector_load_idx %arg10[%get3A_449, %broadcast_in_dim3A_3] : memref<32x3xf32, #tpu.memory_space<vmem>>[vector<16xi32>, vector<16xi32>], vector<16xf32>,
      %gather3A_458 = tpu.vector_load_idx %arg10[%get3A_449, %broadcast_in_dim3A_5] : memref<32x3xf32, #tpu.memory_space<vmem>>[vector<16xi32>, vector<16xi32>], vector<16xf32>,
      %add3A_459 = arith.addf %gather3A_453, %gather3A_456 : vector<16xf32>
      %sub3A_460 = arith.subf %add3A_459, %gather3A_450 : vector<16xf32>
      %add3A_461 = arith.addf %gather3A_454, %gather3A_457 : vector<16xf32>
      %sub3A_462 = arith.subf %add3A_461, %gather3A_451 : vector<16xf32>
      %add3A_463 = arith.addf %gather3A_455, %gather3A_458 : vector<16xf32>
      %sub3A_464 = arith.subf %add3A_463, %gather3A_452 : vector<16xf32>
      %mul3A_465 = arith.mulf %sub3A_460, %sub3A_460 : vector<16xf32>
      %mul3A_466 = arith.mulf %sub3A_462, %sub3A_462 : vector<16xf32>
      %add3A_467 = arith.addf %mul3A_465, %mul3A_466 : vector<16xf32>
      %mul3A_468 = arith.mulf %sub3A_464, %sub3A_464 : vector<16xf32>
      %add3A_469 = arith.addf %add3A_467, %mul3A_468 : vector<16xf32>
      %lt3A_470 = arith.constant 3.600000e+01 : f32
      %lt3A_471 = vector.broadcast %lt3A_470 : f32 to vector<16xf32>
      %lt3A_472 = arith.cmpf olt, %add3A_469, %lt3A_471 : vector<16xf32>
      %broadcast_in_dim3A_473 = arith.constant 0.000000e+00 : f32
      %broadcast_in_dim3A_474 = vector.broadcast %broadcast_in_dim3A_473 : f32 to vector<16xf32>
      %select_n3A_475 = arith.select %lt3A_472, %add3A_469, %broadcast_in_dim3A_474 : vector<16xi1>, vector<16xf32>
      %mul3A_476 = arith.constant 16 : i32
      %mul3A_477 = arith.muli %scan3A_441, %mul3A_476 : i32
      %swap3A_478 = arith.index_cast %mul3A_477 : i32 to index
      %swap3A_479 = tpu.vector_load %arg18[%swap3A_478] {strides = array<i32>} : memref<2000xf32, #tpu.memory_space<vmem>>, vector<16xf32>,
      tpu.vector_store %arg18[%swap3A_478], %select_n3A_475 {strides = array<i32>} : memref<2000xf32, #tpu.memory_space<vmem>>, vector<16xf32>,
      %convert_element_type3A_480 = arith.extui %lt3A_472 : vector<16xi1> to vector<16xi32>
      %mul3A_481 = arith.constant 16 : i32
      %mul3A_482 = arith.muli %scan3A_441, %mul3A_481 : i32
      %swap3A_483 = arith.index_cast %mul3A_482 : i32 to index
      %swap3A_484 = tpu.vector_load %arg19[%swap3A_483] {strides = array<i32>} : memref<2000xi32, #tpu.memory_space<vmem>>, vector<16xi32>,
      tpu.vector_store %arg19[%swap3A_483], %convert_element_type3A_480 {strides = array<i32>} : memref<2000xi32, #tpu.memory_space<vmem>>, vector<16xi32>,
      %select_n3A_485 = arith.select %lt3A_472, %sub3A_460, %broadcast_in_dim3A_474 : vector<16xi1>, vector<16xf32>
      tpu.vector_store_idx %arg17[%add3A_445, %broadcast_in_dim3A_1], %select_n3A_485 : memref<2000x3xf32, #tpu.memory_space<vmem>>[vector<16xi32>, vector<16xi32>], vector<16xf32>,
      %select_n3A_486 = arith.select %lt3A_472, %sub3A_462, %broadcast_in_dim3A_474 : vector<16xi1>, vector<16xf32>
      tpu.vector_store_idx %arg17[%add3A_445, %broadcast_in_dim3A_3], %select_n3A_486 : memref<2000x3xf32, #tpu.memory_space<vmem>>[vector<16xi32>, vector<16xi32>], vector<16xf32>,
      %select_n3A_487 = arith.select %lt3A_472, %sub3A_464, %broadcast_in_dim3A_474 : vector<16xi1>, vector<16xf32>
      tpu.vector_store_idx %arg17[%add3A_445, %broadcast_in_dim3A_5], %select_n3A_487 : memref<2000x3xf32, #tpu.memory_space<vmem>>[vector<16xi32>, vector<16xi32>], vector<16xf32>,
      %scan3A_488 = arith.constant 125 : i32
      %mul3A_489 = arith.constant 25 : i32
      %mul3A_490 = arith.muli %mul3A_413, %mul3A_489 : i32
      %add3A_491 = arith.addi %mul3A_7, %mul3A_490 : i32
      %mul3A_492 = arith.constant 80 : i32
      %mul3A_493 = arith.muli %add3A_491, %mul3A_492 : i32
      %dma_start3A_494 = arith.constant 0 : i32
      %dma_start3A_495 = tpu.memref_slice %arg7[%mul3A_493, %dma_start3A_494] : memref<3200000x3xf32, #tpu.memory_space<hbm>> -> memref<2000x3xf32, #tpu.memory_space<hbm>>
      %dma_start3A_496 = arith.constant 0 : i32
      %dma_start3A_497 = tpu.memref_slice %arg7[%mul3A_493, %dma_start3A_496] : memref<3200000x3xf32, #tpu.memory_space<hbm>> -> memref<2000x3xf32, #tpu.memory_space<hbm>>
      tpu.enqueue_dma source(%arg17 : memref<2000x3xf32, #tpu.memory_space<vmem>>) target(%dma_start3A_497 : memref<2000x3xf32, #tpu.memory_space<hbm>>) target_semaphore(%arg20 : memref<!tpu.dma_semaphore, #tpu.memory_space<semaphore_mem>>)
      %dma_start3A_498 = tpu.memref_slice %arg8[%mul3A_493] : memref<3200000xf32, #tpu.memory_space<hbm>> -> memref<2000xf32, #tpu.memory_space<hbm>>
      %dma_start3A_499 = tpu.memref_slice %arg8[%mul3A_493] : memref<3200000xf32, #tpu.memory_space<hbm>> -> memref<2000xf32, #tpu.memory_space<hbm>>
      tpu.enqueue_dma source(%arg18 : memref<2000xf32, #tpu.memory_space<vmem>>) target(%dma_start3A_499 : memref<2000xf32, #tpu.memory_space<hbm>>) target_semaphore(%arg20 : memref<!tpu.dma_semaphore, #tpu.memory_space<semaphore_mem>>)
      %dma_start3A_500 = tpu.memref_slice %arg9[%mul3A_493] : memref<3200000xi32, #tpu.memory_space<hbm>> -> memref<2000xi32, #tpu.memory_space<hbm>>
      %dma_start3A_501 = tpu.memref_slice %arg9[%mul3A_493] : memref<3200000xi32, #tpu.memory_space<hbm>> -> memref<2000xi32, #tpu.memory_space<hbm>>
      tpu.enqueue_dma source(%arg19 : memref<2000xi32, #tpu.memory_space<vmem>>) target(%dma_start3A_501 : memref<2000xi32, #tpu.memory_space<hbm>>) target_semaphore(%arg20 : memref<!tpu.dma_semaphore, #tpu.memory_space<semaphore_mem>>)
      %add3A_502 = arith.constant 2 : i32
      %add3A_503 = arith.addi %mul3A_413, %add3A_502 : i32
      %mul3A_504 = arith.constant 25 : i32
      %mul3A_505 = arith.muli %add3A_503, %mul3A_504 : i32
      %add3A_506 = arith.addi %mul3A_7, %mul3A_505 : i32
      %mul3A_507 = arith.constant 80 : i32
      %mul3A_508 = arith.muli %add3A_506, %mul3A_507 : i32
      "tpu.region"() ({
        %run_scoped3A = tpu.sem_alloc : memref<!tpu.dma_semaphore, #tpu.memory_space<semaphore_mem>>
        %dma_start3A_618 = arith.constant 0 : i32
        %dma_start3A_619 = tpu.memref_slice %arg4[%add3A_506, %dma_start3A_618] : memref<40000x80xi32, #tpu.memory_space<hbm>> -> memref<25x80xi32, #tpu.memory_space<hbm>>
        %dma_start3A_620 = arith.constant 0 : i32
        %dma_start3A_621 = tpu.memref_slice %arg4[%add3A_506, %dma_start3A_620] : memref<40000x80xi32, #tpu.memory_space<hbm>> -> memref<25x80xi32, #tpu.memory_space<hbm>>
        tpu.enqueue_dma source(%dma_start3A_621 : memref<25x80xi32, #tpu.memory_space<hbm>>) target(%arg11 : memref<25x80xi32, #tpu.memory_space<vmem>>) target_semaphore(%run_scoped3A : memref<!tpu.dma_semaphore, #tpu.memory_space<semaphore_mem>>)
        %dma_wait3A_622 = arith.constant 0 : i32
        %dma_wait3A_623 = tpu.memref_slice %arg4[%add3A_506, %dma_wait3A_622] : memref<40000x80xi32, #tpu.memory_space<hbm>> -> memref<25x80xi32, #tpu.memory_space<hbm>>
        %dma_wait3A_624 = arith.constant 0 : i32
        %dma_wait3A_625 = tpu.memref_slice %arg4[%add3A_506, %dma_wait3A_624] : memref<40000x80xi32, #tpu.memory_space<hbm>> -> memref<25x80xi32, #tpu.memory_space<hbm>>
        tpu.wait_dma2 semaphore(%run_scoped3A : memref<!tpu.dma_semaphore, #tpu.memory_space<semaphore_mem>>) src(%dma_wait3A_625 : memref<25x80xi32, #tpu.memory_space<hbm>>) dst(%arg11 : memref<25x80xi32, #tpu.memory_space<vmem>>)
        tpu.yield
      }) : () -> ()
      "tpu.region"() ({
        %run_scoped3A = tpu.sem_alloc : memref<!tpu.dma_semaphore, #tpu.memory_space<semaphore_mem>>
        %dma_start3A_618 = arith.constant 0 : i32
        %dma_start3A_619 = tpu.memref_slice %arg5[%add3A_506, %dma_start3A_618] : memref<40000x80xi32, #tpu.memory_space<hbm>> -> memref<25x80xi32, #tpu.memory_space<hbm>>
        %dma_start3A_620 = arith.constant 0 : i32
        %dma_start3A_621 = tpu.memref_slice %arg5[%add3A_506, %dma_start3A_620] : memref<40000x80xi32, #tpu.memory_space<hbm>> -> memref<25x80xi32, #tpu.memory_space<hbm>>
        tpu.enqueue_dma source(%dma_start3A_621 : memref<25x80xi32, #tpu.memory_space<hbm>>) target(%arg12 : memref<25x80xi32, #tpu.memory_space<vmem>>) target_semaphore(%run_scoped3A : memref<!tpu.dma_semaphore, #tpu.memory_space<semaphore_mem>>)
        %dma_wait3A_622 = arith.constant 0 : i32
        %dma_wait3A_623 = tpu.memref_slice %arg5[%add3A_506, %dma_wait3A_622] : memref<40000x80xi32, #tpu.memory_space<hbm>> -> memref<25x80xi32, #tpu.memory_space<hbm>>
        %dma_wait3A_624 = arith.constant 0 : i32
        %dma_wait3A_625 = tpu.memref_slice %arg5[%add3A_506, %dma_wait3A_624] : memref<40000x80xi32, #tpu.memory_space<hbm>> -> memref<25x80xi32, #tpu.memory_space<hbm>>
        tpu.wait_dma2 semaphore(%run_scoped3A : memref<!tpu.dma_semaphore, #tpu.memory_space<semaphore_mem>>) src(%dma_wait3A_625 : memref<25x80xi32, #tpu.memory_space<hbm>>) dst(%arg12 : memref<25x80xi32, #tpu.memory_space<vmem>>)
        tpu.yield
      }) : () -> ()
      "tpu.region"() ({
        %run_scoped3A = tpu.sem_alloc : memref<!tpu.dma_semaphore, #tpu.memory_space<semaphore_mem>>
        %dma_start3A_618 = tpu.memref_slice %arg6[%mul3A_508] : memref<3200000xi32, #tpu.memory_space<hbm>> -> memref<2000xi32, #tpu.memory_space<hbm>>
        %dma_start3A_619 = tpu.memref_slice %arg6[%mul3A_508] : memref<3200000xi32, #tpu.memory_space<hbm>> -> memref<2000xi32, #tpu.memory_space<hbm>>
        tpu.enqueue_dma source(%dma_start3A_619 : memref<2000xi32, #tpu.memory_space<hbm>>) target(%arg13 : memref<2000xi32, #tpu.memory_space<vmem>>) target_semaphore(%run_scoped3A : memref<!tpu.dma_semaphore, #tpu.memory_space<semaphore_mem>>)
        %dma_wait3A_620 = tpu.memref_slice %arg6[%mul3A_508] : memref<3200000xi32, #tpu.memory_space<hbm>> -> memref<2000xi32, #tpu.memory_space<hbm>>
        %dma_wait3A_621 = tpu.memref_slice %arg6[%mul3A_508] : memref<3200000xi32, #tpu.memory_space<hbm>> -> memref<2000xi32, #tpu.memory_space<hbm>>
        tpu.wait_dma2 semaphore(%run_scoped3A : memref<!tpu.dma_semaphore, #tpu.memory_space<semaphore_mem>>) src(%dma_wait3A_621 : memref<2000xi32, #tpu.memory_space<hbm>>) dst(%arg13 : memref<2000xi32, #tpu.memory_space<vmem>>)
        tpu.yield
      }) : () -> ()
      %scan3A_509 = arith.constant 0 : i32
      %scan3A_510 = arith.constant 0 : i32
      %scan3A_511 = arith.constant 25 : i32
      %scan3A_512 = arith.addi %scan3A_510, %scan3A_511 : i32
      %scan3A_513 = arith.constant 1 : i32
      scf.for %scan3A_618 = %scan3A_510 to %scan3A_512 step %scan3A_513  : i32 {
        %mul3A_619 = arith.constant 80 : i32
        %mul3A_620 = arith.muli %scan3A_618, %mul3A_619 : i32
        %dma_start3A_621 = arith.constant 0 : i32
        %dma_start3A_622 = tpu.memref_slice %arg14[%mul3A_620, %dma_start3A_621] : memref<2000x8xf32, #tpu.memory_space<vmem>> -> memref<80x8xf32, #tpu.memory_space<vmem>>
        %dma_start3A_623 = arith.constant 0 : i32
        %dma_start3A_624 = tpu.memref_slice %arg11[%scan3A_618, %dma_start3A_623] : memref<25x80xi32, #tpu.memory_space<vmem>> -> memref<1x80xi32, #tpu.memory_space<vmem>>
        %dma_start3A_625 = tpu.memref_squeeze %dma_start3A_624 : memref<1x80xi32, #tpu.memory_space<vmem>> -> memref<80xi32, #tpu.memory_space<vmem>>
        %dma_start3A_626 = arith.constant 0 : i32
        %dma_start3A_627 = arith.constant 0 : i32
        %dma_start3A_628 = tpu.memref_slice %arg2[%dma_start3A_626, %dma_start3A_627] : memref<50000x8xf32, #tpu.memory_space<hbm>> -> memref<50000x8xf32, #tpu.memory_space<hbm>>
        tpu.enqueue_indirect_dma source(%dma_start3A_628 : memref<50000x8xf32, #tpu.memory_space<hbm>>) target(%dma_start3A_622 : memref<80x8xf32, #tpu.memory_space<vmem>>) offsets(%dma_start3A_625 : memref<80xi32, #tpu.memory_space<vmem>>) semaphore(%arg16 : memref<!tpu.dma_semaphore, #tpu.memory_space<semaphore_mem>>)
        %mul3A_629 = arith.constant 80 : i32
        %mul3A_630 = arith.muli %scan3A_618, %mul3A_629 : i32
        %dma_start3A_631 = arith.constant 0 : i32
        %dma_start3A_632 = tpu.memref_slice %arg15[%mul3A_630, %dma_start3A_631] : memref<2000x8xf32, #tpu.memory_space<vmem>> -> memref<80x8xf32, #tpu.memory_space<vmem>>
        %dma_start3A_633 = arith.constant 0 : i32
        %dma_start3A_634 = tpu.memref_slice %arg12[%scan3A_618, %dma_start3A_633] : memref<25x80xi32, #tpu.memory_space<vmem>> -> memref<1x80xi32, #tpu.memory_space<vmem>>
        %dma_start3A_635 = tpu.memref_squeeze %dma_start3A_634 : memref<1x80xi32, #tpu.memory_space<vmem>> -> memref<80xi32, #tpu.memory_space<vmem>>
        %dma_start3A_636 = arith.constant 0 : i32
        %dma_start3A_637 = arith.constant 0 : i32
        %dma_start3A_638 = tpu.memref_slice %arg2[%dma_start3A_636, %dma_start3A_637] : memref<50000x8xf32, #tpu.memory_space<hbm>> -> memref<50000x8xf32, #tpu.memory_space<hbm>>
        tpu.enqueue_indirect_dma source(%dma_start3A_638 : memref<50000x8xf32, #tpu.memory_space<hbm>>) target(%dma_start3A_632 : memref<80x8xf32, #tpu.memory_space<vmem>>) offsets(%dma_start3A_635 : memref<80xi32, #tpu.memory_space<vmem>>) semaphore(%arg16 : memref<!tpu.dma_semaphore, #tpu.memory_space<semaphore_mem>>)
      }
      %scan3A_514 = arith.constant 25 : i32
      %add3A_515 = arith.constant 1 : i32
      %add3A_516 = arith.addi %mul3A_413, %add3A_515 : i32
      %scan3A_517 = arith.constant 0 : i32
      %scan3A_518 = arith.constant 0 : i32
      %scan3A_519 = arith.constant 25 : i32
      %scan3A_520 = arith.addi %scan3A_518, %scan3A_519 : i32
      %scan3A_521 = arith.constant 1 : i32
      scf.for %scan3A_618 = %scan3A_518 to %scan3A_520 step %scan3A_521  : i32 {
        %mul3A_619 = arith.constant 80 : i32
        %mul3A_620 = arith.muli %scan3A_618, %mul3A_619 : i32
        %dma_wait3A_621 = arith.constant 0 : i32
        %dma_wait3A_622 = tpu.memref_slice %arg24[%mul3A_620, %dma_wait3A_621] : memref<2000x8xf32, #tpu.memory_space<vmem>> -> memref<80x8xf32, #tpu.memory_space<vmem>>
        %dma_wait3A_623 = arith.constant 0 : i32
        %dma_wait3A_624 = tpu.memref_slice %arg21[%scan3A_618, %dma_wait3A_623] : memref<25x80xi32, #tpu.memory_space<vmem>> -> memref<1x80xi32, #tpu.memory_space<vmem>>
        %dma_wait3A_625 = tpu.memref_squeeze %dma_wait3A_624 : memref<1x80xi32, #tpu.memory_space<vmem>> -> memref<80xi32, #tpu.memory_space<vmem>>
        %dma_wait3A_626 = arith.constant 0 : i32
        %dma_wait3A_627 = arith.constant 0 : i32
        %dma_wait3A_628 = tpu.memref_slice %arg2[%dma_wait3A_626, %dma_wait3A_627] : memref<50000x8xf32, #tpu.memory_space<hbm>> -> memref<50000x8xf32, #tpu.memory_space<hbm>>
        tpu.wait_indirect_dma semaphore(%arg26 : memref<!tpu.dma_semaphore, #tpu.memory_space<semaphore_mem>>) src(%dma_wait3A_628 : memref<50000x8xf32, #tpu.memory_space<hbm>>) dst(%dma_wait3A_622 : memref<80x8xf32, #tpu.memory_space<vmem>>)
        %mul3A_629 = arith.constant 80 : i32
        %mul3A_630 = arith.muli %scan3A_618, %mul3A_629 : i32
        %dma_wait3A_631 = arith.constant 0 : i32
        %dma_wait3A_632 = tpu.memref_slice %arg25[%mul3A_630, %dma_wait3A_631] : memref<2000x8xf32, #tpu.memory_space<vmem>> -> memref<80x8xf32, #tpu.memory_space<vmem>>
        %dma_wait3A_633 = arith.constant 0 : i32
        %dma_wait3A_634 = tpu.memref_slice %arg22[%scan3A_618, %dma_wait3A_633] : memref<25x80xi32, #tpu.memory_space<vmem>> -> memref<1x80xi32, #tpu.memory_space<vmem>>
        %dma_wait3A_635 = tpu.memref_squeeze %dma_wait3A_634 : memref<1x80xi32, #tpu.memory_space<vmem>> -> memref<80xi32, #tpu.memory_space<vmem>>
        %dma_wait3A_636 = arith.constant 0 : i32
        %dma_wait3A_637 = arith.constant 0 : i32
        %dma_wait3A_638 = tpu.memref_slice %arg2[%dma_wait3A_636, %dma_wait3A_637] : memref<50000x8xf32, #tpu.memory_space<hbm>> -> memref<50000x8xf32, #tpu.memory_space<hbm>>
        tpu.wait_indirect_dma semaphore(%arg26 : memref<!tpu.dma_semaphore, #tpu.memory_space<semaphore_mem>>) src(%dma_wait3A_638 : memref<50000x8xf32, #tpu.memory_space<hbm>>) dst(%dma_wait3A_632 : memref<80x8xf32, #tpu.memory_space<vmem>>)
      }
      %scan3A_522 = arith.constant 25 : i32
      %sub3A_523 = arith.constant 2 : i32
      %sub3A_524 = arith.subi %add3A_516, %sub3A_523 : i32
      %mul3A_525 = arith.constant 25 : i32
      %mul3A_526 = arith.muli %sub3A_524, %mul3A_525 : i32
      %add3A_527 = arith.addi %mul3A_7, %mul3A_526 : i32
      %mul3A_528 = arith.constant 80 : i32
      %mul3A_529 = arith.muli %add3A_527, %mul3A_528 : i32
      %dma_wait3A_530 = arith.constant 0 : i32
      %dma_wait3A_531 = tpu.memref_slice %arg7[%mul3A_529, %dma_wait3A_530] : memref<3200000x3xf32, #tpu.memory_space<hbm>> -> memref<2000x3xf32, #tpu.memory_space<hbm>>
      %dma_wait3A_532 = arith.constant 0 : i32
      %dma_wait3A_533 = tpu.memref_slice %arg7[%mul3A_529, %dma_wait3A_532] : memref<3200000x3xf32, #tpu.memory_space<hbm>> -> memref<2000x3xf32, #tpu.memory_space<hbm>>
      tpu.wait_dma2 semaphore(%arg30 : memref<!tpu.dma_semaphore, #tpu.memory_space<semaphore_mem>>) src(%arg27 : memref<2000x3xf32, #tpu.memory_space<vmem>>) dst(%dma_wait3A_533 : memref<2000x3xf32, #tpu.memory_space<hbm>>)
      %dma_wait3A_534 = tpu.memref_slice %arg8[%mul3A_529] : memref<3200000xf32, #tpu.memory_space<hbm>> -> memref<2000xf32, #tpu.memory_space<hbm>>
      %dma_wait3A_535 = tpu.memref_slice %arg8[%mul3A_529] : memref<3200000xf32, #tpu.memory_space<hbm>> -> memref<2000xf32, #tpu.memory_space<hbm>>
      tpu.wait_dma2 semaphore(%arg30 : memref<!tpu.dma_semaphore, #tpu.memory_space<semaphore_mem>>) src(%arg28 : memref<2000xf32, #tpu.memory_space<vmem>>) dst(%dma_wait3A_535 : memref<2000xf32, #tpu.memory_space<hbm>>)
      %dma_wait3A_536 = tpu.memref_slice %arg9[%mul3A_529] : memref<3200000xi32, #tpu.memory_space<hbm>> -> memref<2000xi32, #tpu.memory_space<hbm>>
      %dma_wait3A_537 = tpu.memref_slice %arg9[%mul3A_529] : memref<3200000xi32, #tpu.memory_space<hbm>> -> memref<2000xi32, #tpu.memory_space<hbm>>
      tpu.wait_dma2 semaphore(%arg30 : memref<!tpu.dma_semaphore, #tpu.memory_space<semaphore_mem>>) src(%arg29 : memref<2000xi32, #tpu.memory_space<vmem>>) dst(%dma_wait3A_537 : memref<2000xi32, #tpu.memory_space<hbm>>)
      %scan3A_538 = arith.constant 0 : i32
      %scan3A_539 = arith.constant 0 : i32
      %scan3A_540 = arith.constant 124 : i32
      %scan3A_541 = arith.addi %scan3A_539, %scan3A_540 : i32
      %scan3A_542 = arith.constant 4 : i32
      scf.for %scan3A_618 = %scan3A_539 to %scan3A_541 step %scan3A_542  : i32 {
        %mul3A_619 = arith.constant 16 : i32
        %mul3A_620 = arith.muli %scan3A_618, %mul3A_619 : i32
        %add3A_621 = vector.broadcast %mul3A_620 : i32 to vector<16xi32>
        %add3A_622 = arith.addi %iota3A, %add3A_621 : vector<16xi32>
        %mul3A_623 = arith.constant 16 : i32
        %mul3A_624 = arith.muli %scan3A_618, %mul3A_623 : i32
        %get3A_625 = arith.index_cast %mul3A_624 : i32 to index
        %get3A_626 = tpu.vector_load %arg23[%get3A_625] {strides = array<i32>} : memref<2000xi32, #tpu.memory_space<vmem>>, vector<16xi32>,
        %gather3A_627 = tpu.vector_load_idx %arg24[%add3A_622, %broadcast_in_dim3A_1] : memref<2000x8xf32, #tpu.memory_space<vmem>>[vector<16xi32>, vector<16xi32>], vector<16xf32>,
        %gather3A_628 = tpu.vector_load_idx %arg24[%add3A_622, %broadcast_in_dim3A_3] : memref<2000x8xf32, #tpu.memory_space<vmem>>[vector<16xi32>, vector<16xi32>], vector<16xf32>,
        %gather3A_629 = tpu.vector_load_idx %arg24[%add3A_622, %broadcast_in_dim3A_5] : memref<2000x8xf32, #tpu.memory_space<vmem>>[vector<16xi32>, vector<16xi32>], vector<16xf32>,
        %gather3A_630 = tpu.vector_load_idx %arg25[%add3A_622, %broadcast_in_dim3A_1] : memref<2000x8xf32, #tpu.memory_space<vmem>>[vector<16xi32>, vector<16xi32>], vector<16xf32>,
        %gather3A_631 = tpu.vector_load_idx %arg25[%add3A_622, %broadcast_in_dim3A_3] : memref<2000x8xf32, #tpu.memory_space<vmem>>[vector<16xi32>, vector<16xi32>], vector<16xf32>,
        %gather3A_632 = tpu.vector_load_idx %arg25[%add3A_622, %broadcast_in_dim3A_5] : memref<2000x8xf32, #tpu.memory_space<vmem>>[vector<16xi32>, vector<16xi32>], vector<16xf32>,
        %gather3A_633 = tpu.vector_load_idx %arg10[%get3A_626, %broadcast_in_dim3A_1] : memref<32x3xf32, #tpu.memory_space<vmem>>[vector<16xi32>, vector<16xi32>], vector<16xf32>,
        %gather3A_634 = tpu.vector_load_idx %arg10[%get3A_626, %broadcast_in_dim3A_3] : memref<32x3xf32, #tpu.memory_space<vmem>>[vector<16xi32>, vector<16xi32>], vector<16xf32>,
        %gather3A_635 = tpu.vector_load_idx %arg10[%get3A_626, %broadcast_in_dim3A_5] : memref<32x3xf32, #tpu.memory_space<vmem>>[vector<16xi32>, vector<16xi32>], vector<16xf32>,
        %add3A_636 = arith.addf %gather3A_630, %gather3A_633 : vector<16xf32>
        %sub3A_637 = arith.subf %add3A_636, %gather3A_627 : vector<16xf32>
        %add3A_638 = arith.addf %gather3A_631, %gather3A_634 : vector<16xf32>
        %sub3A_639 = arith.subf %add3A_638, %gather3A_628 : vector<16xf32>
        %add3A_640 = arith.addf %gather3A_632, %gather3A_635 : vector<16xf32>
        %sub3A_641 = arith.subf %add3A_640, %gather3A_629 : vector<16xf32>
        %mul3A_642 = arith.mulf %sub3A_637, %sub3A_637 : vector<16xf32>
        %mul3A_643 = arith.mulf %sub3A_639, %sub3A_639 : vector<16xf32>
        %add3A_644 = arith.addf %mul3A_642, %mul3A_643 : vector<16xf32>
        %mul3A_645 = arith.mulf %sub3A_641, %sub3A_641 : vector<16xf32>
        %add3A_646 = arith.addf %add3A_644, %mul3A_645 : vector<16xf32>
        %lt3A_647 = arith.constant 3.600000e+01 : f32
        %lt3A_648 = vector.broadcast %lt3A_647 : f32 to vector<16xf32>
        %lt3A_649 = arith.cmpf olt, %add3A_646, %lt3A_648 : vector<16xf32>
        %broadcast_in_dim3A_650 = arith.constant 0.000000e+00 : f32
        %broadcast_in_dim3A_651 = vector.broadcast %broadcast_in_dim3A_650 : f32 to vector<16xf32>
        %select_n3A_652 = arith.select %lt3A_649, %add3A_646, %broadcast_in_dim3A_651 : vector<16xi1>, vector<16xf32>
        %mul3A_653 = arith.constant 16 : i32
        %mul3A_654 = arith.muli %scan3A_618, %mul3A_653 : i32
        %swap3A_655 = arith.index_cast %mul3A_654 : i32 to index
        %swap3A_656 = tpu.vector_load %arg28[%swap3A_655] {strides = array<i32>} : memref<2000xf32, #tpu.memory_space<vmem>>, vector<16xf32>,
        tpu.vector_store %arg28[%swap3A_655], %select_n3A_652 {strides = array<i32>} : memref<2000xf32, #tpu.memory_space<vmem>>, vector<16xf32>,
        %convert_element_type3A_657 = arith.extui %lt3A_649 : vector<16xi1> to vector<16xi32>
        %mul3A_658 = arith.constant 16 : i32
        %mul3A_659 = arith.muli %scan3A_618, %mul3A_658 : i32
        %swap3A_660 = arith.index_cast %mul3A_659 : i32 to index
        %swap3A_661 = tpu.vector_load %arg29[%swap3A_660] {strides = array<i32>} : memref<2000xi32, #tpu.memory_space<vmem>>, vector<16xi32>,
        tpu.vector_store %arg29[%swap3A_660], %convert_element_type3A_657 {strides = array<i32>} : memref<2000xi32, #tpu.memory_space<vmem>>, vector<16xi32>,
        %select_n3A_662 = arith.select %lt3A_649, %sub3A_637, %broadcast_in_dim3A_651 : vector<16xi1>, vector<16xf32>
        tpu.vector_store_idx %arg27[%add3A_622, %broadcast_in_dim3A_1], %select_n3A_662 : memref<2000x3xf32, #tpu.memory_space<vmem>>[vector<16xi32>, vector<16xi32>], vector<16xf32>,
        %select_n3A_663 = arith.select %lt3A_649, %sub3A_639, %broadcast_in_dim3A_651 : vector<16xi1>, vector<16xf32>
        tpu.vector_store_idx %arg27[%add3A_622, %broadcast_in_dim3A_3], %select_n3A_663 : memref<2000x3xf32, #tpu.memory_space<vmem>>[vector<16xi32>, vector<16xi32>], vector<16xf32>,
        %select_n3A_664 = arith.select %lt3A_649, %sub3A_641, %broadcast_in_dim3A_651 : vector<16xi1>, vector<16xf32>
        tpu.vector_store_idx %arg27[%add3A_622, %broadcast_in_dim3A_5], %select_n3A_664 : memref<2000x3xf32, #tpu.memory_space<vmem>>[vector<16xi32>, vector<16xi32>], vector<16xf32>,
        %scan3A_665 = arith.constant 1 : i32
        %scan3A_666 = arith.addi %scan3A_618, %scan3A_665 : i32
        %mul3A_667 = arith.constant 16 : i32
        %mul3A_668 = arith.muli %scan3A_666, %mul3A_667 : i32
        %add3A_669 = vector.broadcast %mul3A_668 : i32 to vector<16xi32>
        %add3A_670 = arith.addi %iota3A, %add3A_669 : vector<16xi32>
        %mul3A_671 = arith.constant 16 : i32
        %mul3A_672 = arith.muli %scan3A_666, %mul3A_671 : i32
        %get3A_673 = arith.index_cast %mul3A_672 : i32 to index
        %get3A_674 = tpu.vector_load %arg23[%get3A_673] {strides = array<i32>} : memref<2000xi32, #tpu.memory_space<vmem>>, vector<16xi32>,
        %gather3A_675 = tpu.vector_load_idx %arg24[%add3A_670, %broadcast_in_dim3A_1] : memref<2000x8xf32, #tpu.memory_space<vmem>>[vector<16xi32>, vector<16xi32>], vector<16xf32>,
        %gather3A_676 = tpu.vector_load_idx %arg24[%add3A_670, %broadcast_in_dim3A_3] : memref<2000x8xf32, #tpu.memory_space<vmem>>[vector<16xi32>, vector<16xi32>], vector<16xf32>,
        %gather3A_677 = tpu.vector_load_idx %arg24[%add3A_670, %broadcast_in_dim3A_5] : memref<2000x8xf32, #tpu.memory_space<vmem>>[vector<16xi32>, vector<16xi32>], vector<16xf32>,
        %gather3A_678 = tpu.vector_load_idx %arg25[%add3A_670, %broadcast_in_dim3A_1] : memref<2000x8xf32, #tpu.memory_space<vmem>>[vector<16xi32>, vector<16xi32>], vector<16xf32>,
        %gather3A_679 = tpu.vector_load_idx %arg25[%add3A_670, %broadcast_in_dim3A_3] : memref<2000x8xf32, #tpu.memory_space<vmem>>[vector<16xi32>, vector<16xi32>], vector<16xf32>,
        %gather3A_680 = tpu.vector_load_idx %arg25[%add3A_670, %broadcast_in_dim3A_5] : memref<2000x8xf32, #tpu.memory_space<vmem>>[vector<16xi32>, vector<16xi32>], vector<16xf32>,
        %gather3A_681 = tpu.vector_load_idx %arg10[%get3A_674, %broadcast_in_dim3A_1] : memref<32x3xf32, #tpu.memory_space<vmem>>[vector<16xi32>, vector<16xi32>], vector<16xf32>,
        %gather3A_682 = tpu.vector_load_idx %arg10[%get3A_674, %broadcast_in_dim3A_3] : memref<32x3xf32, #tpu.memory_space<vmem>>[vector<16xi32>, vector<16xi32>], vector<16xf32>,
        %gather3A_683 = tpu.vector_load_idx %arg10[%get3A_674, %broadcast_in_dim3A_5] : memref<32x3xf32, #tpu.memory_space<vmem>>[vector<16xi32>, vector<16xi32>], vector<16xf32>,
        %add3A_684 = arith.addf %gather3A_678, %gather3A_681 : vector<16xf32>
        %sub3A_685 = arith.subf %add3A_684, %gather3A_675 : vector<16xf32>
        %add3A_686 = arith.addf %gather3A_679, %gather3A_682 : vector<16xf32>
        %sub3A_687 = arith.subf %add3A_686, %gather3A_676 : vector<16xf32>
        %add3A_688 = arith.addf %gather3A_680, %gather3A_683 : vector<16xf32>
        %sub3A_689 = arith.subf %add3A_688, %gather3A_677 : vector<16xf32>
        %mul3A_690 = arith.mulf %sub3A_685, %sub3A_685 : vector<16xf32>
        %mul3A_691 = arith.mulf %sub3A_687, %sub3A_687 : vector<16xf32>
        %add3A_692 = arith.addf %mul3A_690, %mul3A_691 : vector<16xf32>
        %mul3A_693 = arith.mulf %sub3A_689, %sub3A_689 : vector<16xf32>
        %add3A_694 = arith.addf %add3A_692, %mul3A_693 : vector<16xf32>
        %lt3A_695 = arith.constant 3.600000e+01 : f32
        %lt3A_696 = vector.broadcast %lt3A_695 : f32 to vector<16xf32>
        %lt3A_697 = arith.cmpf olt, %add3A_694, %lt3A_696 : vector<16xf32>
        %broadcast_in_dim3A_698 = arith.constant 0.000000e+00 : f32
        %broadcast_in_dim3A_699 = vector.broadcast %broadcast_in_dim3A_698 : f32 to vector<16xf32>
        %select_n3A_700 = arith.select %lt3A_697, %add3A_694, %broadcast_in_dim3A_699 : vector<16xi1>, vector<16xf32>
        %mul3A_701 = arith.constant 16 : i32
        %mul3A_702 = arith.muli %scan3A_666, %mul3A_701 : i32
        %swap3A_703 = arith.index_cast %mul3A_702 : i32 to index
        %swap3A_704 = tpu.vector_load %arg28[%swap3A_703] {strides = array<i32>} : memref<2000xf32, #tpu.memory_space<vmem>>, vector<16xf32>,
        tpu.vector_store %arg28[%swap3A_703], %select_n3A_700 {strides = array<i32>} : memref<2000xf32, #tpu.memory_space<vmem>>, vector<16xf32>,
        %convert_element_type3A_705 = arith.extui %lt3A_697 : vector<16xi1> to vector<16xi32>
        %mul3A_706 = arith.constant 16 : i32
        %mul3A_707 = arith.muli %scan3A_666, %mul3A_706 : i32
        %swap3A_708 = arith.index_cast %mul3A_707 : i32 to index
        %swap3A_709 = tpu.vector_load %arg29[%swap3A_708] {strides = array<i32>} : memref<2000xi32, #tpu.memory_space<vmem>>, vector<16xi32>,
        tpu.vector_store %arg29[%swap3A_708], %convert_element_type3A_705 {strides = array<i32>} : memref<2000xi32, #tpu.memory_space<vmem>>, vector<16xi32>,
        %select_n3A_710 = arith.select %lt3A_697, %sub3A_685, %broadcast_in_dim3A_699 : vector<16xi1>, vector<16xf32>
        tpu.vector_store_idx %arg27[%add3A_670, %broadcast_in_dim3A_1], %select_n3A_710 : memref<2000x3xf32, #tpu.memory_space<vmem>>[vector<16xi32>, vector<16xi32>], vector<16xf32>,
        %select_n3A_711 = arith.select %lt3A_697, %sub3A_687, %broadcast_in_dim3A_699 : vector<16xi1>, vector<16xf32>
        tpu.vector_store_idx %arg27[%add3A_670, %broadcast_in_dim3A_3], %select_n3A_711 : memref<2000x3xf32, #tpu.memory_space<vmem>>[vector<16xi32>, vector<16xi32>], vector<16xf32>,
        %select_n3A_712 = arith.select %lt3A_697, %sub3A_689, %broadcast_in_dim3A_699 : vector<16xi1>, vector<16xf32>
        tpu.vector_store_idx %arg27[%add3A_670, %broadcast_in_dim3A_5], %select_n3A_712 : memref<2000x3xf32, #tpu.memory_space<vmem>>[vector<16xi32>, vector<16xi32>], vector<16xf32>,
        %scan3A_713 = arith.constant 2 : i32
        %scan3A_714 = arith.addi %scan3A_618, %scan3A_713 : i32
        %mul3A_715 = arith.constant 16 : i32
        %mul3A_716 = arith.muli %scan3A_714, %mul3A_715 : i32
        %add3A_717 = vector.broadcast %mul3A_716 : i32 to vector<16xi32>
        %add3A_718 = arith.addi %iota3A, %add3A_717 : vector<16xi32>
        %mul3A_719 = arith.constant 16 : i32
        %mul3A_720 = arith.muli %scan3A_714, %mul3A_719 : i32
        %get3A_721 = arith.index_cast %mul3A_720 : i32 to index
        %get3A_722 = tpu.vector_load %arg23[%get3A_721] {strides = array<i32>} : memref<2000xi32, #tpu.memory_space<vmem>>, vector<16xi32>,
        %gather3A_723 = tpu.vector_load_idx %arg24[%add3A_718, %broadcast_in_dim3A_1] : memref<2000x8xf32, #tpu.memory_space<vmem>>[vector<16xi32>, vector<16xi32>], vector<16xf32>,
        %gather3A_724 = tpu.vector_load_idx %arg24[%add3A_718, %broadcast_in_dim3A_3] : memref<2000x8xf32, #tpu.memory_space<vmem>>[vector<16xi32>, vector<16xi32>], vector<16xf32>,
        %gather3A_725 = tpu.vector_load_idx %arg24[%add3A_718, %broadcast_in_dim3A_5] : memref<2000x8xf32, #tpu.memory_space<vmem>>[vector<16xi32>, vector<16xi32>], vector<16xf32>,
        %gather3A_726 = tpu.vector_load_idx %arg25[%add3A_718, %broadcast_in_dim3A_1] : memref<2000x8xf32, #tpu.memory_space<vmem>>[vector<16xi32>, vector<16xi32>], vector<16xf32>,
        %gather3A_727 = tpu.vector_load_idx %arg25[%add3A_718, %broadcast_in_dim3A_3] : memref<2000x8xf32, #tpu.memory_space<vmem>>[vector<16xi32>, vector<16xi32>], vector<16xf32>,
        %gather3A_728 = tpu.vector_load_idx %arg25[%add3A_718, %broadcast_in_dim3A_5] : memref<2000x8xf32, #tpu.memory_space<vmem>>[vector<16xi32>, vector<16xi32>], vector<16xf32>,
        %gather3A_729 = tpu.vector_load_idx %arg10[%get3A_722, %broadcast_in_dim3A_1] : memref<32x3xf32, #tpu.memory_space<vmem>>[vector<16xi32>, vector<16xi32>], vector<16xf32>,
        %gather3A_730 = tpu.vector_load_idx %arg10[%get3A_722, %broadcast_in_dim3A_3] : memref<32x3xf32, #tpu.memory_space<vmem>>[vector<16xi32>, vector<16xi32>], vector<16xf32>,
        %gather3A_731 = tpu.vector_load_idx %arg10[%get3A_722, %broadcast_in_dim3A_5] : memref<32x3xf32, #tpu.memory_space<vmem>>[vector<16xi32>, vector<16xi32>], vector<16xf32>,
        %add3A_732 = arith.addf %gather3A_726, %gather3A_729 : vector<16xf32>
        %sub3A_733 = arith.subf %add3A_732, %gather3A_723 : vector<16xf32>
        %add3A_734 = arith.addf %gather3A_727, %gather3A_730 : vector<16xf32>
        %sub3A_735 = arith.subf %add3A_734, %gather3A_724 : vector<16xf32>
        %add3A_736 = arith.addf %gather3A_728, %gather3A_731 : vector<16xf32>
        %sub3A_737 = arith.subf %add3A_736, %gather3A_725 : vector<16xf32>
        %mul3A_738 = arith.mulf %sub3A_733, %sub3A_733 : vector<16xf32>
        %mul3A_739 = arith.mulf %sub3A_735, %sub3A_735 : vector<16xf32>
        %add3A_740 = arith.addf %mul3A_738, %mul3A_739 : vector<16xf32>
        %mul3A_741 = arith.mulf %sub3A_737, %sub3A_737 : vector<16xf32>
        %add3A_742 = arith.addf %add3A_740, %mul3A_741 : vector<16xf32>
        %lt3A_743 = arith.constant 3.600000e+01 : f32
        %lt3A_744 = vector.broadcast %lt3A_743 : f32 to vector<16xf32>
        %lt3A_745 = arith.cmpf olt, %add3A_742, %lt3A_744 : vector<16xf32>
        %broadcast_in_dim3A_746 = arith.constant 0.000000e+00 : f32
        %broadcast_in_dim3A_747 = vector.broadcast %broadcast_in_dim3A_746 : f32 to vector<16xf32>
        %select_n3A_748 = arith.select %lt3A_745, %add3A_742, %broadcast_in_dim3A_747 : vector<16xi1>, vector<16xf32>
        %mul3A_749 = arith.constant 16 : i32
        %mul3A_750 = arith.muli %scan3A_714, %mul3A_749 : i32
        %swap3A_751 = arith.index_cast %mul3A_750 : i32 to index
        %swap3A_752 = tpu.vector_load %arg28[%swap3A_751] {strides = array<i32>} : memref<2000xf32, #tpu.memory_space<vmem>>, vector<16xf32>,
        tpu.vector_store %arg28[%swap3A_751], %select_n3A_748 {strides = array<i32>} : memref<2000xf32, #tpu.memory_space<vmem>>, vector<16xf32>,
        %convert_element_type3A_753 = arith.extui %lt3A_745 : vector<16xi1> to vector<16xi32>
        %mul3A_754 = arith.constant 16 : i32
        %mul3A_755 = arith.muli %scan3A_714, %mul3A_754 : i32
        %swap3A_756 = arith.index_cast %mul3A_755 : i32 to index
        %swap3A_757 = tpu.vector_load %arg29[%swap3A_756] {strides = array<i32>} : memref<2000xi32, #tpu.memory_space<vmem>>, vector<16xi32>,
        tpu.vector_store %arg29[%swap3A_756], %convert_element_type3A_753 {strides = array<i32>} : memref<2000xi32, #tpu.memory_space<vmem>>, vector<16xi32>,
        %select_n3A_758 = arith.select %lt3A_745, %sub3A_733, %broadcast_in_dim3A_747 : vector<16xi1>, vector<16xf32>
        tpu.vector_store_idx %arg27[%add3A_718, %broadcast_in_dim3A_1], %select_n3A_758 : memref<2000x3xf32, #tpu.memory_space<vmem>>[vector<16xi32>, vector<16xi32>], vector<16xf32>,
        %select_n3A_759 = arith.select %lt3A_745, %sub3A_735, %broadcast_in_dim3A_747 : vector<16xi1>, vector<16xf32>
        tpu.vector_store_idx %arg27[%add3A_718, %broadcast_in_dim3A_3], %select_n3A_759 : memref<2000x3xf32, #tpu.memory_space<vmem>>[vector<16xi32>, vector<16xi32>], vector<16xf32>,
        %select_n3A_760 = arith.select %lt3A_745, %sub3A_737, %broadcast_in_dim3A_747 : vector<16xi1>, vector<16xf32>
        tpu.vector_store_idx %arg27[%add3A_718, %broadcast_in_dim3A_5], %select_n3A_760 : memref<2000x3xf32, #tpu.memory_space<vmem>>[vector<16xi32>, vector<16xi32>], vector<16xf32>,
        %scan3A_761 = arith.constant 3 : i32
        %scan3A_762 = arith.addi %scan3A_618, %scan3A_761 : i32
        %mul3A_763 = arith.constant 16 : i32
        %mul3A_764 = arith.muli %scan3A_762, %mul3A_763 : i32
        %add3A_765 = vector.broadcast %mul3A_764 : i32 to vector<16xi32>
        %add3A_766 = arith.addi %iota3A, %add3A_765 : vector<16xi32>
        %mul3A_767 = arith.constant 16 : i32
        %mul3A_768 = arith.muli %scan3A_762, %mul3A_767 : i32
        %get3A_769 = arith.index_cast %mul3A_768 : i32 to index
        %get3A_770 = tpu.vector_load %arg23[%get3A_769] {strides = array<i32>} : memref<2000xi32, #tpu.memory_space<vmem>>, vector<16xi32>,
        %gather3A_771 = tpu.vector_load_idx %arg24[%add3A_766, %broadcast_in_dim3A_1] : memref<2000x8xf32, #tpu.memory_space<vmem>>[vector<16xi32>, vector<16xi32>], vector<16xf32>,
        %gather3A_772 = tpu.vector_load_idx %arg24[%add3A_766, %broadcast_in_dim3A_3] : memref<2000x8xf32, #tpu.memory_space<vmem>>[vector<16xi32>, vector<16xi32>], vector<16xf32>,
        %gather3A_773 = tpu.vector_load_idx %arg24[%add3A_766, %broadcast_in_dim3A_5] : memref<2000x8xf32, #tpu.memory_space<vmem>>[vector<16xi32>, vector<16xi32>], vector<16xf32>,
        %gather3A_774 = tpu.vector_load_idx %arg25[%add3A_766, %broadcast_in_dim3A_1] : memref<2000x8xf32, #tpu.memory_space<vmem>>[vector<16xi32>, vector<16xi32>], vector<16xf32>,
        %gather3A_775 = tpu.vector_load_idx %arg25[%add3A_766, %broadcast_in_dim3A_3] : memref<2000x8xf32, #tpu.memory_space<vmem>>[vector<16xi32>, vector<16xi32>], vector<16xf32>,
        %gather3A_776 = tpu.vector_load_idx %arg25[%add3A_766, %broadcast_in_dim3A_5] : memref<2000x8xf32, #tpu.memory_space<vmem>>[vector<16xi32>, vector<16xi32>], vector<16xf32>,
        %gather3A_777 = tpu.vector_load_idx %arg10[%get3A_770, %broadcast_in_dim3A_1] : memref<32x3xf32, #tpu.memory_space<vmem>>[vector<16xi32>, vector<16xi32>], vector<16xf32>,
        %gather3A_778 = tpu.vector_load_idx %arg10[%get3A_770, %broadcast_in_dim3A_3] : memref<32x3xf32, #tpu.memory_space<vmem>>[vector<16xi32>, vector<16xi32>], vector<16xf32>,
        %gather3A_779 = tpu.vector_load_idx %arg10[%get3A_770, %broadcast_in_dim3A_5] : memref<32x3xf32, #tpu.memory_space<vmem>>[vector<16xi32>, vector<16xi32>], vector<16xf32>,
        %add3A_780 = arith.addf %gather3A_774, %gather3A_777 : vector<16xf32>
        %sub3A_781 = arith.subf %add3A_780, %gather3A_771 : vector<16xf32>
        %add3A_782 = arith.addf %gather3A_775, %gather3A_778 : vector<16xf32>
        %sub3A_783 = arith.subf %add3A_782, %gather3A_772 : vector<16xf32>
        %add3A_784 = arith.addf %gather3A_776, %gather3A_779 : vector<16xf32>
        %sub3A_785 = arith.subf %add3A_784, %gather3A_773 : vector<16xf32>
        %mul3A_786 = arith.mulf %sub3A_781, %sub3A_781 : vector<16xf32>
        %mul3A_787 = arith.mulf %sub3A_783, %sub3A_783 : vector<16xf32>
        %add3A_788 = arith.addf %mul3A_786, %mul3A_787 : vector<16xf32>
        %mul3A_789 = arith.mulf %sub3A_785, %sub3A_785 : vector<16xf32>
        %add3A_790 = arith.addf %add3A_788, %mul3A_789 : vector<16xf32>
        %lt3A_791 = arith.constant 3.600000e+01 : f32
        %lt3A_792 = vector.broadcast %lt3A_791 : f32 to vector<16xf32>
        %lt3A_793 = arith.cmpf olt, %add3A_790, %lt3A_792 : vector<16xf32>
        %broadcast_in_dim3A_794 = arith.constant 0.000000e+00 : f32
        %broadcast_in_dim3A_795 = vector.broadcast %broadcast_in_dim3A_794 : f32 to vector<16xf32>
        %select_n3A_796 = arith.select %lt3A_793, %add3A_790, %broadcast_in_dim3A_795 : vector<16xi1>, vector<16xf32>
        %mul3A_797 = arith.constant 16 : i32
        %mul3A_798 = arith.muli %scan3A_762, %mul3A_797 : i32
        %swap3A_799 = arith.index_cast %mul3A_798 : i32 to index
        %swap3A_800 = tpu.vector_load %arg28[%swap3A_799] {strides = array<i32>} : memref<2000xf32, #tpu.memory_space<vmem>>, vector<16xf32>,
        tpu.vector_store %arg28[%swap3A_799], %select_n3A_796 {strides = array<i32>} : memref<2000xf32, #tpu.memory_space<vmem>>, vector<16xf32>,
        %convert_element_type3A_801 = arith.extui %lt3A_793 : vector<16xi1> to vector<16xi32>
        %mul3A_802 = arith.constant 16 : i32
        %mul3A_803 = arith.muli %scan3A_762, %mul3A_802 : i32
        %swap3A_804 = arith.index_cast %mul3A_803 : i32 to index
        %swap3A_805 = tpu.vector_load %arg29[%swap3A_804] {strides = array<i32>} : memref<2000xi32, #tpu.memory_space<vmem>>, vector<16xi32>,
        tpu.vector_store %arg29[%swap3A_804], %convert_element_type3A_801 {strides = array<i32>} : memref<2000xi32, #tpu.memory_space<vmem>>, vector<16xi32>,
        %select_n3A_806 = arith.select %lt3A_793, %sub3A_781, %broadcast_in_dim3A_795 : vector<16xi1>, vector<16xf32>
        tpu.vector_store_idx %arg27[%add3A_766, %broadcast_in_dim3A_1], %select_n3A_806 : memref<2000x3xf32, #tpu.memory_space<vmem>>[vector<16xi32>, vector<16xi32>], vector<16xf32>,
        %select_n3A_807 = arith.select %lt3A_793, %sub3A_783, %broadcast_in_dim3A_795 : vector<16xi1>, vector<16xf32>
        tpu.vector_store_idx %arg27[%add3A_766, %broadcast_in_dim3A_3], %select_n3A_807 : memref<2000x3xf32, #tpu.memory_space<vmem>>[vector<16xi32>, vector<16xi32>], vector<16xf32>,
        %select_n3A_808 = arith.select %lt3A_793, %sub3A_785, %broadcast_in_dim3A_795 : vector<16xi1>, vector<16xf32>
        tpu.vector_store_idx %arg27[%add3A_766, %broadcast_in_dim3A_5], %select_n3A_808 : memref<2000x3xf32, #tpu.memory_space<vmem>>[vector<16xi32>, vector<16xi32>], vector<16xf32>,
      }
      %scan3A_543 = arith.constant 124 : i32
      %scan3A_544 = arith.addi %scan3A_539, %scan3A_543 : i32
      %mul3A_545 = arith.constant 16 : i32
      %mul3A_546 = arith.muli %scan3A_544, %mul3A_545 : i32
      %add3A_547 = vector.broadcast %mul3A_546 : i32 to vector<16xi32>
      %add3A_548 = arith.addi %iota3A, %add3A_547 : vector<16xi32>
      %mul3A_549 = arith.constant 16 : i32
      %mul3A_550 = arith.muli %scan3A_544, %mul3A_549 : i32
      %get3A_551 = arith.index_cast %mul3A_550 : i32 to index
      %get3A_552 = tpu.vector_load %arg23[%get3A_551] {strides = array<i32>} : memref<2000xi32, #tpu.memory_space<vmem>>, vector<16xi32>,
      %gather3A_553 = tpu.vector_load_idx %arg24[%add3A_548, %broadcast_in_dim3A_1] : memref<2000x8xf32, #tpu.memory_space<vmem>>[vector<16xi32>, vector<16xi32>], vector<16xf32>,
      %gather3A_554 = tpu.vector_load_idx %arg24[%add3A_548, %broadcast_in_dim3A_3] : memref<2000x8xf32, #tpu.memory_space<vmem>>[vector<16xi32>, vector<16xi32>], vector<16xf32>,
      %gather3A_555 = tpu.vector_load_idx %arg24[%add3A_548, %broadcast_in_dim3A_5] : memref<2000x8xf32, #tpu.memory_space<vmem>>[vector<16xi32>, vector<16xi32>], vector<16xf32>,
      %gather3A_556 = tpu.vector_load_idx %arg25[%add3A_548, %broadcast_in_dim3A_1] : memref<2000x8xf32, #tpu.memory_space<vmem>>[vector<16xi32>, vector<16xi32>], vector<16xf32>,
      %gather3A_557 = tpu.vector_load_idx %arg25[%add3A_548, %broadcast_in_dim3A_3] : memref<2000x8xf32, #tpu.memory_space<vmem>>[vector<16xi32>, vector<16xi32>], vector<16xf32>,
      %gather3A_558 = tpu.vector_load_idx %arg25[%add3A_548, %broadcast_in_dim3A_5] : memref<2000x8xf32, #tpu.memory_space<vmem>>[vector<16xi32>, vector<16xi32>], vector<16xf32>,
      %gather3A_559 = tpu.vector_load_idx %arg10[%get3A_552, %broadcast_in_dim3A_1] : memref<32x3xf32, #tpu.memory_space<vmem>>[vector<16xi32>, vector<16xi32>], vector<16xf32>,
      %gather3A_560 = tpu.vector_load_idx %arg10[%get3A_552, %broadcast_in_dim3A_3] : memref<32x3xf32, #tpu.memory_space<vmem>>[vector<16xi32>, vector<16xi32>], vector<16xf32>,
      %gather3A_561 = tpu.vector_load_idx %arg10[%get3A_552, %broadcast_in_dim3A_5] : memref<32x3xf32, #tpu.memory_space<vmem>>[vector<16xi32>, vector<16xi32>], vector<16xf32>,
      %add3A_562 = arith.addf %gather3A_556, %gather3A_559 : vector<16xf32>
      %sub3A_563 = arith.subf %add3A_562, %gather3A_553 : vector<16xf32>
      %add3A_564 = arith.addf %gather3A_557, %gather3A_560 : vector<16xf32>
      %sub3A_565 = arith.subf %add3A_564, %gather3A_554 : vector<16xf32>
      %add3A_566 = arith.addf %gather3A_558, %gather3A_561 : vector<16xf32>
      %sub3A_567 = arith.subf %add3A_566, %gather3A_555 : vector<16xf32>
      %mul3A_568 = arith.mulf %sub3A_563, %sub3A_563 : vector<16xf32>
      %mul3A_569 = arith.mulf %sub3A_565, %sub3A_565 : vector<16xf32>
      %add3A_570 = arith.addf %mul3A_568, %mul3A_569 : vector<16xf32>
      %mul3A_571 = arith.mulf %sub3A_567, %sub3A_567 : vector<16xf32>
      %add3A_572 = arith.addf %add3A_570, %mul3A_571 : vector<16xf32>
      %lt3A_573 = arith.constant 3.600000e+01 : f32
      %lt3A_574 = vector.broadcast %lt3A_573 : f32 to vector<16xf32>
      %lt3A_575 = arith.cmpf olt, %add3A_572, %lt3A_574 : vector<16xf32>
      %broadcast_in_dim3A_576 = arith.constant 0.000000e+00 : f32
      %broadcast_in_dim3A_577 = vector.broadcast %broadcast_in_dim3A_576 : f32 to vector<16xf32>
      %select_n3A_578 = arith.select %lt3A_575, %add3A_572, %broadcast_in_dim3A_577 : vector<16xi1>, vector<16xf32>
      %mul3A_579 = arith.constant 16 : i32
      %mul3A_580 = arith.muli %scan3A_544, %mul3A_579 : i32
      %swap3A_581 = arith.index_cast %mul3A_580 : i32 to index
      %swap3A_582 = tpu.vector_load %arg28[%swap3A_581] {strides = array<i32>} : memref<2000xf32, #tpu.memory_space<vmem>>, vector<16xf32>,
      tpu.vector_store %arg28[%swap3A_581], %select_n3A_578 {strides = array<i32>} : memref<2000xf32, #tpu.memory_space<vmem>>, vector<16xf32>,
      %convert_element_type3A_583 = arith.extui %lt3A_575 : vector<16xi1> to vector<16xi32>
      %mul3A_584 = arith.constant 16 : i32
      %mul3A_585 = arith.muli %scan3A_544, %mul3A_584 : i32
      %swap3A_586 = arith.index_cast %mul3A_585 : i32 to index
      %swap3A_587 = tpu.vector_load %arg29[%swap3A_586] {strides = array<i32>} : memref<2000xi32, #tpu.memory_space<vmem>>, vector<16xi32>,
      tpu.vector_store %arg29[%swap3A_586], %convert_element_type3A_583 {strides = array<i32>} : memref<2000xi32, #tpu.memory_space<vmem>>, vector<16xi32>,
      %select_n3A_588 = arith.select %lt3A_575, %sub3A_563, %broadcast_in_dim3A_577 : vector<16xi1>, vector<16xf32>
      tpu.vector_store_idx %arg27[%add3A_548, %broadcast_in_dim3A_1], %select_n3A_588 : memref<2000x3xf32, #tpu.memory_space<vmem>>[vector<16xi32>, vector<16xi32>], vector<16xf32>,
      %select_n3A_589 = arith.select %lt3A_575, %sub3A_565, %broadcast_in_dim3A_577 : vector<16xi1>, vector<16xf32>
      tpu.vector_store_idx %arg27[%add3A_548, %broadcast_in_dim3A_3], %select_n3A_589 : memref<2000x3xf32, #tpu.memory_space<vmem>>[vector<16xi32>, vector<16xi32>], vector<16xf32>,
      %select_n3A_590 = arith.select %lt3A_575, %sub3A_567, %broadcast_in_dim3A_577 : vector<16xi1>, vector<16xf32>
      tpu.vector_store_idx %arg27[%add3A_548, %broadcast_in_dim3A_5], %select_n3A_590 : memref<2000x3xf32, #tpu.memory_space<vmem>>[vector<16xi32>, vector<16xi32>], vector<16xf32>,
      %scan3A_591 = arith.constant 125 : i32
      %mul3A_592 = arith.constant 25 : i32
      %mul3A_593 = arith.muli %add3A_516, %mul3A_592 : i32
      %add3A_594 = arith.addi %mul3A_7, %mul3A_593 : i32
      %mul3A_595 = arith.constant 80 : i32
      %mul3A_596 = arith.muli %add3A_594, %mul3A_595 : i32
      %dma_start3A_597 = arith.constant 0 : i32
      %dma_start3A_598 = tpu.memref_slice %arg7[%mul3A_596, %dma_start3A_597] : memref<3200000x3xf32, #tpu.memory_space<hbm>> -> memref<2000x3xf32, #tpu.memory_space<hbm>>
      %dma_start3A_599 = arith.constant 0 : i32
      %dma_start3A_600 = tpu.memref_slice %arg7[%mul3A_596, %dma_start3A_599] : memref<3200000x3xf32, #tpu.memory_space<hbm>> -> memref<2000x3xf32, #tpu.memory_space<hbm>>
      tpu.enqueue_dma source(%arg27 : memref<2000x3xf32, #tpu.memory_space<vmem>>) target(%dma_start3A_600 : memref<2000x3xf32, #tpu.memory_space<hbm>>) target_semaphore(%arg30 : memref<!tpu.dma_semaphore, #tpu.memory_space<semaphore_mem>>)
      %dma_start3A_601 = tpu.memref_slice %arg8[%mul3A_596] : memref<3200000xf32, #tpu.memory_space<hbm>> -> memref<2000xf32, #tpu.memory_space<hbm>>
      %dma_start3A_602 = tpu.memref_slice %arg8[%mul3A_596] : memref<3200000xf32, #tpu.memory_space<hbm>> -> memref<2000xf32, #tpu.memory_space<hbm>>
      tpu.enqueue_dma source(%arg28 : memref<2000xf32, #tpu.memory_space<vmem>>) target(%dma_start3A_602 : memref<2000xf32, #tpu.memory_space<hbm>>) target_semaphore(%arg30 : memref<!tpu.dma_semaphore, #tpu.memory_space<semaphore_mem>>)
      %dma_start3A_603 = tpu.memref_slice %arg9[%mul3A_596] : memref<3200000xi32, #tpu.memory_space<hbm>> -> memref<2000xi32, #tpu.memory_space<hbm>>
      %dma_start3A_604 = tpu.memref_slice %arg9[%mul3A_596] : memref<3200000xi32, #tpu.memory_space<hbm>> -> memref<2000xi32, #tpu.memory_space<hbm>>
      tpu.enqueue_dma source(%arg29 : memref<2000xi32, #tpu.memory_space<vmem>>) target(%dma_start3A_604 : memref<2000xi32, #tpu.memory_space<hbm>>) target_semaphore(%arg30 : memref<!tpu.dma_semaphore, #tpu.memory_space<semaphore_mem>>)
      %add3A_605 = arith.constant 3 : i32
      %add3A_606 = arith.addi %mul3A_413, %add3A_605 : i32
      %mul3A_607 = arith.constant 25 : i32
      %mul3A_608 = arith.muli %add3A_606, %mul3A_607 : i32
      %add3A_609 = arith.addi %mul3A_7, %mul3A_608 : i32
      %mul3A_610 = arith.constant 80 : i32
      %mul3A_611 = arith.muli %add3A_609, %mul3A_610 : i32
      "tpu.region"() ({
        %run_scoped3A = tpu.sem_alloc : memref<!tpu.dma_semaphore, #tpu.memory_space<semaphore_mem>>
        %dma_start3A_618 = arith.constant 0 : i32
        %dma_start3A_619 = tpu.memref_slice %arg4[%add3A_609, %dma_start3A_618] : memref<40000x80xi32, #tpu.memory_space<hbm>> -> memref<25x80xi32, #tpu.memory_space<hbm>>
        %dma_start3A_620 = arith.constant 0 : i32
        %dma_start3A_621 = tpu.memref_slice %arg4[%add3A_609, %dma_start3A_620] : memref<40000x80xi32, #tpu.memory_space<hbm>> -> memref<25x80xi32, #tpu.memory_space<hbm>>
        tpu.enqueue_dma source(%dma_start3A_621 : memref<25x80xi32, #tpu.memory_space<hbm>>) target(%arg21 : memref<25x80xi32, #tpu.memory_space<vmem>>) target_semaphore(%run_scoped3A : memref<!tpu.dma_semaphore, #tpu.memory_space<semaphore_mem>>)
        %dma_wait3A_622 = arith.constant 0 : i32
        %dma_wait3A_623 = tpu.memref_slice %arg4[%add3A_609, %dma_wait3A_622] : memref<40000x80xi32, #tpu.memory_space<hbm>> -> memref<25x80xi32, #tpu.memory_space<hbm>>
        %dma_wait3A_624 = arith.constant 0 : i32
        %dma_wait3A_625 = tpu.memref_slice %arg4[%add3A_609, %dma_wait3A_624] : memref<40000x80xi32, #tpu.memory_space<hbm>> -> memref<25x80xi32, #tpu.memory_space<hbm>>
        tpu.wait_dma2 semaphore(%run_scoped3A : memref<!tpu.dma_semaphore, #tpu.memory_space<semaphore_mem>>) src(%dma_wait3A_625 : memref<25x80xi32, #tpu.memory_space<hbm>>) dst(%arg21 : memref<25x80xi32, #tpu.memory_space<vmem>>)
        tpu.yield
      }) : () -> ()
      "tpu.region"() ({
        %run_scoped3A = tpu.sem_alloc : memref<!tpu.dma_semaphore, #tpu.memory_space<semaphore_mem>>
        %dma_start3A_618 = arith.constant 0 : i32
        %dma_start3A_619 = tpu.memref_slice %arg5[%add3A_609, %dma_start3A_618] : memref<40000x80xi32, #tpu.memory_space<hbm>> -> memref<25x80xi32, #tpu.memory_space<hbm>>
        %dma_start3A_620 = arith.constant 0 : i32
        %dma_start3A_621 = tpu.memref_slice %arg5[%add3A_609, %dma_start3A_620] : memref<40000x80xi32, #tpu.memory_space<hbm>> -> memref<25x80xi32, #tpu.memory_space<hbm>>
        tpu.enqueue_dma source(%dma_start3A_621 : memref<25x80xi32, #tpu.memory_space<hbm>>) target(%arg22 : memref<25x80xi32, #tpu.memory_space<vmem>>) target_semaphore(%run_scoped3A : memref<!tpu.dma_semaphore, #tpu.memory_space<semaphore_mem>>)
        %dma_wait3A_622 = arith.constant 0 : i32
        %dma_wait3A_623 = tpu.memref_slice %arg5[%add3A_609, %dma_wait3A_622] : memref<40000x80xi32, #tpu.memory_space<hbm>> -> memref<25x80xi32, #tpu.memory_space<hbm>>
        %dma_wait3A_624 = arith.constant 0 : i32
        %dma_wait3A_625 = tpu.memref_slice %arg5[%add3A_609, %dma_wait3A_624] : memref<40000x80xi32, #tpu.memory_space<hbm>> -> memref<25x80xi32, #tpu.memory_space<hbm>>
        tpu.wait_dma2 semaphore(%run_scoped3A : memref<!tpu.dma_semaphore, #tpu.memory_space<semaphore_mem>>) src(%dma_wait3A_625 : memref<25x80xi32, #tpu.memory_space<hbm>>) dst(%arg22 : memref<25x80xi32, #tpu.memory_space<vmem>>)
        tpu.yield
      }) : () -> ()
      "tpu.region"() ({
        %run_scoped3A = tpu.sem_alloc : memref<!tpu.dma_semaphore, #tpu.memory_space<semaphore_mem>>
        %dma_start3A_618 = tpu.memref_slice %arg6[%mul3A_611] : memref<3200000xi32, #tpu.memory_space<hbm>> -> memref<2000xi32, #tpu.memory_space<hbm>>
        %dma_start3A_619 = tpu.memref_slice %arg6[%mul3A_611] : memref<3200000xi32, #tpu.memory_space<hbm>> -> memref<2000xi32, #tpu.memory_space<hbm>>
        tpu.enqueue_dma source(%dma_start3A_619 : memref<2000xi32, #tpu.memory_space<hbm>>) target(%arg23 : memref<2000xi32, #tpu.memory_space<vmem>>) target_semaphore(%run_scoped3A : memref<!tpu.dma_semaphore, #tpu.memory_space<semaphore_mem>>)
        %dma_wait3A_620 = tpu.memref_slice %arg6[%mul3A_611] : memref<3200000xi32, #tpu.memory_space<hbm>> -> memref<2000xi32, #tpu.memory_space<hbm>>
        %dma_wait3A_621 = tpu.memref_slice %arg6[%mul3A_611] : memref<3200000xi32, #tpu.memory_space<hbm>> -> memref<2000xi32, #tpu.memory_space<hbm>>
        tpu.wait_dma2 semaphore(%run_scoped3A : memref<!tpu.dma_semaphore, #tpu.memory_space<semaphore_mem>>) src(%dma_wait3A_621 : memref<2000xi32, #tpu.memory_space<hbm>>) dst(%arg23 : memref<2000xi32, #tpu.memory_space<vmem>>)
        tpu.yield
      }) : () -> ()
      %scan3A_612 = arith.constant 0 : i32
      %scan3A_613 = arith.constant 0 : i32
      %scan3A_614 = arith.constant 25 : i32
      %scan3A_615 = arith.addi %scan3A_613, %scan3A_614 : i32
      %scan3A_616 = arith.constant 1 : i32
      scf.for %scan3A_618 = %scan3A_613 to %scan3A_615 step %scan3A_616  : i32 {
        %mul3A_619 = arith.constant 80 : i32
        %mul3A_620 = arith.muli %scan3A_618, %mul3A_619 : i32
        %dma_start3A_621 = arith.constant 0 : i32
        %dma_start3A_622 = tpu.memref_slice %arg24[%mul3A_620, %dma_start3A_621] : memref<2000x8xf32, #tpu.memory_space<vmem>> -> memref<80x8xf32, #tpu.memory_space<vmem>>
        %dma_start3A_623 = arith.constant 0 : i32
        %dma_start3A_624 = tpu.memref_slice %arg21[%scan3A_618, %dma_start3A_623] : memref<25x80xi32, #tpu.memory_space<vmem>> -> memref<1x80xi32, #tpu.memory_space<vmem>>
        %dma_start3A_625 = tpu.memref_squeeze %dma_start3A_624 : memref<1x80xi32, #tpu.memory_space<vmem>> -> memref<80xi32, #tpu.memory_space<vmem>>
        %dma_start3A_626 = arith.constant 0 : i32
        %dma_start3A_627 = arith.constant 0 : i32
        %dma_start3A_628 = tpu.memref_slice %arg2[%dma_start3A_626, %dma_start3A_627] : memref<50000x8xf32, #tpu.memory_space<hbm>> -> memref<50000x8xf32, #tpu.memory_space<hbm>>
        tpu.enqueue_indirect_dma source(%dma_start3A_628 : memref<50000x8xf32, #tpu.memory_space<hbm>>) target(%dma_start3A_622 : memref<80x8xf32, #tpu.memory_space<vmem>>) offsets(%dma_start3A_625 : memref<80xi32, #tpu.memory_space<vmem>>) semaphore(%arg26 : memref<!tpu.dma_semaphore, #tpu.memory_space<semaphore_mem>>)
        %mul3A_629 = arith.constant 80 : i32
        %mul3A_630 = arith.muli %scan3A_618, %mul3A_629 : i32
        %dma_start3A_631 = arith.constant 0 : i32
        %dma_start3A_632 = tpu.memref_slice %arg25[%mul3A_630, %dma_start3A_631] : memref<2000x8xf32, #tpu.memory_space<vmem>> -> memref<80x8xf32, #tpu.memory_space<vmem>>
        %dma_start3A_633 = arith.constant 0 : i32
        %dma_start3A_634 = tpu.memref_slice %arg22[%scan3A_618, %dma_start3A_633] : memref<25x80xi32, #tpu.memory_space<vmem>> -> memref<1x80xi32, #tpu.memory_space<vmem>>
        %dma_start3A_635 = tpu.memref_squeeze %dma_start3A_634 : memref<1x80xi32, #tpu.memory_space<vmem>> -> memref<80xi32, #tpu.memory_space<vmem>>
        %dma_start3A_636 = arith.constant 0 : i32
        %dma_start3A_637 = arith.constant 0 : i32
        %dma_start3A_638 = tpu.memref_slice %arg2[%dma_start3A_636, %dma_start3A_637] : memref<50000x8xf32, #tpu.memory_space<hbm>> -> memref<50000x8xf32, #tpu.memory_space<hbm>>
        tpu.enqueue_indirect_dma source(%dma_start3A_638 : memref<50000x8xf32, #tpu.memory_space<hbm>>) target(%dma_start3A_632 : memref<80x8xf32, #tpu.memory_space<vmem>>) offsets(%dma_start3A_635 : memref<80xi32, #tpu.memory_space<vmem>>) semaphore(%arg26 : memref<!tpu.dma_semaphore, #tpu.memory_space<semaphore_mem>>)
      }
      %scan3A_617 = arith.constant 25 : i32
    }
    %scan3A_200 = arith.constant 23 : i32
    %scan3A_201 = arith.constant 0 : i32
    %scan3A_202 = arith.constant 0 : i32
    %scan3A_203 = arith.constant 25 : i32
    %scan3A_204 = arith.addi %scan3A_202, %scan3A_203 : i32
    %scan3A_205 = arith.constant 1 : i32
    scf.for %scan3A_411 = %scan3A_202 to %scan3A_204 step %scan3A_205  : i32 {
      %mul3A_412 = arith.constant 80 : i32
      %mul3A_413 = arith.muli %scan3A_411, %mul3A_412 : i32
      %dma_wait3A_414 = arith.constant 0 : i32
      %dma_wait3A_415 = tpu.memref_slice %arg14[%mul3A_413, %dma_wait3A_414] : memref<2000x8xf32, #tpu.memory_space<vmem>> -> memref<80x8xf32, #tpu.memory_space<vmem>>
      %dma_wait3A_416 = arith.constant 0 : i32
      %dma_wait3A_417 = tpu.memref_slice %arg11[%scan3A_411, %dma_wait3A_416] : memref<25x80xi32, #tpu.memory_space<vmem>> -> memref<1x80xi32, #tpu.memory_space<vmem>>
      %dma_wait3A_418 = tpu.memref_squeeze %dma_wait3A_417 : memref<1x80xi32, #tpu.memory_space<vmem>> -> memref<80xi32, #tpu.memory_space<vmem>>
      %dma_wait3A_419 = arith.constant 0 : i32
      %dma_wait3A_420 = arith.constant 0 : i32
      %dma_wait3A_421 = tpu.memref_slice %arg2[%dma_wait3A_419, %dma_wait3A_420] : memref<50000x8xf32, #tpu.memory_space<hbm>> -> memref<50000x8xf32, #tpu.memory_space<hbm>>
      tpu.wait_indirect_dma semaphore(%arg16 : memref<!tpu.dma_semaphore, #tpu.memory_space<semaphore_mem>>) src(%dma_wait3A_421 : memref<50000x8xf32, #tpu.memory_space<hbm>>) dst(%dma_wait3A_415 : memref<80x8xf32, #tpu.memory_space<vmem>>)
      %mul3A_422 = arith.constant 80 : i32
      %mul3A_423 = arith.muli %scan3A_411, %mul3A_422 : i32
      %dma_wait3A_424 = arith.constant 0 : i32
      %dma_wait3A_425 = tpu.memref_slice %arg15[%mul3A_423, %dma_wait3A_424] : memref<2000x8xf32, #tpu.memory_space<vmem>> -> memref<80x8xf32, #tpu.memory_space<vmem>>
      %dma_wait3A_426 = arith.constant 0 : i32
      %dma_wait3A_427 = tpu.memref_slice %arg12[%scan3A_411, %dma_wait3A_426] : memref<25x80xi32, #tpu.memory_space<vmem>> -> memref<1x80xi32, #tpu.memory_space<vmem>>
      %dma_wait3A_428 = tpu.memref_squeeze %dma_wait3A_427 : memref<1x80xi32, #tpu.memory_space<vmem>> -> memref<80xi32, #tpu.memory_space<vmem>>
      %dma_wait3A_429 = arith.constant 0 : i32
      %dma_wait3A_430 = arith.constant 0 : i32
      %dma_wait3A_431 = tpu.memref_slice %arg2[%dma_wait3A_429, %dma_wait3A_430] : memref<50000x8xf32, #tpu.memory_space<hbm>> -> memref<50000x8xf32, #tpu.memory_space<hbm>>
      tpu.wait_indirect_dma semaphore(%arg16 : memref<!tpu.dma_semaphore, #tpu.memory_space<semaphore_mem>>) src(%dma_wait3A_431 : memref<50000x8xf32, #tpu.memory_space<hbm>>) dst(%dma_wait3A_425 : memref<80x8xf32, #tpu.memory_space<vmem>>)
    }
    %scan3A_206 = arith.constant 25 : i32
    %sub3A_207 = arith.constant 48 : i32
    %sub3A_208 = arith.constant 2 : i32
    %sub3A_209 = arith.subi %sub3A_207, %sub3A_208 : i32
    %mul3A_210 = arith.constant 25 : i32
    %mul3A_211 = arith.muli %sub3A_209, %mul3A_210 : i32
    %add3A_212 = arith.addi %mul3A_7, %mul3A_211 : i32
    %mul3A_213 = arith.constant 80 : i32
    %mul3A_214 = arith.muli %add3A_212, %mul3A_213 : i32
    %dma_wait3A = arith.constant 0 : i32
    %dma_wait3A_215 = tpu.memref_slice %arg7[%mul3A_214, %dma_wait3A] : memref<3200000x3xf32, #tpu.memory_space<hbm>> -> memref<2000x3xf32, #tpu.memory_space<hbm>>
    %dma_wait3A_216 = arith.constant 0 : i32
    %dma_wait3A_217 = tpu.memref_slice %arg7[%mul3A_214, %dma_wait3A_216] : memref<3200000x3xf32, #tpu.memory_space<hbm>> -> memref<2000x3xf32, #tpu.memory_space<hbm>>
    tpu.wait_dma2 semaphore(%arg20 : memref<!tpu.dma_semaphore, #tpu.memory_space<semaphore_mem>>) src(%arg17 : memref<2000x3xf32, #tpu.memory_space<vmem>>) dst(%dma_wait3A_217 : memref<2000x3xf32, #tpu.memory_space<hbm>>)
    %dma_wait3A_218 = tpu.memref_slice %arg8[%mul3A_214] : memref<3200000xf32, #tpu.memory_space<hbm>> -> memref<2000xf32, #tpu.memory_space<hbm>>
    %dma_wait3A_219 = tpu.memref_slice %arg8[%mul3A_214] : memref<3200000xf32, #tpu.memory_space<hbm>> -> memref<2000xf32, #tpu.memory_space<hbm>>
    tpu.wait_dma2 semaphore(%arg20 : memref<!tpu.dma_semaphore, #tpu.memory_space<semaphore_mem>>) src(%arg18 : memref<2000xf32, #tpu.memory_space<vmem>>) dst(%dma_wait3A_219 : memref<2000xf32, #tpu.memory_space<hbm>>)
    %dma_wait3A_220 = tpu.memref_slice %arg9[%mul3A_214] : memref<3200000xi32, #tpu.memory_space<hbm>> -> memref<2000xi32, #tpu.memory_space<hbm>>
    %dma_wait3A_221 = tpu.memref_slice %arg9[%mul3A_214] : memref<3200000xi32, #tpu.memory_space<hbm>> -> memref<2000xi32, #tpu.memory_space<hbm>>
    tpu.wait_dma2 semaphore(%arg20 : memref<!tpu.dma_semaphore, #tpu.memory_space<semaphore_mem>>) src(%arg19 : memref<2000xi32, #tpu.memory_space<vmem>>) dst(%dma_wait3A_221 : memref<2000xi32, #tpu.memory_space<hbm>>)
    %scan3A_222 = arith.constant 0 : i32
    %scan3A_223 = arith.constant 0 : i32
    %scan3A_224 = arith.constant 124 : i32
    %scan3A_225 = arith.addi %scan3A_223, %scan3A_224 : i32
    %scan3A_226 = arith.constant 4 : i32
    scf.for %scan3A_411 = %scan3A_223 to %scan3A_225 step %scan3A_226  : i32 {
      %mul3A_412 = arith.constant 16 : i32
      %mul3A_413 = arith.muli %scan3A_411, %mul3A_412 : i32
      %add3A_414 = vector.broadcast %mul3A_413 : i32 to vector<16xi32>
      %add3A_415 = arith.addi %iota3A, %add3A_414 : vector<16xi32>
      %mul3A_416 = arith.constant 16 : i32
      %mul3A_417 = arith.muli %scan3A_411, %mul3A_416 : i32
      %get3A_418 = arith.index_cast %mul3A_417 : i32 to index
      %get3A_419 = tpu.vector_load %arg13[%get3A_418] {strides = array<i32>} : memref<2000xi32, #tpu.memory_space<vmem>>, vector<16xi32>,
      %gather3A_420 = tpu.vector_load_idx %arg14[%add3A_415, %broadcast_in_dim3A_1] : memref<2000x8xf32, #tpu.memory_space<vmem>>[vector<16xi32>, vector<16xi32>], vector<16xf32>,
      %gather3A_421 = tpu.vector_load_idx %arg14[%add3A_415, %broadcast_in_dim3A_3] : memref<2000x8xf32, #tpu.memory_space<vmem>>[vector<16xi32>, vector<16xi32>], vector<16xf32>,
      %gather3A_422 = tpu.vector_load_idx %arg14[%add3A_415, %broadcast_in_dim3A_5] : memref<2000x8xf32, #tpu.memory_space<vmem>>[vector<16xi32>, vector<16xi32>], vector<16xf32>,
      %gather3A_423 = tpu.vector_load_idx %arg15[%add3A_415, %broadcast_in_dim3A_1] : memref<2000x8xf32, #tpu.memory_space<vmem>>[vector<16xi32>, vector<16xi32>], vector<16xf32>,
      %gather3A_424 = tpu.vector_load_idx %arg15[%add3A_415, %broadcast_in_dim3A_3] : memref<2000x8xf32, #tpu.memory_space<vmem>>[vector<16xi32>, vector<16xi32>], vector<16xf32>,
      %gather3A_425 = tpu.vector_load_idx %arg15[%add3A_415, %broadcast_in_dim3A_5] : memref<2000x8xf32, #tpu.memory_space<vmem>>[vector<16xi32>, vector<16xi32>], vector<16xf32>,
      %gather3A_426 = tpu.vector_load_idx %arg10[%get3A_419, %broadcast_in_dim3A_1] : memref<32x3xf32, #tpu.memory_space<vmem>>[vector<16xi32>, vector<16xi32>], vector<16xf32>,
      %gather3A_427 = tpu.vector_load_idx %arg10[%get3A_419, %broadcast_in_dim3A_3] : memref<32x3xf32, #tpu.memory_space<vmem>>[vector<16xi32>, vector<16xi32>], vector<16xf32>,
      %gather3A_428 = tpu.vector_load_idx %arg10[%get3A_419, %broadcast_in_dim3A_5] : memref<32x3xf32, #tpu.memory_space<vmem>>[vector<16xi32>, vector<16xi32>], vector<16xf32>,
      %add3A_429 = arith.addf %gather3A_423, %gather3A_426 : vector<16xf32>
      %sub3A_430 = arith.subf %add3A_429, %gather3A_420 : vector<16xf32>
      %add3A_431 = arith.addf %gather3A_424, %gather3A_427 : vector<16xf32>
      %sub3A_432 = arith.subf %add3A_431, %gather3A_421 : vector<16xf32>
      %add3A_433 = arith.addf %gather3A_425, %gather3A_428 : vector<16xf32>
      %sub3A_434 = arith.subf %add3A_433, %gather3A_422 : vector<16xf32>
      %mul3A_435 = arith.mulf %sub3A_430, %sub3A_430 : vector<16xf32>
      %mul3A_436 = arith.mulf %sub3A_432, %sub3A_432 : vector<16xf32>
      %add3A_437 = arith.addf %mul3A_435, %mul3A_436 : vector<16xf32>
      %mul3A_438 = arith.mulf %sub3A_434, %sub3A_434 : vector<16xf32>
      %add3A_439 = arith.addf %add3A_437, %mul3A_438 : vector<16xf32>
      %lt3A_440 = arith.constant 3.600000e+01 : f32
      %lt3A_441 = vector.broadcast %lt3A_440 : f32 to vector<16xf32>
      %lt3A_442 = arith.cmpf olt, %add3A_439, %lt3A_441 : vector<16xf32>
      %broadcast_in_dim3A_443 = arith.constant 0.000000e+00 : f32
      %broadcast_in_dim3A_444 = vector.broadcast %broadcast_in_dim3A_443 : f32 to vector<16xf32>
      %select_n3A_445 = arith.select %lt3A_442, %add3A_439, %broadcast_in_dim3A_444 : vector<16xi1>, vector<16xf32>
      %mul3A_446 = arith.constant 16 : i32
      %mul3A_447 = arith.muli %scan3A_411, %mul3A_446 : i32
      %swap3A_448 = arith.index_cast %mul3A_447 : i32 to index
      %swap3A_449 = tpu.vector_load %arg18[%swap3A_448] {strides = array<i32>} : memref<2000xf32, #tpu.memory_space<vmem>>, vector<16xf32>,
      tpu.vector_store %arg18[%swap3A_448], %select_n3A_445 {strides = array<i32>} : memref<2000xf32, #tpu.memory_space<vmem>>, vector<16xf32>,
      %convert_element_type3A_450 = arith.extui %lt3A_442 : vector<16xi1> to vector<16xi32>
      %mul3A_451 = arith.constant 16 : i32
      %mul3A_452 = arith.muli %scan3A_411, %mul3A_451 : i32
      %swap3A_453 = arith.index_cast %mul3A_452 : i32 to index
      %swap3A_454 = tpu.vector_load %arg19[%swap3A_453] {strides = array<i32>} : memref<2000xi32, #tpu.memory_space<vmem>>, vector<16xi32>,
      tpu.vector_store %arg19[%swap3A_453], %convert_element_type3A_450 {strides = array<i32>} : memref<2000xi32, #tpu.memory_space<vmem>>, vector<16xi32>,
      %select_n3A_455 = arith.select %lt3A_442, %sub3A_430, %broadcast_in_dim3A_444 : vector<16xi1>, vector<16xf32>
      tpu.vector_store_idx %arg17[%add3A_415, %broadcast_in_dim3A_1], %select_n3A_455 : memref<2000x3xf32, #tpu.memory_space<vmem>>[vector<16xi32>, vector<16xi32>], vector<16xf32>,
      %select_n3A_456 = arith.select %lt3A_442, %sub3A_432, %broadcast_in_dim3A_444 : vector<16xi1>, vector<16xf32>
      tpu.vector_store_idx %arg17[%add3A_415, %broadcast_in_dim3A_3], %select_n3A_456 : memref<2000x3xf32, #tpu.memory_space<vmem>>[vector<16xi32>, vector<16xi32>], vector<16xf32>,
      %select_n3A_457 = arith.select %lt3A_442, %sub3A_434, %broadcast_in_dim3A_444 : vector<16xi1>, vector<16xf32>
      tpu.vector_store_idx %arg17[%add3A_415, %broadcast_in_dim3A_5], %select_n3A_457 : memref<2000x3xf32, #tpu.memory_space<vmem>>[vector<16xi32>, vector<16xi32>], vector<16xf32>,
      %scan3A_458 = arith.constant 1 : i32
      %scan3A_459 = arith.addi %scan3A_411, %scan3A_458 : i32
      %mul3A_460 = arith.constant 16 : i32
      %mul3A_461 = arith.muli %scan3A_459, %mul3A_460 : i32
      %add3A_462 = vector.broadcast %mul3A_461 : i32 to vector<16xi32>
      %add3A_463 = arith.addi %iota3A, %add3A_462 : vector<16xi32>
      %mul3A_464 = arith.constant 16 : i32
      %mul3A_465 = arith.muli %scan3A_459, %mul3A_464 : i32
      %get3A_466 = arith.index_cast %mul3A_465 : i32 to index
      %get3A_467 = tpu.vector_load %arg13[%get3A_466] {strides = array<i32>} : memref<2000xi32, #tpu.memory_space<vmem>>, vector<16xi32>,
      %gather3A_468 = tpu.vector_load_idx %arg14[%add3A_463, %broadcast_in_dim3A_1] : memref<2000x8xf32, #tpu.memory_space<vmem>>[vector<16xi32>, vector<16xi32>], vector<16xf32>,
      %gather3A_469 = tpu.vector_load_idx %arg14[%add3A_463, %broadcast_in_dim3A_3] : memref<2000x8xf32, #tpu.memory_space<vmem>>[vector<16xi32>, vector<16xi32>], vector<16xf32>,
      %gather3A_470 = tpu.vector_load_idx %arg14[%add3A_463, %broadcast_in_dim3A_5] : memref<2000x8xf32, #tpu.memory_space<vmem>>[vector<16xi32>, vector<16xi32>], vector<16xf32>,
      %gather3A_471 = tpu.vector_load_idx %arg15[%add3A_463, %broadcast_in_dim3A_1] : memref<2000x8xf32, #tpu.memory_space<vmem>>[vector<16xi32>, vector<16xi32>], vector<16xf32>,
      %gather3A_472 = tpu.vector_load_idx %arg15[%add3A_463, %broadcast_in_dim3A_3] : memref<2000x8xf32, #tpu.memory_space<vmem>>[vector<16xi32>, vector<16xi32>], vector<16xf32>,
      %gather3A_473 = tpu.vector_load_idx %arg15[%add3A_463, %broadcast_in_dim3A_5] : memref<2000x8xf32, #tpu.memory_space<vmem>>[vector<16xi32>, vector<16xi32>], vector<16xf32>,
      %gather3A_474 = tpu.vector_load_idx %arg10[%get3A_467, %broadcast_in_dim3A_1] : memref<32x3xf32, #tpu.memory_space<vmem>>[vector<16xi32>, vector<16xi32>], vector<16xf32>,
      %gather3A_475 = tpu.vector_load_idx %arg10[%get3A_467, %broadcast_in_dim3A_3] : memref<32x3xf32, #tpu.memory_space<vmem>>[vector<16xi32>, vector<16xi32>], vector<16xf32>,
      %gather3A_476 = tpu.vector_load_idx %arg10[%get3A_467, %broadcast_in_dim3A_5] : memref<32x3xf32, #tpu.memory_space<vmem>>[vector<16xi32>, vector<16xi32>], vector<16xf32>,
      %add3A_477 = arith.addf %gather3A_471, %gather3A_474 : vector<16xf32>
      %sub3A_478 = arith.subf %add3A_477, %gather3A_468 : vector<16xf32>
      %add3A_479 = arith.addf %gather3A_472, %gather3A_475 : vector<16xf32>
      %sub3A_480 = arith.subf %add3A_479, %gather3A_469 : vector<16xf32>
      %add3A_481 = arith.addf %gather3A_473, %gather3A_476 : vector<16xf32>
      %sub3A_482 = arith.subf %add3A_481, %gather3A_470 : vector<16xf32>
      %mul3A_483 = arith.mulf %sub3A_478, %sub3A_478 : vector<16xf32>
      %mul3A_484 = arith.mulf %sub3A_480, %sub3A_480 : vector<16xf32>
      %add3A_485 = arith.addf %mul3A_483, %mul3A_484 : vector<16xf32>
      %mul3A_486 = arith.mulf %sub3A_482, %sub3A_482 : vector<16xf32>
      %add3A_487 = arith.addf %add3A_485, %mul3A_486 : vector<16xf32>
      %lt3A_488 = arith.constant 3.600000e+01 : f32
      %lt3A_489 = vector.broadcast %lt3A_488 : f32 to vector<16xf32>
      %lt3A_490 = arith.cmpf olt, %add3A_487, %lt3A_489 : vector<16xf32>
      %broadcast_in_dim3A_491 = arith.constant 0.000000e+00 : f32
      %broadcast_in_dim3A_492 = vector.broadcast %broadcast_in_dim3A_491 : f32 to vector<16xf32>
      %select_n3A_493 = arith.select %lt3A_490, %add3A_487, %broadcast_in_dim3A_492 : vector<16xi1>, vector<16xf32>
      %mul3A_494 = arith.constant 16 : i32
      %mul3A_495 = arith.muli %scan3A_459, %mul3A_494 : i32
      %swap3A_496 = arith.index_cast %mul3A_495 : i32 to index
      %swap3A_497 = tpu.vector_load %arg18[%swap3A_496] {strides = array<i32>} : memref<2000xf32, #tpu.memory_space<vmem>>, vector<16xf32>,
      tpu.vector_store %arg18[%swap3A_496], %select_n3A_493 {strides = array<i32>} : memref<2000xf32, #tpu.memory_space<vmem>>, vector<16xf32>,
      %convert_element_type3A_498 = arith.extui %lt3A_490 : vector<16xi1> to vector<16xi32>
      %mul3A_499 = arith.constant 16 : i32
      %mul3A_500 = arith.muli %scan3A_459, %mul3A_499 : i32
      %swap3A_501 = arith.index_cast %mul3A_500 : i32 to index
      %swap3A_502 = tpu.vector_load %arg19[%swap3A_501] {strides = array<i32>} : memref<2000xi32, #tpu.memory_space<vmem>>, vector<16xi32>,
      tpu.vector_store %arg19[%swap3A_501], %convert_element_type3A_498 {strides = array<i32>} : memref<2000xi32, #tpu.memory_space<vmem>>, vector<16xi32>,
      %select_n3A_503 = arith.select %lt3A_490, %sub3A_478, %broadcast_in_dim3A_492 : vector<16xi1>, vector<16xf32>
      tpu.vector_store_idx %arg17[%add3A_463, %broadcast_in_dim3A_1], %select_n3A_503 : memref<2000x3xf32, #tpu.memory_space<vmem>>[vector<16xi32>, vector<16xi32>], vector<16xf32>,
      %select_n3A_504 = arith.select %lt3A_490, %sub3A_480, %broadcast_in_dim3A_492 : vector<16xi1>, vector<16xf32>
      tpu.vector_store_idx %arg17[%add3A_463, %broadcast_in_dim3A_3], %select_n3A_504 : memref<2000x3xf32, #tpu.memory_space<vmem>>[vector<16xi32>, vector<16xi32>], vector<16xf32>,
      %select_n3A_505 = arith.select %lt3A_490, %sub3A_482, %broadcast_in_dim3A_492 : vector<16xi1>, vector<16xf32>
      tpu.vector_store_idx %arg17[%add3A_463, %broadcast_in_dim3A_5], %select_n3A_505 : memref<2000x3xf32, #tpu.memory_space<vmem>>[vector<16xi32>, vector<16xi32>], vector<16xf32>,
      %scan3A_506 = arith.constant 2 : i32
      %scan3A_507 = arith.addi %scan3A_411, %scan3A_506 : i32
      %mul3A_508 = arith.constant 16 : i32
      %mul3A_509 = arith.muli %scan3A_507, %mul3A_508 : i32
      %add3A_510 = vector.broadcast %mul3A_509 : i32 to vector<16xi32>
      %add3A_511 = arith.addi %iota3A, %add3A_510 : vector<16xi32>
      %mul3A_512 = arith.constant 16 : i32
      %mul3A_513 = arith.muli %scan3A_507, %mul3A_512 : i32
      %get3A_514 = arith.index_cast %mul3A_513 : i32 to index
      %get3A_515 = tpu.vector_load %arg13[%get3A_514] {strides = array<i32>} : memref<2000xi32, #tpu.memory_space<vmem>>, vector<16xi32>,
      %gather3A_516 = tpu.vector_load_idx %arg14[%add3A_511, %broadcast_in_dim3A_1] : memref<2000x8xf32, #tpu.memory_space<vmem>>[vector<16xi32>, vector<16xi32>], vector<16xf32>,
      %gather3A_517 = tpu.vector_load_idx %arg14[%add3A_511, %broadcast_in_dim3A_3] : memref<2000x8xf32, #tpu.memory_space<vmem>>[vector<16xi32>, vector<16xi32>], vector<16xf32>,
      %gather3A_518 = tpu.vector_load_idx %arg14[%add3A_511, %broadcast_in_dim3A_5] : memref<2000x8xf32, #tpu.memory_space<vmem>>[vector<16xi32>, vector<16xi32>], vector<16xf32>,
      %gather3A_519 = tpu.vector_load_idx %arg15[%add3A_511, %broadcast_in_dim3A_1] : memref<2000x8xf32, #tpu.memory_space<vmem>>[vector<16xi32>, vector<16xi32>], vector<16xf32>,
      %gather3A_520 = tpu.vector_load_idx %arg15[%add3A_511, %broadcast_in_dim3A_3] : memref<2000x8xf32, #tpu.memory_space<vmem>>[vector<16xi32>, vector<16xi32>], vector<16xf32>,
      %gather3A_521 = tpu.vector_load_idx %arg15[%add3A_511, %broadcast_in_dim3A_5] : memref<2000x8xf32, #tpu.memory_space<vmem>>[vector<16xi32>, vector<16xi32>], vector<16xf32>,
      %gather3A_522 = tpu.vector_load_idx %arg10[%get3A_515, %broadcast_in_dim3A_1] : memref<32x3xf32, #tpu.memory_space<vmem>>[vector<16xi32>, vector<16xi32>], vector<16xf32>,
      %gather3A_523 = tpu.vector_load_idx %arg10[%get3A_515, %broadcast_in_dim3A_3] : memref<32x3xf32, #tpu.memory_space<vmem>>[vector<16xi32>, vector<16xi32>], vector<16xf32>,
      %gather3A_524 = tpu.vector_load_idx %arg10[%get3A_515, %broadcast_in_dim3A_5] : memref<32x3xf32, #tpu.memory_space<vmem>>[vector<16xi32>, vector<16xi32>], vector<16xf32>,
      %add3A_525 = arith.addf %gather3A_519, %gather3A_522 : vector<16xf32>
      %sub3A_526 = arith.subf %add3A_525, %gather3A_516 : vector<16xf32>
      %add3A_527 = arith.addf %gather3A_520, %gather3A_523 : vector<16xf32>
      %sub3A_528 = arith.subf %add3A_527, %gather3A_517 : vector<16xf32>
      %add3A_529 = arith.addf %gather3A_521, %gather3A_524 : vector<16xf32>
      %sub3A_530 = arith.subf %add3A_529, %gather3A_518 : vector<16xf32>
      %mul3A_531 = arith.mulf %sub3A_526, %sub3A_526 : vector<16xf32>
      %mul3A_532 = arith.mulf %sub3A_528, %sub3A_528 : vector<16xf32>
      %add3A_533 = arith.addf %mul3A_531, %mul3A_532 : vector<16xf32>
      %mul3A_534 = arith.mulf %sub3A_530, %sub3A_530 : vector<16xf32>
      %add3A_535 = arith.addf %add3A_533, %mul3A_534 : vector<16xf32>
      %lt3A_536 = arith.constant 3.600000e+01 : f32
      %lt3A_537 = vector.broadcast %lt3A_536 : f32 to vector<16xf32>
      %lt3A_538 = arith.cmpf olt, %add3A_535, %lt3A_537 : vector<16xf32>
      %broadcast_in_dim3A_539 = arith.constant 0.000000e+00 : f32
      %broadcast_in_dim3A_540 = vector.broadcast %broadcast_in_dim3A_539 : f32 to vector<16xf32>
      %select_n3A_541 = arith.select %lt3A_538, %add3A_535, %broadcast_in_dim3A_540 : vector<16xi1>, vector<16xf32>
      %mul3A_542 = arith.constant 16 : i32
      %mul3A_543 = arith.muli %scan3A_507, %mul3A_542 : i32
      %swap3A_544 = arith.index_cast %mul3A_543 : i32 to index
      %swap3A_545 = tpu.vector_load %arg18[%swap3A_544] {strides = array<i32>} : memref<2000xf32, #tpu.memory_space<vmem>>, vector<16xf32>,
      tpu.vector_store %arg18[%swap3A_544], %select_n3A_541 {strides = array<i32>} : memref<2000xf32, #tpu.memory_space<vmem>>, vector<16xf32>,
      %convert_element_type3A_546 = arith.extui %lt3A_538 : vector<16xi1> to vector<16xi32>
      %mul3A_547 = arith.constant 16 : i32
      %mul3A_548 = arith.muli %scan3A_507, %mul3A_547 : i32
      %swap3A_549 = arith.index_cast %mul3A_548 : i32 to index
      %swap3A_550 = tpu.vector_load %arg19[%swap3A_549] {strides = array<i32>} : memref<2000xi32, #tpu.memory_space<vmem>>, vector<16xi32>,
      tpu.vector_store %arg19[%swap3A_549], %convert_element_type3A_546 {strides = array<i32>} : memref<2000xi32, #tpu.memory_space<vmem>>, vector<16xi32>,
      %select_n3A_551 = arith.select %lt3A_538, %sub3A_526, %broadcast_in_dim3A_540 : vector<16xi1>, vector<16xf32>
      tpu.vector_store_idx %arg17[%add3A_511, %broadcast_in_dim3A_1], %select_n3A_551 : memref<2000x3xf32, #tpu.memory_space<vmem>>[vector<16xi32>, vector<16xi32>], vector<16xf32>,
      %select_n3A_552 = arith.select %lt3A_538, %sub3A_528, %broadcast_in_dim3A_540 : vector<16xi1>, vector<16xf32>
      tpu.vector_store_idx %arg17[%add3A_511, %broadcast_in_dim3A_3], %select_n3A_552 : memref<2000x3xf32, #tpu.memory_space<vmem>>[vector<16xi32>, vector<16xi32>], vector<16xf32>,
      %select_n3A_553 = arith.select %lt3A_538, %sub3A_530, %broadcast_in_dim3A_540 : vector<16xi1>, vector<16xf32>
      tpu.vector_store_idx %arg17[%add3A_511, %broadcast_in_dim3A_5], %select_n3A_553 : memref<2000x3xf32, #tpu.memory_space<vmem>>[vector<16xi32>, vector<16xi32>], vector<16xf32>,
      %scan3A_554 = arith.constant 3 : i32
      %scan3A_555 = arith.addi %scan3A_411, %scan3A_554 : i32
      %mul3A_556 = arith.constant 16 : i32
      %mul3A_557 = arith.muli %scan3A_555, %mul3A_556 : i32
      %add3A_558 = vector.broadcast %mul3A_557 : i32 to vector<16xi32>
      %add3A_559 = arith.addi %iota3A, %add3A_558 : vector<16xi32>
      %mul3A_560 = arith.constant 16 : i32
      %mul3A_561 = arith.muli %scan3A_555, %mul3A_560 : i32
      %get3A_562 = arith.index_cast %mul3A_561 : i32 to index
      %get3A_563 = tpu.vector_load %arg13[%get3A_562] {strides = array<i32>} : memref<2000xi32, #tpu.memory_space<vmem>>, vector<16xi32>,
      %gather3A_564 = tpu.vector_load_idx %arg14[%add3A_559, %broadcast_in_dim3A_1] : memref<2000x8xf32, #tpu.memory_space<vmem>>[vector<16xi32>, vector<16xi32>], vector<16xf32>,
      %gather3A_565 = tpu.vector_load_idx %arg14[%add3A_559, %broadcast_in_dim3A_3] : memref<2000x8xf32, #tpu.memory_space<vmem>>[vector<16xi32>, vector<16xi32>], vector<16xf32>,
      %gather3A_566 = tpu.vector_load_idx %arg14[%add3A_559, %broadcast_in_dim3A_5] : memref<2000x8xf32, #tpu.memory_space<vmem>>[vector<16xi32>, vector<16xi32>], vector<16xf32>,
      %gather3A_567 = tpu.vector_load_idx %arg15[%add3A_559, %broadcast_in_dim3A_1] : memref<2000x8xf32, #tpu.memory_space<vmem>>[vector<16xi32>, vector<16xi32>], vector<16xf32>,
      %gather3A_568 = tpu.vector_load_idx %arg15[%add3A_559, %broadcast_in_dim3A_3] : memref<2000x8xf32, #tpu.memory_space<vmem>>[vector<16xi32>, vector<16xi32>], vector<16xf32>,
      %gather3A_569 = tpu.vector_load_idx %arg15[%add3A_559, %broadcast_in_dim3A_5] : memref<2000x8xf32, #tpu.memory_space<vmem>>[vector<16xi32>, vector<16xi32>], vector<16xf32>,
      %gather3A_570 = tpu.vector_load_idx %arg10[%get3A_563, %broadcast_in_dim3A_1] : memref<32x3xf32, #tpu.memory_space<vmem>>[vector<16xi32>, vector<16xi32>], vector<16xf32>,
      %gather3A_571 = tpu.vector_load_idx %arg10[%get3A_563, %broadcast_in_dim3A_3] : memref<32x3xf32, #tpu.memory_space<vmem>>[vector<16xi32>, vector<16xi32>], vector<16xf32>,
      %gather3A_572 = tpu.vector_load_idx %arg10[%get3A_563, %broadcast_in_dim3A_5] : memref<32x3xf32, #tpu.memory_space<vmem>>[vector<16xi32>, vector<16xi32>], vector<16xf32>,
      %add3A_573 = arith.addf %gather3A_567, %gather3A_570 : vector<16xf32>
      %sub3A_574 = arith.subf %add3A_573, %gather3A_564 : vector<16xf32>
      %add3A_575 = arith.addf %gather3A_568, %gather3A_571 : vector<16xf32>
      %sub3A_576 = arith.subf %add3A_575, %gather3A_565 : vector<16xf32>
      %add3A_577 = arith.addf %gather3A_569, %gather3A_572 : vector<16xf32>
      %sub3A_578 = arith.subf %add3A_577, %gather3A_566 : vector<16xf32>
      %mul3A_579 = arith.mulf %sub3A_574, %sub3A_574 : vector<16xf32>
      %mul3A_580 = arith.mulf %sub3A_576, %sub3A_576 : vector<16xf32>
      %add3A_581 = arith.addf %mul3A_579, %mul3A_580 : vector<16xf32>
      %mul3A_582 = arith.mulf %sub3A_578, %sub3A_578 : vector<16xf32>
      %add3A_583 = arith.addf %add3A_581, %mul3A_582 : vector<16xf32>
      %lt3A_584 = arith.constant 3.600000e+01 : f32
      %lt3A_585 = vector.broadcast %lt3A_584 : f32 to vector<16xf32>
      %lt3A_586 = arith.cmpf olt, %add3A_583, %lt3A_585 : vector<16xf32>
      %broadcast_in_dim3A_587 = arith.constant 0.000000e+00 : f32
      %broadcast_in_dim3A_588 = vector.broadcast %broadcast_in_dim3A_587 : f32 to vector<16xf32>
      %select_n3A_589 = arith.select %lt3A_586, %add3A_583, %broadcast_in_dim3A_588 : vector<16xi1>, vector<16xf32>
      %mul3A_590 = arith.constant 16 : i32
      %mul3A_591 = arith.muli %scan3A_555, %mul3A_590 : i32
      %swap3A_592 = arith.index_cast %mul3A_591 : i32 to index
      %swap3A_593 = tpu.vector_load %arg18[%swap3A_592] {strides = array<i32>} : memref<2000xf32, #tpu.memory_space<vmem>>, vector<16xf32>,
      tpu.vector_store %arg18[%swap3A_592], %select_n3A_589 {strides = array<i32>} : memref<2000xf32, #tpu.memory_space<vmem>>, vector<16xf32>,
      %convert_element_type3A_594 = arith.extui %lt3A_586 : vector<16xi1> to vector<16xi32>
      %mul3A_595 = arith.constant 16 : i32
      %mul3A_596 = arith.muli %scan3A_555, %mul3A_595 : i32
      %swap3A_597 = arith.index_cast %mul3A_596 : i32 to index
      %swap3A_598 = tpu.vector_load %arg19[%swap3A_597] {strides = array<i32>} : memref<2000xi32, #tpu.memory_space<vmem>>, vector<16xi32>,
      tpu.vector_store %arg19[%swap3A_597], %convert_element_type3A_594 {strides = array<i32>} : memref<2000xi32, #tpu.memory_space<vmem>>, vector<16xi32>,
      %select_n3A_599 = arith.select %lt3A_586, %sub3A_574, %broadcast_in_dim3A_588 : vector<16xi1>, vector<16xf32>
      tpu.vector_store_idx %arg17[%add3A_559, %broadcast_in_dim3A_1], %select_n3A_599 : memref<2000x3xf32, #tpu.memory_space<vmem>>[vector<16xi32>, vector<16xi32>], vector<16xf32>,
      %select_n3A_600 = arith.select %lt3A_586, %sub3A_576, %broadcast_in_dim3A_588 : vector<16xi1>, vector<16xf32>
      tpu.vector_store_idx %arg17[%add3A_559, %broadcast_in_dim3A_3], %select_n3A_600 : memref<2000x3xf32, #tpu.memory_space<vmem>>[vector<16xi32>, vector<16xi32>], vector<16xf32>,
      %select_n3A_601 = arith.select %lt3A_586, %sub3A_578, %broadcast_in_dim3A_588 : vector<16xi1>, vector<16xf32>
      tpu.vector_store_idx %arg17[%add3A_559, %broadcast_in_dim3A_5], %select_n3A_601 : memref<2000x3xf32, #tpu.memory_space<vmem>>[vector<16xi32>, vector<16xi32>], vector<16xf32>,
    }
    %scan3A_227 = arith.constant 124 : i32
    %scan3A_228 = arith.addi %scan3A_223, %scan3A_227 : i32
    %mul3A_229 = arith.constant 16 : i32
    %mul3A_230 = arith.muli %scan3A_228, %mul3A_229 : i32
    %add3A_231 = vector.broadcast %mul3A_230 : i32 to vector<16xi32>
    %add3A_232 = arith.addi %iota3A, %add3A_231 : vector<16xi32>
    %mul3A_233 = arith.constant 16 : i32
    %mul3A_234 = arith.muli %scan3A_228, %mul3A_233 : i32
    %get3A_235 = arith.index_cast %mul3A_234 : i32 to index
    %get3A_236 = tpu.vector_load %arg13[%get3A_235] {strides = array<i32>} : memref<2000xi32, #tpu.memory_space<vmem>>, vector<16xi32>,
    %gather3A_237 = tpu.vector_load_idx %arg14[%add3A_232, %broadcast_in_dim3A_1] : memref<2000x8xf32, #tpu.memory_space<vmem>>[vector<16xi32>, vector<16xi32>], vector<16xf32>,
    %gather3A_238 = tpu.vector_load_idx %arg14[%add3A_232, %broadcast_in_dim3A_3] : memref<2000x8xf32, #tpu.memory_space<vmem>>[vector<16xi32>, vector<16xi32>], vector<16xf32>,
    %gather3A_239 = tpu.vector_load_idx %arg14[%add3A_232, %broadcast_in_dim3A_5] : memref<2000x8xf32, #tpu.memory_space<vmem>>[vector<16xi32>, vector<16xi32>], vector<16xf32>,
    %gather3A_240 = tpu.vector_load_idx %arg15[%add3A_232, %broadcast_in_dim3A_1] : memref<2000x8xf32, #tpu.memory_space<vmem>>[vector<16xi32>, vector<16xi32>], vector<16xf32>,
    %gather3A_241 = tpu.vector_load_idx %arg15[%add3A_232, %broadcast_in_dim3A_3] : memref<2000x8xf32, #tpu.memory_space<vmem>>[vector<16xi32>, vector<16xi32>], vector<16xf32>,
    %gather3A_242 = tpu.vector_load_idx %arg15[%add3A_232, %broadcast_in_dim3A_5] : memref<2000x8xf32, #tpu.memory_space<vmem>>[vector<16xi32>, vector<16xi32>], vector<16xf32>,
    %gather3A_243 = tpu.vector_load_idx %arg10[%get3A_236, %broadcast_in_dim3A_1] : memref<32x3xf32, #tpu.memory_space<vmem>>[vector<16xi32>, vector<16xi32>], vector<16xf32>,
    %gather3A_244 = tpu.vector_load_idx %arg10[%get3A_236, %broadcast_in_dim3A_3] : memref<32x3xf32, #tpu.memory_space<vmem>>[vector<16xi32>, vector<16xi32>], vector<16xf32>,
    %gather3A_245 = tpu.vector_load_idx %arg10[%get3A_236, %broadcast_in_dim3A_5] : memref<32x3xf32, #tpu.memory_space<vmem>>[vector<16xi32>, vector<16xi32>], vector<16xf32>,
    %add3A_246 = arith.addf %gather3A_240, %gather3A_243 : vector<16xf32>
    %sub3A_247 = arith.subf %add3A_246, %gather3A_237 : vector<16xf32>
    %add3A_248 = arith.addf %gather3A_241, %gather3A_244 : vector<16xf32>
    %sub3A_249 = arith.subf %add3A_248, %gather3A_238 : vector<16xf32>
    %add3A_250 = arith.addf %gather3A_242, %gather3A_245 : vector<16xf32>
    %sub3A_251 = arith.subf %add3A_250, %gather3A_239 : vector<16xf32>
    %mul3A_252 = arith.mulf %sub3A_247, %sub3A_247 : vector<16xf32>
    %mul3A_253 = arith.mulf %sub3A_249, %sub3A_249 : vector<16xf32>
    %add3A_254 = arith.addf %mul3A_252, %mul3A_253 : vector<16xf32>
    %mul3A_255 = arith.mulf %sub3A_251, %sub3A_251 : vector<16xf32>
    %add3A_256 = arith.addf %add3A_254, %mul3A_255 : vector<16xf32>
    %lt3A_257 = arith.constant 3.600000e+01 : f32
    %lt3A_258 = vector.broadcast %lt3A_257 : f32 to vector<16xf32>
    %lt3A_259 = arith.cmpf olt, %add3A_256, %lt3A_258 : vector<16xf32>
    %broadcast_in_dim3A_260 = arith.constant 0.000000e+00 : f32
    %broadcast_in_dim3A_261 = vector.broadcast %broadcast_in_dim3A_260 : f32 to vector<16xf32>
    %select_n3A_262 = arith.select %lt3A_259, %add3A_256, %broadcast_in_dim3A_261 : vector<16xi1>, vector<16xf32>
    %mul3A_263 = arith.constant 16 : i32
    %mul3A_264 = arith.muli %scan3A_228, %mul3A_263 : i32
    %swap3A_265 = arith.index_cast %mul3A_264 : i32 to index
    %swap3A_266 = tpu.vector_load %arg18[%swap3A_265] {strides = array<i32>} : memref<2000xf32, #tpu.memory_space<vmem>>, vector<16xf32>,
    tpu.vector_store %arg18[%swap3A_265], %select_n3A_262 {strides = array<i32>} : memref<2000xf32, #tpu.memory_space<vmem>>, vector<16xf32>,
    %convert_element_type3A_267 = arith.extui %lt3A_259 : vector<16xi1> to vector<16xi32>
    %mul3A_268 = arith.constant 16 : i32
    %mul3A_269 = arith.muli %scan3A_228, %mul3A_268 : i32
    %swap3A_270 = arith.index_cast %mul3A_269 : i32 to index
    %swap3A_271 = tpu.vector_load %arg19[%swap3A_270] {strides = array<i32>} : memref<2000xi32, #tpu.memory_space<vmem>>, vector<16xi32>,
    tpu.vector_store %arg19[%swap3A_270], %convert_element_type3A_267 {strides = array<i32>} : memref<2000xi32, #tpu.memory_space<vmem>>, vector<16xi32>,
    %select_n3A_272 = arith.select %lt3A_259, %sub3A_247, %broadcast_in_dim3A_261 : vector<16xi1>, vector<16xf32>
    tpu.vector_store_idx %arg17[%add3A_232, %broadcast_in_dim3A_1], %select_n3A_272 : memref<2000x3xf32, #tpu.memory_space<vmem>>[vector<16xi32>, vector<16xi32>], vector<16xf32>,
    %select_n3A_273 = arith.select %lt3A_259, %sub3A_249, %broadcast_in_dim3A_261 : vector<16xi1>, vector<16xf32>
    tpu.vector_store_idx %arg17[%add3A_232, %broadcast_in_dim3A_3], %select_n3A_273 : memref<2000x3xf32, #tpu.memory_space<vmem>>[vector<16xi32>, vector<16xi32>], vector<16xf32>,
    %select_n3A_274 = arith.select %lt3A_259, %sub3A_251, %broadcast_in_dim3A_261 : vector<16xi1>, vector<16xf32>
    tpu.vector_store_idx %arg17[%add3A_232, %broadcast_in_dim3A_5], %select_n3A_274 : memref<2000x3xf32, #tpu.memory_space<vmem>>[vector<16xi32>, vector<16xi32>], vector<16xf32>,
    %scan3A_275 = arith.constant 125 : i32
    %mul3A_276 = arith.constant 48 : i32
    %mul3A_277 = arith.constant 25 : i32
    %mul3A_278 = arith.muli %mul3A_276, %mul3A_277 : i32
    %add3A_279 = arith.addi %mul3A_7, %mul3A_278 : i32
    %mul3A_280 = arith.constant 80 : i32
    %mul3A_281 = arith.muli %add3A_279, %mul3A_280 : i32
    %dma_start3A_282 = arith.constant 0 : i32
    %dma_start3A_283 = tpu.memref_slice %arg7[%mul3A_281, %dma_start3A_282] : memref<3200000x3xf32, #tpu.memory_space<hbm>> -> memref<2000x3xf32, #tpu.memory_space<hbm>>
    %dma_start3A_284 = arith.constant 0 : i32
    %dma_start3A_285 = tpu.memref_slice %arg7[%mul3A_281, %dma_start3A_284] : memref<3200000x3xf32, #tpu.memory_space<hbm>> -> memref<2000x3xf32, #tpu.memory_space<hbm>>
    tpu.enqueue_dma source(%arg17 : memref<2000x3xf32, #tpu.memory_space<vmem>>) target(%dma_start3A_285 : memref<2000x3xf32, #tpu.memory_space<hbm>>) target_semaphore(%arg20 : memref<!tpu.dma_semaphore, #tpu.memory_space<semaphore_mem>>)
    %dma_start3A_286 = tpu.memref_slice %arg8[%mul3A_281] : memref<3200000xf32, #tpu.memory_space<hbm>> -> memref<2000xf32, #tpu.memory_space<hbm>>
    %dma_start3A_287 = tpu.memref_slice %arg8[%mul3A_281] : memref<3200000xf32, #tpu.memory_space<hbm>> -> memref<2000xf32, #tpu.memory_space<hbm>>
    tpu.enqueue_dma source(%arg18 : memref<2000xf32, #tpu.memory_space<vmem>>) target(%dma_start3A_287 : memref<2000xf32, #tpu.memory_space<hbm>>) target_semaphore(%arg20 : memref<!tpu.dma_semaphore, #tpu.memory_space<semaphore_mem>>)
    %dma_start3A_288 = tpu.memref_slice %arg9[%mul3A_281] : memref<3200000xi32, #tpu.memory_space<hbm>> -> memref<2000xi32, #tpu.memory_space<hbm>>
    %dma_start3A_289 = tpu.memref_slice %arg9[%mul3A_281] : memref<3200000xi32, #tpu.memory_space<hbm>> -> memref<2000xi32, #tpu.memory_space<hbm>>
    tpu.enqueue_dma source(%arg19 : memref<2000xi32, #tpu.memory_space<vmem>>) target(%dma_start3A_289 : memref<2000xi32, #tpu.memory_space<hbm>>) target_semaphore(%arg20 : memref<!tpu.dma_semaphore, #tpu.memory_space<semaphore_mem>>)
    %add3A_290 = arith.constant 48 : i32
    %add3A_291 = arith.constant 1 : i32
    %add3A_292 = arith.addi %add3A_290, %add3A_291 : i32
    %scan3A_293 = arith.constant 0 : i32
    %scan3A_294 = arith.constant 0 : i32
    %scan3A_295 = arith.constant 25 : i32
    %scan3A_296 = arith.addi %scan3A_294, %scan3A_295 : i32
    %scan3A_297 = arith.constant 1 : i32
    scf.for %scan3A_411 = %scan3A_294 to %scan3A_296 step %scan3A_297  : i32 {
      %mul3A_412 = arith.constant 80 : i32
      %mul3A_413 = arith.muli %scan3A_411, %mul3A_412 : i32
      %dma_wait3A_414 = arith.constant 0 : i32
      %dma_wait3A_415 = tpu.memref_slice %arg24[%mul3A_413, %dma_wait3A_414] : memref<2000x8xf32, #tpu.memory_space<vmem>> -> memref<80x8xf32, #tpu.memory_space<vmem>>
      %dma_wait3A_416 = arith.constant 0 : i32
      %dma_wait3A_417 = tpu.memref_slice %arg21[%scan3A_411, %dma_wait3A_416] : memref<25x80xi32, #tpu.memory_space<vmem>> -> memref<1x80xi32, #tpu.memory_space<vmem>>
      %dma_wait3A_418 = tpu.memref_squeeze %dma_wait3A_417 : memref<1x80xi32, #tpu.memory_space<vmem>> -> memref<80xi32, #tpu.memory_space<vmem>>
      %dma_wait3A_419 = arith.constant 0 : i32
      %dma_wait3A_420 = arith.constant 0 : i32
      %dma_wait3A_421 = tpu.memref_slice %arg2[%dma_wait3A_419, %dma_wait3A_420] : memref<50000x8xf32, #tpu.memory_space<hbm>> -> memref<50000x8xf32, #tpu.memory_space<hbm>>
      tpu.wait_indirect_dma semaphore(%arg26 : memref<!tpu.dma_semaphore, #tpu.memory_space<semaphore_mem>>) src(%dma_wait3A_421 : memref<50000x8xf32, #tpu.memory_space<hbm>>) dst(%dma_wait3A_415 : memref<80x8xf32, #tpu.memory_space<vmem>>)
      %mul3A_422 = arith.constant 80 : i32
      %mul3A_423 = arith.muli %scan3A_411, %mul3A_422 : i32
      %dma_wait3A_424 = arith.constant 0 : i32
      %dma_wait3A_425 = tpu.memref_slice %arg25[%mul3A_423, %dma_wait3A_424] : memref<2000x8xf32, #tpu.memory_space<vmem>> -> memref<80x8xf32, #tpu.memory_space<vmem>>
      %dma_wait3A_426 = arith.constant 0 : i32
      %dma_wait3A_427 = tpu.memref_slice %arg22[%scan3A_411, %dma_wait3A_426] : memref<25x80xi32, #tpu.memory_space<vmem>> -> memref<1x80xi32, #tpu.memory_space<vmem>>
      %dma_wait3A_428 = tpu.memref_squeeze %dma_wait3A_427 : memref<1x80xi32, #tpu.memory_space<vmem>> -> memref<80xi32, #tpu.memory_space<vmem>>
      %dma_wait3A_429 = arith.constant 0 : i32
      %dma_wait3A_430 = arith.constant 0 : i32
      %dma_wait3A_431 = tpu.memref_slice %arg2[%dma_wait3A_429, %dma_wait3A_430] : memref<50000x8xf32, #tpu.memory_space<hbm>> -> memref<50000x8xf32, #tpu.memory_space<hbm>>
      tpu.wait_indirect_dma semaphore(%arg26 : memref<!tpu.dma_semaphore, #tpu.memory_space<semaphore_mem>>) src(%dma_wait3A_431 : memref<50000x8xf32, #tpu.memory_space<hbm>>) dst(%dma_wait3A_425 : memref<80x8xf32, #tpu.memory_space<vmem>>)
    }
    %scan3A_298 = arith.constant 25 : i32
    %sub3A_299 = arith.constant 2 : i32
    %sub3A_300 = arith.subi %add3A_292, %sub3A_299 : i32
    %mul3A_301 = arith.constant 25 : i32
    %mul3A_302 = arith.muli %sub3A_300, %mul3A_301 : i32
    %add3A_303 = arith.addi %mul3A_7, %mul3A_302 : i32
    %mul3A_304 = arith.constant 80 : i32
    %mul3A_305 = arith.muli %add3A_303, %mul3A_304 : i32
    %dma_wait3A_306 = arith.constant 0 : i32
    %dma_wait3A_307 = tpu.memref_slice %arg7[%mul3A_305, %dma_wait3A_306] : memref<3200000x3xf32, #tpu.memory_space<hbm>> -> memref<2000x3xf32, #tpu.memory_space<hbm>>
    %dma_wait3A_308 = arith.constant 0 : i32
    %dma_wait3A_309 = tpu.memref_slice %arg7[%mul3A_305, %dma_wait3A_308] : memref<3200000x3xf32, #tpu.memory_space<hbm>> -> memref<2000x3xf32, #tpu.memory_space<hbm>>
    tpu.wait_dma2 semaphore(%arg30 : memref<!tpu.dma_semaphore, #tpu.memory_space<semaphore_mem>>) src(%arg27 : memref<2000x3xf32, #tpu.memory_space<vmem>>) dst(%dma_wait3A_309 : memref<2000x3xf32, #tpu.memory_space<hbm>>)
    %dma_wait3A_310 = tpu.memref_slice %arg8[%mul3A_305] : memref<3200000xf32, #tpu.memory_space<hbm>> -> memref<2000xf32, #tpu.memory_space<hbm>>
    %dma_wait3A_311 = tpu.memref_slice %arg8[%mul3A_305] : memref<3200000xf32, #tpu.memory_space<hbm>> -> memref<2000xf32, #tpu.memory_space<hbm>>
    tpu.wait_dma2 semaphore(%arg30 : memref<!tpu.dma_semaphore, #tpu.memory_space<semaphore_mem>>) src(%arg28 : memref<2000xf32, #tpu.memory_space<vmem>>) dst(%dma_wait3A_311 : memref<2000xf32, #tpu.memory_space<hbm>>)
    %dma_wait3A_312 = tpu.memref_slice %arg9[%mul3A_305] : memref<3200000xi32, #tpu.memory_space<hbm>> -> memref<2000xi32, #tpu.memory_space<hbm>>
    %dma_wait3A_313 = tpu.memref_slice %arg9[%mul3A_305] : memref<3200000xi32, #tpu.memory_space<hbm>> -> memref<2000xi32, #tpu.memory_space<hbm>>
    tpu.wait_dma2 semaphore(%arg30 : memref<!tpu.dma_semaphore, #tpu.memory_space<semaphore_mem>>) src(%arg29 : memref<2000xi32, #tpu.memory_space<vmem>>) dst(%dma_wait3A_313 : memref<2000xi32, #tpu.memory_space<hbm>>)
    %scan3A_314 = arith.constant 0 : i32
    %scan3A_315 = arith.constant 0 : i32
    %scan3A_316 = arith.constant 124 : i32
    %scan3A_317 = arith.addi %scan3A_315, %scan3A_316 : i32
    %scan3A_318 = arith.constant 4 : i32
    scf.for %scan3A_411 = %scan3A_315 to %scan3A_317 step %scan3A_318  : i32 {
      %mul3A_412 = arith.constant 16 : i32
      %mul3A_413 = arith.muli %scan3A_411, %mul3A_412 : i32
      %add3A_414 = vector.broadcast %mul3A_413 : i32 to vector<16xi32>
      %add3A_415 = arith.addi %iota3A, %add3A_414 : vector<16xi32>
      %mul3A_416 = arith.constant 16 : i32
      %mul3A_417 = arith.muli %scan3A_411, %mul3A_416 : i32
      %get3A_418 = arith.index_cast %mul3A_417 : i32 to index
      %get3A_419 = tpu.vector_load %arg23[%get3A_418] {strides = array<i32>} : memref<2000xi32, #tpu.memory_space<vmem>>, vector<16xi32>,
      %gather3A_420 = tpu.vector_load_idx %arg24[%add3A_415, %broadcast_in_dim3A_1] : memref<2000x8xf32, #tpu.memory_space<vmem>>[vector<16xi32>, vector<16xi32>], vector<16xf32>,
      %gather3A_421 = tpu.vector_load_idx %arg24[%add3A_415, %broadcast_in_dim3A_3] : memref<2000x8xf32, #tpu.memory_space<vmem>>[vector<16xi32>, vector<16xi32>], vector<16xf32>,
      %gather3A_422 = tpu.vector_load_idx %arg24[%add3A_415, %broadcast_in_dim3A_5] : memref<2000x8xf32, #tpu.memory_space<vmem>>[vector<16xi32>, vector<16xi32>], vector<16xf32>,
      %gather3A_423 = tpu.vector_load_idx %arg25[%add3A_415, %broadcast_in_dim3A_1] : memref<2000x8xf32, #tpu.memory_space<vmem>>[vector<16xi32>, vector<16xi32>], vector<16xf32>,
      %gather3A_424 = tpu.vector_load_idx %arg25[%add3A_415, %broadcast_in_dim3A_3] : memref<2000x8xf32, #tpu.memory_space<vmem>>[vector<16xi32>, vector<16xi32>], vector<16xf32>,
      %gather3A_425 = tpu.vector_load_idx %arg25[%add3A_415, %broadcast_in_dim3A_5] : memref<2000x8xf32, #tpu.memory_space<vmem>>[vector<16xi32>, vector<16xi32>], vector<16xf32>,
      %gather3A_426 = tpu.vector_load_idx %arg10[%get3A_419, %broadcast_in_dim3A_1] : memref<32x3xf32, #tpu.memory_space<vmem>>[vector<16xi32>, vector<16xi32>], vector<16xf32>,
      %gather3A_427 = tpu.vector_load_idx %arg10[%get3A_419, %broadcast_in_dim3A_3] : memref<32x3xf32, #tpu.memory_space<vmem>>[vector<16xi32>, vector<16xi32>], vector<16xf32>,
      %gather3A_428 = tpu.vector_load_idx %arg10[%get3A_419, %broadcast_in_dim3A_5] : memref<32x3xf32, #tpu.memory_space<vmem>>[vector<16xi32>, vector<16xi32>], vector<16xf32>,
      %add3A_429 = arith.addf %gather3A_423, %gather3A_426 : vector<16xf32>
      %sub3A_430 = arith.subf %add3A_429, %gather3A_420 : vector<16xf32>
      %add3A_431 = arith.addf %gather3A_424, %gather3A_427 : vector<16xf32>
      %sub3A_432 = arith.subf %add3A_431, %gather3A_421 : vector<16xf32>
      %add3A_433 = arith.addf %gather3A_425, %gather3A_428 : vector<16xf32>
      %sub3A_434 = arith.subf %add3A_433, %gather3A_422 : vector<16xf32>
      %mul3A_435 = arith.mulf %sub3A_430, %sub3A_430 : vector<16xf32>
      %mul3A_436 = arith.mulf %sub3A_432, %sub3A_432 : vector<16xf32>
      %add3A_437 = arith.addf %mul3A_435, %mul3A_436 : vector<16xf32>
      %mul3A_438 = arith.mulf %sub3A_434, %sub3A_434 : vector<16xf32>
      %add3A_439 = arith.addf %add3A_437, %mul3A_438 : vector<16xf32>
      %lt3A_440 = arith.constant 3.600000e+01 : f32
      %lt3A_441 = vector.broadcast %lt3A_440 : f32 to vector<16xf32>
      %lt3A_442 = arith.cmpf olt, %add3A_439, %lt3A_441 : vector<16xf32>
      %broadcast_in_dim3A_443 = arith.constant 0.000000e+00 : f32
      %broadcast_in_dim3A_444 = vector.broadcast %broadcast_in_dim3A_443 : f32 to vector<16xf32>
      %select_n3A_445 = arith.select %lt3A_442, %add3A_439, %broadcast_in_dim3A_444 : vector<16xi1>, vector<16xf32>
      %mul3A_446 = arith.constant 16 : i32
      %mul3A_447 = arith.muli %scan3A_411, %mul3A_446 : i32
      %swap3A_448 = arith.index_cast %mul3A_447 : i32 to index
      %swap3A_449 = tpu.vector_load %arg28[%swap3A_448] {strides = array<i32>} : memref<2000xf32, #tpu.memory_space<vmem>>, vector<16xf32>,
      tpu.vector_store %arg28[%swap3A_448], %select_n3A_445 {strides = array<i32>} : memref<2000xf32, #tpu.memory_space<vmem>>, vector<16xf32>,
      %convert_element_type3A_450 = arith.extui %lt3A_442 : vector<16xi1> to vector<16xi32>
      %mul3A_451 = arith.constant 16 : i32
      %mul3A_452 = arith.muli %scan3A_411, %mul3A_451 : i32
      %swap3A_453 = arith.index_cast %mul3A_452 : i32 to index
      %swap3A_454 = tpu.vector_load %arg29[%swap3A_453] {strides = array<i32>} : memref<2000xi32, #tpu.memory_space<vmem>>, vector<16xi32>,
      tpu.vector_store %arg29[%swap3A_453], %convert_element_type3A_450 {strides = array<i32>} : memref<2000xi32, #tpu.memory_space<vmem>>, vector<16xi32>,
      %select_n3A_455 = arith.select %lt3A_442, %sub3A_430, %broadcast_in_dim3A_444 : vector<16xi1>, vector<16xf32>
      tpu.vector_store_idx %arg27[%add3A_415, %broadcast_in_dim3A_1], %select_n3A_455 : memref<2000x3xf32, #tpu.memory_space<vmem>>[vector<16xi32>, vector<16xi32>], vector<16xf32>,
      %select_n3A_456 = arith.select %lt3A_442, %sub3A_432, %broadcast_in_dim3A_444 : vector<16xi1>, vector<16xf32>
      tpu.vector_store_idx %arg27[%add3A_415, %broadcast_in_dim3A_3], %select_n3A_456 : memref<2000x3xf32, #tpu.memory_space<vmem>>[vector<16xi32>, vector<16xi32>], vector<16xf32>,
      %select_n3A_457 = arith.select %lt3A_442, %sub3A_434, %broadcast_in_dim3A_444 : vector<16xi1>, vector<16xf32>
      tpu.vector_store_idx %arg27[%add3A_415, %broadcast_in_dim3A_5], %select_n3A_457 : memref<2000x3xf32, #tpu.memory_space<vmem>>[vector<16xi32>, vector<16xi32>], vector<16xf32>,
      %scan3A_458 = arith.constant 1 : i32
      %scan3A_459 = arith.addi %scan3A_411, %scan3A_458 : i32
      %mul3A_460 = arith.constant 16 : i32
      %mul3A_461 = arith.muli %scan3A_459, %mul3A_460 : i32
      %add3A_462 = vector.broadcast %mul3A_461 : i32 to vector<16xi32>
      %add3A_463 = arith.addi %iota3A, %add3A_462 : vector<16xi32>
      %mul3A_464 = arith.constant 16 : i32
      %mul3A_465 = arith.muli %scan3A_459, %mul3A_464 : i32
      %get3A_466 = arith.index_cast %mul3A_465 : i32 to index
      %get3A_467 = tpu.vector_load %arg23[%get3A_466] {strides = array<i32>} : memref<2000xi32, #tpu.memory_space<vmem>>, vector<16xi32>,
      %gather3A_468 = tpu.vector_load_idx %arg24[%add3A_463, %broadcast_in_dim3A_1] : memref<2000x8xf32, #tpu.memory_space<vmem>>[vector<16xi32>, vector<16xi32>], vector<16xf32>,
      %gather3A_469 = tpu.vector_load_idx %arg24[%add3A_463, %broadcast_in_dim3A_3] : memref<2000x8xf32, #tpu.memory_space<vmem>>[vector<16xi32>, vector<16xi32>], vector<16xf32>,
      %gather3A_470 = tpu.vector_load_idx %arg24[%add3A_463, %broadcast_in_dim3A_5] : memref<2000x8xf32, #tpu.memory_space<vmem>>[vector<16xi32>, vector<16xi32>], vector<16xf32>,
      %gather3A_471 = tpu.vector_load_idx %arg25[%add3A_463, %broadcast_in_dim3A_1] : memref<2000x8xf32, #tpu.memory_space<vmem>>[vector<16xi32>, vector<16xi32>], vector<16xf32>,
      %gather3A_472 = tpu.vector_load_idx %arg25[%add3A_463, %broadcast_in_dim3A_3] : memref<2000x8xf32, #tpu.memory_space<vmem>>[vector<16xi32>, vector<16xi32>], vector<16xf32>,
      %gather3A_473 = tpu.vector_load_idx %arg25[%add3A_463, %broadcast_in_dim3A_5] : memref<2000x8xf32, #tpu.memory_space<vmem>>[vector<16xi32>, vector<16xi32>], vector<16xf32>,
      %gather3A_474 = tpu.vector_load_idx %arg10[%get3A_467, %broadcast_in_dim3A_1] : memref<32x3xf32, #tpu.memory_space<vmem>>[vector<16xi32>, vector<16xi32>], vector<16xf32>,
      %gather3A_475 = tpu.vector_load_idx %arg10[%get3A_467, %broadcast_in_dim3A_3] : memref<32x3xf32, #tpu.memory_space<vmem>>[vector<16xi32>, vector<16xi32>], vector<16xf32>,
      %gather3A_476 = tpu.vector_load_idx %arg10[%get3A_467, %broadcast_in_dim3A_5] : memref<32x3xf32, #tpu.memory_space<vmem>>[vector<16xi32>, vector<16xi32>], vector<16xf32>,
      %add3A_477 = arith.addf %gather3A_471, %gather3A_474 : vector<16xf32>
      %sub3A_478 = arith.subf %add3A_477, %gather3A_468 : vector<16xf32>
      %add3A_479 = arith.addf %gather3A_472, %gather3A_475 : vector<16xf32>
      %sub3A_480 = arith.subf %add3A_479, %gather3A_469 : vector<16xf32>
      %add3A_481 = arith.addf %gather3A_473, %gather3A_476 : vector<16xf32>
      %sub3A_482 = arith.subf %add3A_481, %gather3A_470 : vector<16xf32>
      %mul3A_483 = arith.mulf %sub3A_478, %sub3A_478 : vector<16xf32>
      %mul3A_484 = arith.mulf %sub3A_480, %sub3A_480 : vector<16xf32>
      %add3A_485 = arith.addf %mul3A_483, %mul3A_484 : vector<16xf32>
      %mul3A_486 = arith.mulf %sub3A_482, %sub3A_482 : vector<16xf32>
      %add3A_487 = arith.addf %add3A_485, %mul3A_486 : vector<16xf32>
      %lt3A_488 = arith.constant 3.600000e+01 : f32
      %lt3A_489 = vector.broadcast %lt3A_488 : f32 to vector<16xf32>
      %lt3A_490 = arith.cmpf olt, %add3A_487, %lt3A_489 : vector<16xf32>
      %broadcast_in_dim3A_491 = arith.constant 0.000000e+00 : f32
      %broadcast_in_dim3A_492 = vector.broadcast %broadcast_in_dim3A_491 : f32 to vector<16xf32>
      %select_n3A_493 = arith.select %lt3A_490, %add3A_487, %broadcast_in_dim3A_492 : vector<16xi1>, vector<16xf32>
      %mul3A_494 = arith.constant 16 : i32
      %mul3A_495 = arith.muli %scan3A_459, %mul3A_494 : i32
      %swap3A_496 = arith.index_cast %mul3A_495 : i32 to index
      %swap3A_497 = tpu.vector_load %arg28[%swap3A_496] {strides = array<i32>} : memref<2000xf32, #tpu.memory_space<vmem>>, vector<16xf32>,
      tpu.vector_store %arg28[%swap3A_496], %select_n3A_493 {strides = array<i32>} : memref<2000xf32, #tpu.memory_space<vmem>>, vector<16xf32>,
      %convert_element_type3A_498 = arith.extui %lt3A_490 : vector<16xi1> to vector<16xi32>
      %mul3A_499 = arith.constant 16 : i32
      %mul3A_500 = arith.muli %scan3A_459, %mul3A_499 : i32
      %swap3A_501 = arith.index_cast %mul3A_500 : i32 to index
      %swap3A_502 = tpu.vector_load %arg29[%swap3A_501] {strides = array<i32>} : memref<2000xi32, #tpu.memory_space<vmem>>, vector<16xi32>,
      tpu.vector_store %arg29[%swap3A_501], %convert_element_type3A_498 {strides = array<i32>} : memref<2000xi32, #tpu.memory_space<vmem>>, vector<16xi32>,
      %select_n3A_503 = arith.select %lt3A_490, %sub3A_478, %broadcast_in_dim3A_492 : vector<16xi1>, vector<16xf32>
      tpu.vector_store_idx %arg27[%add3A_463, %broadcast_in_dim3A_1], %select_n3A_503 : memref<2000x3xf32, #tpu.memory_space<vmem>>[vector<16xi32>, vector<16xi32>], vector<16xf32>,
      %select_n3A_504 = arith.select %lt3A_490, %sub3A_480, %broadcast_in_dim3A_492 : vector<16xi1>, vector<16xf32>
      tpu.vector_store_idx %arg27[%add3A_463, %broadcast_in_dim3A_3], %select_n3A_504 : memref<2000x3xf32, #tpu.memory_space<vmem>>[vector<16xi32>, vector<16xi32>], vector<16xf32>,
      %select_n3A_505 = arith.select %lt3A_490, %sub3A_482, %broadcast_in_dim3A_492 : vector<16xi1>, vector<16xf32>
      tpu.vector_store_idx %arg27[%add3A_463, %broadcast_in_dim3A_5], %select_n3A_505 : memref<2000x3xf32, #tpu.memory_space<vmem>>[vector<16xi32>, vector<16xi32>], vector<16xf32>,
      %scan3A_506 = arith.constant 2 : i32
      %scan3A_507 = arith.addi %scan3A_411, %scan3A_506 : i32
      %mul3A_508 = arith.constant 16 : i32
      %mul3A_509 = arith.muli %scan3A_507, %mul3A_508 : i32
      %add3A_510 = vector.broadcast %mul3A_509 : i32 to vector<16xi32>
      %add3A_511 = arith.addi %iota3A, %add3A_510 : vector<16xi32>
      %mul3A_512 = arith.constant 16 : i32
      %mul3A_513 = arith.muli %scan3A_507, %mul3A_512 : i32
      %get3A_514 = arith.index_cast %mul3A_513 : i32 to index
      %get3A_515 = tpu.vector_load %arg23[%get3A_514] {strides = array<i32>} : memref<2000xi32, #tpu.memory_space<vmem>>, vector<16xi32>,
      %gather3A_516 = tpu.vector_load_idx %arg24[%add3A_511, %broadcast_in_dim3A_1] : memref<2000x8xf32, #tpu.memory_space<vmem>>[vector<16xi32>, vector<16xi32>], vector<16xf32>,
      %gather3A_517 = tpu.vector_load_idx %arg24[%add3A_511, %broadcast_in_dim3A_3] : memref<2000x8xf32, #tpu.memory_space<vmem>>[vector<16xi32>, vector<16xi32>], vector<16xf32>,
      %gather3A_518 = tpu.vector_load_idx %arg24[%add3A_511, %broadcast_in_dim3A_5] : memref<2000x8xf32, #tpu.memory_space<vmem>>[vector<16xi32>, vector<16xi32>], vector<16xf32>,
      %gather3A_519 = tpu.vector_load_idx %arg25[%add3A_511, %broadcast_in_dim3A_1] : memref<2000x8xf32, #tpu.memory_space<vmem>>[vector<16xi32>, vector<16xi32>], vector<16xf32>,
      %gather3A_520 = tpu.vector_load_idx %arg25[%add3A_511, %broadcast_in_dim3A_3] : memref<2000x8xf32, #tpu.memory_space<vmem>>[vector<16xi32>, vector<16xi32>], vector<16xf32>,
      %gather3A_521 = tpu.vector_load_idx %arg25[%add3A_511, %broadcast_in_dim3A_5] : memref<2000x8xf32, #tpu.memory_space<vmem>>[vector<16xi32>, vector<16xi32>], vector<16xf32>,
      %gather3A_522 = tpu.vector_load_idx %arg10[%get3A_515, %broadcast_in_dim3A_1] : memref<32x3xf32, #tpu.memory_space<vmem>>[vector<16xi32>, vector<16xi32>], vector<16xf32>,
      %gather3A_523 = tpu.vector_load_idx %arg10[%get3A_515, %broadcast_in_dim3A_3] : memref<32x3xf32, #tpu.memory_space<vmem>>[vector<16xi32>, vector<16xi32>], vector<16xf32>,
      %gather3A_524 = tpu.vector_load_idx %arg10[%get3A_515, %broadcast_in_dim3A_5] : memref<32x3xf32, #tpu.memory_space<vmem>>[vector<16xi32>, vector<16xi32>], vector<16xf32>,
      %add3A_525 = arith.addf %gather3A_519, %gather3A_522 : vector<16xf32>
      %sub3A_526 = arith.subf %add3A_525, %gather3A_516 : vector<16xf32>
      %add3A_527 = arith.addf %gather3A_520, %gather3A_523 : vector<16xf32>
      %sub3A_528 = arith.subf %add3A_527, %gather3A_517 : vector<16xf32>
      %add3A_529 = arith.addf %gather3A_521, %gather3A_524 : vector<16xf32>
      %sub3A_530 = arith.subf %add3A_529, %gather3A_518 : vector<16xf32>
      %mul3A_531 = arith.mulf %sub3A_526, %sub3A_526 : vector<16xf32>
      %mul3A_532 = arith.mulf %sub3A_528, %sub3A_528 : vector<16xf32>
      %add3A_533 = arith.addf %mul3A_531, %mul3A_532 : vector<16xf32>
      %mul3A_534 = arith.mulf %sub3A_530, %sub3A_530 : vector<16xf32>
      %add3A_535 = arith.addf %add3A_533, %mul3A_534 : vector<16xf32>
      %lt3A_536 = arith.constant 3.600000e+01 : f32
      %lt3A_537 = vector.broadcast %lt3A_536 : f32 to vector<16xf32>
      %lt3A_538 = arith.cmpf olt, %add3A_535, %lt3A_537 : vector<16xf32>
      %broadcast_in_dim3A_539 = arith.constant 0.000000e+00 : f32
      %broadcast_in_dim3A_540 = vector.broadcast %broadcast_in_dim3A_539 : f32 to vector<16xf32>
      %select_n3A_541 = arith.select %lt3A_538, %add3A_535, %broadcast_in_dim3A_540 : vector<16xi1>, vector<16xf32>
      %mul3A_542 = arith.constant 16 : i32
      %mul3A_543 = arith.muli %scan3A_507, %mul3A_542 : i32
      %swap3A_544 = arith.index_cast %mul3A_543 : i32 to index
      %swap3A_545 = tpu.vector_load %arg28[%swap3A_544] {strides = array<i32>} : memref<2000xf32, #tpu.memory_space<vmem>>, vector<16xf32>,
      tpu.vector_store %arg28[%swap3A_544], %select_n3A_541 {strides = array<i32>} : memref<2000xf32, #tpu.memory_space<vmem>>, vector<16xf32>,
      %convert_element_type3A_546 = arith.extui %lt3A_538 : vector<16xi1> to vector<16xi32>
      %mul3A_547 = arith.constant 16 : i32
      %mul3A_548 = arith.muli %scan3A_507, %mul3A_547 : i32
      %swap3A_549 = arith.index_cast %mul3A_548 : i32 to index
      %swap3A_550 = tpu.vector_load %arg29[%swap3A_549] {strides = array<i32>} : memref<2000xi32, #tpu.memory_space<vmem>>, vector<16xi32>,
      tpu.vector_store %arg29[%swap3A_549], %convert_element_type3A_546 {strides = array<i32>} : memref<2000xi32, #tpu.memory_space<vmem>>, vector<16xi32>,
      %select_n3A_551 = arith.select %lt3A_538, %sub3A_526, %broadcast_in_dim3A_540 : vector<16xi1>, vector<16xf32>
      tpu.vector_store_idx %arg27[%add3A_511, %broadcast_in_dim3A_1], %select_n3A_551 : memref<2000x3xf32, #tpu.memory_space<vmem>>[vector<16xi32>, vector<16xi32>], vector<16xf32>,
      %select_n3A_552 = arith.select %lt3A_538, %sub3A_528, %broadcast_in_dim3A_540 : vector<16xi1>, vector<16xf32>
      tpu.vector_store_idx %arg27[%add3A_511, %broadcast_in_dim3A_3], %select_n3A_552 : memref<2000x3xf32, #tpu.memory_space<vmem>>[vector<16xi32>, vector<16xi32>], vector<16xf32>,
      %select_n3A_553 = arith.select %lt3A_538, %sub3A_530, %broadcast_in_dim3A_540 : vector<16xi1>, vector<16xf32>
      tpu.vector_store_idx %arg27[%add3A_511, %broadcast_in_dim3A_5], %select_n3A_553 : memref<2000x3xf32, #tpu.memory_space<vmem>>[vector<16xi32>, vector<16xi32>], vector<16xf32>,
      %scan3A_554 = arith.constant 3 : i32
      %scan3A_555 = arith.addi %scan3A_411, %scan3A_554 : i32
      %mul3A_556 = arith.constant 16 : i32
      %mul3A_557 = arith.muli %scan3A_555, %mul3A_556 : i32
      %add3A_558 = vector.broadcast %mul3A_557 : i32 to vector<16xi32>
      %add3A_559 = arith.addi %iota3A, %add3A_558 : vector<16xi32>
      %mul3A_560 = arith.constant 16 : i32
      %mul3A_561 = arith.muli %scan3A_555, %mul3A_560 : i32
      %get3A_562 = arith.index_cast %mul3A_561 : i32 to index
      %get3A_563 = tpu.vector_load %arg23[%get3A_562] {strides = array<i32>} : memref<2000xi32, #tpu.memory_space<vmem>>, vector<16xi32>,
      %gather3A_564 = tpu.vector_load_idx %arg24[%add3A_559, %broadcast_in_dim3A_1] : memref<2000x8xf32, #tpu.memory_space<vmem>>[vector<16xi32>, vector<16xi32>], vector<16xf32>,
      %gather3A_565 = tpu.vector_load_idx %arg24[%add3A_559, %broadcast_in_dim3A_3] : memref<2000x8xf32, #tpu.memory_space<vmem>>[vector<16xi32>, vector<16xi32>], vector<16xf32>,
      %gather3A_566 = tpu.vector_load_idx %arg24[%add3A_559, %broadcast_in_dim3A_5] : memref<2000x8xf32, #tpu.memory_space<vmem>>[vector<16xi32>, vector<16xi32>], vector<16xf32>,
      %gather3A_567 = tpu.vector_load_idx %arg25[%add3A_559, %broadcast_in_dim3A_1] : memref<2000x8xf32, #tpu.memory_space<vmem>>[vector<16xi32>, vector<16xi32>], vector<16xf32>,
      %gather3A_568 = tpu.vector_load_idx %arg25[%add3A_559, %broadcast_in_dim3A_3] : memref<2000x8xf32, #tpu.memory_space<vmem>>[vector<16xi32>, vector<16xi32>], vector<16xf32>,
      %gather3A_569 = tpu.vector_load_idx %arg25[%add3A_559, %broadcast_in_dim3A_5] : memref<2000x8xf32, #tpu.memory_space<vmem>>[vector<16xi32>, vector<16xi32>], vector<16xf32>,
      %gather3A_570 = tpu.vector_load_idx %arg10[%get3A_563, %broadcast_in_dim3A_1] : memref<32x3xf32, #tpu.memory_space<vmem>>[vector<16xi32>, vector<16xi32>], vector<16xf32>,
      %gather3A_571 = tpu.vector_load_idx %arg10[%get3A_563, %broadcast_in_dim3A_3] : memref<32x3xf32, #tpu.memory_space<vmem>>[vector<16xi32>, vector<16xi32>], vector<16xf32>,
      %gather3A_572 = tpu.vector_load_idx %arg10[%get3A_563, %broadcast_in_dim3A_5] : memref<32x3xf32, #tpu.memory_space<vmem>>[vector<16xi32>, vector<16xi32>], vector<16xf32>,
      %add3A_573 = arith.addf %gather3A_567, %gather3A_570 : vector<16xf32>
      %sub3A_574 = arith.subf %add3A_573, %gather3A_564 : vector<16xf32>
      %add3A_575 = arith.addf %gather3A_568, %gather3A_571 : vector<16xf32>
      %sub3A_576 = arith.subf %add3A_575, %gather3A_565 : vector<16xf32>
      %add3A_577 = arith.addf %gather3A_569, %gather3A_572 : vector<16xf32>
      %sub3A_578 = arith.subf %add3A_577, %gather3A_566 : vector<16xf32>
      %mul3A_579 = arith.mulf %sub3A_574, %sub3A_574 : vector<16xf32>
      %mul3A_580 = arith.mulf %sub3A_576, %sub3A_576 : vector<16xf32>
      %add3A_581 = arith.addf %mul3A_579, %mul3A_580 : vector<16xf32>
      %mul3A_582 = arith.mulf %sub3A_578, %sub3A_578 : vector<16xf32>
      %add3A_583 = arith.addf %add3A_581, %mul3A_582 : vector<16xf32>
      %lt3A_584 = arith.constant 3.600000e+01 : f32
      %lt3A_585 = vector.broadcast %lt3A_584 : f32 to vector<16xf32>
      %lt3A_586 = arith.cmpf olt, %add3A_583, %lt3A_585 : vector<16xf32>
      %broadcast_in_dim3A_587 = arith.constant 0.000000e+00 : f32
      %broadcast_in_dim3A_588 = vector.broadcast %broadcast_in_dim3A_587 : f32 to vector<16xf32>
      %select_n3A_589 = arith.select %lt3A_586, %add3A_583, %broadcast_in_dim3A_588 : vector<16xi1>, vector<16xf32>
      %mul3A_590 = arith.constant 16 : i32
      %mul3A_591 = arith.muli %scan3A_555, %mul3A_590 : i32
      %swap3A_592 = arith.index_cast %mul3A_591 : i32 to index
      %swap3A_593 = tpu.vector_load %arg28[%swap3A_592] {strides = array<i32>} : memref<2000xf32, #tpu.memory_space<vmem>>, vector<16xf32>,
      tpu.vector_store %arg28[%swap3A_592], %select_n3A_589 {strides = array<i32>} : memref<2000xf32, #tpu.memory_space<vmem>>, vector<16xf32>,
      %convert_element_type3A_594 = arith.extui %lt3A_586 : vector<16xi1> to vector<16xi32>
      %mul3A_595 = arith.constant 16 : i32
      %mul3A_596 = arith.muli %scan3A_555, %mul3A_595 : i32
      %swap3A_597 = arith.index_cast %mul3A_596 : i32 to index
      %swap3A_598 = tpu.vector_load %arg29[%swap3A_597] {strides = array<i32>} : memref<2000xi32, #tpu.memory_space<vmem>>, vector<16xi32>,
      tpu.vector_store %arg29[%swap3A_597], %convert_element_type3A_594 {strides = array<i32>} : memref<2000xi32, #tpu.memory_space<vmem>>, vector<16xi32>,
      %select_n3A_599 = arith.select %lt3A_586, %sub3A_574, %broadcast_in_dim3A_588 : vector<16xi1>, vector<16xf32>
      tpu.vector_store_idx %arg27[%add3A_559, %broadcast_in_dim3A_1], %select_n3A_599 : memref<2000x3xf32, #tpu.memory_space<vmem>>[vector<16xi32>, vector<16xi32>], vector<16xf32>,
      %select_n3A_600 = arith.select %lt3A_586, %sub3A_576, %broadcast_in_dim3A_588 : vector<16xi1>, vector<16xf32>
      tpu.vector_store_idx %arg27[%add3A_559, %broadcast_in_dim3A_3], %select_n3A_600 : memref<2000x3xf32, #tpu.memory_space<vmem>>[vector<16xi32>, vector<16xi32>], vector<16xf32>,
      %select_n3A_601 = arith.select %lt3A_586, %sub3A_578, %broadcast_in_dim3A_588 : vector<16xi1>, vector<16xf32>
      tpu.vector_store_idx %arg27[%add3A_559, %broadcast_in_dim3A_5], %select_n3A_601 : memref<2000x3xf32, #tpu.memory_space<vmem>>[vector<16xi32>, vector<16xi32>], vector<16xf32>,
    }
    %scan3A_319 = arith.constant 124 : i32
    %scan3A_320 = arith.addi %scan3A_315, %scan3A_319 : i32
    %mul3A_321 = arith.constant 16 : i32
    %mul3A_322 = arith.muli %scan3A_320, %mul3A_321 : i32
    %add3A_323 = vector.broadcast %mul3A_322 : i32 to vector<16xi32>
    %add3A_324 = arith.addi %iota3A, %add3A_323 : vector<16xi32>
    %mul3A_325 = arith.constant 16 : i32
    %mul3A_326 = arith.muli %scan3A_320, %mul3A_325 : i32
    %get3A_327 = arith.index_cast %mul3A_326 : i32 to index
    %get3A_328 = tpu.vector_load %arg23[%get3A_327] {strides = array<i32>} : memref<2000xi32, #tpu.memory_space<vmem>>, vector<16xi32>,
    %gather3A_329 = tpu.vector_load_idx %arg24[%add3A_324, %broadcast_in_dim3A_1] : memref<2000x8xf32, #tpu.memory_space<vmem>>[vector<16xi32>, vector<16xi32>], vector<16xf32>,
    %gather3A_330 = tpu.vector_load_idx %arg24[%add3A_324, %broadcast_in_dim3A_3] : memref<2000x8xf32, #tpu.memory_space<vmem>>[vector<16xi32>, vector<16xi32>], vector<16xf32>,
    %gather3A_331 = tpu.vector_load_idx %arg24[%add3A_324, %broadcast_in_dim3A_5] : memref<2000x8xf32, #tpu.memory_space<vmem>>[vector<16xi32>, vector<16xi32>], vector<16xf32>,
    %gather3A_332 = tpu.vector_load_idx %arg25[%add3A_324, %broadcast_in_dim3A_1] : memref<2000x8xf32, #tpu.memory_space<vmem>>[vector<16xi32>, vector<16xi32>], vector<16xf32>,
    %gather3A_333 = tpu.vector_load_idx %arg25[%add3A_324, %broadcast_in_dim3A_3] : memref<2000x8xf32, #tpu.memory_space<vmem>>[vector<16xi32>, vector<16xi32>], vector<16xf32>,
    %gather3A_334 = tpu.vector_load_idx %arg25[%add3A_324, %broadcast_in_dim3A_5] : memref<2000x8xf32, #tpu.memory_space<vmem>>[vector<16xi32>, vector<16xi32>], vector<16xf32>,
    %gather3A_335 = tpu.vector_load_idx %arg10[%get3A_328, %broadcast_in_dim3A_1] : memref<32x3xf32, #tpu.memory_space<vmem>>[vector<16xi32>, vector<16xi32>], vector<16xf32>,
    %gather3A_336 = tpu.vector_load_idx %arg10[%get3A_328, %broadcast_in_dim3A_3] : memref<32x3xf32, #tpu.memory_space<vmem>>[vector<16xi32>, vector<16xi32>], vector<16xf32>,
    %gather3A_337 = tpu.vector_load_idx %arg10[%get3A_328, %broadcast_in_dim3A_5] : memref<32x3xf32, #tpu.memory_space<vmem>>[vector<16xi32>, vector<16xi32>], vector<16xf32>,
    %add3A_338 = arith.addf %gather3A_332, %gather3A_335 : vector<16xf32>
    %sub3A_339 = arith.subf %add3A_338, %gather3A_329 : vector<16xf32>
    %add3A_340 = arith.addf %gather3A_333, %gather3A_336 : vector<16xf32>
    %sub3A_341 = arith.subf %add3A_340, %gather3A_330 : vector<16xf32>
    %add3A_342 = arith.addf %gather3A_334, %gather3A_337 : vector<16xf32>
    %sub3A_343 = arith.subf %add3A_342, %gather3A_331 : vector<16xf32>
    %mul3A_344 = arith.mulf %sub3A_339, %sub3A_339 : vector<16xf32>
    %mul3A_345 = arith.mulf %sub3A_341, %sub3A_341 : vector<16xf32>
    %add3A_346 = arith.addf %mul3A_344, %mul3A_345 : vector<16xf32>
    %mul3A_347 = arith.mulf %sub3A_343, %sub3A_343 : vector<16xf32>
    %add3A_348 = arith.addf %add3A_346, %mul3A_347 : vector<16xf32>
    %lt3A_349 = arith.constant 3.600000e+01 : f32
    %lt3A_350 = vector.broadcast %lt3A_349 : f32 to vector<16xf32>
    %lt3A_351 = arith.cmpf olt, %add3A_348, %lt3A_350 : vector<16xf32>
    %broadcast_in_dim3A_352 = arith.constant 0.000000e+00 : f32
    %broadcast_in_dim3A_353 = vector.broadcast %broadcast_in_dim3A_352 : f32 to vector<16xf32>
    %select_n3A_354 = arith.select %lt3A_351, %add3A_348, %broadcast_in_dim3A_353 : vector<16xi1>, vector<16xf32>
    %mul3A_355 = arith.constant 16 : i32
    %mul3A_356 = arith.muli %scan3A_320, %mul3A_355 : i32
    %swap3A_357 = arith.index_cast %mul3A_356 : i32 to index
    %swap3A_358 = tpu.vector_load %arg28[%swap3A_357] {strides = array<i32>} : memref<2000xf32, #tpu.memory_space<vmem>>, vector<16xf32>,
    tpu.vector_store %arg28[%swap3A_357], %select_n3A_354 {strides = array<i32>} : memref<2000xf32, #tpu.memory_space<vmem>>, vector<16xf32>,
    %convert_element_type3A_359 = arith.extui %lt3A_351 : vector<16xi1> to vector<16xi32>
    %mul3A_360 = arith.constant 16 : i32
    %mul3A_361 = arith.muli %scan3A_320, %mul3A_360 : i32
    %swap3A_362 = arith.index_cast %mul3A_361 : i32 to index
    %swap3A_363 = tpu.vector_load %arg29[%swap3A_362] {strides = array<i32>} : memref<2000xi32, #tpu.memory_space<vmem>>, vector<16xi32>,
    tpu.vector_store %arg29[%swap3A_362], %convert_element_type3A_359 {strides = array<i32>} : memref<2000xi32, #tpu.memory_space<vmem>>, vector<16xi32>,
    %select_n3A_364 = arith.select %lt3A_351, %sub3A_339, %broadcast_in_dim3A_353 : vector<16xi1>, vector<16xf32>
    tpu.vector_store_idx %arg27[%add3A_324, %broadcast_in_dim3A_1], %select_n3A_364 : memref<2000x3xf32, #tpu.memory_space<vmem>>[vector<16xi32>, vector<16xi32>], vector<16xf32>,
    %select_n3A_365 = arith.select %lt3A_351, %sub3A_341, %broadcast_in_dim3A_353 : vector<16xi1>, vector<16xf32>
    tpu.vector_store_idx %arg27[%add3A_324, %broadcast_in_dim3A_3], %select_n3A_365 : memref<2000x3xf32, #tpu.memory_space<vmem>>[vector<16xi32>, vector<16xi32>], vector<16xf32>,
    %select_n3A_366 = arith.select %lt3A_351, %sub3A_343, %broadcast_in_dim3A_353 : vector<16xi1>, vector<16xf32>
    tpu.vector_store_idx %arg27[%add3A_324, %broadcast_in_dim3A_5], %select_n3A_366 : memref<2000x3xf32, #tpu.memory_space<vmem>>[vector<16xi32>, vector<16xi32>], vector<16xf32>,
    %scan3A_367 = arith.constant 125 : i32
    %mul3A_368 = arith.constant 25 : i32
    %mul3A_369 = arith.muli %add3A_292, %mul3A_368 : i32
    %add3A_370 = arith.addi %mul3A_7, %mul3A_369 : i32
    %mul3A_371 = arith.constant 80 : i32
    %mul3A_372 = arith.muli %add3A_370, %mul3A_371 : i32
    %dma_start3A_373 = arith.constant 0 : i32
    %dma_start3A_374 = tpu.memref_slice %arg7[%mul3A_372, %dma_start3A_373] : memref<3200000x3xf32, #tpu.memory_space<hbm>> -> memref<2000x3xf32, #tpu.memory_space<hbm>>
    %dma_start3A_375 = arith.constant 0 : i32
    %dma_start3A_376 = tpu.memref_slice %arg7[%mul3A_372, %dma_start3A_375] : memref<3200000x3xf32, #tpu.memory_space<hbm>> -> memref<2000x3xf32, #tpu.memory_space<hbm>>
    tpu.enqueue_dma source(%arg27 : memref<2000x3xf32, #tpu.memory_space<vmem>>) target(%dma_start3A_376 : memref<2000x3xf32, #tpu.memory_space<hbm>>) target_semaphore(%arg30 : memref<!tpu.dma_semaphore, #tpu.memory_space<semaphore_mem>>)
    %dma_start3A_377 = tpu.memref_slice %arg8[%mul3A_372] : memref<3200000xf32, #tpu.memory_space<hbm>> -> memref<2000xf32, #tpu.memory_space<hbm>>
    %dma_start3A_378 = tpu.memref_slice %arg8[%mul3A_372] : memref<3200000xf32, #tpu.memory_space<hbm>> -> memref<2000xf32, #tpu.memory_space<hbm>>
    tpu.enqueue_dma source(%arg28 : memref<2000xf32, #tpu.memory_space<vmem>>) target(%dma_start3A_378 : memref<2000xf32, #tpu.memory_space<hbm>>) target_semaphore(%arg30 : memref<!tpu.dma_semaphore, #tpu.memory_space<semaphore_mem>>)
    %dma_start3A_379 = tpu.memref_slice %arg9[%mul3A_372] : memref<3200000xi32, #tpu.memory_space<hbm>> -> memref<2000xi32, #tpu.memory_space<hbm>>
    %dma_start3A_380 = tpu.memref_slice %arg9[%mul3A_372] : memref<3200000xi32, #tpu.memory_space<hbm>> -> memref<2000xi32, #tpu.memory_space<hbm>>
    tpu.enqueue_dma source(%arg29 : memref<2000xi32, #tpu.memory_space<vmem>>) target(%dma_start3A_380 : memref<2000xi32, #tpu.memory_space<hbm>>) target_semaphore(%arg30 : memref<!tpu.dma_semaphore, #tpu.memory_space<semaphore_mem>>)
    %mul3A_381 = arith.constant 48 : i32
    %mul3A_382 = arith.constant 25 : i32
    %mul3A_383 = arith.muli %mul3A_381, %mul3A_382 : i32
    %add3A_384 = arith.addi %mul3A_7, %mul3A_383 : i32
    %mul3A_385 = arith.constant 80 : i32
    %mul3A_386 = arith.muli %add3A_384, %mul3A_385 : i32
    %dma_wait3A_387 = arith.constant 0 : i32
    %dma_wait3A_388 = tpu.memref_slice %arg7[%mul3A_386, %dma_wait3A_387] : memref<3200000x3xf32, #tpu.memory_space<hbm>> -> memref<2000x3xf32, #tpu.memory_space<hbm>>
    %dma_wait3A_389 = arith.constant 0 : i32
    %dma_wait3A_390 = tpu.memref_slice %arg7[%mul3A_386, %dma_wait3A_389] : memref<3200000x3xf32, #tpu.memory_space<hbm>> -> memref<2000x3xf32, #tpu.memory_space<hbm>>
    tpu.wait_dma2 semaphore(%arg20 : memref<!tpu.dma_semaphore, #tpu.memory_space<semaphore_mem>>) src(%arg17 : memref<2000x3xf32, #tpu.memory_space<vmem>>) dst(%dma_wait3A_390 : memref<2000x3xf32, #tpu.memory_space<hbm>>)
    %dma_wait3A_391 = tpu.memref_slice %arg8[%mul3A_386] : memref<3200000xf32, #tpu.memory_space<hbm>> -> memref<2000xf32, #tpu.memory_space<hbm>>
    %dma_wait3A_392 = tpu.memref_slice %arg8[%mul3A_386] : memref<3200000xf32, #tpu.memory_space<hbm>> -> memref<2000xf32, #tpu.memory_space<hbm>>
    tpu.wait_dma2 semaphore(%arg20 : memref<!tpu.dma_semaphore, #tpu.memory_space<semaphore_mem>>) src(%arg18 : memref<2000xf32, #tpu.memory_space<vmem>>) dst(%dma_wait3A_392 : memref<2000xf32, #tpu.memory_space<hbm>>)
    %dma_wait3A_393 = tpu.memref_slice %arg9[%mul3A_386] : memref<3200000xi32, #tpu.memory_space<hbm>> -> memref<2000xi32, #tpu.memory_space<hbm>>
    %dma_wait3A_394 = tpu.memref_slice %arg9[%mul3A_386] : memref<3200000xi32, #tpu.memory_space<hbm>> -> memref<2000xi32, #tpu.memory_space<hbm>>
    tpu.wait_dma2 semaphore(%arg20 : memref<!tpu.dma_semaphore, #tpu.memory_space<semaphore_mem>>) src(%arg19 : memref<2000xi32, #tpu.memory_space<vmem>>) dst(%dma_wait3A_394 : memref<2000xi32, #tpu.memory_space<hbm>>)
    %add3A_395 = arith.constant 48 : i32
    %add3A_396 = arith.constant 1 : i32
    %add3A_397 = arith.addi %add3A_395, %add3A_396 : i32
    %mul3A_398 = arith.constant 25 : i32
    %mul3A_399 = arith.muli %add3A_397, %mul3A_398 : i32
    %add3A_400 = arith.addi %mul3A_7, %mul3A_399 : i32
    %mul3A_401 = arith.constant 80 : i32
    %mul3A_402 = arith.muli %add3A_400, %mul3A_401 : i32
    %dma_wait3A_403 = arith.constant 0 : i32
    %dma_wait3A_404 = tpu.memref_slice %arg7[%mul3A_402, %dma_wait3A_403] : memref<3200000x3xf32, #tpu.memory_space<hbm>> -> memref<2000x3xf32, #tpu.memory_space<hbm>>
    %dma_wait3A_405 = arith.constant 0 : i32
    %dma_wait3A_406 = tpu.memref_slice %arg7[%mul3A_402, %dma_wait3A_405] : memref<3200000x3xf32, #tpu.memory_space<hbm>> -> memref<2000x3xf32, #tpu.memory_space<hbm>>
    tpu.wait_dma2 semaphore(%arg30 : memref<!tpu.dma_semaphore, #tpu.memory_space<semaphore_mem>>) src(%arg27 : memref<2000x3xf32, #tpu.memory_space<vmem>>) dst(%dma_wait3A_406 : memref<2000x3xf32, #tpu.memory_space<hbm>>)
    %dma_wait3A_407 = tpu.memref_slice %arg8[%mul3A_402] : memref<3200000xf32, #tpu.memory_space<hbm>> -> memref<2000xf32, #tpu.memory_space<hbm>>
    %dma_wait3A_408 = tpu.memref_slice %arg8[%mul3A_402] : memref<3200000xf32, #tpu.memory_space<hbm>> -> memref<2000xf32, #tpu.memory_space<hbm>>
    tpu.wait_dma2 semaphore(%arg30 : memref<!tpu.dma_semaphore, #tpu.memory_space<semaphore_mem>>) src(%arg28 : memref<2000xf32, #tpu.memory_space<vmem>>) dst(%dma_wait3A_408 : memref<2000xf32, #tpu.memory_space<hbm>>)
    %dma_wait3A_409 = tpu.memref_slice %arg9[%mul3A_402] : memref<3200000xi32, #tpu.memory_space<hbm>> -> memref<2000xi32, #tpu.memory_space<hbm>>
    %dma_wait3A_410 = tpu.memref_slice %arg9[%mul3A_402] : memref<3200000xi32, #tpu.memory_space<hbm>> -> memref<2000xi32, #tpu.memory_space<hbm>>
    tpu.wait_dma2 semaphore(%arg30 : memref<!tpu.dma_semaphore, #tpu.memory_space<semaphore_mem>>) src(%arg29 : memref<2000xi32, #tpu.memory_space<vmem>>) dst(%dma_wait3A_410 : memref<2000xi32, #tpu.memory_space<hbm>>)
    return
  }
}

</mosaic_0001>

<sc_bundles>
// kernel: kernel.3.cloned.1.call-start
scs
__scs_entry_jumppad:
0x0: {  	(pc) =	sbr.rel $0x88, $3  }
0x1: {  	(tag) =	ssettag $0x0;
	lr =	simm.s32 $0x1  }
0x2: {  	[smem:$0x3F9B] =	sst lr;
	_ =	strace $0xD0000000  }
0x3: {  	_ = 	snop  }
0x4: {  	_ = 	snop  }
0x5: {  	_ = 	snop  }
0x6: {  	_ = 	snop  }
0x7: {  	_ = 	snop  }
__scs_overlays_trampoline_lowered:
0x8: {  	[smem:$0x3FAA] =	sst s0  }
0x9: {  	[smem:$0x3FAB] =	sst s1  }
0xa: {  	[smem:$0x3FAC] =	sst s2  }
0xb: {  	[smem:$0x3FAD] =	sst s3  }
0xc: {  	[smem:$0x3FAE] =	sst s4  }
0xd: {  	[smem:$0x3FAF] =	sst s5  }
0xe: {  	[smem:$0x3FB0] =	sst s6  }
0xf: {  	[smem:$0x3FB1] =	sst s7  }
0x10: {  	[smem:$0x3FB2] =	sst s8  }
0x11: {  	[smem:$0x3FB3] =	sst s9;
	s0 =	simm.s32 @!p0 $0x0  }
0x12: {  	s1 =	sld [smem:$0x3F99];
	s0 =	simm.s32 @p0 $0x1  }
0x13: {  	[smem:$0x3FB4] =	sst s0;
	s0 =	simm.s32 @!p1 $0x0  }
0x14: {  	s2 =	sld [smem:$0x3F98];
	s0 =	simm.s32 @p1 $0x1  }
0x15: {  	[smem:$0x3FB5] =	sst s0;
	s0 =	simm.s32 @!p2 $0x0  }
0x16: {  	s3 =	sld [smem:$0x3FDB];
	s0 =	simm.s32 @p2 $0x1  }
0x17: {  	s4 =	simm.s32 $0x1BF5;
	[smem:$0x3FB7] =	sst s0  }
0x18: {  	s0 =	sld [smem:$0x3F9A];
	_ =	swait.ge [sflag:s4], $0x0  }
0x19: {  	s7 =	sld [smem:$0x3F9B]  }
0x1a: {  	s8 =	sadd.s32 $0xFFFFE003, lr  }
0x1b: {  	s9 =	sadd.s32 $0xFFFFFEF7, lr;
	s5 =	simm.s32 $0xFFFFFFFF;
	p2 =	slt.u32 s8, $0xFFFFF086  }
0x1c: {  	p1 =	slt.u32 s9, $0xF7A;
	s5 =	simm.s32 @!p2 $0x0  }
0x1d: {  	s5 =	simm.s32 @p1 $0x1;
	p0 =	seq.s32 s7, s2  }
0x1e: {  	s7 =	smul.u32 @!p0 $0xF7A, s2;
	p2 =	seq.s32 @!p0 s5, $0x0  }
0x1f: {  	s9 =	smul.u32 $0xF7A, s1;
	s8 =	simm.s32 @!p0 $0x1BF5;
	p2 =	por !p2, p0  }
0x20: {  	[sflag:s8] =	ssyncset.s32 @!p0 $0xFFFFF086;
	s6 =	sadd.s32 @!p0 s3, s7;
	s7 =	simm.s32 @!p0 $0x108  }
0x21: {  	s3 =	sadd.s32 s3, s9;
	s6 =	sadd.s32 @!p0 $0x88, s6;
	s7 =	simm.s32 @p2 $0x1082  }
0x22: {  	[simem:s7], [sflag:s8] =	dma.local @!p0 [hbm:s6], $0xF7A  }
0x23: {  	s9 =	sor.u32 $0xD0000000, s2;
	s6 =	simm.s32 $0x108;
	_ =	swait.ge @!p0 [sflag:s8], $0x0  }
0x24: {  	s3 =	sadd.s32 $0x88, s3;
	s6 =	simm.s32 @!p1 $0x1082;
	[sflag:s4] =	ssyncset.s32 $0xFFFFF086  }
0x25: {  	[simem:s6], [sflag:s4] =	dma.local [hbm:s3], $0xF7A  }
0x26: {  	[smem:$0x3F9B] =	sst s1;
	(tag) =	ssettag s2;
	_ =	strace s9  }
0x27: {  	s1 =	sld [smem:$0x3FAB]  }
0x28: {  	s2 =	sld [smem:$0x3FAC]  }
0x29: {  	s4 =	sld [smem:$0x3FAE]  }
0x2a: {  	p0 =	seq.s32 s5, $0x0;
	s5 =	sld [smem:$0x3FAF]  }
0x2b: {  	s6 =	sld [smem:$0x3FB0]  }
0x2c: {  	s7 =	sld [smem:$0x3FB1]  }
0x2d: {  	s3 =	simm.s32 $0x108;
	s8 =	sld [smem:$0x3FB2]  }
0x2e: {  	s3 =	simm.s32 @!p0 $0x1082;
	s9 =	sld [smem:$0x3FB3]  }
0x2f: {  	lr =	sadd.s32 s0, s3;
	s0 =	sld [smem:$0x3FAA]  }
0x30: {  	s3 =	sld [smem:$0x3FAD]  }
0x31: {  	[smem:$0x3FB6] =	sst s10  }
0x32: {  	s10 =	sld [smem:$0x3FB4];
	_ =	sdelay $0x3  }
0x33: {  	p0 =	seq.s32 s10, $0x1;
	s10 =	sld [smem:$0x3FB6];
	_ =	sdelay $0x3  }
0x34: {  	[smem:$0x3FB6] =	sst s10  }
0x35: {  	s10 =	sld [smem:$0x3FB5];
	_ =	sdelay $0x3  }
0x36: {  	p1 =	seq.s32 s10, $0x1;
	s10 =	sld [smem:$0x3FB6];
	_ =	sdelay $0x3  }
0x37: {  	[smem:$0x3FB6] =	sst s10  }
0x38: {  	s10 =	sld [smem:$0x3FB7]  }
0x39: {  	_ = 	snop;
	(pc) =	sbr.ind lr, $3  }
0x3a: {  	_ = 	snop  }
0x3b: {  	_ = 	snop  }
0x3c: {  	p2 =	seq.s32 s10, $0x1;
	s10 =	sld [smem:$0x3FB6]  }
0x3d: {  	_ =	shalt  }
0x3e: {  	_ =	shalt  }
0x3f: {  	_ =	shalt  }
0x40: {  	_ =	shalt  }
0x41: {  	_ =	shalt  }
0x42: {  	_ =	shalt  }
0x43: {  	_ =	shalt  }
0x44: {  	_ =	shalt  }
0x45: {  	_ =	shalt  }
0x46: {  	_ =	shalt  }
0x47: {  	_ =	shalt  }
0x48: {  	_ =	shalt  }
0x49: {  	_ =	shalt  }
0x4a: {  	_ =	shalt  }
0x4b: {  	_ =	shalt  }
0x4c: {  	_ =	shalt  }
0x4d: {  	_ =	shalt  }
0x4e: {  	_ =	shalt  }
0x4f: {  	_ =	shalt  }
0x50: {  	_ =	shalt  }
0x51: {  	_ =	shalt  }
0x52: {  	_ =	shalt  }
0x53: {  	_ =	shalt  }
0x54: {  	_ =	shalt  }
0x55: {  	_ =	shalt  }
0x56: {  	_ =	shalt  }
0x57: {  	_ =	shalt  }
0x58: {  	_ =	shalt  }
0x59: {  	_ =	shalt  }
0x5a: {  	_ =	shalt  }
0x5b: {  	_ =	shalt  }
0x5c: {  	_ =	shalt  }
0x5d: {  	_ =	shalt  }
0x5e: {  	_ =	shalt  }
0x5f: {  	_ =	shalt  }
0x60: {  	_ =	shalt  }
0x61: {  	_ =	shalt  }
0x62: {  	_ =	shalt  }
0x63: {  	_ =	shalt  }
0x64: {  	_ =	shalt  }
0x65: {  	_ =	shalt  }
0x66: {  	_ =	shalt  }
0x67: {  	_ =	shalt  }
0x68: {  	_ =	shalt  }
0x69: {  	_ =	shalt  }
0x6a: {  	_ =	shalt  }
0x6b: {  	_ =	shalt  }
0x6c: {  	_ =	shalt  }
0x6d: {  	_ =	shalt  }
0x6e: {  	_ =	shalt  }
0x6f: {  	_ =	shalt  }
0x70: {  	_ =	shalt  }
0x71: {  	_ =	shalt  }
0x72: {  	_ =	shalt  }
0x73: {  	_ =	shalt  }
0x74: {  	_ =	shalt  }
0x75: {  	_ =	shalt  }
0x76: {  	_ =	shalt  }
0x77: {  	_ =	shalt  }
0x78: {  	_ =	shalt  }
0x79: {  	_ =	shalt  }
0x7a: {  	_ =	shalt  }
0x7b: {  	_ =	shalt  }
0x7c: {  	_ =	shalt  }
0x7d: {  	_ =	shalt  }
0x7e: {  	_ =	shalt  }
0x7f: {  	_ =	shalt  }
0x80: {  	_ =	shalt  }
0x81: {  	_ =	shalt  }
0x82: {  	_ =	shalt  }
0x83: {  	_ =	shalt  }
0x84: {  	_ =	shalt  }
0x85: {  	_ =	shalt  }
0x86: {  	_ =	shalt  }
0x87: {  	_ =	shalt  }
.Lfunc_end0:
.L_simem_size_0:
called_computation.1_lowered:
.L_overlay_start_0:
0x88: {  	s2 =	sld [smem:$0x3FD9]  }
0x89: {  	s3 =	sld [smem:$0x3FFE];
	_ =	sdelay $0x1  }
0x8a: {  	s1 =	srdreg.scid  }
0x8b: {  	s0 =	sand.u32 $0x1, s1  }
0x8c: {  	s14 =	sshll.u32 s0, $0xA;
	s2 =	sadd.s32 s3, s2  }
0x8d: {  	s2 =	sadd.s32 s2, s14  }
0x8e: {  	[smem:$0x3FC2] =	sst s2  }
0x8f: {  	_ = 	snop  }
0x90: {  	s2 =	sld [smem:$0x3FD0]  }
0x91: {  	s15 =	sld [smem:$0x3FC6]  }
0x92: {  	s4 =	sld [smem:$0x3FC5]  }
0x93: {  	s6 =	simm.s32 $0xA;
	s7 =	simm.s32 $0x10;
	s5 =	sld [smem:$0x3FC4]  }
0x94: {  	[smem:s7], [sflag:s6] =	dma.local [hbm:s2], $0x1  }
0x95: {  	_ =	swait.eq [sflag:s6], $0x1  }
0x96: {  	[sflag:s6] =	ssyncset.done $0x0  }
0x97: {  	s16 =	sld [smem:$0x11];
	[sflag:s6] =	ssyncadd.s32 $0xFFFFFFFF  }
0x98: {  	s17 =	sld [smem:$0x12];
	(tm) =	ssettm $0x1  }
0x99: {  	s18 =	sld [smem:$0x3FFB];
	_ =	sdelay $0x3  }
0x9a: {  	_ =	strace s18  }
0x9b: {  	s7 =	sld [smem:$0x3FFC];
	_ =	sdelay $0x3  }
0x9c: {  	_ =	strace s7  }
0x9d: {  	s7 =	sld [smem:$0x3FFD];
	_ =	sdelay $0x3  }
0x9e: {  	_ =	strace s7  }
0x9f: {  	_ =	strace $0x8FFFFFFF  }
0xa0: {  	s19 =	sld [smem:$0x3FDB];
	_ =	sdelay $0x1  }
0xa1: {  	s8 =	simm.s32 $_scs_section_size  }
0xa2: {  	s9 =	simm.s32 $_size__tile_overlayer_lowered;
	s10 =	simm.s32 $_tile_overlayer_lowered  }
0xa3: {  	s22 =	simm.s32 $0x1BFF;
	s21 =	sshll.u32 s10, $0x1;
	s7 =	sadd.s32 s8, s19  }
0xa4: {  	s11 =	simm.s32 $0x0;
	s20 =	sshll.u32 s9, $0x1;
	s9 =	sadd.s32 s21, s7  }
0xa5: {  	[timem:s11], [sflag:s22] =	dma.local [hbm:s9], s20  }
0xa6: {  	_ =	swait.ge [sflag:s22], s20  }
0xa7: {  	s8 =	ssub.s32 $0x0, s20;
	[sflag:s22] =	ssyncset.done $0x0  }
0xa8: {  	[sflag:s22] =	ssyncadd.s32 s8;
	_ =	sdelay $0x1  }
0xa9: {  	s23 =	simm.s32 $0x1B8B  }
0xaa: {  	_ =	swait.ge [sflag:s23], $0x1  }
0xab: {  	[sflag:s23] =	ssyncset.done $0x0  }
0xac: {  	s25 =	simm.s32 $0x1B8E;
	s24 =	sld [smem:$0x3FFE];
	[sflag:s23] =	ssyncadd.s32 $0xFFFFFFFF  }
0xad: {  	s26 =	simm.s32 $execute0_lowered;
	[smem:$0x3FD2] =	sst s25  }
0xae: {  	s9 =	sshll.u32 s26, $0x1;
	_ =	strace $0x80000046;
	[dreg:$0x1] =	wrdreg $0xFFFFFFFF  }
0xaf: {  	s28 =	simm.s32 $_size_execute0_lowered;
	s7 =	sadd.s32 s7, s9;
	[dreg:$0x0] =	wrdreg $0x0  }
0xb0: {  	s9 =	sshll.u32 s28, $0x1;
	[dreg:$0x2] =	wrdreg s7  }
0xb1: {  	[dreg:$0x3] =	wrdreg s9  }
0xb2: {  	[dreg:$0x4] =	wrdreg $0xC0  }
0xb3: {  	_ =	task [dreg:s11], $0x5FFFF  }
0xb4: {  	[dreg:$0x1] =	wrdreg $0xFFFFFFFF  }
0xb5: {  	[dreg:$0x0] =	wrdreg $0x60  }
0xb6: {  	[dreg:$0x2] =	wrdreg s17  }
0xb7: {  	[dreg:$0x3] =	wrdreg s24  }
0xb8: {  	[dreg:$0x4] =	wrdreg s15  }
0xb9: {  	[dreg:$0x5] =	wrdreg s4  }
0xba: {  	[dreg:$0x6] =	wrdreg s5  }
0xbb: {  	[dreg:$0x7] =	wrdreg s16  }
0xbc: {  	[dreg:$0x8] =	wrdreg $0x9  }
0xbd: {  	_ =	task.clear_ibuf [dreg:s11], $0x9FFFF;
	_ =	strace $0x90000046  }
0xbe: {  	s29 =	simm.s32 $0x9;
	_ =	strace $0x80000048  }
0xbf: {  	_ =	swait.ge [sflag:s29], $0x1  }
0xc0: {  	[sflag:s29] =	ssyncadd.s32 $0xFFFFFFFF  }
0xc1: {  	_ =	strace $0x90000048  }
0xc2: {  	_ =	sfence  }
0xc3: {  	s30 =	sld [smem:$0x0];
	_ =	sdelay $0x2  }
0xc4: {  	s31 =	sshll.u32 s1, $0xD;
	s1 =	sshrl.u32 s1, $0x2  }
0xc5: {  	s3 =	sand.u32 $0x4000, s31;
	s1 =	sadd.s32 s1, s30  }
0xc6: {  	s0 =	sor.u32 s3, s0;
	s1 =	sshll.u32 s1, $0x11  }
0xc7: {  	s0 =	sor.u32 s1, s0  }
0xc8: {  	s0 =	sadd.s32 $0x8F2B, s0  }
0xc9: {  	[sflag:s0] =	ssyncadd.remote.s32 $0x1  }
0xca: {  	_ =	sfence.sel $0xFFFF  }
0xcb: {  	[dreg:$0x0] =	wrdreg $0xFFFFFFFF;
	(pc) =	sbr.abs _section_cstart, $3  }
0xcc: {  	[dreg:$0x1] =	wrdreg $0xFFFFFFFF  }
0xcd: {  	_ =	task.clear_ibuf [dreg:s11], $0x2FFFF;
	_ =	strace $0x9FFFFFFF  }
0xce: {  	(tm) =	ssettm $0x7FFFFFFF  }
0xcf: {  	_ =	shalt  }
tec
execute0_lowered:
.L_overlay_start_1:
0x0: {  	(tag) =	ssettag $0x1  }
0x1: {  	s1 =	rddreg [dreg:$0x0]  }
0x2: {  	s0 =	rddreg [dreg:$0x1]  }
0x3: {  	s2 =	rddreg [dreg:$0x2]  }
0x4: {  	s16 =	rddreg [dreg:$0x3]  }
0x5: {  	s17 =	rddreg [dreg:$0x4]  }
0x6: {  	s18 =	rddreg [dreg:$0x5]  }
0x7: {  	s7 =	simm.s32 $0x0;
	s5 =	srdreg.scid;
	s3 =	stileid.u32  }
0x8: {  	s28 =	simm.s32 $0x1870;
	s5 =	sand.u32 $0x1, s5;
	s8 =	sshll.u32 s3, $0x1  }
0x9: {  	[smem:$0x7FF] =	sst s7;
	s31 =	sadd.s32 $0x1200, s0;
	s8 =	sor.u32 s5, s8  }
0xa: {  	s9 =	sadd.s32 $0x1400, s0;
	s10 =	sadd.s32 $0x30E800, s0;
	s12 =	smul.u32 $0x30D4, s8  }
0xb: {  	_ =	strace $0x80000047;
	[dreg:$0x7] =	wrdreg s31;
	s5 =	ssub.s32 $0x2, s5  }
0xc: {  	s11 =	sshrl.u32 s5, $0x1;
	s13 =	smul.u32 $0x186A0, s8;
	s4 =	sadd.s32 s2, s12  }
0xd: {  	s0 =	ssub.s32 s5, s11;
	s5 =	sadd.s32 s16, s12;
	[dreg:$0x8] =	wrdreg s4  }
0xe: {  	s19 =	smul.u32 $0x4E2, s8;
	s8 =	sadd.s32 s17, s12;
	[dreg:$0x9] =	wrdreg s5  }
0xf: {  	s29 =	simm.s32 $0x56F0;
	s20 =	sadd.s32 s18, s12;
	[dreg:$0xa] =	wrdreg s8  }
0x10: {  	s30 =	simm.s32 $0x9570;
	s21 =	sadd.s32 s10, s12;
	[dreg:$0xc] =	wrdreg s20  }
0x11: {  	s6 =	sadd.s32 $0x7D0, s13;
	s0 =	smax.u32 s0, $0x1;
	[dreg:$0xd] =	wrdreg s21  }
0x12: {  	s11 =	sshrl.u32 s6, $0x3;
	s25 =	sadd.s32 s9, s6;
	[smem:$0x7FC] =	sst s0  }
0x13: {  	s3 =	smov.u32 s2;
	s15 =	sadd.s32 s2, s11;
	[dreg:$0x11] =	wrdreg s25  }
0x14: {  	s14 =	sshrl.u32 s13, $0x3;
	s31 =	sadd.s32 s16, s11;
	[dreg:$0xb] =	wrdreg s15  }
0x15: {  	s26 =	sadd.s32 $0x2EE, s14;
	s4 =	sadd.s32 s17, s11;
	[dreg:$0x12] =	wrdreg s31  }
0x16: {  	s20 =	sadd.s32 $0x17ED0, s13;
	s6 =	sadd.s32 s18, s11;
	[dreg:$0x13] =	wrdreg s4  }
0x17: {  	s5 =	simm.s32 $0x3;
	s8 =	sadd.s32 s10, s11;
	[dreg:$0x14] =	wrdreg s6  }
0x18: {  	s11 =	sadd.s32 $0x17700, s13;
	s12 =	sadd.s32 s16, s26;
	[dreg:$0x15] =	wrdreg s8  }
0x19: {  	s15 =	sadd.s32 $0x1F4, s14;
	[dreg:$0x17] =	wrdreg s12;
	s14 =	sadd.s32 s17, s26  }
0x1a: {  	s4 =	smov.u32 s16;
	s31 =	sadd.s32 $0x32, s19;
	[dreg:$0x18] =	wrdreg s14  }
0x1b: {  	s6 =	smov.u32 s17;
	s22 =	sadd.s32 s2, s15;
	[smem:$0x7FD] =	sst s31  }
0x1c: {  	s8 =	simm.s32 $0xFB00;
	s23 =	sadd.s32 s16, s15;
	[dreg:$0xe] =	wrdreg s22  }
0x1d: {  	s12 =	simm.s32 $0x13980;
	s24 =	sadd.s32 s17, s15;
	[dreg:$0xf] =	wrdreg s23  }
0x1e: {  	s2 =	sadd.s32 s2, s26;
	s15 =	sadd.s32 s9, s11;
	[dreg:$0x10] =	wrdreg s24  }
0x1f: {  	s16 =	sshrl.u32 s11, $0x3;
	s17 =	sadd.s32 s9, s13;
	[dreg:$0x16] =	wrdreg s2  }
0x20: {  	s11 =	smov.u32 s18;
	s13 =	simm.s32 $0x17800;
	[dreg:$0x19] =	wrdreg s15  }
0x21: {  	[dreg:$0x1a] =	wrdreg s17;
	s21 =	sadd.s32 s18, s16;
	s22 =	sadd.s32 s10, s16  }
0x22: {  	s23 =	sshrl.u32 s20, $0x3;
	s24 =	sadd.s32 s9, s20;
	s16 =	sadd.s32 $0x19, s19  }
0x23: {  	s15 =	smov.u32 s19;
	s17 =	sadd.s32 $0x4B, s19;
	[dreg:$0x1b] =	wrdreg s21  }
0x24: {  	v0 =	vlaneseq.u32;
	s20 =	simm.s32 $0x2;
	s2 =	simm.s32 $0x0;
	[dreg:$0x1c] =	wrdreg s22  }
0x25: {  	v0 =	vmul.u32 $0x8, v0;
	[dreg:$0x1d] =	wrdreg s24;
	s25 =	sadd.s32 s18, s23;
	s26 =	sadd.s32 s10, s23  }
0x26: {  	v1 =	vimm.s32 $0x0;
	s18 =	simm.s32 $0x5;
	s22 =	simm.s32 $0x50;
	[dreg:$0x1e] =	wrdreg s25  }
0x27: {  	v2 =	vor.u32 $0x3E00, v0;
	v3 =	vor.u32 $0x3E01, v0;
	v4 =	vor.u32 $0x3E02, v0;
	s21 =	simm.s32 $0x4;
	[dreg:$0x1f] =	wrdreg s26;
	s26 =	simm.s32 $0x1  }
.LBB2_1:
0x28: {  	[smem:$0x7FB] =	sst s2  }
0x29: {  	s0 =	rddreg [dreg:$0x7]  }
0x2a: {  	[tilespmem:s7], [sflag:$0x5] =	stream.linear.gather [hbm4b:s0+s7], $0x100, $0x38;
	[tilespmem:$0x1C620] =	vst v63  }
0x2b: {  	_ =	swait.ge [sflag:s18], $0x100  }
0x2c: {  	[sflag:s18] =	ssyncset.done $0x0  }
0x2d: {  	s31 =	simm.s32 $0x100;
	s25 =	rddreg [dreg:$0x8];
	[sflag:s18] =	ssyncadd.s32 $0xFFFFFF00  }
0x2e: {  	[tilespmem:s31], [sflag:$0x5] =	stream.linear.gather [hbm4b:s25+s7], $0x7D0, $0x38;
	[tilespmem:$0x1C620] =	vst v63  }
0x2f: {  	_ =	swait.ge [sflag:s18], $0x7D0  }
0x30: {  	[sflag:s18] =	ssyncset.done $0x0  }
0x31: {  	s19 =	simm.s32 $0x8D0;
	s14 =	rddreg [dreg:$0x9];
	[sflag:s18] =	ssyncadd.s32 $0xFFFFF830  }
0x32: {  	[tilespmem:s19], [sflag:$0x5] =	stream.linear.gather [hbm4b:s14+s7], $0x7D0, $0x38;
	[tilespmem:$0x1C620] =	vst v63  }
0x33: {  	_ =	swait.ge [sflag:s18], $0x7D0  }
0x34: {  	[sflag:s18] =	ssyncset.done $0x0  }
0x35: {  	s24 =	simm.s32 $0x10A0;
	s23 =	rddreg [dreg:$0xa];
	[sflag:s18] =	ssyncadd.s32 $0xFFFFF830  }
0x36: {  	[tilespmem:s24], [sflag:$0x5] =	stream.linear.gather [hbm4b:s23+s7], $0x7D0, $0x38;
	[tilespmem:$0x1C620] =	vst v63  }
0x37: {  	_ =	swait.ge [sflag:s18], $0x7D0  }
0x38: {  	[sflag:s18] =	ssyncset.done $0x0  }
0x39: {  	s0 =	simm.s32 $0x140;
	s25 =	simm.s32 $0x100;
	[sflag:s18] =	ssyncadd.s32 $0xFFFFF830  }
0x3a: {  	[tilespmem:s28], [sflag:$0x1] =	stream.indirect.gather [hbm4b:s1+s22], $0x8, s25, s22, $0xb8;
	[tilespmem:$0x1C620] =	vst v63  }
0x3b: {  	s31 =	simm.s32 $0x8D0;
	s14 =	simm.s32 $0x1870;
	s19 =	simm.s32 $0x56F0  }
0x3c: {  	[tilespmem:s29], [sflag:$0x1] =	stream.indirect.gather [hbm4b:s1+s22], $0x8, s31, s22, $0xb8;
	[tilespmem:$0x1C620] =	vst v63  }
.LBB2_2:
0x3d: {  	p0 =	sne.s32 s0, $0x1E00  }
.Ltmp0:
0x3e: {  	s23 =	sshra.s32 s0, $0x2;
	s0 =	sadd.s32 $0x140, s0;
	(pc) =	sbr.rel @p0 .LBB2_2-.Ltmp0, $4  }
0x3f: {  	s14 =	sadd.s32 $0x280, s14;
	s24 =	sadd.s32 $0x100, s23  }
0x40: {  	[tilespmem:s14], [sflag:$0x1] =	stream.indirect.gather [hbm4b:s1+s22], $0x8, s24, s22, $0xb8;
	[tilespmem:$0x1C620] =	vst v63  }
0x41: {  	s19 =	sadd.s32 $0x280, s19;
	s23 =	sadd.s32 $0x8D0, s23  }
0x42: {  	[tilespmem:s19], [sflag:$0x1] =	stream.indirect.gather [hbm4b:s1+s22], $0x8, s23, s22, $0xb8;
	[tilespmem:$0x1C620] =	vst v63  }
0x43: {  	s0 =	simm.s32 $0x0;
	s2 =	rddreg [dreg:$0xb];
	s14 =	simm.s32 $0xE390  }
0x44: {  	[tilespmem:s14], [sflag:$0x5] =	stream.linear.gather [hbm4b:s2+s0], $0x7D0, $0x38;
	[tilespmem:$0x1C620] =	vst v63  }
0x45: {  	_ =	swait.ge [sflag:s18], $0x7D0  }
0x46: {  	[sflag:s18] =	ssyncset.done $0x0  }
0x47: {  	s23 =	simm.s32 $0xEB60;
	s19 =	rddreg [dreg:$0x12];
	[sflag:s18] =	ssyncadd.s32 $0xFFFFF830  }
0x48: {  	[tilespmem:s23], [sflag:$0x5] =	stream.linear.gather [hbm4b:s19+s0], $0x7D0, $0x38;
	[tilespmem:$0x1C620] =	vst v63  }
0x49: {  	_ =	swait.ge [sflag:s18], $0x7D0  }
0x4a: {  	[sflag:s18] =	ssyncset.done $0x0  }
0x4b: {  	s25 =	simm.s32 $0xF330;
	s24 =	rddreg [dreg:$0x13];
	[sflag:s18] =	ssyncadd.s32 $0xFFFFF830  }
0x4c: {  	[tilespmem:s25], [sflag:$0x5] =	stream.linear.gather [hbm4b:s24+s0], $0x7D0, $0x38;
	[tilespmem:$0x1C620] =	vst v63  }
0x4d: {  	_ =	swait.ge [sflag:s18], $0x7D0  }
0x4e: {  	[sflag:s18] =	ssyncset.done $0x0  }
0x4f: {  	s31 =	simm.s32 $0xE390;
	s0 =	simm.s32 $0xFB00;
	[sflag:s18] =	ssyncadd.s32 $0xFFFFF830  }
0x50: {  	[tilespmem:s0], [sflag:$0x3] =	stream.indirect.gather [hbm4b:s1+s22], $0x8, s31, s22, $0xb8;
	[tilespmem:$0x1C620] =	vst v63  }
0x51: {  	s14 =	simm.s32 $0x13980;
	s19 =	simm.s32 $0xEB60  }
0x52: {  	[tilespmem:s14], [sflag:$0x3] =	stream.indirect.gather [hbm4b:s1+s22], $0x8, s19, s22, $0xb8;
	[tilespmem:$0x1C620] =	vst v63  }
0x53: {  	s19 =	simm.s32 $0x140  }
.LBB2_4:
0x54: {  	p0 =	sne.s32 s19, $0x1E00  }
.Ltmp1:
0x55: {  	s23 =	sshra.s32 s19, $0x2;
	s19 =	sadd.s32 $0x140, s19;
	(pc) =	sbr.rel @p0 .LBB2_4-.Ltmp1, $4  }
0x56: {  	s0 =	sadd.s32 $0x280, s0;
	s24 =	sadd.s32 $0xE390, s23  }
0x57: {  	[tilespmem:s0], [sflag:$0x3] =	stream.indirect.gather [hbm4b:s1+s22], $0x8, s24, s22, $0xb8;
	[tilespmem:$0x1C620] =	vst v63  }
0x58: {  	s14 =	sadd.s32 $0x280, s14;
	s23 =	sadd.s32 $0xEB60, s23  }
0x59: {  	[tilespmem:s14], [sflag:$0x3] =	stream.indirect.gather [hbm4b:s1+s22], $0x8, s23, s22, $0xb8;
	[tilespmem:$0x1C620] =	vst v63  }
0x5a: {  	_ =	swait.ge [sflag:s26], $0x280  }
0x5b: {  	[sflag:s26] =	ssyncset.done $0x0  }
0x5c: {  	[sflag:s26] =	ssyncadd.s32 $0xFFFFFD80  }
0x5d: {  	_ =	swait.ge [sflag:s26], $0x280  }
0x5e: {  	s0 =	simm.s32 $0x18;
	[sflag:s26] =	ssyncset.done $0x0  }
.LBB2_6:
0x5f: {  	p0 =	sne.s32 s0, $0x1;
	s0 =	sadd.s32 $0xFFFFFFFF, s0;
	[sflag:s26] =	ssyncadd.s32 $0xFFFFFD80  }
.Ltmp2:
0x60: {  	_ =	swait.ge [sflag:s26], $0x280;
	(pc) =	sbr.rel @p0 .LBB2_6-.Ltmp2, $4  }
0x61: {  	[sflag:s26] =	ssyncset.done $0x0  }
0x62: {  	[sflag:s26] =	ssyncadd.s32 $0xFFFFFD80  }
0x63: {  	_ =	swait.ge [sflag:s26], $0x280  }
0x64: {  	[sflag:s26] =	ssyncset.done $0x0  }
0x65: {  	[sflag:s26] =	ssyncadd.s32 $0xFFFFFD80;
	s23 =	simm.s32 $0xFFFFFFFC;
	s24 =	simm.s32 $0x0  }
0x66: {  	s25 =	simm.s32 $0x10C0;
	s0 =	simm.s32 $0xD410;
	s14 =	simm.s32 $0xDBE0  }
.LBB2_8:
0x67: {  	v5 =	vmov s24  }
0x68: {  	v6 =	vld [tilespmem:s25+$0xFFFFFFE0];
	v5 =	vshll.u32 v5, $0x3  }
0x69: {  	v5 =	vor.u32 v0, v5;
	_ =	sdelay $0x1  }
0x6a: {  	v7 =	vor.u32 $0x1, v5  }
0x6b: {  	v11 =	vor.u32 $0x2, v5  }
0x6c: {  	v6 =	vshll.u32 v6, $0x3  }
0x6d: {  	v9 =	vor.u32 $0x1, v6;
	v8 =	vld.idx.msk [tilespmem:v5+s28+$0x0], $0xffff  }
0x6e: {  	v13 =	vor.u32 $0x2, v6;
	v12 =	vld.idx.msk [tilespmem:v5+s29+$0x0], $0xffff  }
0x6f: {  	v14 =	vld.idx.msk [tilespmem:v7+s29+$0x0], $0xffff  }
0x70: {  	v15 =	vld.idx.msk [tilespmem:v11+s29+$0x0], $0xffff  }
0x71: {  	v6 =	vld.idx.msk [tilespmem:v6+s7+$0x0], $0xffff  }
0x72: {  	v9 =	vld.idx.msk [tilespmem:v9+s7+$0x0], $0xffff  }
0x73: {  	v13 =	vld.idx.msk [tilespmem:v13+s7+$0x0], $0xffff  }
0x74: {  	v10 =	vld.idx.msk [tilespmem:v7+s28+$0x0], $0xffff;
	_ =	sdelay $0x1  }
0x75: {  	v16 =	vld.idx.msk [tilespmem:v11+s28+$0x0], $0xffff  }
0x76: {  	v6 =	vadd.f32 v6, v12;
	v9 =	vadd.f32 v9, v14  }
0x77: {  	v17 =	vadd.f32 v13, v15  }
0x78: {  	v6 =	vsub.f32 v6, v8;
	v63 =	vsub.f32 v9, v10;
	_ =	sdelay $0x1  }
0x79: {  	v9 =	vsub.f32 v17, v16;
	v18 =	vmul.f32 v6, v6;
	v19 =	vmul.f32 v63, v63;
	_ =	sdelay $0x1  }
0x7a: {  	v20 =	vmul.f32 v9, v9;
	v10 =	vadd.f32 v19, v18;
	_ =	sdelay $0x1  }
0x7b: {  	v10 =	vadd.f32 v20, v10;
	_ =	sdelay $0x1  }
0x7c: {  	vm0 =	vlt.f32 v10, $3.600000000e+01  }
0x7d: {  	v10 =	vnsel vm0, $0x0, v10  }
0x7e: {  	v21 =	vsel vm0, $0x1, v1;
	[tilespmem:s0+$0xFFFFFFE0] =	vst v10  }
0x7f: {  	v6 =	vnsel vm0, $0x0, v6;
	[tilespmem:s14+$0xFFFFFFE0] =	vst v21  }
0x80: {  	[tilespmem:v5+s30+$0x0] =	vst.idx.msk $0xffff, v6;
	v5 =	vnsel vm0, $0x0, v63  }
0x81: {  	s19 =	sadd.s32 $0x10, s24;
	[tilespmem:v7+s30+$0x0] =	vst.idx.msk $0xffff, v5;
	v5 =	vnsel vm0, $0x0, v9  }
0x82: {  	[tilespmem:v11+s30+$0x0] =	vst.idx.msk $0xffff, v5;
	v5 =	vmov s19  }
0x83: {  	v5 =	vshll.u32 v5, $0x3;
	v6 =	vld [tilespmem:s25+$0xFFFFFFF0]  }
0x84: {  	v5 =	vor.u32 v0, v5;
	_ =	sdelay $0x1  }
0x85: {  	v7 =	vor.u32 $0x1, v5  }
0x86: {  	v24 =	vor.u32 $0x2, v5  }
0x87: {  	v6 =	vshll.u32 v6, $0x3  }
0x88: {  	v22 =	vld.idx.msk [tilespmem:v5+s28+$0x0], $0xffff;
	v23 =	vor.u32 $0x1, v6  }
0x89: {  	v25 =	vld.idx.msk [tilespmem:v5+s29+$0x0], $0xffff;
	v26 =	vor.u32 $0x2, v6  }
0x8a: {  	v27 =	vld.idx.msk [tilespmem:v7+s29+$0x0], $0xffff  }
0x8b: {  	v28 =	vld.idx.msk [tilespmem:v24+s29+$0x0], $0xffff  }
0x8c: {  	v6 =	vld.idx.msk [tilespmem:v6+s7+$0x0], $0xffff  }
0x8d: {  	v9 =	vld.idx.msk [tilespmem:v23+s7+$0x0], $0xffff  }
0x8e: {  	v13 =	vld.idx.msk [tilespmem:v26+s7+$0x0], $0xffff  }
0x8f: {  	v10 =	vld.idx.msk [tilespmem:v7+s28+$0x0], $0xffff;
	_ =	sdelay $0x1  }
0x90: {  	v29 =	vld.idx.msk [tilespmem:v24+s28+$0x0], $0xffff  }
0x91: {  	v6 =	vadd.f32 v6, v25;
	v9 =	vadd.f32 v9, v27  }
0x92: {  	v31 =	vadd.f32 v13, v28  }
0x93: {  	v6 =	vsub.f32 v6, v22;
	v30 =	vsub.f32 v9, v10;
	_ =	sdelay $0x1  }
0x94: {  	v9 =	vsub.f32 v31, v29;
	v32 =	vmul.f32 v6, v6;
	v33 =	vmul.f32 v30, v30;
	_ =	sdelay $0x1  }
0x95: {  	v34 =	vmul.f32 v9, v9;
	v10 =	vadd.f32 v33, v32;
	_ =	sdelay $0x1  }
0x96: {  	v10 =	vadd.f32 v34, v10;
	_ =	sdelay $0x1  }
0x97: {  	vm13 =	vlt.f32 v10, $3.600000000e+01  }
0x98: {  	v10 =	vnsel vm13, $0x0, v10  }
0x99: {  	v35 =	vsel vm13, $0x1, v1;
	[tilespmem:s0+$0xFFFFFFF0] =	vst v10  }
0x9a: {  	v6 =	vnsel vm13, $0x0, v6;
	[tilespmem:s14+$0xFFFFFFF0] =	vst v35  }
0x9b: {  	[tilespmem:v5+s30+$0x0] =	vst.idx.msk $0xffff, v6;
	v5 =	vnsel vm13, $0x0, v30  }
0x9c: {  	s2 =	sadd.s32 $0x20, s24;
	[tilespmem:v7+s30+$0x0] =	vst.idx.msk $0xffff, v5;
	v5 =	vnsel vm13, $0x0, v9  }
0x9d: {  	[tilespmem:v24+s30+$0x0] =	vst.idx.msk $0xffff, v5;
	v5 =	vmov s2  }
0x9e: {  	v5 =	vshll.u32 v5, $0x3;
	v6 =	vld [tilespmem:s25+$0x0]  }
0x9f: {  	v5 =	vor.u32 v0, v5;
	_ =	sdelay $0x1  }
0xa0: {  	v7 =	vor.u32 $0x1, v5  }
0xa1: {  	v38 =	vor.u32 $0x2, v5  }
0xa2: {  	v6 =	vshll.u32 v6, $0x3  }
0xa3: {  	v36 =	vld.idx.msk [tilespmem:v5+s28+$0x0], $0xffff;
	v37 =	vor.u32 $0x1, v6  }
0xa4: {  	v39 =	vld.idx.msk [tilespmem:v5+s29+$0x0], $0xffff;
	v40 =	vor.u32 $0x2, v6  }
0xa5: {  	v41 =	vld.idx.msk [tilespmem:v7+s29+$0x0], $0xffff  }
0xa6: {  	v42 =	vld.idx.msk [tilespmem:v38+s29+$0x0], $0xffff  }
0xa7: {  	v6 =	vld.idx.msk [tilespmem:v6+s7+$0x0], $0xffff  }
0xa8: {  	v9 =	vld.idx.msk [tilespmem:v37+s7+$0x0], $0xffff  }
0xa9: {  	v13 =	vld.idx.msk [tilespmem:v40+s7+$0x0], $0xffff  }
0xaa: {  	v10 =	vld.idx.msk [tilespmem:v7+s28+$0x0], $0xffff;
	_ =	sdelay $0x1  }
0xab: {  	v43 =	vld.idx.msk [tilespmem:v38+s28+$0x0], $0xffff  }
0xac: {  	v6 =	vadd.f32 v6, v39;
	v9 =	vadd.f32 v9, v41  }
0xad: {  	v45 =	vadd.f32 v13, v42  }
0xae: {  	v6 =	vsub.f32 v6, v36;
	v44 =	vsub.f32 v9, v10;
	_ =	sdelay $0x1  }
0xaf: {  	v9 =	vsub.f32 v45, v43;
	v46 =	vmul.f32 v6, v6;
	v47 =	vmul.f32 v44, v44;
	_ =	sdelay $0x1  }
0xb0: {  	v48 =	vmul.f32 v9, v9;
	v10 =	vadd.f32 v47, v46;
	_ =	sdelay $0x1  }
0xb1: {  	v10 =	vadd.f32 v48, v10;
	_ =	sdelay $0x1  }
0xb2: {  	vm14 =	vlt.f32 v10, $3.600000000e+01  }
0xb3: {  	v10 =	vnsel vm14, $0x0, v10  }
0xb4: {  	v49 =	vsel vm14, $0x1, v1;
	[tilespmem:s0+$0x0] =	vst v10  }
0xb5: {  	v6 =	vnsel vm14, $0x0, v6;
	[tilespmem:s14+$0x0] =	vst v49  }
0xb6: {  	[tilespmem:v5+s30+$0x0] =	vst.idx.msk $0xffff, v6;
	v5 =	vnsel vm14, $0x0, v44  }
0xb7: {  	s31 =	sadd.s32 $0x30, s24;
	[tilespmem:v7+s30+$0x0] =	vst.idx.msk $0xffff, v5;
	v5 =	vnsel vm14, $0x0, v9  }
0xb8: {  	[tilespmem:v38+s30+$0x0] =	vst.idx.msk $0xffff, v5;
	v5 =	vmov s31  }
0xb9: {  	v5 =	vshll.u32 v5, $0x3;
	v6 =	vld [tilespmem:s25+$0x10]  }
0xba: {  	v5 =	vor.u32 v0, v5;
	_ =	sdelay $0x1  }
0xbb: {  	v7 =	vor.u32 $0x1, v5  }
0xbc: {  	v52 =	vor.u32 $0x2, v5  }
0xbd: {  	v6 =	vshll.u32 v6, $0x3  }
0xbe: {  	v50 =	vld.idx.msk [tilespmem:v5+s28+$0x0], $0xffff;
	v51 =	vor.u32 $0x1, v6  }
0xbf: {  	v53 =	vld.idx.msk [tilespmem:v5+s29+$0x0], $0xffff;
	v54 =	vor.u32 $0x2, v6  }
0xc0: {  	v55 =	vld.idx.msk [tilespmem:v7+s29+$0x0], $0xffff  }
0xc1: {  	v56 =	vld.idx.msk [tilespmem:v52+s29+$0x0], $0xffff  }
0xc2: {  	v6 =	vld.idx.msk [tilespmem:v6+s7+$0x0], $0xffff  }
0xc3: {  	v9 =	vld.idx.msk [tilespmem:v51+s7+$0x0], $0xffff  }
0xc4: {  	v13 =	vld.idx.msk [tilespmem:v54+s7+$0x0], $0xffff  }
0xc5: {  	v10 =	vld.idx.msk [tilespmem:v7+s28+$0x0], $0xffff;
	_ =	sdelay $0x1  }
0xc6: {  	v57 =	vld.idx.msk [tilespmem:v52+s28+$0x0], $0xffff  }
0xc7: {  	v6 =	vadd.f32 v6, v53;
	v9 =	vadd.f32 v9, v55  }
0xc8: {  	v59 =	vadd.f32 v13, v56  }
0xc9: {  	v6 =	vsub.f32 v6, v50;
	v58 =	vsub.f32 v9, v10;
	_ =	sdelay $0x1  }
0xca: {  	v9 =	vsub.f32 v59, v57;
	v60 =	vmul.f32 v6, v6;
	v61 =	vmul.f32 v58, v58;
	_ =	sdelay $0x1  }
0xcb: {  	v62 =	vmul.f32 v9, v9;
	v10 =	vadd.f32 v61, v60;
	_ =	sdelay $0x1  }
0xcc: {  	v10 =	vadd.f32 v62, v10;
	_ =	sdelay $0x1  }
0xcd: {  	s23 =	sadd.s32 $0x4, s23;
	vm15 =	vlt.f32 v10, $3.600000000e+01  }
0xce: {  	p0 =	slt.u32 s23, $0x78;
	v10 =	vnsel vm15, $0x0, v10  }
.Ltmp3:
0xcf: {  	v63 =	vsel vm15, $0x1, v1;
	[tilespmem:s0+$0x10] =	vst v10;
	(pc) =	sbr.rel @p0 .LBB2_8-.Ltmp3, $4  }
0xd0: {  	v6 =	vnsel vm15, $0x0, v6;
	[tilespmem:s14+$0x10] =	vst v63  }
0xd1: {  	[tilespmem:v5+s30+$0x0] =	vst.idx.msk $0xffff, v6;
	v5 =	vnsel vm15, $0x0, v58  }
0xd2: {  	s24 =	sadd.s32 $0x40, s24;
	[tilespmem:v7+s30+$0x0] =	vst.idx.msk $0xffff, v5;
	v5 =	vnsel vm15, $0x0, v9  }
0xd3: {  	s25 =	sadd.s32 $0x40, s25;
	s0 =	sadd.s32 $0x40, s0;
	s14 =	sadd.s32 $0x40, s14;
	[tilespmem:v52+s30+$0x0] =	vst.idx.msk $0xffff, v5  }
0xd4: {  	v5 =	vld [tilespmem:$0x1860];
	_ =	sdelay $0x4  }
0xd5: {  	s0 =	simm.s32 $0x1870;
	v5 =	vshll.u32 v5, $0x3  }
0xd6: {  	v6 =	vld.idx.msk [tilespmem:v2+s0+$0x0], $0xffff;
	v7 =	vor.u32 $0x1, v5  }
0xd7: {  	s14 =	simm.s32 $0x56F0;
	v8 =	vld.idx.msk [tilespmem:v3+s0+$0x0], $0xffff  }
0xd8: {  	v9 =	vld.idx.msk [tilespmem:v2+s14+$0x0], $0xffff;
	v10 =	vor.u32 $0x2, v5  }
0xd9: {  	s19 =	simm.s32 $0x0;
	v11 =	vld.idx.msk [tilespmem:v3+s14+$0x0], $0xffff  }
0xda: {  	v5 =	vld.idx.msk [tilespmem:v5+s19+$0x0], $0xffff  }
0xdb: {  	v7 =	vld.idx.msk [tilespmem:v7+s19+$0x0], $0xffff  }
0xdc: {  	v12 =	vld.idx.msk [tilespmem:v4+s14+$0x0], $0xffff  }
0xdd: {  	v10 =	vld.idx.msk [tilespmem:v10+s19+$0x0], $0xffff;
	_ =	sdelay $0x1  }
0xde: {  	v13 =	vld.idx.msk [tilespmem:v4+s0+$0x0], $0xffff;
	v5 =	vadd.f32 v5, v9  }
0xdf: {  	v7 =	vadd.f32 v7, v11  }
0xe0: {  	v5 =	vsub.f32 v5, v6  }
0xe1: {  	v6 =	vsub.f32 v7, v8;
	v7 =	vadd.f32 v10, v12;
	_ =	sdelay $0x1  }
0xe2: {  	v60 =	vmul.f32 v5, v5;
	v7 =	vsub.f32 v7, v13;
	v61 =	vmul.f32 v6, v6;
	_ =	sdelay $0x1  }
0xe3: {  	v8 =	vadd.f32 v61, v60;
	v62 =	vmul.f32 v7, v7;
	_ =	sdelay $0x1  }
0xe4: {  	v8 =	vadd.f32 v62, v8;
	_ =	sdelay $0x1  }
0xe5: {  	vm0 =	vlt.f32 v8, $3.600000000e+01  }
0xe6: {  	v8 =	vnsel vm0, $0x0, v8  }
0xe7: {  	v63 =	vsel vm0, $0x1, v1;
	[tilespmem:$0xDBB0] =	vst v8  }
0xe8: {  	v5 =	vnsel vm0, $0x0, v5;
	[tilespmem:$0xE380] =	vst v63  }
0xe9: {  	[tilespmem:v2+s30+$0x0] =	vst.idx.msk $0xffff, v5;
	v5 =	vnsel vm0, $0x0, v6  }
0xea: {  	[tilespmem:v3+s30+$0x0] =	vst.idx.msk $0xffff, v5;
	v5 =	vnsel vm0, $0x0, v7  }
0xeb: {  	s2 =	rddreg [dreg:$0x1a];
	[tilespmem:v4+s30+$0x0] =	vst.idx.msk $0xffff, v5  }
0xec: {  	[hbm4b:s2+s19] =	stream.linear.scatter [tilespmem:s30], [sflag:$0x2], $0x3E80, $0x38;
	[tilespmem:$0x1C620] =	vst v63  }
0xed: {  	s24 =	rddreg [dreg:$0xc];
	s23 =	simm.s32 $0xD3F0  }
0xee: {  	[hbm4b:s24+s19] =	stream.linear.scatter [tilespmem:s23], [sflag:$0x2], $0x7D0, $0x38;
	[tilespmem:$0x1C620] =	vst v63  }
0xef: {  	s25 =	rddreg [dreg:$0xd];
	s31 =	simm.s32 $0xDBC0  }
0xf0: {  	[hbm4b:s25+s19] =	stream.linear.scatter [tilespmem:s31], [sflag:$0x2], $0x7D0, $0x38;
	[tilespmem:$0x1C620] =	vst v63  }
0xf1: {  	s23 =	rddreg [dreg:$0xe];
	s24 =	simm.s32 $0x100  }
0xf2: {  	[tilespmem:s24], [sflag:$0x5] =	stream.linear.gather [hbm4b:s23+s19], $0x7D0, $0x38;
	[tilespmem:$0x1C620] =	vst v63  }
0xf3: {  	_ =	swait.ge [sflag:s18], $0x7D0  }
0xf4: {  	[sflag:s18] =	ssyncset.done $0x0  }
0xf5: {  	s31 =	simm.s32 $0x8D0;
	s25 =	rddreg [dreg:$0xf];
	[sflag:s18] =	ssyncadd.s32 $0xFFFFF830  }
0xf6: {  	[tilespmem:s31], [sflag:$0x5] =	stream.linear.gather [hbm4b:s25+s19], $0x7D0, $0x38;
	[tilespmem:$0x1C620] =	vst v63  }
0xf7: {  	_ =	swait.ge [sflag:s18], $0x7D0  }
0xf8: {  	[sflag:s18] =	ssyncset.done $0x0  }
0xf9: {  	s24 =	simm.s32 $0x10A0;
	s23 =	rddreg [dreg:$0x10];
	[sflag:s18] =	ssyncadd.s32 $0xFFFFF830  }
0xfa: {  	[tilespmem:s24], [sflag:$0x5] =	stream.linear.gather [hbm4b:s23+s19], $0x7D0, $0x38;
	[tilespmem:$0x1C620] =	vst v63  }
0xfb: {  	_ =	swait.ge [sflag:s18], $0x7D0  }
0xfc: {  	[sflag:s18] =	ssyncset.done $0x0  }
0xfd: {  	s25 =	simm.s32 $0x100;
	[sflag:s18] =	ssyncadd.s32 $0xFFFFF830  }
0xfe: {  	[tilespmem:s0], [sflag:$0x1] =	stream.indirect.gather [hbm4b:s1+s22], $0x8, s25, s22, $0xb8;
	[tilespmem:$0x1C620] =	vst v63  }
0xff: {  	s31 =	simm.s32 $0x8D0;
	s19 =	simm.s32 $0x140  }
0x100: {  	[tilespmem:s14], [sflag:$0x1] =	stream.indirect.gather [hbm4b:s1+s22], $0x8, s31, s22, $0xb8;
	[tilespmem:$0x1C620] =	vst v63  }
.LBB2_10:
0x101: {  	p0 =	sne.s32 s19, $0x1E00  }
.Ltmp4:
0x102: {  	s23 =	sshra.s32 s19, $0x2;
	s19 =	sadd.s32 $0x140, s19;
	(pc) =	sbr.rel @p0 .LBB2_10-.Ltmp4, $4  }
0x103: {  	s0 =	sadd.s32 $0x280, s0;
	s24 =	sadd.s32 $0x100, s23  }
0x104: {  	[tilespmem:s0], [sflag:$0x1] =	stream.indirect.gather [hbm4b:s1+s22], $0x8, s24, s22, $0xb8;
	[tilespmem:$0x1C620] =	vst v63  }
0x105: {  	s14 =	sadd.s32 $0x280, s14;
	s23 =	sadd.s32 $0x8D0, s23  }
0x106: {  	[tilespmem:s14], [sflag:$0x1] =	stream.indirect.gather [hbm4b:s1+s22], $0x8, s23, s22, $0xb8;
	[tilespmem:$0x1C620] =	vst v63  }
0x107: {  	_ =	swait.ge [sflag:s5], $0x280  }
0x108: {  	[sflag:s5] =	ssyncset.done $0x0  }
0x109: {  	[sflag:s5] =	ssyncadd.s32 $0xFFFFFD80  }
0x10a: {  	_ =	swait.ge [sflag:s5], $0x280  }
0x10b: {  	s0 =	simm.s32 $0x18;
	[sflag:s5] =	ssyncset.done $0x0  }
.LBB2_12:
0x10c: {  	p0 =	sne.s32 s0, $0x1;
	s0 =	sadd.s32 $0xFFFFFFFF, s0;
	[sflag:s5] =	ssyncadd.s32 $0xFFFFFD80  }
.Ltmp5:
0x10d: {  	_ =	swait.ge [sflag:s5], $0x280;
	(pc) =	sbr.rel @p0 .LBB2_12-.Ltmp5, $4  }
0x10e: {  	[sflag:s5] =	ssyncset.done $0x0  }
0x10f: {  	[sflag:s5] =	ssyncadd.s32 $0xFFFFFD80  }
0x110: {  	_ =	swait.ge [sflag:s5], $0x280  }
0x111: {  	[sflag:s5] =	ssyncset.done $0x0  }
0x112: {  	[sflag:s5] =	ssyncadd.s32 $0xFFFFFD80;
	s23 =	simm.s32 $0xFFFFFFFC;
	s24 =	simm.s32 $0x0  }
0x113: {  	s25 =	simm.s32 $0xF350;
	s0 =	simm.s32 $0x1B6A0;
	s14 =	simm.s32 $0x1BE70  }
.LBB2_14:
0x114: {  	v5 =	vmov s24  }
0x115: {  	v6 =	vld [tilespmem:s25+$0xFFFFFFE0];
	v5 =	vshll.u32 v5, $0x3  }
0x116: {  	v5 =	vor.u32 v0, v5;
	_ =	sdelay $0x1  }
0x117: {  	v7 =	vor.u32 $0x1, v5  }
0x118: {  	v11 =	vor.u32 $0x2, v5  }
0x119: {  	v6 =	vshll.u32 v6, $0x3  }
0x11a: {  	v9 =	vor.u32 $0x1, v6;
	v8 =	vld.idx.msk [tilespmem:v5+s8+$0x0], $0xffff  }
0x11b: {  	v13 =	vor.u32 $0x2, v6;
	v12 =	vld.idx.msk [tilespmem:v5+s12+$0x0], $0xffff  }
0x11c: {  	v14 =	vld.idx.msk [tilespmem:v7+s12+$0x0], $0xffff  }
0x11d: {  	v15 =	vld.idx.msk [tilespmem:v11+s12+$0x0], $0xffff  }
0x11e: {  	v6 =	vld.idx.msk [tilespmem:v6+s7+$0x0], $0xffff  }
0x11f: {  	v9 =	vld.idx.msk [tilespmem:v9+s7+$0x0], $0xffff  }
0x120: {  	v13 =	vld.idx.msk [tilespmem:v13+s7+$0x0], $0xffff  }
0x121: {  	v10 =	vld.idx.msk [tilespmem:v7+s8+$0x0], $0xffff;
	_ =	sdelay $0x1  }
0x122: {  	v16 =	vld.idx.msk [tilespmem:v11+s8+$0x0], $0xffff  }
0x123: {  	v6 =	vadd.f32 v6, v12;
	v9 =	vadd.f32 v9, v14  }
0x124: {  	v17 =	vadd.f32 v13, v15  }
0x125: {  	v6 =	vsub.f32 v6, v8;
	v63 =	vsub.f32 v9, v10;
	_ =	sdelay $0x1  }
0x126: {  	v9 =	vsub.f32 v17, v16;
	v18 =	vmul.f32 v6, v6;
	v19 =	vmul.f32 v63, v63;
	_ =	sdelay $0x1  }
0x127: {  	v20 =	vmul.f32 v9, v9;
	v10 =	vadd.f32 v19, v18;
	_ =	sdelay $0x1  }
0x128: {  	v10 =	vadd.f32 v20, v10;
	_ =	sdelay $0x1  }
0x129: {  	vm0 =	vlt.f32 v10, $3.600000000e+01  }
0x12a: {  	v10 =	vnsel vm0, $0x0, v10  }
0x12b: {  	v21 =	vsel vm0, $0x1, v1;
	[tilespmem:s0+$0xFFFFFFE0] =	vst v10  }
0x12c: {  	v6 =	vnsel vm0, $0x0, v6;
	[tilespmem:s14+$0xFFFFFFE0] =	vst v21  }
0x12d: {  	[tilespmem:v5+s13+$0x0] =	vst.idx.msk $0xffff, v6;
	v5 =	vnsel vm0, $0x0, v63  }
0x12e: {  	s19 =	sadd.s32 $0x10, s24;
	[tilespmem:v7+s13+$0x0] =	vst.idx.msk $0xffff, v5;
	v5 =	vnsel vm0, $0x0, v9  }
0x12f: {  	[tilespmem:v11+s13+$0x0] =	vst.idx.msk $0xffff, v5;
	v5 =	vmov s19  }
0x130: {  	v5 =	vshll.u32 v5, $0x3;
	v6 =	vld [tilespmem:s25+$0xFFFFFFF0]  }
0x131: {  	v5 =	vor.u32 v0, v5;
	_ =	sdelay $0x1  }
0x132: {  	v7 =	vor.u32 $0x1, v5  }
0x133: {  	v24 =	vor.u32 $0x2, v5  }
0x134: {  	v6 =	vshll.u32 v6, $0x3  }
0x135: {  	v22 =	vld.idx.msk [tilespmem:v5+s8+$0x0], $0xffff;
	v23 =	vor.u32 $0x1, v6  }
0x136: {  	v25 =	vld.idx.msk [tilespmem:v5+s12+$0x0], $0xffff;
	v26 =	vor.u32 $0x2, v6  }
0x137: {  	v27 =	vld.idx.msk [tilespmem:v7+s12+$0x0], $0xffff  }
0x138: {  	v28 =	vld.idx.msk [tilespmem:v24+s12+$0x0], $0xffff  }
0x139: {  	v6 =	vld.idx.msk [tilespmem:v6+s7+$0x0], $0xffff  }
0x13a: {  	v9 =	vld.idx.msk [tilespmem:v23+s7+$0x0], $0xffff  }
0x13b: {  	v13 =	vld.idx.msk [tilespmem:v26+s7+$0x0], $0xffff  }
0x13c: {  	v10 =	vld.idx.msk [tilespmem:v7+s8+$0x0], $0xffff;
	_ =	sdelay $0x1  }
0x13d: {  	v29 =	vld.idx.msk [tilespmem:v24+s8+$0x0], $0xffff  }
0x13e: {  	v6 =	vadd.f32 v6, v25;
	v9 =	vadd.f32 v9, v27  }
0x13f: {  	v31 =	vadd.f32 v13, v28  }
0x140: {  	v6 =	vsub.f32 v6, v22;
	v30 =	vsub.f32 v9, v10;
	_ =	sdelay $0x1  }
0x141: {  	v9 =	vsub.f32 v31, v29;
	v32 =	vmul.f32 v6, v6;
	v33 =	vmul.f32 v30, v30;
	_ =	sdelay $0x1  }
0x142: {  	v34 =	vmul.f32 v9, v9;
	v10 =	vadd.f32 v33, v32;
	_ =	sdelay $0x1  }
0x143: {  	v10 =	vadd.f32 v34, v10;
	_ =	sdelay $0x1  }
0x144: {  	vm13 =	vlt.f32 v10, $3.600000000e+01  }
0x145: {  	v10 =	vnsel vm13, $0x0, v10  }
0x146: {  	v35 =	vsel vm13, $0x1, v1;
	[tilespmem:s0+$0xFFFFFFF0] =	vst v10  }
0x147: {  	v6 =	vnsel vm13, $0x0, v6;
	[tilespmem:s14+$0xFFFFFFF0] =	vst v35  }
0x148: {  	[tilespmem:v5+s13+$0x0] =	vst.idx.msk $0xffff, v6;
	v5 =	vnsel vm13, $0x0, v30  }
0x149: {  	s2 =	sadd.s32 $0x20, s24;
	[tilespmem:v7+s13+$0x0] =	vst.idx.msk $0xffff, v5;
	v5 =	vnsel vm13, $0x0, v9  }
0x14a: {  	[tilespmem:v24+s13+$0x0] =	vst.idx.msk $0xffff, v5;
	v5 =	vmov s2  }
0x14b: {  	v5 =	vshll.u32 v5, $0x3;
	v6 =	vld [tilespmem:s25+$0x0]  }
0x14c: {  	v5 =	vor.u32 v0, v5;
	_ =	sdelay $0x1  }
0x14d: {  	v7 =	vor.u32 $0x1, v5  }
0x14e: {  	v38 =	vor.u32 $0x2, v5  }
0x14f: {  	v6 =	vshll.u32 v6, $0x3  }
0x150: {  	v36 =	vld.idx.msk [tilespmem:v5+s8+$0x0], $0xffff;
	v37 =	vor.u32 $0x1, v6  }
0x151: {  	v39 =	vld.idx.msk [tilespmem:v5+s12+$0x0], $0xffff;
	v40 =	vor.u32 $0x2, v6  }
0x152: {  	v41 =	vld.idx.msk [tilespmem:v7+s12+$0x0], $0xffff  }
0x153: {  	v42 =	vld.idx.msk [tilespmem:v38+s12+$0x0], $0xffff  }
0x154: {  	v6 =	vld.idx.msk [tilespmem:v6+s7+$0x0], $0xffff  }
0x155: {  	v9 =	vld.idx.msk [tilespmem:v37+s7+$0x0], $0xffff  }
0x156: {  	v13 =	vld.idx.msk [tilespmem:v40+s7+$0x0], $0xffff  }
0x157: {  	v10 =	vld.idx.msk [tilespmem:v7+s8+$0x0], $0xffff;
	_ =	sdelay $0x1  }
0x158: {  	v43 =	vld.idx.msk [tilespmem:v38+s8+$0x0], $0xffff  }
0x159: {  	v6 =	vadd.f32 v6, v39;
	v9 =	vadd.f32 v9, v41  }
0x15a: {  	v45 =	vadd.f32 v13, v42  }
0x15b: {  	v6 =	vsub.f32 v6, v36;
	v44 =	vsub.f32 v9, v10;
	_ =	sdelay $0x1  }
0x15c: {  	v9 =	vsub.f32 v45, v43;
	v46 =	vmul.f32 v6, v6;
	v47 =	vmul.f32 v44, v44;
	_ =	sdelay $0x1  }
0x15d: {  	v48 =	vmul.f32 v9, v9;
	v10 =	vadd.f32 v47, v46;
	_ =	sdelay $0x1  }
0x15e: {  	v10 =	vadd.f32 v48, v10;
	_ =	sdelay $0x1  }
0x15f: {  	vm14 =	vlt.f32 v10, $3.600000000e+01  }
0x160: {  	v10 =	vnsel vm14, $0x0, v10  }
0x161: {  	v49 =	vsel vm14, $0x1, v1;
	[tilespmem:s0+$0x0] =	vst v10  }
0x162: {  	v6 =	vnsel vm14, $0x0, v6;
	[tilespmem:s14+$0x0] =	vst v49  }
0x163: {  	[tilespmem:v5+s13+$0x0] =	vst.idx.msk $0xffff, v6;
	v5 =	vnsel vm14, $0x0, v44  }
0x164: {  	s31 =	sadd.s32 $0x30, s24;
	[tilespmem:v7+s13+$0x0] =	vst.idx.msk $0xffff, v5;
	v5 =	vnsel vm14, $0x0, v9  }
0x165: {  	[tilespmem:v38+s13+$0x0] =	vst.idx.msk $0xffff, v5;
	v5 =	vmov s31  }
0x166: {  	v5 =	vshll.u32 v5, $0x3;
	v6 =	vld [tilespmem:s25+$0x10]  }
0x167: {  	v5 =	vor.u32 v0, v5;
	_ =	sdelay $0x1  }
0x168: {  	v7 =	vor.u32 $0x1, v5  }
0x169: {  	v52 =	vor.u32 $0x2, v5  }
0x16a: {  	v6 =	vshll.u32 v6, $0x3  }
0x16b: {  	v50 =	vld.idx.msk [tilespmem:v5+s8+$0x0], $0xffff;
	v51 =	vor.u32 $0x1, v6  }
0x16c: {  	v53 =	vld.idx.msk [tilespmem:v5+s12+$0x0], $0xffff;
	v54 =	vor.u32 $0x2, v6  }
0x16d: {  	v55 =	vld.idx.msk [tilespmem:v7+s12+$0x0], $0xffff  }
0x16e: {  	v56 =	vld.idx.msk [tilespmem:v52+s12+$0x0], $0xffff  }
0x16f: {  	v6 =	vld.idx.msk [tilespmem:v6+s7+$0x0], $0xffff  }
0x170: {  	v9 =	vld.idx.msk [tilespmem:v51+s7+$0x0], $0xffff  }
0x171: {  	v13 =	vld.idx.msk [tilespmem:v54+s7+$0x0], $0xffff  }
0x172: {  	v10 =	vld.idx.msk [tilespmem:v7+s8+$0x0], $0xffff;
	_ =	sdelay $0x1  }
0x173: {  	v57 =	vld.idx.msk [tilespmem:v52+s8+$0x0], $0xffff  }
0x174: {  	v6 =	vadd.f32 v6, v53;
	v9 =	vadd.f32 v9, v55  }
0x175: {  	v59 =	vadd.f32 v13, v56  }
0x176: {  	v6 =	vsub.f32 v6, v50;
	v58 =	vsub.f32 v9, v10;
	_ =	sdelay $0x1  }
0x177: {  	v9 =	vsub.f32 v59, v57;
	v60 =	vmul.f32 v6, v6;
	v61 =	vmul.f32 v58, v58;
	_ =	sdelay $0x1  }
0x178: {  	v62 =	vmul.f32 v9, v9;
	v10 =	vadd.f32 v61, v60;
	_ =	sdelay $0x1  }
0x179: {  	v10 =	vadd.f32 v62, v10;
	_ =	sdelay $0x1  }
0x17a: {  	s23 =	sadd.s32 $0x4, s23;
	vm15 =	vlt.f32 v10, $3.600000000e+01  }
0x17b: {  	p0 =	slt.u32 s23, $0x78;
	v10 =	vnsel vm15, $0x0, v10  }
.Ltmp6:
0x17c: {  	v63 =	vsel vm15, $0x1, v1;
	[tilespmem:s0+$0x10] =	vst v10;
	(pc) =	sbr.rel @p0 .LBB2_14-.Ltmp6, $4  }
0x17d: {  	v6 =	vnsel vm15, $0x0, v6;
	[tilespmem:s14+$0x10] =	vst v63  }
0x17e: {  	[tilespmem:v5+s13+$0x0] =	vst.idx.msk $0xffff, v6;
	v5 =	vnsel vm15, $0x0, v58  }
0x17f: {  	s24 =	sadd.s32 $0x40, s24;
	[tilespmem:v7+s13+$0x0] =	vst.idx.msk $0xffff, v5;
	v5 =	vnsel vm15, $0x0, v9  }
0x180: {  	s25 =	sadd.s32 $0x40, s25;
	s0 =	sadd.s32 $0x40, s0;
	s14 =	sadd.s32 $0x40, s14;
	[tilespmem:v52+s13+$0x0] =	vst.idx.msk $0xffff, v5  }
0x181: {  	v5 =	vld [tilespmem:$0xFAF0];
	_ =	sdelay $0x4  }
0x182: {  	s0 =	simm.s32 $0xFB00;
	v5 =	vshll.u32 v5, $0x3  }
0x183: {  	v6 =	vld.idx.msk [tilespmem:v2+s0+$0x0], $0xffff;
	v7 =	vor.u32 $0x1, v5  }
0x184: {  	s14 =	simm.s32 $0x13980;
	v8 =	vld.idx.msk [tilespmem:v3+s0+$0x0], $0xffff  }
0x185: {  	v9 =	vld.idx.msk [tilespmem:v2+s14+$0x0], $0xffff;
	v10 =	vor.u32 $0x2, v5  }
0x186: {  	s19 =	simm.s32 $0x0;
	v11 =	vld.idx.msk [tilespmem:v3+s14+$0x0], $0xffff  }
0x187: {  	v5 =	vld.idx.msk [tilespmem:v5+s19+$0x0], $0xffff  }
0x188: {  	v7 =	vld.idx.msk [tilespmem:v7+s19+$0x0], $0xffff  }
0x189: {  	v12 =	vld.idx.msk [tilespmem:v4+s14+$0x0], $0xffff  }
0x18a: {  	v10 =	vld.idx.msk [tilespmem:v10+s19+$0x0], $0xffff;
	_ =	sdelay $0x1  }
0x18b: {  	v13 =	vld.idx.msk [tilespmem:v4+s0+$0x0], $0xffff;
	v5 =	vadd.f32 v5, v9  }
0x18c: {  	v7 =	vadd.f32 v7, v11  }
0x18d: {  	v5 =	vsub.f32 v5, v6  }
0x18e: {  	v6 =	vsub.f32 v7, v8;
	v7 =	vadd.f32 v10, v12;
	_ =	sdelay $0x1  }
0x18f: {  	v60 =	vmul.f32 v5, v5;
	v7 =	vsub.f32 v7, v13;
	v61 =	vmul.f32 v6, v6;
	_ =	sdelay $0x1  }
0x190: {  	v8 =	vadd.f32 v61, v60;
	v62 =	vmul.f32 v7, v7;
	_ =	sdelay $0x1  }
0x191: {  	v8 =	vadd.f32 v62, v8;
	_ =	sdelay $0x1  }
0x192: {  	vm0 =	vlt.f32 v8, $3.600000000e+01  }
0x193: {  	v8 =	vnsel vm0, $0x0, v8  }
0x194: {  	v63 =	vsel vm0, $0x1, v1;
	[tilespmem:$0x1BE40] =	vst v8  }
0x195: {  	v5 =	vnsel vm0, $0x0, v5;
	[tilespmem:$0x1C610] =	vst v63  }
0x196: {  	[tilespmem:v2+s13+$0x0] =	vst.idx.msk $0xffff, v5;
	v5 =	vnsel vm0, $0x0, v6  }
0x197: {  	[tilespmem:v3+s13+$0x0] =	vst.idx.msk $0xffff, v5;
	v5 =	vnsel vm0, $0x0, v7  }
0x198: {  	s2 =	rddreg [dreg:$0x11];
	[tilespmem:v4+s13+$0x0] =	vst.idx.msk $0xffff, v5  }
0x199: {  	[hbm4b:s2+s19] =	stream.linear.scatter [tilespmem:s13], [sflag:$0x4], $0x3E80, $0x38;
	[tilespmem:$0x1C620] =	vst v63  }
0x19a: {  	s24 =	rddreg [dreg:$0x14];
	s23 =	simm.s32 $0x1B680  }
0x19b: {  	[hbm4b:s24+s19] =	stream.linear.scatter [tilespmem:s23], [sflag:$0x4], $0x7D0, $0x38;
	[tilespmem:$0x1C620] =	vst v63  }
0x19c: {  	s25 =	rddreg [dreg:$0x15];
	s31 =	simm.s32 $0x1BE50  }
0x19d: {  	[hbm4b:s25+s19] =	stream.linear.scatter [tilespmem:s31], [sflag:$0x4], $0x7D0, $0x38;
	[tilespmem:$0x1C620] =	vst v63  }
0x19e: {  	s23 =	rddreg [dreg:$0x16];
	s24 =	simm.s32 $0xE390  }
0x19f: {  	[tilespmem:s24], [sflag:$0x5] =	stream.linear.gather [hbm4b:s23+s19], $0x7D0, $0x38;
	[tilespmem:$0x1C620] =	vst v63  }
0x1a0: {  	_ =	swait.ge [sflag:s18], $0x7D0  }
0x1a1: {  	[sflag:s18] =	ssyncset.done $0x0  }
0x1a2: {  	s31 =	simm.s32 $0xEB60;
	s25 =	rddreg [dreg:$0x17];
	[sflag:s18] =	ssyncadd.s32 $0xFFFFF830  }
0x1a3: {  	[tilespmem:s31], [sflag:$0x5] =	stream.linear.gather [hbm4b:s25+s19], $0x7D0, $0x38;
	[tilespmem:$0x1C620] =	vst v63  }
0x1a4: {  	_ =	swait.ge [sflag:s18], $0x7D0  }
0x1a5: {  	[sflag:s18] =	ssyncset.done $0x0  }
0x1a6: {  	s24 =	simm.s32 $0xF330;
	s23 =	rddreg [dreg:$0x18];
	[sflag:s18] =	ssyncadd.s32 $0xFFFFF830  }
0x1a7: {  	[tilespmem:s24], [sflag:$0x5] =	stream.linear.gather [hbm4b:s23+s19], $0x7D0, $0x38;
	[tilespmem:$0x1C620] =	vst v63  }
0x1a8: {  	_ =	swait.ge [sflag:s18], $0x7D0  }
0x1a9: {  	[sflag:s18] =	ssyncset.done $0x0  }
0x1aa: {  	s25 =	simm.s32 $0xE390;
	[sflag:s18] =	ssyncadd.s32 $0xFFFFF830  }
0x1ab: {  	[tilespmem:s0], [sflag:$0x3] =	stream.indirect.gather [hbm4b:s1+s22], $0x8, s25, s22, $0xb8;
	[tilespmem:$0x1C620] =	vst v63  }
0x1ac: {  	s31 =	simm.s32 $0xEB60;
	s19 =	simm.s32 $0x140  }
0x1ad: {  	[tilespmem:s14], [sflag:$0x3] =	stream.indirect.gather [hbm4b:s1+s22], $0x8, s31, s22, $0xb8;
	[tilespmem:$0x1C620] =	vst v63  }
.LBB2_16:
0x1ae: {  	p0 =	sne.s32 s19, $0x1E00  }
.Ltmp7:
0x1af: {  	s23 =	sshra.s32 s19, $0x2;
	s19 =	sadd.s32 $0x140, s19;
	(pc) =	sbr.rel @p0 .LBB2_16-.Ltmp7, $4  }
0x1b0: {  	s0 =	sadd.s32 $0x280, s0;
	s24 =	sadd.s32 $0xE390, s23  }
0x1b1: {  	[tilespmem:s0], [sflag:$0x3] =	stream.indirect.gather [hbm4b:s1+s22], $0x8, s24, s22, $0xb8;
	[tilespmem:$0x1C620] =	vst v63  }
0x1b2: {  	s14 =	sadd.s32 $0x280, s14;
	s23 =	sadd.s32 $0xEB60, s23  }
0x1b3: {  	[tilespmem:s14], [sflag:$0x3] =	stream.indirect.gather [hbm4b:s1+s22], $0x8, s23, s22, $0xb8;
	[tilespmem:$0x1C620] =	vst v63  }
0x1b4: {  	s23 =	simm.s32 $0x1  }
.LBB2_18:
0x1b5: {  	_ =	swait.ge [sflag:s26], $0x280  }
0x1b6: {  	[sflag:s26] =	ssyncset.done $0x0  }
0x1b7: {  	[sflag:s26] =	ssyncadd.s32 $0xFFFFFD80  }
0x1b8: {  	_ =	swait.ge [sflag:s26], $0x280  }
0x1b9: {  	s0 =	simm.s32 $0x18;
	[sflag:s26] =	ssyncset.done $0x0  }
.LBB2_19:
0x1ba: {  	p0 =	sne.s32 s0, $0x1;
	s0 =	sadd.s32 $0xFFFFFFFF, s0;
	[sflag:s26] =	ssyncadd.s32 $0xFFFFFD80  }
.Ltmp8:
0x1bb: {  	_ =	swait.ge [sflag:s26], $0x280;
	(pc) =	sbr.rel @p0 .LBB2_19-.Ltmp8, $4  }
0x1bc: {  	[sflag:s26] =	ssyncset.done $0x0  }
0x1bd: {  	[sflag:s26] =	ssyncadd.s32 $0xFFFFFD80  }
0x1be: {  	_ =	swait.ge [sflag:s26], $0x280  }
0x1bf: {  	[sflag:s26] =	ssyncset.done $0x0  }
0x1c0: {  	[sflag:s26] =	ssyncadd.s32 $0xFFFFFD80  }
0x1c1: {  	_ =	swait.ge [sflag:s20], $0x3E80  }
0x1c2: {  	[sflag:s20] =	ssyncset.done $0x0  }
0x1c3: {  	[sflag:s20] =	ssyncadd.s32 $0xFFFFC180  }
0x1c4: {  	_ =	swait.ge [sflag:s20], $0x7D0  }
0x1c5: {  	[sflag:s20] =	ssyncset.done $0x0  }
0x1c6: {  	[sflag:s20] =	ssyncadd.s32 $0xFFFFF830  }
0x1c7: {  	s24 =	simm.s32 $0xFFFFFFFC;
	_ =	swait.ge [sflag:s20], $0x7D0  }
0x1c8: {  	s25 =	simm.s32 $0x0;
	s31 =	simm.s32 $0x10C0;
	[sflag:s20] =	ssyncset.done $0x0  }
0x1c9: {  	s0 =	simm.s32 $0xD410;
	s14 =	simm.s32 $0xDBE0;
	[sflag:s20] =	ssyncadd.s32 $0xFFFFF830  }
.LBB2_21:
0x1ca: {  	v5 =	vmov s25  }
0x1cb: {  	v6 =	vld [tilespmem:s31+$0xFFFFFFE0];
	v5 =	vshll.u32 v5, $0x3  }
0x1cc: {  	v5 =	vor.u32 v0, v5;
	_ =	sdelay $0x1  }
0x1cd: {  	v7 =	vor.u32 $0x1, v5  }
0x1ce: {  	v11 =	vor.u32 $0x2, v5  }
0x1cf: {  	v6 =	vshll.u32 v6, $0x3  }
0x1d0: {  	v9 =	vor.u32 $0x1, v6;
	v8 =	vld.idx.msk [tilespmem:v5+s28+$0x0], $0xffff  }
0x1d1: {  	v13 =	vor.u32 $0x2, v6;
	v12 =	vld.idx.msk [tilespmem:v5+s29+$0x0], $0xffff  }
0x1d2: {  	v14 =	vld.idx.msk [tilespmem:v7+s29+$0x0], $0xffff  }
0x1d3: {  	v15 =	vld.idx.msk [tilespmem:v11+s29+$0x0], $0xffff  }
0x1d4: {  	v6 =	vld.idx.msk [tilespmem:v6+s7+$0x0], $0xffff  }
0x1d5: {  	v9 =	vld.idx.msk [tilespmem:v9+s7+$0x0], $0xffff  }
0x1d6: {  	v13 =	vld.idx.msk [tilespmem:v13+s7+$0x0], $0xffff  }
0x1d7: {  	v10 =	vld.idx.msk [tilespmem:v7+s28+$0x0], $0xffff;
	_ =	sdelay $0x1  }
0x1d8: {  	v16 =	vld.idx.msk [tilespmem:v11+s28+$0x0], $0xffff  }
0x1d9: {  	v6 =	vadd.f32 v6, v12;
	v9 =	vadd.f32 v9, v14  }
0x1da: {  	v17 =	vadd.f32 v13, v15  }
0x1db: {  	v6 =	vsub.f32 v6, v8;
	v63 =	vsub.f32 v9, v10;
	_ =	sdelay $0x1  }
0x1dc: {  	v9 =	vsub.f32 v17, v16;
	v18 =	vmul.f32 v6, v6;
	v19 =	vmul.f32 v63, v63;
	_ =	sdelay $0x1  }
0x1dd: {  	v20 =	vmul.f32 v9, v9;
	v10 =	vadd.f32 v19, v18;
	_ =	sdelay $0x1  }
0x1de: {  	v10 =	vadd.f32 v20, v10;
	_ =	sdelay $0x1  }
0x1df: {  	vm0 =	vlt.f32 v10, $3.600000000e+01  }
0x1e0: {  	v10 =	vnsel vm0, $0x0, v10  }
0x1e1: {  	v21 =	vsel vm0, $0x1, v1;
	[tilespmem:s0+$0xFFFFFFE0] =	vst v10  }
0x1e2: {  	v6 =	vnsel vm0, $0x0, v6;
	[tilespmem:s14+$0xFFFFFFE0] =	vst v21  }
0x1e3: {  	[tilespmem:v5+s30+$0x0] =	vst.idx.msk $0xffff, v6;
	v5 =	vnsel vm0, $0x0, v63  }
0x1e4: {  	s19 =	sadd.s32 $0x10, s25;
	[tilespmem:v7+s30+$0x0] =	vst.idx.msk $0xffff, v5;
	v5 =	vnsel vm0, $0x0, v9  }
0x1e5: {  	[tilespmem:v11+s30+$0x0] =	vst.idx.msk $0xffff, v5;
	v5 =	vmov s19  }
0x1e6: {  	v5 =	vshll.u32 v5, $0x3;
	v6 =	vld [tilespmem:s31+$0xFFFFFFF0]  }
0x1e7: {  	v5 =	vor.u32 v0, v5;
	_ =	sdelay $0x1  }
0x1e8: {  	v7 =	vor.u32 $0x1, v5  }
0x1e9: {  	v24 =	vor.u32 $0x2, v5  }
0x1ea: {  	v6 =	vshll.u32 v6, $0x3  }
0x1eb: {  	v22 =	vld.idx.msk [tilespmem:v5+s28+$0x0], $0xffff;
	v23 =	vor.u32 $0x1, v6  }
0x1ec: {  	v25 =	vld.idx.msk [tilespmem:v5+s29+$0x0], $0xffff;
	v26 =	vor.u32 $0x2, v6  }
0x1ed: {  	v27 =	vld.idx.msk [tilespmem:v7+s29+$0x0], $0xffff  }
0x1ee: {  	v28 =	vld.idx.msk [tilespmem:v24+s29+$0x0], $0xffff  }
0x1ef: {  	v6 =	vld.idx.msk [tilespmem:v6+s7+$0x0], $0xffff  }
0x1f0: {  	v9 =	vld.idx.msk [tilespmem:v23+s7+$0x0], $0xffff  }
0x1f1: {  	v13 =	vld.idx.msk [tilespmem:v26+s7+$0x0], $0xffff  }
0x1f2: {  	v10 =	vld.idx.msk [tilespmem:v7+s28+$0x0], $0xffff;
	_ =	sdelay $0x1  }
0x1f3: {  	v29 =	vld.idx.msk [tilespmem:v24+s28+$0x0], $0xffff  }
0x1f4: {  	v6 =	vadd.f32 v6, v25;
	v9 =	vadd.f32 v9, v27  }
0x1f5: {  	v31 =	vadd.f32 v13, v28  }
0x1f6: {  	v6 =	vsub.f32 v6, v22;
	v30 =	vsub.f32 v9, v10;
	_ =	sdelay $0x1  }
0x1f7: {  	v9 =	vsub.f32 v31, v29;
	v32 =	vmul.f32 v6, v6;
	v33 =	vmul.f32 v30, v30;
	_ =	sdelay $0x1  }
0x1f8: {  	v34 =	vmul.f32 v9, v9;
	v10 =	vadd.f32 v33, v32;
	_ =	sdelay $0x1  }
0x1f9: {  	v10 =	vadd.f32 v34, v10;
	_ =	sdelay $0x1  }
0x1fa: {  	vm13 =	vlt.f32 v10, $3.600000000e+01  }
0x1fb: {  	v10 =	vnsel vm13, $0x0, v10  }
0x1fc: {  	v35 =	vsel vm13, $0x1, v1;
	[tilespmem:s0+$0xFFFFFFF0] =	vst v10  }
0x1fd: {  	v6 =	vnsel vm13, $0x0, v6;
	[tilespmem:s14+$0xFFFFFFF0] =	vst v35  }
0x1fe: {  	[tilespmem:v5+s30+$0x0] =	vst.idx.msk $0xffff, v6;
	v5 =	vnsel vm13, $0x0, v30  }
0x1ff: {  	s2 =	sadd.s32 $0x20, s25;
	[tilespmem:v7+s30+$0x0] =	vst.idx.msk $0xffff, v5;
	v5 =	vnsel vm13, $0x0, v9  }
0x200: {  	[tilespmem:v24+s30+$0x0] =	vst.idx.msk $0xffff, v5;
	v5 =	vmov s2  }
0x201: {  	v5 =	vshll.u32 v5, $0x3;
	v6 =	vld [tilespmem:s31+$0x0]  }
0x202: {  	v5 =	vor.u32 v0, v5;
	_ =	sdelay $0x1  }
0x203: {  	v7 =	vor.u32 $0x1, v5  }
0x204: {  	v38 =	vor.u32 $0x2, v5  }
0x205: {  	v6 =	vshll.u32 v6, $0x3  }
0x206: {  	v36 =	vld.idx.msk [tilespmem:v5+s28+$0x0], $0xffff;
	v37 =	vor.u32 $0x1, v6  }
0x207: {  	v39 =	vld.idx.msk [tilespmem:v5+s29+$0x0], $0xffff;
	v40 =	vor.u32 $0x2, v6  }
0x208: {  	v41 =	vld.idx.msk [tilespmem:v7+s29+$0x0], $0xffff  }
0x209: {  	v42 =	vld.idx.msk [tilespmem:v38+s29+$0x0], $0xffff  }
0x20a: {  	v6 =	vld.idx.msk [tilespmem:v6+s7+$0x0], $0xffff  }
0x20b: {  	v9 =	vld.idx.msk [tilespmem:v37+s7+$0x0], $0xffff  }
0x20c: {  	v13 =	vld.idx.msk [tilespmem:v40+s7+$0x0], $0xffff  }
0x20d: {  	v10 =	vld.idx.msk [tilespmem:v7+s28+$0x0], $0xffff;
	_ =	sdelay $0x1  }
0x20e: {  	v43 =	vld.idx.msk [tilespmem:v38+s28+$0x0], $0xffff  }
0x20f: {  	v6 =	vadd.f32 v6, v39;
	v9 =	vadd.f32 v9, v41  }
0x210: {  	v45 =	vadd.f32 v13, v42  }
0x211: {  	v6 =	vsub.f32 v6, v36;
	v44 =	vsub.f32 v9, v10;
	_ =	sdelay $0x1  }
0x212: {  	v9 =	vsub.f32 v45, v43;
	v46 =	vmul.f32 v6, v6;
	v47 =	vmul.f32 v44, v44;
	_ =	sdelay $0x1  }
0x213: {  	v48 =	vmul.f32 v9, v9;
	v10 =	vadd.f32 v47, v46;
	_ =	sdelay $0x1  }
0x214: {  	v10 =	vadd.f32 v48, v10;
	_ =	sdelay $0x1  }
0x215: {  	vm14 =	vlt.f32 v10, $3.600000000e+01  }
0x216: {  	v10 =	vnsel vm14, $0x0, v10  }
0x217: {  	v49 =	vsel vm14, $0x1, v1;
	[tilespmem:s0+$0x0] =	vst v10  }
0x218: {  	v6 =	vnsel vm14, $0x0, v6;
	[tilespmem:s14+$0x0] =	vst v49  }
0x219: {  	[tilespmem:v5+s30+$0x0] =	vst.idx.msk $0xffff, v6;
	v5 =	vnsel vm14, $0x0, v44  }
0x21a: {  	s2 =	sadd.s32 $0x30, s25;
	[tilespmem:v7+s30+$0x0] =	vst.idx.msk $0xffff, v5;
	v5 =	vnsel vm14, $0x0, v9  }
0x21b: {  	[tilespmem:v38+s30+$0x0] =	vst.idx.msk $0xffff, v5;
	v5 =	vmov s2  }
0x21c: {  	v5 =	vshll.u32 v5, $0x3;
	v6 =	vld [tilespmem:s31+$0x10]  }
0x21d: {  	v5 =	vor.u32 v0, v5;
	_ =	sdelay $0x1  }
0x21e: {  	v7 =	vor.u32 $0x1, v5  }
0x21f: {  	v52 =	vor.u32 $0x2, v5  }
0x220: {  	v6 =	vshll.u32 v6, $0x3  }
0x221: {  	v50 =	vld.idx.msk [tilespmem:v5+s28+$0x0], $0xffff;
	v51 =	vor.u32 $0x1, v6  }
0x222: {  	v53 =	vld.idx.msk [tilespmem:v5+s29+$0x0], $0xffff;
	v54 =	vor.u32 $0x2, v6  }
0x223: {  	v55 =	vld.idx.msk [tilespmem:v7+s29+$0x0], $0xffff  }
0x224: {  	v56 =	vld.idx.msk [tilespmem:v52+s29+$0x0], $0xffff  }
0x225: {  	v6 =	vld.idx.msk [tilespmem:v6+s7+$0x0], $0xffff  }
0x226: {  	v9 =	vld.idx.msk [tilespmem:v51+s7+$0x0], $0xffff  }
0x227: {  	v13 =	vld.idx.msk [tilespmem:v54+s7+$0x0], $0xffff  }
0x228: {  	v10 =	vld.idx.msk [tilespmem:v7+s28+$0x0], $0xffff;
	_ =	sdelay $0x1  }
0x229: {  	v57 =	vld.idx.msk [tilespmem:v52+s28+$0x0], $0xffff  }
0x22a: {  	v6 =	vadd.f32 v6, v53;
	v9 =	vadd.f32 v9, v55  }
0x22b: {  	v59 =	vadd.f32 v13, v56  }
0x22c: {  	v6 =	vsub.f32 v6, v50;
	v58 =	vsub.f32 v9, v10;
	_ =	sdelay $0x1  }
0x22d: {  	v9 =	vsub.f32 v59, v57;
	v60 =	vmul.f32 v6, v6;
	v61 =	vmul.f32 v58, v58;
	_ =	sdelay $0x1  }
0x22e: {  	v62 =	vmul.f32 v9, v9;
	v10 =	vadd.f32 v61, v60;
	_ =	sdelay $0x1  }
0x22f: {  	v10 =	vadd.f32 v62, v10;
	_ =	sdelay $0x1  }
0x230: {  	s24 =	sadd.s32 $0x4, s24;
	vm15 =	vlt.f32 v10, $3.600000000e+01  }
0x231: {  	p0 =	slt.u32 s24, $0x78;
	v10 =	vnsel vm15, $0x0, v10  }
.Ltmp9:
0x232: {  	v63 =	vsel vm15, $0x1, v1;
	[tilespmem:s0+$0x10] =	vst v10;
	(pc) =	sbr.rel @p0 .LBB2_21-.Ltmp9, $4  }
0x233: {  	v6 =	vnsel vm15, $0x0, v6;
	[tilespmem:s14+$0x10] =	vst v63  }
0x234: {  	[tilespmem:v5+s30+$0x0] =	vst.idx.msk $0xffff, v6;
	v5 =	vnsel vm15, $0x0, v58  }
0x235: {  	s25 =	sadd.s32 $0x40, s25;
	[tilespmem:v7+s30+$0x0] =	vst.idx.msk $0xffff, v5;
	v5 =	vnsel vm15, $0x0, v9  }
0x236: {  	s31 =	sadd.s32 $0x40, s31;
	s0 =	sadd.s32 $0x40, s0;
	s14 =	sadd.s32 $0x40, s14;
	[tilespmem:v52+s30+$0x0] =	vst.idx.msk $0xffff, v5  }
0x237: {  	v5 =	vld [tilespmem:$0x1860];
	_ =	sdelay $0x4  }
0x238: {  	s0 =	simm.s32 $0x1870;
	v5 =	vshll.u32 v5, $0x3  }
0x239: {  	v6 =	vld.idx.msk [tilespmem:v2+s0+$0x0], $0xffff;
	v7 =	vor.u32 $0x1, v5  }
0x23a: {  	s14 =	simm.s32 $0x56F0;
	v8 =	vld.idx.msk [tilespmem:v3+s0+$0x0], $0xffff  }
0x23b: {  	v9 =	vld.idx.msk [tilespmem:v2+s14+$0x0], $0xffff;
	v10 =	vor.u32 $0x2, v5  }
0x23c: {  	s19 =	simm.s32 $0x0;
	v11 =	vld.idx.msk [tilespmem:v3+s14+$0x0], $0xffff  }
0x23d: {  	v5 =	vld.idx.msk [tilespmem:v5+s19+$0x0], $0xffff  }
0x23e: {  	v7 =	vld.idx.msk [tilespmem:v7+s19+$0x0], $0xffff  }
0x23f: {  	v12 =	vld.idx.msk [tilespmem:v4+s14+$0x0], $0xffff  }
0x240: {  	v10 =	vld.idx.msk [tilespmem:v10+s19+$0x0], $0xffff;
	_ =	sdelay $0x1  }
0x241: {  	v13 =	vld.idx.msk [tilespmem:v4+s0+$0x0], $0xffff;
	v5 =	vadd.f32 v5, v9  }
0x242: {  	v7 =	vadd.f32 v7, v11  }
0x243: {  	v5 =	vsub.f32 v5, v6  }
0x244: {  	v6 =	vsub.f32 v7, v8;
	v7 =	vadd.f32 v10, v12;
	_ =	sdelay $0x1  }
0x245: {  	v60 =	vmul.f32 v5, v5;
	v7 =	vsub.f32 v7, v13;
	v61 =	vmul.f32 v6, v6;
	_ =	sdelay $0x1  }
0x246: {  	v8 =	vadd.f32 v61, v60;
	v62 =	vmul.f32 v7, v7;
	_ =	sdelay $0x1  }
0x247: {  	v8 =	vadd.f32 v62, v8;
	_ =	sdelay $0x1  }
0x248: {  	vm0 =	vlt.f32 v8, $3.600000000e+01  }
0x249: {  	s24 =	smul.u32 $0x32, s23;
	v8 =	vnsel vm0, $0x0, v8  }
0x24a: {  	v63 =	vsel vm0, $0x1, v1;
	[tilespmem:$0xDBB0] =	vst v8  }
0x24b: {  	s25 =	sadd.s32 s15, s24;
	v5 =	vnsel vm0, $0x0, v5;
	[tilespmem:$0xE380] =	vst v63  }
0x24c: {  	s31 =	smul.u32 $0x50, s25;
	[tilespmem:v2+s30+$0x0] =	vst.idx.msk $0xffff, v5;
	v5 =	vnsel vm0, $0x0, v6  }
0x24d: {  	[tilespmem:v3+s30+$0x0] =	vst.idx.msk $0xffff, v5;
	v5 =	vnsel vm0, $0x0, v7  }
0x24e: {  	s25 =	smul.u32 $0xA, s25;
	s31 =	sadd.s32 s9, s31;
	[tilespmem:v4+s30+$0x0] =	vst.idx.msk $0xffff, v5  }
0x24f: {  	[hbm4b:s31+s19] =	stream.linear.scatter [tilespmem:s30], [sflag:$0x2], $0x3E80, $0x38;
	[tilespmem:$0x1C620] =	vst v63  }
0x250: {  	s2 =	simm.s32 $0xD3F0;
	s31 =	sadd.s32 s11, s25  }
0x251: {  	[hbm4b:s31+s19] =	stream.linear.scatter [tilespmem:s2], [sflag:$0x2], $0x7D0, $0x38;
	[tilespmem:$0x1C620] =	vst v63  }
0x252: {  	s31 =	sld [smem:$0x7FD];
	_ =	sdelay $0x2  }
0x253: {  	s2 =	sadd.s32 s24, s31  }
0x254: {  	s25 =	sadd.s32 s10, s25;
	s31 =	smul.u32 $0xA, s2;
	s2 =	simm.s32 $0xDBC0  }
0x255: {  	[hbm4b:s25+s19] =	stream.linear.scatter [tilespmem:s2], [sflag:$0x2], $0x7D0, $0x38;
	[tilespmem:$0x1C620] =	vst v63  }
0x256: {  	s2 =	simm.s32 $0x100;
	s25 =	sadd.s32 s3, s31  }
0x257: {  	[tilespmem:s2], [sflag:$0x5] =	stream.linear.gather [hbm4b:s25+s19], $0x7D0, $0x38;
	[tilespmem:$0x1C620] =	vst v63  }
0x258: {  	_ =	swait.ge [sflag:s18], $0x7D0  }
0x259: {  	[sflag:s18] =	ssyncset.done $0x0  }
0x25a: {  	s25 =	sadd.s32 s4, s31;
	s2 =	simm.s32 $0x8D0;
	[sflag:s18] =	ssyncadd.s32 $0xFFFFF830  }
0x25b: {  	[tilespmem:s2], [sflag:$0x5] =	stream.linear.gather [hbm4b:s25+s19], $0x7D0, $0x38;
	[tilespmem:$0x1C620] =	vst v63  }
0x25c: {  	_ =	swait.ge [sflag:s18], $0x7D0  }
0x25d: {  	[sflag:s18] =	ssyncset.done $0x0  }
0x25e: {  	s2 =	sadd.s32 s6, s31;
	s31 =	simm.s32 $0x10A0;
	[sflag:s18] =	ssyncadd.s32 $0xFFFFF830  }
0x25f: {  	[tilespmem:s31], [sflag:$0x5] =	stream.linear.gather [hbm4b:s2+s19], $0x7D0, $0x38;
	[tilespmem:$0x1C620] =	vst v63  }
0x260: {  	_ =	swait.ge [sflag:s18], $0x7D0  }
0x261: {  	[sflag:s18] =	ssyncset.done $0x0  }
0x262: {  	s25 =	simm.s32 $0x100;
	[sflag:s18] =	ssyncadd.s32 $0xFFFFF830  }
0x263: {  	[tilespmem:s0], [sflag:$0x1] =	stream.indirect.gather [hbm4b:s1+s22], $0x8, s25, s22, $0xb8;
	[tilespmem:$0x1C620] =	vst v63  }
0x264: {  	s31 =	simm.s32 $0x8D0;
	s19 =	simm.s32 $0x140  }
0x265: {  	[tilespmem:s14], [sflag:$0x1] =	stream.indirect.gather [hbm4b:s1+s22], $0x8, s31, s22, $0xb8;
	[tilespmem:$0x1C620] =	vst v63  }
.LBB2_23:
0x266: {  	p0 =	sne.s32 s19, $0x1E00  }
.Ltmp10:
0x267: {  	s25 =	sshra.s32 s19, $0x2;
	s19 =	sadd.s32 $0x140, s19;
	(pc) =	sbr.rel @p0 .LBB2_23-.Ltmp10, $4  }
0x268: {  	s0 =	sadd.s32 $0x280, s0;
	s31 =	sadd.s32 $0x100, s25  }
0x269: {  	[tilespmem:s0], [sflag:$0x1] =	stream.indirect.gather [hbm4b:s1+s22], $0x8, s31, s22, $0xb8;
	[tilespmem:$0x1C620] =	vst v63  }
0x26a: {  	s14 =	sadd.s32 $0x280, s14;
	s25 =	sadd.s32 $0x8D0, s25  }
0x26b: {  	[tilespmem:s14], [sflag:$0x1] =	stream.indirect.gather [hbm4b:s1+s22], $0x8, s25, s22, $0xb8;
	[tilespmem:$0x1C620] =	vst v63  }
0x26c: {  	_ =	swait.ge [sflag:s5], $0x280  }
0x26d: {  	[sflag:s5] =	ssyncset.done $0x0  }
0x26e: {  	[sflag:s5] =	ssyncadd.s32 $0xFFFFFD80  }
0x26f: {  	_ =	swait.ge [sflag:s5], $0x280  }
0x270: {  	s0 =	simm.s32 $0x18;
	[sflag:s5] =	ssyncset.done $0x0  }
.LBB2_25:
0x271: {  	p0 =	sne.s32 s0, $0x1;
	s0 =	sadd.s32 $0xFFFFFFFF, s0;
	[sflag:s5] =	ssyncadd.s32 $0xFFFFFD80  }
.Ltmp11:
0x272: {  	_ =	swait.ge [sflag:s5], $0x280;
	(pc) =	sbr.rel @p0 .LBB2_25-.Ltmp11, $4  }
0x273: {  	[sflag:s5] =	ssyncset.done $0x0  }
0x274: {  	[sflag:s5] =	ssyncadd.s32 $0xFFFFFD80  }
0x275: {  	_ =	swait.ge [sflag:s5], $0x280  }
0x276: {  	[sflag:s5] =	ssyncset.done $0x0  }
0x277: {  	[sflag:s5] =	ssyncadd.s32 $0xFFFFFD80  }
0x278: {  	_ =	swait.ge [sflag:s21], $0x3E80  }
0x279: {  	[sflag:s21] =	ssyncset.done $0x0  }
0x27a: {  	[sflag:s21] =	ssyncadd.s32 $0xFFFFC180  }
0x27b: {  	_ =	swait.ge [sflag:s21], $0x7D0  }
0x27c: {  	[sflag:s21] =	ssyncset.done $0x0  }
0x27d: {  	[sflag:s21] =	ssyncadd.s32 $0xFFFFF830  }
0x27e: {  	s25 =	simm.s32 $0xFFFFFFFC;
	_ =	swait.ge [sflag:s21], $0x7D0  }
0x27f: {  	s31 =	simm.s32 $0x0;
	s0 =	simm.s32 $0xF350;
	[sflag:s21] =	ssyncset.done $0x0  }
0x280: {  	s14 =	simm.s32 $0x1B6A0;
	s19 =	simm.s32 $0x1BE70;
	[sflag:s21] =	ssyncadd.s32 $0xFFFFF830  }
.LBB2_27:
0x281: {  	v5 =	vmov s31  }
0x282: {  	v6 =	vld [tilespmem:s0+$0xFFFFFFE0];
	v5 =	vshll.u32 v5, $0x3  }
0x283: {  	v5 =	vor.u32 v0, v5;
	_ =	sdelay $0x1  }
0x284: {  	v7 =	vor.u32 $0x1, v5  }
0x285: {  	v11 =	vor.u32 $0x2, v5  }
0x286: {  	v6 =	vshll.u32 v6, $0x3  }
0x287: {  	v9 =	vor.u32 $0x1, v6;
	v8 =	vld.idx.msk [tilespmem:v5+s8+$0x0], $0xffff  }
0x288: {  	v13 =	vor.u32 $0x2, v6;
	v12 =	vld.idx.msk [tilespmem:v5+s12+$0x0], $0xffff  }
0x289: {  	v14 =	vld.idx.msk [tilespmem:v7+s12+$0x0], $0xffff  }
0x28a: {  	v15 =	vld.idx.msk [tilespmem:v11+s12+$0x0], $0xffff  }
0x28b: {  	v6 =	vld.idx.msk [tilespmem:v6+s7+$0x0], $0xffff  }
0x28c: {  	v9 =	vld.idx.msk [tilespmem:v9+s7+$0x0], $0xffff  }
0x28d: {  	v13 =	vld.idx.msk [tilespmem:v13+s7+$0x0], $0xffff  }
0x28e: {  	v10 =	vld.idx.msk [tilespmem:v7+s8+$0x0], $0xffff;
	_ =	sdelay $0x1  }
0x28f: {  	v16 =	vld.idx.msk [tilespmem:v11+s8+$0x0], $0xffff  }
0x290: {  	v6 =	vadd.f32 v6, v12;
	v9 =	vadd.f32 v9, v14  }
0x291: {  	v17 =	vadd.f32 v13, v15  }
0x292: {  	v6 =	vsub.f32 v6, v8;
	v63 =	vsub.f32 v9, v10;
	_ =	sdelay $0x1  }
0x293: {  	v9 =	vsub.f32 v17, v16;
	v18 =	vmul.f32 v6, v6;
	v19 =	vmul.f32 v63, v63;
	_ =	sdelay $0x1  }
0x294: {  	v20 =	vmul.f32 v9, v9;
	v10 =	vadd.f32 v19, v18;
	_ =	sdelay $0x1  }
0x295: {  	v10 =	vadd.f32 v20, v10;
	_ =	sdelay $0x1  }
0x296: {  	vm0 =	vlt.f32 v10, $3.600000000e+01  }
0x297: {  	v10 =	vnsel vm0, $0x0, v10  }
0x298: {  	v21 =	vsel vm0, $0x1, v1;
	[tilespmem:s14+$0xFFFFFFE0] =	vst v10  }
0x299: {  	v6 =	vnsel vm0, $0x0, v6;
	[tilespmem:s19+$0xFFFFFFE0] =	vst v21  }
0x29a: {  	[tilespmem:v5+s13+$0x0] =	vst.idx.msk $0xffff, v6;
	v5 =	vnsel vm0, $0x0, v63  }
0x29b: {  	s2 =	sadd.s32 $0x10, s31;
	[tilespmem:v7+s13+$0x0] =	vst.idx.msk $0xffff, v5;
	v5 =	vnsel vm0, $0x0, v9  }
0x29c: {  	[tilespmem:v11+s13+$0x0] =	vst.idx.msk $0xffff, v5;
	v5 =	vmov s2  }
0x29d: {  	v5 =	vshll.u32 v5, $0x3;
	v6 =	vld [tilespmem:s0+$0xFFFFFFF0]  }
0x29e: {  	v5 =	vor.u32 v0, v5;
	_ =	sdelay $0x1  }
0x29f: {  	v7 =	vor.u32 $0x1, v5  }
0x2a0: {  	v24 =	vor.u32 $0x2, v5  }
0x2a1: {  	v6 =	vshll.u32 v6, $0x3  }
0x2a2: {  	v22 =	vld.idx.msk [tilespmem:v5+s8+$0x0], $0xffff;
	v23 =	vor.u32 $0x1, v6  }
0x2a3: {  	v25 =	vld.idx.msk [tilespmem:v5+s12+$0x0], $0xffff;
	v26 =	vor.u32 $0x2, v6  }
0x2a4: {  	v27 =	vld.idx.msk [tilespmem:v7+s12+$0x0], $0xffff  }
0x2a5: {  	v28 =	vld.idx.msk [tilespmem:v24+s12+$0x0], $0xffff  }
0x2a6: {  	v6 =	vld.idx.msk [tilespmem:v6+s7+$0x0], $0xffff  }
0x2a7: {  	v9 =	vld.idx.msk [tilespmem:v23+s7+$0x0], $0xffff  }
0x2a8: {  	v13 =	vld.idx.msk [tilespmem:v26+s7+$0x0], $0xffff  }
0x2a9: {  	v10 =	vld.idx.msk [tilespmem:v7+s8+$0x0], $0xffff;
	_ =	sdelay $0x1  }
0x2aa: {  	v29 =	vld.idx.msk [tilespmem:v24+s8+$0x0], $0xffff  }
0x2ab: {  	v6 =	vadd.f32 v6, v25;
	v9 =	vadd.f32 v9, v27  }
0x2ac: {  	v31 =	vadd.f32 v13, v28  }
0x2ad: {  	v6 =	vsub.f32 v6, v22;
	v30 =	vsub.f32 v9, v10;
	_ =	sdelay $0x1  }
0x2ae: {  	v9 =	vsub.f32 v31, v29;
	v32 =	vmul.f32 v6, v6;
	v33 =	vmul.f32 v30, v30;
	_ =	sdelay $0x1  }
0x2af: {  	v34 =	vmul.f32 v9, v9;
	v10 =	vadd.f32 v33, v32;
	_ =	sdelay $0x1  }
0x2b0: {  	v10 =	vadd.f32 v34, v10;
	_ =	sdelay $0x1  }
0x2b1: {  	vm13 =	vlt.f32 v10, $3.600000000e+01  }
0x2b2: {  	v10 =	vnsel vm13, $0x0, v10  }
0x2b3: {  	v35 =	vsel vm13, $0x1, v1;
	[tilespmem:s14+$0xFFFFFFF0] =	vst v10  }
0x2b4: {  	v6 =	vnsel vm13, $0x0, v6;
	[tilespmem:s19+$0xFFFFFFF0] =	vst v35  }
0x2b5: {  	[tilespmem:v5+s13+$0x0] =	vst.idx.msk $0xffff, v6;
	v5 =	vnsel vm13, $0x0, v30  }
0x2b6: {  	s2 =	sadd.s32 $0x20, s31;
	[tilespmem:v7+s13+$0x0] =	vst.idx.msk $0xffff, v5;
	v5 =	vnsel vm13, $0x0, v9  }
0x2b7: {  	[tilespmem:v24+s13+$0x0] =	vst.idx.msk $0xffff, v5;
	v5 =	vmov s2  }
0x2b8: {  	v5 =	vshll.u32 v5, $0x3;
	v6 =	vld [tilespmem:s0+$0x0]  }
0x2b9: {  	v5 =	vor.u32 v0, v5;
	_ =	sdelay $0x1  }
0x2ba: {  	v7 =	vor.u32 $0x1, v5  }
0x2bb: {  	v38 =	vor.u32 $0x2, v5  }
0x2bc: {  	v6 =	vshll.u32 v6, $0x3  }
0x2bd: {  	v36 =	vld.idx.msk [tilespmem:v5+s8+$0x0], $0xffff;
	v37 =	vor.u32 $0x1, v6  }
0x2be: {  	v39 =	vld.idx.msk [tilespmem:v5+s12+$0x0], $0xffff;
	v40 =	vor.u32 $0x2, v6  }
0x2bf: {  	v41 =	vld.idx.msk [tilespmem:v7+s12+$0x0], $0xffff  }
0x2c0: {  	v42 =	vld.idx.msk [tilespmem:v38+s12+$0x0], $0xffff  }
0x2c1: {  	v6 =	vld.idx.msk [tilespmem:v6+s7+$0x0], $0xffff  }
0x2c2: {  	v9 =	vld.idx.msk [tilespmem:v37+s7+$0x0], $0xffff  }
0x2c3: {  	v13 =	vld.idx.msk [tilespmem:v40+s7+$0x0], $0xffff  }
0x2c4: {  	v10 =	vld.idx.msk [tilespmem:v7+s8+$0x0], $0xffff;
	_ =	sdelay $0x1  }
0x2c5: {  	v43 =	vld.idx.msk [tilespmem:v38+s8+$0x0], $0xffff  }
0x2c6: {  	v6 =	vadd.f32 v6, v39;
	v9 =	vadd.f32 v9, v41  }
0x2c7: {  	v45 =	vadd.f32 v13, v42  }
0x2c8: {  	v6 =	vsub.f32 v6, v36;
	v44 =	vsub.f32 v9, v10;
	_ =	sdelay $0x1  }
0x2c9: {  	v9 =	vsub.f32 v45, v43;
	v46 =	vmul.f32 v6, v6;
	v47 =	vmul.f32 v44, v44;
	_ =	sdelay $0x1  }
0x2ca: {  	v48 =	vmul.f32 v9, v9;
	v10 =	vadd.f32 v47, v46;
	_ =	sdelay $0x1  }
0x2cb: {  	v10 =	vadd.f32 v48, v10;
	_ =	sdelay $0x1  }
0x2cc: {  	vm14 =	vlt.f32 v10, $3.600000000e+01  }
0x2cd: {  	v10 =	vnsel vm14, $0x0, v10  }
0x2ce: {  	v49 =	vsel vm14, $0x1, v1;
	[tilespmem:s14+$0x0] =	vst v10  }
0x2cf: {  	v6 =	vnsel vm14, $0x0, v6;
	[tilespmem:s19+$0x0] =	vst v49  }
0x2d0: {  	[tilespmem:v5+s13+$0x0] =	vst.idx.msk $0xffff, v6;
	v5 =	vnsel vm14, $0x0, v44  }
0x2d1: {  	s2 =	sadd.s32 $0x30, s31;
	[tilespmem:v7+s13+$0x0] =	vst.idx.msk $0xffff, v5;
	v5 =	vnsel vm14, $0x0, v9  }
0x2d2: {  	[tilespmem:v38+s13+$0x0] =	vst.idx.msk $0xffff, v5;
	v5 =	vmov s2  }
0x2d3: {  	v5 =	vshll.u32 v5, $0x3;
	v6 =	vld [tilespmem:s0+$0x10]  }
0x2d4: {  	v5 =	vor.u32 v0, v5;
	_ =	sdelay $0x1  }
0x2d5: {  	v7 =	vor.u32 $0x1, v5  }
0x2d6: {  	v52 =	vor.u32 $0x2, v5  }
0x2d7: {  	v6 =	vshll.u32 v6, $0x3  }
0x2d8: {  	v50 =	vld.idx.msk [tilespmem:v5+s8+$0x0], $0xffff;
	v51 =	vor.u32 $0x1, v6  }
0x2d9: {  	v53 =	vld.idx.msk [tilespmem:v5+s12+$0x0], $0xffff;
	v54 =	vor.u32 $0x2, v6  }
0x2da: {  	v55 =	vld.idx.msk [tilespmem:v7+s12+$0x0], $0xffff  }
0x2db: {  	v56 =	vld.idx.msk [tilespmem:v52+s12+$0x0], $0xffff  }
0x2dc: {  	v6 =	vld.idx.msk [tilespmem:v6+s7+$0x0], $0xffff  }
0x2dd: {  	v9 =	vld.idx.msk [tilespmem:v51+s7+$0x0], $0xffff  }
0x2de: {  	v13 =	vld.idx.msk [tilespmem:v54+s7+$0x0], $0xffff  }
0x2df: {  	v10 =	vld.idx.msk [tilespmem:v7+s8+$0x0], $0xffff;
	_ =	sdelay $0x1  }
0x2e0: {  	v57 =	vld.idx.msk [tilespmem:v52+s8+$0x0], $0xffff  }
0x2e1: {  	v6 =	vadd.f32 v6, v53;
	v9 =	vadd.f32 v9, v55  }
0x2e2: {  	v59 =	vadd.f32 v13, v56  }
0x2e3: {  	v6 =	vsub.f32 v6, v50;
	v58 =	vsub.f32 v9, v10;
	_ =	sdelay $0x1  }
0x2e4: {  	v9 =	vsub.f32 v59, v57;
	v60 =	vmul.f32 v6, v6;
	v61 =	vmul.f32 v58, v58;
	_ =	sdelay $0x1  }
0x2e5: {  	v62 =	vmul.f32 v9, v9;
	v10 =	vadd.f32 v61, v60;
	_ =	sdelay $0x1  }
0x2e6: {  	v10 =	vadd.f32 v62, v10;
	_ =	sdelay $0x1  }
0x2e7: {  	s25 =	sadd.s32 $0x4, s25;
	vm15 =	vlt.f32 v10, $3.600000000e+01  }
0x2e8: {  	p0 =	slt.u32 s25, $0x78;
	v10 =	vnsel vm15, $0x0, v10  }
.Ltmp12:
0x2e9: {  	v63 =	vsel vm15, $0x1, v1;
	[tilespmem:s14+$0x10] =	vst v10;
	(pc) =	sbr.rel @p0 .LBB2_27-.Ltmp12, $4  }
0x2ea: {  	v6 =	vnsel vm15, $0x0, v6;
	[tilespmem:s19+$0x10] =	vst v63  }
0x2eb: {  	[tilespmem:v5+s13+$0x0] =	vst.idx.msk $0xffff, v6;
	v5 =	vnsel vm15, $0x0, v58  }
0x2ec: {  	s31 =	sadd.s32 $0x40, s31;
	[tilespmem:v7+s13+$0x0] =	vst.idx.msk $0xffff, v5;
	v5 =	vnsel vm15, $0x0, v9  }
0x2ed: {  	s0 =	sadd.s32 $0x40, s0;
	s14 =	sadd.s32 $0x40, s14;
	s19 =	sadd.s32 $0x40, s19;
	[tilespmem:v52+s13+$0x0] =	vst.idx.msk $0xffff, v5  }
0x2ee: {  	v5 =	vld [tilespmem:$0xFAF0];
	_ =	sdelay $0x4  }
0x2ef: {  	s0 =	simm.s32 $0xFB00;
	v5 =	vshll.u32 v5, $0x3  }
0x2f0: {  	v6 =	vld.idx.msk [tilespmem:v2+s0+$0x0], $0xffff;
	v7 =	vor.u32 $0x1, v5  }
0x2f1: {  	s14 =	simm.s32 $0x13980;
	v8 =	vld.idx.msk [tilespmem:v3+s0+$0x0], $0xffff  }
0x2f2: {  	v9 =	vld.idx.msk [tilespmem:v2+s14+$0x0], $0xffff;
	v10 =	vor.u32 $0x2, v5  }
0x2f3: {  	s2 =	simm.s32 $0x0;
	v11 =	vld.idx.msk [tilespmem:v3+s14+$0x0], $0xffff  }
0x2f4: {  	v5 =	vld.idx.msk [tilespmem:v5+s2+$0x0], $0xffff  }
0x2f5: {  	v7 =	vld.idx.msk [tilespmem:v7+s2+$0x0], $0xffff  }
0x2f6: {  	v12 =	vld.idx.msk [tilespmem:v4+s14+$0x0], $0xffff  }
0x2f7: {  	v10 =	vld.idx.msk [tilespmem:v10+s2+$0x0], $0xffff;
	_ =	sdelay $0x1  }
0x2f8: {  	v13 =	vld.idx.msk [tilespmem:v4+s0+$0x0], $0xffff;
	v5 =	vadd.f32 v5, v9  }
0x2f9: {  	v7 =	vadd.f32 v7, v11  }
0x2fa: {  	v5 =	vsub.f32 v5, v6  }
0x2fb: {  	v6 =	vsub.f32 v7, v8;
	v7 =	vadd.f32 v10, v12;
	_ =	sdelay $0x1  }
0x2fc: {  	v60 =	vmul.f32 v5, v5;
	v7 =	vsub.f32 v7, v13;
	v61 =	vmul.f32 v6, v6;
	_ =	sdelay $0x1  }
0x2fd: {  	v8 =	vadd.f32 v61, v60;
	v62 =	vmul.f32 v7, v7;
	_ =	sdelay $0x1  }
0x2fe: {  	v8 =	vadd.f32 v62, v8;
	_ =	sdelay $0x1  }
0x2ff: {  	vm0 =	vlt.f32 v8, $3.600000000e+01  }
0x300: {  	v8 =	vnsel vm0, $0x0, v8  }
0x301: {  	v63 =	vsel vm0, $0x1, v1;
	[tilespmem:$0x1BE40] =	vst v8  }
0x302: {  	s19 =	sadd.s32 s24, s16;
	v5 =	vnsel vm0, $0x0, v5;
	[tilespmem:$0x1C610] =	vst v63  }
0x303: {  	s25 =	smul.u32 $0x50, s19;
	[tilespmem:v2+s13+$0x0] =	vst.idx.msk $0xffff, v5;
	v5 =	vnsel vm0, $0x0, v6  }
0x304: {  	[tilespmem:v3+s13+$0x0] =	vst.idx.msk $0xffff, v5;
	v5 =	vnsel vm0, $0x0, v7  }
0x305: {  	s19 =	smul.u32 $0xA, s19;
	s25 =	sadd.s32 s9, s25;
	[tilespmem:v4+s13+$0x0] =	vst.idx.msk $0xffff, v5  }
0x306: {  	[hbm4b:s25+s2] =	stream.linear.scatter [tilespmem:s13], [sflag:$0x4], $0x3E80, $0x38;
	[tilespmem:$0x1C620] =	vst v63  }
0x307: {  	s31 =	simm.s32 $0x1B680;
	s25 =	sadd.s32 s11, s19  }
0x308: {  	[hbm4b:s25+s2] =	stream.linear.scatter [tilespmem:s31], [sflag:$0x4], $0x7D0, $0x38;
	[tilespmem:$0x1C620] =	vst v63  }
0x309: {  	s25 =	sadd.s32 s24, s17  }
0x30a: {  	s19 =	sadd.s32 s10, s19;
	s31 =	simm.s32 $0x1BE50;
	s24 =	smul.u32 $0xA, s25  }
0x30b: {  	[hbm4b:s19+s2] =	stream.linear.scatter [tilespmem:s31], [sflag:$0x4], $0x7D0, $0x38;
	[tilespmem:$0x1C620] =	vst v63  }
0x30c: {  	s31 =	simm.s32 $0xE390;
	s25 =	sadd.s32 s3, s24  }
0x30d: {  	[tilespmem:s31], [sflag:$0x5] =	stream.linear.gather [hbm4b:s25+s2], $0x7D0, $0x38;
	[tilespmem:$0x1C620] =	vst v63  }
0x30e: {  	_ =	swait.ge [sflag:s18], $0x7D0  }
0x30f: {  	[sflag:s18] =	ssyncset.done $0x0  }
0x310: {  	s25 =	sadd.s32 s4, s24;
	s31 =	simm.s32 $0xEB60;
	[sflag:s18] =	ssyncadd.s32 $0xFFFFF830  }
0x311: {  	[tilespmem:s31], [sflag:$0x5] =	stream.linear.gather [hbm4b:s25+s2], $0x7D0, $0x38;
	[tilespmem:$0x1C620] =	vst v63  }
0x312: {  	_ =	swait.ge [sflag:s18], $0x7D0  }
0x313: {  	[sflag:s18] =	ssyncset.done $0x0  }
0x314: {  	s25 =	sadd.s32 s6, s24;
	s31 =	simm.s32 $0xF330;
	[sflag:s18] =	ssyncadd.s32 $0xFFFFF830  }
0x315: {  	[tilespmem:s31], [sflag:$0x5] =	stream.linear.gather [hbm4b:s25+s2], $0x7D0, $0x38;
	[tilespmem:$0x1C620] =	vst v63  }
0x316: {  	_ =	swait.ge [sflag:s18], $0x7D0  }
0x317: {  	[sflag:s18] =	ssyncset.done $0x0  }
0x318: {  	s25 =	simm.s32 $0xE390;
	[sflag:s18] =	ssyncadd.s32 $0xFFFFF830  }
0x319: {  	[tilespmem:s0], [sflag:$0x3] =	stream.indirect.gather [hbm4b:s1+s22], $0x8, s25, s22, $0xb8;
	[tilespmem:$0x1C620] =	vst v63  }
0x31a: {  	s19 =	simm.s32 $0x140;
	s31 =	simm.s32 $0xEB60  }
0x31b: {  	[tilespmem:s14], [sflag:$0x3] =	stream.indirect.gather [hbm4b:s1+s22], $0x8, s31, s22, $0xb8;
	[tilespmem:$0x1C620] =	vst v63  }
.LBB2_29:
0x31c: {  	p0 =	sne.s32 s19, $0x1E00  }
.Ltmp13:
0x31d: {  	s2 =	sshra.s32 s19, $0x2;
	s19 =	sadd.s32 $0x140, s19;
	(pc) =	sbr.rel @p0 .LBB2_29-.Ltmp13, $4  }
0x31e: {  	s0 =	sadd.s32 $0x280, s0;
	s24 =	sadd.s32 $0xE390, s2  }
0x31f: {  	[tilespmem:s0], [sflag:$0x3] =	stream.indirect.gather [hbm4b:s1+s22], $0x8, s24, s22, $0xb8;
	[tilespmem:$0x1C620] =	vst v63  }
0x320: {  	s14 =	sadd.s32 $0x280, s14;
	s2 =	sadd.s32 $0xEB60, s2  }
0x321: {  	[tilespmem:s14], [sflag:$0x3] =	stream.indirect.gather [hbm4b:s1+s22], $0x8, s2, s22, $0xb8;
	[tilespmem:$0x1C620] =	vst v63  }
0x322: {  	s23 =	sadd.s32 $0x1, s23  }
0x323: {  	p0 =	sne.s32 s23, $0x18  }
.Ltmp14:
0x324: {  	_ = 	snop;
	(pc) =	sbr.rel @p0 .LBB2_18-.Ltmp14, $1  }
0x325: {  	_ =	sdelay $0x3  }
0x326: {  	_ =	swait.ge [sflag:s26], $0x280  }
0x327: {  	[sflag:s26] =	ssyncset.done $0x0  }
0x328: {  	[sflag:s26] =	ssyncadd.s32 $0xFFFFFD80  }
0x329: {  	_ =	swait.ge [sflag:s26], $0x280  }
0x32a: {  	s0 =	simm.s32 $0x18;
	[sflag:s26] =	ssyncset.done $0x0  }
.LBB2_32:
0x32b: {  	p0 =	sne.s32 s0, $0x1;
	s0 =	sadd.s32 $0xFFFFFFFF, s0;
	[sflag:s26] =	ssyncadd.s32 $0xFFFFFD80  }
.Ltmp15:
0x32c: {  	_ =	swait.ge [sflag:s26], $0x280;
	(pc) =	sbr.rel @p0 .LBB2_32-.Ltmp15, $4  }
0x32d: {  	[sflag:s26] =	ssyncset.done $0x0  }
0x32e: {  	[sflag:s26] =	ssyncadd.s32 $0xFFFFFD80  }
0x32f: {  	_ =	swait.ge [sflag:s26], $0x280  }
0x330: {  	[sflag:s26] =	ssyncset.done $0x0  }
0x331: {  	[sflag:s26] =	ssyncadd.s32 $0xFFFFFD80  }
0x332: {  	_ =	swait.ge [sflag:s20], $0x3E80  }
0x333: {  	[sflag:s20] =	ssyncset.done $0x0  }
0x334: {  	[sflag:s20] =	ssyncadd.s32 $0xFFFFC180  }
0x335: {  	_ =	swait.ge [sflag:s20], $0x7D0  }
0x336: {  	[sflag:s20] =	ssyncset.done $0x0  }
0x337: {  	[sflag:s20] =	ssyncadd.s32 $0xFFFFF830  }
0x338: {  	s23 =	simm.s32 $0xFFFFFFFC;
	_ =	swait.ge [sflag:s20], $0x7D0  }
0x339: {  	s24 =	simm.s32 $0x0;
	s0 =	simm.s32 $0x10C0;
	[sflag:s20] =	ssyncset.done $0x0  }
0x33a: {  	s14 =	simm.s32 $0xD410;
	s19 =	simm.s32 $0xDBE0;
	[sflag:s20] =	ssyncadd.s32 $0xFFFFF830  }
.LBB2_34:
0x33b: {  	v5 =	vmov s24  }
0x33c: {  	v6 =	vld [tilespmem:s0+$0xFFFFFFE0];
	v5 =	vshll.u32 v5, $0x3  }
0x33d: {  	v5 =	vor.u32 v0, v5;
	_ =	sdelay $0x1  }
0x33e: {  	v7 =	vor.u32 $0x1, v5  }
0x33f: {  	v11 =	vor.u32 $0x2, v5  }
0x340: {  	v6 =	vshll.u32 v6, $0x3  }
0x341: {  	v9 =	vor.u32 $0x1, v6;
	v8 =	vld.idx.msk [tilespmem:v5+s28+$0x0], $0xffff  }
0x342: {  	v13 =	vor.u32 $0x2, v6;
	v12 =	vld.idx.msk [tilespmem:v5+s29+$0x0], $0xffff  }
0x343: {  	v14 =	vld.idx.msk [tilespmem:v7+s29+$0x0], $0xffff  }
0x344: {  	v15 =	vld.idx.msk [tilespmem:v11+s29+$0x0], $0xffff  }
0x345: {  	v6 =	vld.idx.msk [tilespmem:v6+s7+$0x0], $0xffff  }
0x346: {  	v9 =	vld.idx.msk [tilespmem:v9+s7+$0x0], $0xffff  }
0x347: {  	v13 =	vld.idx.msk [tilespmem:v13+s7+$0x0], $0xffff  }
0x348: {  	v10 =	vld.idx.msk [tilespmem:v7+s28+$0x0], $0xffff;
	_ =	sdelay $0x1  }
0x349: {  	v16 =	vld.idx.msk [tilespmem:v11+s28+$0x0], $0xffff  }
0x34a: {  	v6 =	vadd.f32 v6, v12;
	v9 =	vadd.f32 v9, v14  }
0x34b: {  	v17 =	vadd.f32 v13, v15  }
0x34c: {  	v6 =	vsub.f32 v6, v8;
	v63 =	vsub.f32 v9, v10;
	_ =	sdelay $0x1  }
0x34d: {  	v9 =	vsub.f32 v17, v16;
	v18 =	vmul.f32 v6, v6;
	v19 =	vmul.f32 v63, v63;
	_ =	sdelay $0x1  }
0x34e: {  	v20 =	vmul.f32 v9, v9;
	v10 =	vadd.f32 v19, v18;
	_ =	sdelay $0x1  }
0x34f: {  	v10 =	vadd.f32 v20, v10;
	_ =	sdelay $0x1  }
0x350: {  	vm0 =	vlt.f32 v10, $3.600000000e+01  }
0x351: {  	v10 =	vnsel vm0, $0x0, v10  }
0x352: {  	v21 =	vsel vm0, $0x1, v1;
	[tilespmem:s14+$0xFFFFFFE0] =	vst v10  }
0x353: {  	v6 =	vnsel vm0, $0x0, v6;
	[tilespmem:s19+$0xFFFFFFE0] =	vst v21  }
0x354: {  	[tilespmem:v5+s30+$0x0] =	vst.idx.msk $0xffff, v6;
	v5 =	vnsel vm0, $0x0, v63  }
0x355: {  	s2 =	sadd.s32 $0x10, s24;
	[tilespmem:v7+s30+$0x0] =	vst.idx.msk $0xffff, v5;
	v5 =	vnsel vm0, $0x0, v9  }
0x356: {  	[tilespmem:v11+s30+$0x0] =	vst.idx.msk $0xffff, v5;
	v5 =	vmov s2  }
0x357: {  	v5 =	vshll.u32 v5, $0x3;
	v6 =	vld [tilespmem:s0+$0xFFFFFFF0]  }
0x358: {  	v5 =	vor.u32 v0, v5;
	_ =	sdelay $0x1  }
0x359: {  	v7 =	vor.u32 $0x1, v5  }
0x35a: {  	v24 =	vor.u32 $0x2, v5  }
0x35b: {  	v6 =	vshll.u32 v6, $0x3  }
0x35c: {  	v22 =	vld.idx.msk [tilespmem:v5+s28+$0x0], $0xffff;
	v23 =	vor.u32 $0x1, v6  }
0x35d: {  	v25 =	vld.idx.msk [tilespmem:v5+s29+$0x0], $0xffff;
	v26 =	vor.u32 $0x2, v6  }
0x35e: {  	v27 =	vld.idx.msk [tilespmem:v7+s29+$0x0], $0xffff  }
0x35f: {  	v28 =	vld.idx.msk [tilespmem:v24+s29+$0x0], $0xffff  }
0x360: {  	v6 =	vld.idx.msk [tilespmem:v6+s7+$0x0], $0xffff  }
0x361: {  	v9 =	vld.idx.msk [tilespmem:v23+s7+$0x0], $0xffff  }
0x362: {  	v13 =	vld.idx.msk [tilespmem:v26+s7+$0x0], $0xffff  }
0x363: {  	v10 =	vld.idx.msk [tilespmem:v7+s28+$0x0], $0xffff;
	_ =	sdelay $0x1  }
0x364: {  	v29 =	vld.idx.msk [tilespmem:v24+s28+$0x0], $0xffff  }
0x365: {  	v6 =	vadd.f32 v6, v25;
	v9 =	vadd.f32 v9, v27  }
0x366: {  	v31 =	vadd.f32 v13, v28  }
0x367: {  	v6 =	vsub.f32 v6, v22;
	v30 =	vsub.f32 v9, v10;
	_ =	sdelay $0x1  }
0x368: {  	v9 =	vsub.f32 v31, v29;
	v32 =	vmul.f32 v6, v6;
	v33 =	vmul.f32 v30, v30;
	_ =	sdelay $0x1  }
0x369: {  	v34 =	vmul.f32 v9, v9;
	v10 =	vadd.f32 v33, v32;
	_ =	sdelay $0x1  }
0x36a: {  	v10 =	vadd.f32 v34, v10;
	_ =	sdelay $0x1  }
0x36b: {  	vm13 =	vlt.f32 v10, $3.600000000e+01  }
0x36c: {  	v10 =	vnsel vm13, $0x0, v10  }
0x36d: {  	v35 =	vsel vm13, $0x1, v1;
	[tilespmem:s14+$0xFFFFFFF0] =	vst v10  }
0x36e: {  	v6 =	vnsel vm13, $0x0, v6;
	[tilespmem:s19+$0xFFFFFFF0] =	vst v35  }
0x36f: {  	[tilespmem:v5+s30+$0x0] =	vst.idx.msk $0xffff, v6;
	v5 =	vnsel vm13, $0x0, v30  }
0x370: {  	s25 =	sadd.s32 $0x20, s24;
	[tilespmem:v7+s30+$0x0] =	vst.idx.msk $0xffff, v5;
	v5 =	vnsel vm13, $0x0, v9  }
0x371: {  	[tilespmem:v24+s30+$0x0] =	vst.idx.msk $0xffff, v5;
	v5 =	vmov s25  }
0x372: {  	v5 =	vshll.u32 v5, $0x3;
	v6 =	vld [tilespmem:s0+$0x0]  }
0x373: {  	v5 =	vor.u32 v0, v5;
	_ =	sdelay $0x1  }
0x374: {  	v7 =	vor.u32 $0x1, v5  }
0x375: {  	v38 =	vor.u32 $0x2, v5  }
0x376: {  	v6 =	vshll.u32 v6, $0x3  }
0x377: {  	v36 =	vld.idx.msk [tilespmem:v5+s28+$0x0], $0xffff;
	v37 =	vor.u32 $0x1, v6  }
0x378: {  	v39 =	vld.idx.msk [tilespmem:v5+s29+$0x0], $0xffff;
	v40 =	vor.u32 $0x2, v6  }
0x379: {  	v41 =	vld.idx.msk [tilespmem:v7+s29+$0x0], $0xffff  }
0x37a: {  	v42 =	vld.idx.msk [tilespmem:v38+s29+$0x0], $0xffff  }
0x37b: {  	v6 =	vld.idx.msk [tilespmem:v6+s7+$0x0], $0xffff  }
0x37c: {  	v9 =	vld.idx.msk [tilespmem:v37+s7+$0x0], $0xffff  }
0x37d: {  	v13 =	vld.idx.msk [tilespmem:v40+s7+$0x0], $0xffff  }
0x37e: {  	v10 =	vld.idx.msk [tilespmem:v7+s28+$0x0], $0xffff;
	_ =	sdelay $0x1  }
0x37f: {  	v43 =	vld.idx.msk [tilespmem:v38+s28+$0x0], $0xffff  }
0x380: {  	v6 =	vadd.f32 v6, v39;
	v9 =	vadd.f32 v9, v41  }
0x381: {  	v45 =	vadd.f32 v13, v42  }
0x382: {  	v6 =	vsub.f32 v6, v36;
	v44 =	vsub.f32 v9, v10;
	_ =	sdelay $0x1  }
0x383: {  	v9 =	vsub.f32 v45, v43;
	v46 =	vmul.f32 v6, v6;
	v47 =	vmul.f32 v44, v44;
	_ =	sdelay $0x1  }
0x384: {  	v48 =	vmul.f32 v9, v9;
	v10 =	vadd.f32 v47, v46;
	_ =	sdelay $0x1  }
0x385: {  	v10 =	vadd.f32 v48, v10;
	_ =	sdelay $0x1  }
0x386: {  	vm14 =	vlt.f32 v10, $3.600000000e+01  }
0x387: {  	v10 =	vnsel vm14, $0x0, v10  }
0x388: {  	v49 =	vsel vm14, $0x1, v1;
	[tilespmem:s14+$0x0] =	vst v10  }
0x389: {  	v6 =	vnsel vm14, $0x0, v6;
	[tilespmem:s19+$0x0] =	vst v49  }
0x38a: {  	[tilespmem:v5+s30+$0x0] =	vst.idx.msk $0xffff, v6;
	v5 =	vnsel vm14, $0x0, v44  }
0x38b: {  	s31 =	sadd.s32 $0x30, s24;
	[tilespmem:v7+s30+$0x0] =	vst.idx.msk $0xffff, v5;
	v5 =	vnsel vm14, $0x0, v9  }
0x38c: {  	[tilespmem:v38+s30+$0x0] =	vst.idx.msk $0xffff, v5;
	v5 =	vmov s31  }
0x38d: {  	v5 =	vshll.u32 v5, $0x3;
	v6 =	vld [tilespmem:s0+$0x10]  }
0x38e: {  	v5 =	vor.u32 v0, v5;
	_ =	sdelay $0x1  }
0x38f: {  	v7 =	vor.u32 $0x1, v5  }
0x390: {  	v52 =	vor.u32 $0x2, v5  }
0x391: {  	v6 =	vshll.u32 v6, $0x3  }
0x392: {  	v50 =	vld.idx.msk [tilespmem:v5+s28+$0x0], $0xffff;
	v51 =	vor.u32 $0x1, v6  }
0x393: {  	v53 =	vld.idx.msk [tilespmem:v5+s29+$0x0], $0xffff;
	v54 =	vor.u32 $0x2, v6  }
0x394: {  	v55 =	vld.idx.msk [tilespmem:v7+s29+$0x0], $0xffff  }
0x395: {  	v56 =	vld.idx.msk [tilespmem:v52+s29+$0x0], $0xffff  }
0x396: {  	v6 =	vld.idx.msk [tilespmem:v6+s7+$0x0], $0xffff  }
0x397: {  	v9 =	vld.idx.msk [tilespmem:v51+s7+$0x0], $0xffff  }
0x398: {  	v13 =	vld.idx.msk [tilespmem:v54+s7+$0x0], $0xffff  }
0x399: {  	v10 =	vld.idx.msk [tilespmem:v7+s28+$0x0], $0xffff;
	_ =	sdelay $0x1  }
0x39a: {  	v57 =	vld.idx.msk [tilespmem:v52+s28+$0x0], $0xffff  }
0x39b: {  	v6 =	vadd.f32 v6, v53;
	v9 =	vadd.f32 v9, v55  }
0x39c: {  	v59 =	vadd.f32 v13, v56  }
0x39d: {  	v6 =	vsub.f32 v6, v50;
	v58 =	vsub.f32 v9, v10;
	_ =	sdelay $0x1  }
0x39e: {  	v9 =	vsub.f32 v59, v57;
	v60 =	vmul.f32 v6, v6;
	v61 =	vmul.f32 v58, v58;
	_ =	sdelay $0x1  }
0x39f: {  	v62 =	vmul.f32 v9, v9;
	v10 =	vadd.f32 v61, v60;
	_ =	sdelay $0x1  }
0x3a0: {  	v10 =	vadd.f32 v62, v10;
	_ =	sdelay $0x1  }
0x3a1: {  	s23 =	sadd.s32 $0x4, s23;
	vm15 =	vlt.f32 v10, $3.600000000e+01  }
0x3a2: {  	p0 =	slt.u32 s23, $0x78;
	v10 =	vnsel vm15, $0x0, v10  }
.Ltmp16:
0x3a3: {  	v63 =	vsel vm15, $0x1, v1;
	[tilespmem:s14+$0x10] =	vst v10;
	(pc) =	sbr.rel @p0 .LBB2_34-.Ltmp16, $4  }
0x3a4: {  	v6 =	vnsel vm15, $0x0, v6;
	[tilespmem:s19+$0x10] =	vst v63  }
0x3a5: {  	[tilespmem:v5+s30+$0x0] =	vst.idx.msk $0xffff, v6;
	v5 =	vnsel vm15, $0x0, v58  }
0x3a6: {  	s24 =	sadd.s32 $0x40, s24;
	[tilespmem:v7+s30+$0x0] =	vst.idx.msk $0xffff, v5;
	v5 =	vnsel vm15, $0x0, v9  }
0x3a7: {  	s0 =	sadd.s32 $0x40, s0;
	s14 =	sadd.s32 $0x40, s14;
	s19 =	sadd.s32 $0x40, s19;
	[tilespmem:v52+s30+$0x0] =	vst.idx.msk $0xffff, v5  }
0x3a8: {  	v5 =	vld [tilespmem:$0x1860];
	_ =	sdelay $0x4  }
0x3a9: {  	v5 =	vshll.u32 v5, $0x3  }
0x3aa: {  	v6 =	vld.idx.msk [tilespmem:v2+s28+$0x0], $0xffff;
	v7 =	vor.u32 $0x1, v5  }
0x3ab: {  	v8 =	vld.idx.msk [tilespmem:v3+s28+$0x0], $0xffff  }
0x3ac: {  	v9 =	vld.idx.msk [tilespmem:v2+s29+$0x0], $0xffff;
	v10 =	vor.u32 $0x2, v5  }
0x3ad: {  	v11 =	vld.idx.msk [tilespmem:v3+s29+$0x0], $0xffff  }
0x3ae: {  	v5 =	vld.idx.msk [tilespmem:v5+s7+$0x0], $0xffff  }
0x3af: {  	v7 =	vld.idx.msk [tilespmem:v7+s7+$0x0], $0xffff  }
0x3b0: {  	v12 =	vld.idx.msk [tilespmem:v4+s29+$0x0], $0xffff  }
0x3b1: {  	v10 =	vld.idx.msk [tilespmem:v10+s7+$0x0], $0xffff;
	_ =	sdelay $0x1  }
0x3b2: {  	v13 =	vld.idx.msk [tilespmem:v4+s28+$0x0], $0xffff;
	v5 =	vadd.f32 v5, v9  }
0x3b3: {  	v7 =	vadd.f32 v7, v11  }
0x3b4: {  	v5 =	vsub.f32 v5, v6  }
0x3b5: {  	v6 =	vsub.f32 v7, v8;
	v7 =	vadd.f32 v10, v12;
	_ =	sdelay $0x1  }
0x3b6: {  	v60 =	vmul.f32 v5, v5;
	v7 =	vsub.f32 v7, v13;
	v61 =	vmul.f32 v6, v6;
	_ =	sdelay $0x1  }
0x3b7: {  	v8 =	vadd.f32 v61, v60;
	v62 =	vmul.f32 v7, v7;
	_ =	sdelay $0x1  }
0x3b8: {  	v8 =	vadd.f32 v62, v8;
	_ =	sdelay $0x1  }
0x3b9: {  	vm0 =	vlt.f32 v8, $3.600000000e+01  }
0x3ba: {  	v8 =	vnsel vm0, $0x0, v8  }
0x3bb: {  	v63 =	vsel vm0, $0x1, v1;
	[tilespmem:$0xDBB0] =	vst v8  }
0x3bc: {  	v5 =	vnsel vm0, $0x0, v5;
	[tilespmem:$0xE380] =	vst v63  }
0x3bd: {  	[tilespmem:v2+s30+$0x0] =	vst.idx.msk $0xffff, v5;
	v5 =	vnsel vm0, $0x0, v6  }
0x3be: {  	[tilespmem:v3+s30+$0x0] =	vst.idx.msk $0xffff, v5;
	v5 =	vnsel vm0, $0x0, v7  }
0x3bf: {  	s0 =	rddreg [dreg:$0x19];
	[tilespmem:v4+s30+$0x0] =	vst.idx.msk $0xffff, v5  }
0x3c0: {  	[hbm4b:s0+s7] =	stream.linear.scatter [tilespmem:s30], [sflag:$0x2], $0x3E80, $0x38;
	[tilespmem:$0x1C620] =	vst v63  }
0x3c1: {  	s24 =	rddreg [dreg:$0x1b];
	s2 =	simm.s32 $0xD3F0  }
0x3c2: {  	[hbm4b:s24+s7] =	stream.linear.scatter [tilespmem:s2], [sflag:$0x2], $0x7D0, $0x38;
	[tilespmem:$0x1C620] =	vst v63  }
0x3c3: {  	s25 =	rddreg [dreg:$0x1c];
	s31 =	simm.s32 $0xDBC0  }
0x3c4: {  	[hbm4b:s25+s7] =	stream.linear.scatter [tilespmem:s31], [sflag:$0x2], $0x7D0, $0x38;
	[tilespmem:$0x1C620] =	vst v63  }
0x3c5: {  	_ =	swait.ge [sflag:s5], $0x280  }
0x3c6: {  	[sflag:s5] =	ssyncset.done $0x0  }
0x3c7: {  	[sflag:s5] =	ssyncadd.s32 $0xFFFFFD80  }
0x3c8: {  	_ =	swait.ge [sflag:s5], $0x280  }
0x3c9: {  	s0 =	simm.s32 $0x18;
	[sflag:s5] =	ssyncset.done $0x0  }
.LBB2_36:
0x3ca: {  	p0 =	sne.s32 s0, $0x1;
	s0 =	sadd.s32 $0xFFFFFFFF, s0;
	[sflag:s5] =	ssyncadd.s32 $0xFFFFFD80  }
.Ltmp17:
0x3cb: {  	_ =	swait.ge [sflag:s5], $0x280;
	(pc) =	sbr.rel @p0 .LBB2_36-.Ltmp17, $4  }
0x3cc: {  	[sflag:s5] =	ssyncset.done $0x0  }
0x3cd: {  	[sflag:s5] =	ssyncadd.s32 $0xFFFFFD80  }
0x3ce: {  	_ =	swait.ge [sflag:s5], $0x280  }
0x3cf: {  	[sflag:s5] =	ssyncset.done $0x0  }
0x3d0: {  	[sflag:s5] =	ssyncadd.s32 $0xFFFFFD80  }
0x3d1: {  	_ =	swait.ge [sflag:s21], $0x3E80  }
0x3d2: {  	[sflag:s21] =	ssyncset.done $0x0  }
0x3d3: {  	[sflag:s21] =	ssyncadd.s32 $0xFFFFC180  }
0x3d4: {  	_ =	swait.ge [sflag:s21], $0x7D0  }
0x3d5: {  	[sflag:s21] =	ssyncset.done $0x0  }
0x3d6: {  	[sflag:s21] =	ssyncadd.s32 $0xFFFFF830  }
0x3d7: {  	s23 =	simm.s32 $0xFFFFFFFC;
	_ =	swait.ge [sflag:s21], $0x7D0  }
0x3d8: {  	s24 =	simm.s32 $0x0;
	s0 =	simm.s32 $0xF350;
	[sflag:s21] =	ssyncset.done $0x0  }
0x3d9: {  	s14 =	simm.s32 $0x1B6A0;
	s19 =	simm.s32 $0x1BE70;
	[sflag:s21] =	ssyncadd.s32 $0xFFFFF830  }
.LBB2_38:
0x3da: {  	v5 =	vmov s24  }
0x3db: {  	v6 =	vld [tilespmem:s0+$0xFFFFFFE0];
	v5 =	vshll.u32 v5, $0x3  }
0x3dc: {  	v5 =	vor.u32 v0, v5;
	_ =	sdelay $0x1  }
0x3dd: {  	v7 =	vor.u32 $0x1, v5  }
0x3de: {  	v11 =	vor.u32 $0x2, v5  }
0x3df: {  	v6 =	vshll.u32 v6, $0x3  }
0x3e0: {  	v9 =	vor.u32 $0x1, v6;
	v8 =	vld.idx.msk [tilespmem:v5+s8+$0x0], $0xffff  }
0x3e1: {  	v13 =	vor.u32 $0x2, v6;
	v12 =	vld.idx.msk [tilespmem:v5+s12+$0x0], $0xffff  }
0x3e2: {  	v14 =	vld.idx.msk [tilespmem:v7+s12+$0x0], $0xffff  }
0x3e3: {  	v15 =	vld.idx.msk [tilespmem:v11+s12+$0x0], $0xffff  }
0x3e4: {  	v6 =	vld.idx.msk [tilespmem:v6+s7+$0x0], $0xffff  }
0x3e5: {  	v9 =	vld.idx.msk [tilespmem:v9+s7+$0x0], $0xffff  }
0x3e6: {  	v13 =	vld.idx.msk [tilespmem:v13+s7+$0x0], $0xffff  }
0x3e7: {  	v10 =	vld.idx.msk [tilespmem:v7+s8+$0x0], $0xffff;
	_ =	sdelay $0x1  }
0x3e8: {  	v16 =	vld.idx.msk [tilespmem:v11+s8+$0x0], $0xffff  }
0x3e9: {  	v6 =	vadd.f32 v6, v12;
	v9 =	vadd.f32 v9, v14  }
0x3ea: {  	v17 =	vadd.f32 v13, v15  }
0x3eb: {  	v6 =	vsub.f32 v6, v8;
	v63 =	vsub.f32 v9, v10;
	_ =	sdelay $0x1  }
0x3ec: {  	v9 =	vsub.f32 v17, v16;
	v18 =	vmul.f32 v6, v6;
	v19 =	vmul.f32 v63, v63;
	_ =	sdelay $0x1  }
0x3ed: {  	v20 =	vmul.f32 v9, v9;
	v10 =	vadd.f32 v19, v18;
	_ =	sdelay $0x1  }
0x3ee: {  	v10 =	vadd.f32 v20, v10;
	_ =	sdelay $0x1  }
0x3ef: {  	vm0 =	vlt.f32 v10, $3.600000000e+01  }
0x3f0: {  	v10 =	vnsel vm0, $0x0, v10  }
0x3f1: {  	v21 =	vsel vm0, $0x1, v1;
	[tilespmem:s14+$0xFFFFFFE0] =	vst v10  }
0x3f2: {  	v6 =	vnsel vm0, $0x0, v6;
	[tilespmem:s19+$0xFFFFFFE0] =	vst v21  }
0x3f3: {  	[tilespmem:v5+s13+$0x0] =	vst.idx.msk $0xffff, v6;
	v5 =	vnsel vm0, $0x0, v63  }
0x3f4: {  	s2 =	sadd.s32 $0x10, s24;
	[tilespmem:v7+s13+$0x0] =	vst.idx.msk $0xffff, v5;
	v5 =	vnsel vm0, $0x0, v9  }
0x3f5: {  	[tilespmem:v11+s13+$0x0] =	vst.idx.msk $0xffff, v5;
	v5 =	vmov s2  }
0x3f6: {  	v5 =	vshll.u32 v5, $0x3;
	v6 =	vld [tilespmem:s0+$0xFFFFFFF0]  }
0x3f7: {  	v5 =	vor.u32 v0, v5;
	_ =	sdelay $0x1  }
0x3f8: {  	v7 =	vor.u32 $0x1, v5  }
0x3f9: {  	v24 =	vor.u32 $0x2, v5  }
0x3fa: {  	v6 =	vshll.u32 v6, $0x3  }
0x3fb: {  	v22 =	vld.idx.msk [tilespmem:v5+s8+$0x0], $0xffff;
	v23 =	vor.u32 $0x1, v6  }
0x3fc: {  	v25 =	vld.idx.msk [tilespmem:v5+s12+$0x0], $0xffff;
	v26 =	vor.u32 $0x2, v6  }
0x3fd: {  	v27 =	vld.idx.msk [tilespmem:v7+s12+$0x0], $0xffff  }
0x3fe: {  	v28 =	vld.idx.msk [tilespmem:v24+s12+$0x0], $0xffff  }
0x3ff: {  	v6 =	vld.idx.msk [tilespmem:v6+s7+$0x0], $0xffff  }
0x400: {  	v9 =	vld.idx.msk [tilespmem:v23+s7+$0x0], $0xffff  }
0x401: {  	v13 =	vld.idx.msk [tilespmem:v26+s7+$0x0], $0xffff  }
0x402: {  	v10 =	vld.idx.msk [tilespmem:v7+s8+$0x0], $0xffff;
	_ =	sdelay $0x1  }
0x403: {  	v29 =	vld.idx.msk [tilespmem:v24+s8+$0x0], $0xffff  }
0x404: {  	v6 =	vadd.f32 v6, v25;
	v9 =	vadd.f32 v9, v27  }
0x405: {  	v31 =	vadd.f32 v13, v28  }
0x406: {  	v6 =	vsub.f32 v6, v22;
	v30 =	vsub.f32 v9, v10;
	_ =	sdelay $0x1  }
0x407: {  	v9 =	vsub.f32 v31, v29;
	v32 =	vmul.f32 v6, v6;
	v33 =	vmul.f32 v30, v30;
	_ =	sdelay $0x1  }
0x408: {  	v34 =	vmul.f32 v9, v9;
	v10 =	vadd.f32 v33, v32;
	_ =	sdelay $0x1  }
0x409: {  	v10 =	vadd.f32 v34, v10;
	_ =	sdelay $0x1  }
0x40a: {  	vm13 =	vlt.f32 v10, $3.600000000e+01  }
0x40b: {  	v10 =	vnsel vm13, $0x0, v10  }
0x40c: {  	v35 =	vsel vm13, $0x1, v1;
	[tilespmem:s14+$0xFFFFFFF0] =	vst v10  }
0x40d: {  	v6 =	vnsel vm13, $0x0, v6;
	[tilespmem:s19+$0xFFFFFFF0] =	vst v35  }
0x40e: {  	[tilespmem:v5+s13+$0x0] =	vst.idx.msk $0xffff, v6;
	v5 =	vnsel vm13, $0x0, v30  }
0x40f: {  	s25 =	sadd.s32 $0x20, s24;
	[tilespmem:v7+s13+$0x0] =	vst.idx.msk $0xffff, v5;
	v5 =	vnsel vm13, $0x0, v9  }
0x410: {  	[tilespmem:v24+s13+$0x0] =	vst.idx.msk $0xffff, v5;
	v5 =	vmov s25  }
0x411: {  	v5 =	vshll.u32 v5, $0x3;
	v6 =	vld [tilespmem:s0+$0x0]  }
0x412: {  	v5 =	vor.u32 v0, v5;
	_ =	sdelay $0x1  }
0x413: {  	v7 =	vor.u32 $0x1, v5  }
0x414: {  	v38 =	vor.u32 $0x2, v5  }
0x415: {  	v6 =	vshll.u32 v6, $0x3  }
0x416: {  	v36 =	vld.idx.msk [tilespmem:v5+s8+$0x0], $0xffff;
	v37 =	vor.u32 $0x1, v6  }
0x417: {  	v39 =	vld.idx.msk [tilespmem:v5+s12+$0x0], $0xffff;
	v40 =	vor.u32 $0x2, v6  }
0x418: {  	v41 =	vld.idx.msk [tilespmem:v7+s12+$0x0], $0xffff  }
0x419: {  	v42 =	vld.idx.msk [tilespmem:v38+s12+$0x0], $0xffff  }
0x41a: {  	v6 =	vld.idx.msk [tilespmem:v6+s7+$0x0], $0xffff  }
0x41b: {  	v9 =	vld.idx.msk [tilespmem:v37+s7+$0x0], $0xffff  }
0x41c: {  	v13 =	vld.idx.msk [tilespmem:v40+s7+$0x0], $0xffff  }
0x41d: {  	v10 =	vld.idx.msk [tilespmem:v7+s8+$0x0], $0xffff;
	_ =	sdelay $0x1  }
0x41e: {  	v43 =	vld.idx.msk [tilespmem:v38+s8+$0x0], $0xffff  }
0x41f: {  	v6 =	vadd.f32 v6, v39;
	v9 =	vadd.f32 v9, v41  }
0x420: {  	v45 =	vadd.f32 v13, v42  }
0x421: {  	v6 =	vsub.f32 v6, v36;
	v44 =	vsub.f32 v9, v10;
	_ =	sdelay $0x1  }
0x422: {  	v9 =	vsub.f32 v45, v43;
	v46 =	vmul.f32 v6, v6;
	v47 =	vmul.f32 v44, v44;
	_ =	sdelay $0x1  }
0x423: {  	v48 =	vmul.f32 v9, v9;
	v10 =	vadd.f32 v47, v46;
	_ =	sdelay $0x1  }
0x424: {  	v10 =	vadd.f32 v48, v10;
	_ =	sdelay $0x1  }
0x425: {  	vm14 =	vlt.f32 v10, $3.600000000e+01  }
0x426: {  	v10 =	vnsel vm14, $0x0, v10  }
0x427: {  	v49 =	vsel vm14, $0x1, v1;
	[tilespmem:s14+$0x0] =	vst v10  }
0x428: {  	v6 =	vnsel vm14, $0x0, v6;
	[tilespmem:s19+$0x0] =	vst v49  }
0x429: {  	[tilespmem:v5+s13+$0x0] =	vst.idx.msk $0xffff, v6;
	v5 =	vnsel vm14, $0x0, v44  }
0x42a: {  	s31 =	sadd.s32 $0x30, s24;
	[tilespmem:v7+s13+$0x0] =	vst.idx.msk $0xffff, v5;
	v5 =	vnsel vm14, $0x0, v9  }
0x42b: {  	[tilespmem:v38+s13+$0x0] =	vst.idx.msk $0xffff, v5;
	v5 =	vmov s31  }
0x42c: {  	v5 =	vshll.u32 v5, $0x3;
	v6 =	vld [tilespmem:s0+$0x10]  }
0x42d: {  	v5 =	vor.u32 v0, v5;
	_ =	sdelay $0x1  }
0x42e: {  	v7 =	vor.u32 $0x1, v5  }
0x42f: {  	v52 =	vor.u32 $0x2, v5  }
0x430: {  	v6 =	vshll.u32 v6, $0x3  }
0x431: {  	v50 =	vld.idx.msk [tilespmem:v5+s8+$0x0], $0xffff;
	v51 =	vor.u32 $0x1, v6  }
0x432: {  	v53 =	vld.idx.msk [tilespmem:v5+s12+$0x0], $0xffff;
	v54 =	vor.u32 $0x2, v6  }
0x433: {  	v55 =	vld.idx.msk [tilespmem:v7+s12+$0x0], $0xffff  }
0x434: {  	v56 =	vld.idx.msk [tilespmem:v52+s12+$0x0], $0xffff  }
0x435: {  	v6 =	vld.idx.msk [tilespmem:v6+s7+$0x0], $0xffff  }
0x436: {  	v9 =	vld.idx.msk [tilespmem:v51+s7+$0x0], $0xffff  }
0x437: {  	v13 =	vld.idx.msk [tilespmem:v54+s7+$0x0], $0xffff  }
0x438: {  	v10 =	vld.idx.msk [tilespmem:v7+s8+$0x0], $0xffff;
	_ =	sdelay $0x1  }
0x439: {  	v57 =	vld.idx.msk [tilespmem:v52+s8+$0x0], $0xffff  }
0x43a: {  	v6 =	vadd.f32 v6, v53;
	v9 =	vadd.f32 v9, v55  }
0x43b: {  	v59 =	vadd.f32 v13, v56  }
0x43c: {  	v6 =	vsub.f32 v6, v50;
	v58 =	vsub.f32 v9, v10;
	_ =	sdelay $0x1  }
0x43d: {  	v9 =	vsub.f32 v59, v57;
	v60 =	vmul.f32 v6, v6;
	v61 =	vmul.f32 v58, v58;
	_ =	sdelay $0x1  }
0x43e: {  	v62 =	vmul.f32 v9, v9;
	v10 =	vadd.f32 v61, v60;
	_ =	sdelay $0x1  }
0x43f: {  	v10 =	vadd.f32 v62, v10;
	_ =	sdelay $0x1  }
0x440: {  	s23 =	sadd.s32 $0x4, s23;
	vm15 =	vlt.f32 v10, $3.600000000e+01  }
0x441: {  	p0 =	slt.u32 s23, $0x78;
	v10 =	vnsel vm15, $0x0, v10  }
.Ltmp18:
0x442: {  	v63 =	vsel vm15, $0x1, v1;
	[tilespmem:s14+$0x10] =	vst v10;
	(pc) =	sbr.rel @p0 .LBB2_38-.Ltmp18, $4  }
0x443: {  	v6 =	vnsel vm15, $0x0, v6;
	[tilespmem:s19+$0x10] =	vst v63  }
0x444: {  	[tilespmem:v5+s13+$0x0] =	vst.idx.msk $0xffff, v6;
	v5 =	vnsel vm15, $0x0, v58  }
0x445: {  	s24 =	sadd.s32 $0x40, s24;
	[tilespmem:v7+s13+$0x0] =	vst.idx.msk $0xffff, v5;
	v5 =	vnsel vm15, $0x0, v9  }
0x446: {  	s0 =	sadd.s32 $0x40, s0;
	s14 =	sadd.s32 $0x40, s14;
	s19 =	sadd.s32 $0x40, s19;
	[tilespmem:v52+s13+$0x0] =	vst.idx.msk $0xffff, v5  }
0x447: {  	v5 =	vld [tilespmem:$0xFAF0];
	_ =	sdelay $0x4  }
0x448: {  	v5 =	vshll.u32 v5, $0x3  }
0x449: {  	v6 =	vld.idx.msk [tilespmem:v2+s8+$0x0], $0xffff;
	v7 =	vor.u32 $0x1, v5  }
0x44a: {  	v8 =	vld.idx.msk [tilespmem:v3+s8+$0x0], $0xffff  }
0x44b: {  	v9 =	vld.idx.msk [tilespmem:v2+s12+$0x0], $0xffff;
	v10 =	vor.u32 $0x2, v5  }
0x44c: {  	v11 =	vld.idx.msk [tilespmem:v3+s12+$0x0], $0xffff  }
0x44d: {  	v5 =	vld.idx.msk [tilespmem:v5+s7+$0x0], $0xffff  }
0x44e: {  	v7 =	vld.idx.msk [tilespmem:v7+s7+$0x0], $0xffff  }
0x44f: {  	v12 =	vld.idx.msk [tilespmem:v4+s12+$0x0], $0xffff  }
0x450: {  	v10 =	vld.idx.msk [tilespmem:v10+s7+$0x0], $0xffff;
	_ =	sdelay $0x1  }
0x451: {  	v13 =	vld.idx.msk [tilespmem:v4+s8+$0x0], $0xffff;
	v5 =	vadd.f32 v5, v9  }
0x452: {  	v7 =	vadd.f32 v7, v11  }
0x453: {  	v5 =	vsub.f32 v5, v6  }
0x454: {  	v6 =	vsub.f32 v7, v8;
	v7 =	vadd.f32 v10, v12;
	_ =	sdelay $0x1  }
0x455: {  	v60 =	vmul.f32 v5, v5;
	v7 =	vsub.f32 v7, v13;
	v61 =	vmul.f32 v6, v6;
	_ =	sdelay $0x1  }
0x456: {  	v8 =	vadd.f32 v61, v60;
	v62 =	vmul.f32 v7, v7;
	_ =	sdelay $0x1  }
0x457: {  	v8 =	vadd.f32 v62, v8;
	_ =	sdelay $0x1  }
0x458: {  	vm0 =	vlt.f32 v8, $3.600000000e+01  }
0x459: {  	v8 =	vnsel vm0, $0x0, v8  }
0x45a: {  	v63 =	vsel vm0, $0x1, v1;
	[tilespmem:$0x1BE40] =	vst v8  }
0x45b: {  	v5 =	vnsel vm0, $0x0, v5;
	[tilespmem:$0x1C610] =	vst v63  }
0x45c: {  	[tilespmem:v2+s13+$0x0] =	vst.idx.msk $0xffff, v5;
	v5 =	vnsel vm0, $0x0, v6  }
0x45d: {  	[tilespmem:v3+s13+$0x0] =	vst.idx.msk $0xffff, v5;
	v5 =	vnsel vm0, $0x0, v7  }
0x45e: {  	s0 =	rddreg [dreg:$0x1d];
	[tilespmem:v4+s13+$0x0] =	vst.idx.msk $0xffff, v5  }
0x45f: {  	[hbm4b:s0+s7] =	stream.linear.scatter [tilespmem:s13], [sflag:$0x4], $0x3E80, $0x38;
	[tilespmem:$0x1C620] =	vst v63  }
0x460: {  	s19 =	rddreg [dreg:$0x1e];
	s2 =	simm.s32 $0x1B680  }
0x461: {  	[hbm4b:s19+s7] =	stream.linear.scatter [tilespmem:s2], [sflag:$0x4], $0x7D0, $0x38;
	[tilespmem:$0x1C620] =	vst v63  }
0x462: {  	s23 =	rddreg [dreg:$0x1f];
	s24 =	simm.s32 $0x1BE50  }
0x463: {  	[hbm4b:s23+s7] =	stream.linear.scatter [tilespmem:s24], [sflag:$0x4], $0x7D0, $0x38;
	[tilespmem:$0x1C620] =	vst v63  }
0x464: {  	_ =	swait.ge [sflag:s20], $0x3E80  }
0x465: {  	[sflag:s20] =	ssyncset.done $0x0  }
0x466: {  	[sflag:s20] =	ssyncadd.s32 $0xFFFFC180  }
0x467: {  	_ =	swait.ge [sflag:s20], $0x7D0  }
0x468: {  	[sflag:s20] =	ssyncset.done $0x0  }
0x469: {  	[sflag:s20] =	ssyncadd.s32 $0xFFFFF830  }
0x46a: {  	_ =	swait.ge [sflag:s20], $0x7D0  }
0x46b: {  	[sflag:s20] =	ssyncset.done $0x0  }
0x46c: {  	[sflag:s20] =	ssyncadd.s32 $0xFFFFF830  }
0x46d: {  	_ =	swait.ge [sflag:s21], $0x3E80  }
0x46e: {  	[sflag:s21] =	ssyncset.done $0x0  }
0x46f: {  	[sflag:s21] =	ssyncadd.s32 $0xFFFFC180  }
0x470: {  	_ =	swait.ge [sflag:s21], $0x7D0  }
0x471: {  	[sflag:s21] =	ssyncset.done $0x0  }
0x472: {  	[sflag:s21] =	ssyncadd.s32 $0xFFFFF830  }
0x473: {  	_ =	swait.ge [sflag:s21], $0x7D0  }
0x474: {  	s25 =	sld [smem:$0x7FB]  }
0x475: {  	s31 =	sld [smem:$0x7FC];
	_ =	sdelay $0x1  }
0x476: {  	s2 =	sadd.s32 $0x1, s25  }
0x477: {  	p0 =	sne.s32 s2, s31  }
.Ltmp19:
0x478: {  	_ = 	snop;
	(pc) =	sbr.rel @p0 .LBB2_1-.Ltmp19, $3  }
0x479: {  	_ =	sdelay $0x1  }
0x47a: {  	[sflag:s21] =	ssyncset.done $0x0  }
0x47b: {  	[sflag:s21] =	ssyncadd.s32 $0xFFFFF830  }
0x47c: {  	_ =	sfence.sel $0x180000  }
0x47d: {  	[bflag:$0x0] =	sbarrier.arrive $0xFFFF  }
0x47e: {  	_ =	strace $0x90000047  }
0x47f: {  	s0 =	stileid.u32;
	[bflag:$0x2] =	sbarrier.arrive $0xFFFF  }
0x480: {  	p0 =	sne.s32 s0, $0x0;
	s0 =	rddreg [dreg:$0x6]  }
0x481: {  	s0 =	sadd.s32 @!p0 $0x100000, s0  }
0x482: {  	[sflag:s0] =	ssyncadd.tile.s32 @!p0 $0x1;
	_ =	shalt  }
.Lfunc_end2:
_tile_overlayer_lowered:
.L_overlay_start_2:
0x483: {  	(tag) =	ssettag $0x2  }
0x484: {  	s0 =	rddreg [dreg:$0x0];
	s2 =	stileid.u32  }
0x485: {  	s1 =	rddreg [dreg:$0x1];
	p0 =	sne.s32 s2, $0x0  }
0x486: {  	s3 =	rddreg [dreg:$0x2];
	[bflag:$0x3] =	sbarrier.arrive $0xFFFF;
	s2 =	simm.s32 @!p0 $0x1C05  }
0x487: {  	[timem:s3], [sflag:s2] =	dma.local @!p0 [hbm:s0], s1  }
0x488: {  	s0 =	simm.s32 @!p0 $0x5  }
0x489: {  	_ =	swait.ge @!p0 [sflag:s0], s1  }
0x48a: {  	s1 =	ssub.s32 @!p0 $0x0, s1;
	[sflag:s0] =	ssyncset.done @!p0 $0x0  }
0x48b: {  	[sflag:s0] =	ssyncadd.s32 @!p0 s1  }
0x48c: {  	[bflag:$0x3] =	sbarrier.arrive $0xFFFF  }
0x48d: {  	_ =	shalt  }

// kernel: sparse-core-data-format-call.cloned.1.call-start
scs
called_computation_lowered:
.L_overlay_start_0:
0x0: {  	s2 =	sld [smem:$0x3FD9]  }
0x1: {  	s3 =	sld [smem:$0x3FFE];
	_ =	sdelay $0x1  }
0x2: {  	s1 =	srdreg.scid  }
0x3: {  	s0 =	sand.u32 $0x1, s1  }
0x4: {  	s15 =	sshll.u32 s0, $0xA;
	s2 =	sadd.s32 s3, s2  }
0x5: {  	s2 =	sadd.s32 s2, s15  }
0x6: {  	[smem:$0x3FC2] =	sst s2  }
0x7: {  	_ = 	snop  }
0x8: {  	s2 =	sld [smem:$0x3FD0];
	_ =	sdelay $0x2  }
0x9: {  	s16 =	simm.s32 $0xA;
	s4 =	simm.s32 $0x10  }
0xa: {  	[smem:s4], [sflag:s16] =	dma.local [hbm:s2], $0x1  }
0xb: {  	_ =	swait.eq [sflag:s16], $0x1  }
0xc: {  	[sflag:s16] =	ssyncset.done $0x0  }
0xd: {  	[sflag:s16] =	ssyncadd.s32 $0xFFFFFFFF  }
0xe: {  	s17 =	sld [smem:$0x10];
	(tm) =	ssettm $0x1  }
0xf: {  	s18 =	sld [smem:$0x3FFB];
	_ =	sdelay $0x3  }
0x10: {  	_ =	strace s18  }
0x11: {  	s3 =	sld [smem:$0x3FFC];
	_ =	sdelay $0x3  }
0x12: {  	_ =	strace s3  }
0x13: {  	s3 =	sld [smem:$0x3FFD];
	_ =	sdelay $0x3  }
0x14: {  	_ =	strace s3  }
0x15: {  	_ =	strace $0x8FFFFFFF  }
0x16: {  	s19 =	sld [smem:$0x3FDB];
	_ =	sdelay $0x1  }
0x17: {  	s20 =	simm.s32 $_scs_section_size  }
0x18: {  	s5 =	simm.s32 $_size__tile_overlayer_lowered;
	s6 =	simm.s32 $_tile_overlayer_lowered  }
0x19: {  	s23 =	simm.s32 $0x1BFF;
	s22 =	sshll.u32 s6, $0x1;
	s3 =	sadd.s32 s20, s19  }
0x1a: {  	s7 =	simm.s32 $0x0;
	s21 =	sshll.u32 s5, $0x1;
	s5 =	sadd.s32 s22, s3  }
0x1b: {  	[timem:s7], [sflag:s23] =	dma.local [hbm:s5], s21  }
0x1c: {  	_ =	swait.ge [sflag:s23], s21  }
0x1d: {  	s4 =	ssub.s32 $0x0, s21;
	[sflag:s23] =	ssyncset.done $0x0  }
0x1e: {  	[sflag:s23] =	ssyncadd.s32 s4;
	_ =	sdelay $0x1  }
0x1f: {  	s24 =	simm.s32 $0x1B8B  }
0x20: {  	_ =	swait.ge [sflag:s24], $0x1  }
0x21: {  	[sflag:s24] =	ssyncset.done $0x0  }
0x22: {  	s26 =	simm.s32 $0x1B8E;
	s25 =	sld [smem:$0x3FFE];
	[sflag:s24] =	ssyncadd.s32 $0xFFFFFFFF  }
0x23: {  	s27 =	simm.s32 $execute0_lowered;
	[smem:$0x3FD2] =	sst s26  }
0x24: {  	s5 =	sshll.u32 s27, $0x1;
	_ =	strace $0x80000049;
	[dreg:$0x1] =	wrdreg $0xFFFFFFFF  }
0x25: {  	s28 =	simm.s32 $_size_execute0_lowered;
	s3 =	sadd.s32 s3, s5;
	[dreg:$0x0] =	wrdreg $0x0  }
0x26: {  	s5 =	sshll.u32 s28, $0x1;
	[dreg:$0x2] =	wrdreg s3  }
0x27: {  	[dreg:$0x3] =	wrdreg s5  }
0x28: {  	[dreg:$0x4] =	wrdreg $0xC0  }
0x29: {  	_ =	task [dreg:s7], $0x5FFFF  }
0x2a: {  	[dreg:$0x1] =	wrdreg $0xFFFFFFFF  }
0x2b: {  	[dreg:$0x0] =	wrdreg $0x60  }
0x2c: {  	[dreg:$0x2] =	wrdreg s25  }
0x2d: {  	[dreg:$0x3] =	wrdreg s17  }
0x2e: {  	[dreg:$0x4] =	wrdreg $0x9  }
0x2f: {  	_ =	task.clear_ibuf [dreg:s7], $0x5FFFF;
	_ =	strace $0x90000049  }
0x30: {  	s29 =	simm.s32 $0x9;
	_ =	strace $0x8000004B  }
0x31: {  	_ =	swait.ge [sflag:s29], $0x1  }
0x32: {  	[sflag:s29] =	ssyncadd.s32 $0xFFFFFFFF  }
0x33: {  	_ =	strace $0x9000004B  }
0x34: {  	_ =	sfence  }
0x35: {  	s30 =	sld [smem:$0x0];
	_ =	sdelay $0x2  }
0x36: {  	s31 =	sshll.u32 s1, $0xD;
	s1 =	sshrl.u32 s1, $0x2  }
0x37: {  	s3 =	sand.u32 $0x4000, s31;
	s1 =	sadd.s32 s1, s30  }
0x38: {  	s0 =	sor.u32 s3, s0;
	s1 =	sshll.u32 s1, $0x11  }
0x39: {  	s0 =	sor.u32 s1, s0  }
0x3a: {  	s0 =	sadd.s32 $0x8F2B, s0  }
0x3b: {  	[sflag:s0] =	ssyncadd.remote.s32 $0x1  }
0x3c: {  	_ =	sfence.sel $0xFFFF  }
0x3d: {  	[dreg:$0x0] =	wrdreg $0xFFFFFFFF;
	(pc) =	sbr.abs _section_cstart, $3  }
0x3e: {  	[dreg:$0x1] =	wrdreg $0xFFFFFFFF  }
0x3f: {  	_ =	task.clear_ibuf [dreg:s7], $0x2FFFF;
	_ =	strace $0x9FFFFFFF  }
0x40: {  	(tm) =	ssettm $0x7FFFFFFF  }
0x41: {  	_ =	shalt  }
tec
execute0_lowered:
.L_overlay_start_1:
0x0: {  	(tag) =	ssettag $0x1  }
0x1: {  	s0 =	srdreg.scid  }
0x2: {  	s5 =	rddreg [dreg:$0x0];
	s1 =	sshll.u32 s0, $0x4  }
0x3: {  	s2 =	rddreg [dreg:$0x1];
	s0 =	stileid.u32;
	s1 =	sand.u32 $0x10, s1  }
0x4: {  	s4 =	simm.s32 $0x1;
	s8 =	simm.s32 $0x2;
	s1 =	sor.u32 s0, s1  }
0x5: {  	s12 =	simm.s32 $0x0;
	s9 =	simm.s32 $0x0;
	s3 =	sshll.u32 s1, $0x7  }
0x6: {  	s11 =	simm.s32 $0x0;
	s5 =	sadd.s32 $0x370400, s5;
	s6 =	ssub.s32 $0x30D400, s3  }
.Ltmp0:
0x7: {  	s1 =	rddreg [dreg:$0x2];
	s7 =	sand.u32 $0xF80, s6;
	(pc) =	sbr.rel .LBB1_1-.Ltmp0, $4  }
0x8: {  	_ =	strace $0x8000004A;
	p0 =	sne.s32 s7, $0x0;
	s7 =	simm.s32 $0x1  }
0x9: {  	[sflag:s4] =	ssyncpa.u1 $0x0;
	s6 =	sshrl.u32 s6, $0xC;
	s7 =	simm.s32 @!p0 $0x0  }
0xa: {  	s10 =	smov.u32 s3;
	[sflag:s8] =	ssyncpa.u1 $0x0;
	s6 =	sadd.s32 s7, s6  }
0xb: {  	s8 =	simm.s32 $0xC35000;
	p0 =	por $0x0, $0x0;
	s7 =	sadd.s32 $0x1, s6  }
.LBB1_4:
0xc: {  	s15 =	sshll.u32 s9, $0x2  }
0xd: {  	p1 =	sgt.s32 s9, $0x30D380;
	s16 =	sshrl.u32 s15, $0xA  }
0xe: {  	s17 =	smov.u32 s9;
	s18 =	sshra.s32 s9, $0x1F;
	s16 =	smulhi.u32 $0x53E2D7, s16  }
0xf: {  	s19 =	sand.u32 $0x7F, s9;
	s17 =	simm.s32 @!p1 $0x30D380;
	s18 =	sand.u32 s18, s9  }
0x10: {  	s15 =	sand.u32 $0xFFFFFE00, s15;
	s17 =	ssub.s32 s17, s18;
	s16 =	sshrl.u32 s16, $0x2  }
0x11: {  	s17 =	sadd.s32 $0xFFCF2C80, s17;
	s26 =	smul.u32 $0x30D400, s16  }
0x12: {  	s15 =	sor.u32 s19, s15;
	s27 =	sshll.u32 s17, $0x4;
	s16 =	sand.u32 $0x3, s16  }
0x13: {  	s28 =	ssub.s32 $0x800, s27;
	s16 =	smul.u32 $0x61A80, s16;
	s15 =	ssub.s32 s15, s26  }
0x14: {  	p1 =	sgt.s32 s17, $0x7F;
	s17 =	sshrl.u32 s28, $0x2;
	s29 =	sand.u32 $0x7, s15  }
0x15: {  	s15 =	sshrl.u32 s15, $0x3;
	s16 =	sadd.s32 s2, s16;
	s18 =	sshll.u32 s29, $0x12  }
0x16: {  	[tilespmem:s14+$0x0 ss:$0x81] =	vst.msk $0xffff, v0;
	s17 =	simm.s32 @p1 $0x0;
	s30 =	sadd.s32 s15, s16;
	s31 =	sor.u32 $0x200, s18  }
0x17: {  	[hbm4b:s30+s31] =	stream.strided.scatter [tilespmem:s13], [sflag:$0x2], s17, s8, s31, $0x20;
	[tilespmem:$0x4040] =	vst v63  }
.LBB1_5:
0x18: {  	p1 =	slt.u32 s11, $0x2  }
0x19: {  	p2 =	sgt.s32 @!p1 s12, $0x30D380  }
0x1a: {  	s13 =	smov.u32 s12;
	s14 =	sshra.s32 @!p1 s12, $0x1F;
	p2 =	por !p2, p1  }
0x1b: {  	s12 =	sand.u32 @!p1 s14, s12;
	s13 =	simm.s32 @p2 $0x30D380  }
0x1c: {  	s12 =	ssub.s32 @!p1 s13, s12  }
0x1d: {  	s12 =	sadd.s32 @!p1 $0xFFCF2C80, s12  }
0x1e: {  	s13 =	sshll.u32 @!p1 s12, $0x4  }
0x1f: {  	p2 =	sgt.s32 @!p1 s12, $0x7F;
	s12 =	ssub.s32 @!p1 $0x800, s13  }
0x20: {  	s14 =	sadd.s32 $0x1000, s10;
	p2 =	por !p2, p1;
	s12 =	sshrl.u32 @!p1 s12, $0x2  }
0x21: {  	s12 =	simm.s32 @!p2 $0x0;
	p2 =	sgt.s32 s14, $0x30D3FF  }
0x22: {  	s14 =	smov.u32 @p2 s3;
	p2 =	sne.s32 s11, s7  }
.Ltmp1:
0x23: {  	_ = 	snop;
	(pc) =	sbr.rel @!p2 .LBB1_6-.Ltmp1, $4  }
0x24: {  	s13 =	simm.s32 @!p1 $0x2  }
0x25: {  	p0 =	por !p0, !p0;
	_ =	swait.ge @!p1 [sflag:s13], s12;
	s15 =	ssub.s32 @!p1 $0x0, s12  }
0x26: {  	s12 =	smov.u32 s9;
	s11 =	sadd.s32 $0x1, s11;
	[sflag:s13] =	ssyncset.done @!p1 $0x0  }
0x27: {  	s9 =	smov.u32 s10;
	s10 =	smov.u32 s14;
	[sflag:s13] =	ssyncadd.s32 @!p1 s15  }
.LBB1_1:
0x28: {  	p1 =	sge.u32 s11, s6  }
0x29: {  	s13 =	sand.u32 @!p1 $0x1FFFFFF, s10  }
0x2a: {  	s14 =	smulhi.u32 @!p1 $0x14F8B59, s13;
	_ =	sdelay $0x1  }
0x2b: {  	s14 =	sshrl.u32 @!p1 s14, $0xE  }
0x2c: {  	s14 =	smul.u32 @!p1 $0x30D400, s14;
	_ =	sdelay $0x1  }
0x2d: {  	s31 =	sadd.s32 $0xFFFFFFFF, s11;
	s15 =	sxor.u32 @!p1 $0xFFFFFFFF, s11;
	s13 =	ssub.s32 @!p1 s13, s14  }
0x2e: {  	s16 =	simm.s32 @!p1 $0x80;
	s15 =	sshll.u32 @!p1 s15, $0xC;
	s13 =	sshll.u32 @!p1 s13, $0x4  }
0x2f: {  	s14 =	sand.u32 @!p1 $0x1000, s15;
	s15 =	simm.s32 @!p1 $0x20;
	s13 =	sadd.s32 @!p1 s5, s13  }
0x30: {  	[tilespmem:s14], [sflag:$0x1] =	stream.strided.gather @!p1 [hbm4b:s13+s15], $0x1000, s16, s15, $0x38;
	[tilespmem:$0x4040] =	vst v63  }
0x31: {  	p1 =	sge.u32 s31, s6  }
.Ltmp2:
0x32: {  	_ = 	snop;
	(pc) =	sbr.rel @p1 .LBB1_5-.Ltmp2, $1  }
0x33: {  	_ =	sdelay $0x3  }
0x34: {  	s13 =	simm.s32 $0x1  }
0x35: {  	_ =	swait.ge [sflag:s4], $0x1000;
	s13 =	simm.s32 @!p0 $0x0  }
0x36: {  	[sflag:s4] =	ssyncset.done $0x0;
	s14 =	sshll.u32 s13, $0xC  }
0x37: {  	[sflag:s4] =	ssyncadd.s32 $0xFFFFF000;
	s17 =	sor.u32 $0x10, s14  }
0x38: {  	s13 =	smul.u32 $0x4080, s13;
	v1 =	vld [tilespmem:s17+$0x0]  }
0x39: {  	s30 =	sand.u32 $0x1, s11;
	v0 =	vld [tilespmem:s17+$0xFFFFFFF0]  }
0x3a: {  	s14 =	smul.u32 $0x4080, s30;
	s13 =	sshrl.u32 s13, $0x2  }
0x3b: {  	s15 =	sor.u32 $0x2000, s13  }
0x3c: {  	s31 =	sshrl.u32 s14, $0x2;
	s14 =	sadd.s32 $0x0, s15  }
0x3d: {  	s16 =	simm.s32 $0x4;
	s17 =	sadd.s32 $0x20, s17;
	s13 =	sor.u32 $0x2000, s31;
	[tilespmem:s14+$0x810 ss:$0x81] =	vst.msk $0xffff, v1  }
.LBB1_3:
0x3e: {  	v1 =	vld [tilespmem:s17+$0x0];
	p1 =	sne.s32 s16, $0x1FC;
	[tilespmem:s14+$0x0 ss:$0x81] =	vst.msk $0xffff, v0;
	s14 =	smov.u32 s16;
	s16 =	sadd.s32 $0x4, s16  }
.Ltmp3:
0x3f: {  	v0 =	vld [tilespmem:s17+$0xFFFFFFF0];
	(pc) =	sbr.rel @p1 .LBB1_3-.Ltmp3, $4  }
0x40: {  	_ = 	snop  }
0x41: {  	s14 =	sshra.s32 s14, $0x2  }
0x42: {  	s14 =	sadd.s32 s14, s15  }
0x43: {  	s17 =	sadd.s32 $0x20, s17;
	[tilespmem:s14+$0x810 ss:$0x81] =	vst.msk $0xffff, v1  }
.Ltmp4:
0x44: {  	_ = 	snop;
	(pc) =	sbr.rel .LBB1_4-.Ltmp4, $1  }
0x45: {  	_ =	sdelay $0x3  }
.LBB1_6:
0x46: {  	_ =	sfence.sel $0x180000  }
0x47: {  	s2 =	simm.s32 $0x1;
	[bflag:$0x0] =	sbarrier.arrive $0xFFFF  }
0x48: {  	s31 =	simm.s32 $0x2;
	[sflag:s2] =	ssyncpa.u1 $0x1  }
0x49: {  	[sflag:s31] =	ssyncpa.u1 $0x1  }
0x4a: {  	p0 =	sne.s32 s0, $0x0;
	_ =	strace $0x9000004A  }
0x4b: {  	s0 =	sadd.s32 @!p0 $0x100000, s1;
	[bflag:$0x2] =	sbarrier.arrive $0xFFFF  }
0x4c: {  	[sflag:s0] =	ssyncadd.tile.s32 @!p0 $0x1;
	_ =	shalt  }
.Lfunc_end1:
_tile_overlayer_lowered:
.L_overlay_start_2:
0x4d: {  	(tag) =	ssettag $0x2  }
0x4e: {  	s0 =	rddreg [dreg:$0x0];
	s2 =	stileid.u32  }
0x4f: {  	s1 =	rddreg [dreg:$0x1];
	p0 =	sne.s32 s2, $0x0  }
0x50: {  	s3 =	rddreg [dreg:$0x2];
	[bflag:$0x3] =	sbarrier.arrive $0xFFFF;
	s2 =	simm.s32 @!p0 $0x1C01  }
0x51: {  	[timem:s3], [sflag:s2] =	dma.local @!p0 [hbm:s0], s1  }
0x52: {  	s0 =	simm.s32 @!p0 $0x1  }
0x53: {  	_ =	swait.ge @!p0 [sflag:s0], s1  }
0x54: {  	s1 =	ssub.s32 @!p0 $0x0, s1;
	[sflag:s0] =	ssyncset.done @!p0 $0x0  }
0x55: {  	[sflag:s0] =	ssyncadd.s32 @!p0 s1  }
0x56: {  	[bflag:$0x3] =	sbarrier.arrive $0xFFFF  }
0x57: {  	_ =	shalt  }

</sc_bundles>
